<compile_context>
chip_gen: v7x
topology: tpu7x:2x2x1
jax: 0.10.2.dev20260603
libtpu: 0.0.44.dev20260713+nightly
codegen_flags: <defaults>
</compile_context>

<pallas_src>
import functools

import jax
import jax.numpy as jnp
from jax import lax
from jax.experimental import pallas as pl
from jax.experimental.pallas import tpu as pltpu
from jax.experimental.pallas import tpu_sc as plsc

N = 10000
F_IN = 128
H = 128
C = 64

_NC = 2
_NS = 16
_NW = _NC * _NS
_L = 16


def _npad(n):
    blk = _NS * 128
    return -(-n // blk) * blk


def _edge_batch(ept, feat, npad, nbuf):
    for b in range(128, 0, -8):
        if ept % b or (ept // b) % nbuf:
            continue
        if (npad * feat + _NS * 2 * ept <= 2_080_000
                and (2 * nbuf + 1) * b * feat + 2 * ept <= 131_000):
            return b
    raise ValueError((ept, feat))


def _make_propagate(n_nodes, n_edges, feat):
    NBUF = 5
    npad = _npad(n_nodes)
    ept = n_edges // _NW
    assert ept * _NW == n_edges
    B = _edge_batch(ept, feat, npad, NBUF)
    nb = ept // B
    nbr = nb // NBUF
    assert nb == nbr * NBUF
    rpt = npad // _NS
    nzr = rpt // B
    assert nzr * B == rpt

    mesh = plsc.VectorSubcoreMesh(core_axis_name="c", subcore_axis_name="s")

    @functools.partial(
        pl.kernel,
        mesh=mesh,
        out_type=jax.ShapeDtypeStruct((_NC, npad, feat), jnp.float32),
        compiler_params=pltpu.CompilerParams(use_tc_tiling_on_sc=False),
        scratch_types=[
            pltpu.VMEM((nb, B), jnp.int32),
            pltpu.VMEM((nb, B), jnp.int32),
            pltpu.VMEM_SHARED((npad, feat), jnp.float32),
        ] + [pltpu.SemaphoreType.DMA for _ in range(NBUF + 1)],
    )
    def prop(tab_hbm, src3_hbm, dst3_hbm, out_hbm, sidx2, didx2, acc, *sems):
        gsem = sems[:NBUF]
        ssem = sems[NBUF]
        pl.run_scoped(
            lambda *rows: _prop_body(tab_hbm, src3_hbm, dst3_hbm, out_hbm,
                                     sidx2, didx2, acc, gsem, ssem, rows),
            *[pltpu.VMEM((B, feat), jnp.float32) for _ in range(NBUF)])

    def _prop_body(tab_hbm, src3_hbm, dst3_hbm, out_hbm, sidx2, didx2,
                   acc, gsem, ssem, rows):
        cid = lax.axis_index("c")
        sid = lax.axis_index("s")
        wid = cid * _NS + sid
        tb = sid * rpt
        r0 = rows[0]

        def zrow(i, _):
            def zlane(j, _):
                r0[i, pl.ds(j * _L, _L)] = jnp.zeros((_L,), jnp.float32)
                return 0
            return lax.fori_loop(0, feat // _L, zlane, 0)
        lax.fori_loop(0, B, zrow, 0)

        zd = [pltpu.async_copy(r0, acc.at[pl.ds(tb + r * B, B), :], ssem)
              for r in range(nzr)]
        for d in zd:
            d.wait()

        pltpu.sync_copy(src3_hbm.at[wid], sidx2)
        pltpu.sync_copy(dst3_hbm.at[wid], didx2)
        plsc.subcore_barrier()

        def round_(j, _):
            t0 = NBUF * j
            gd = [pltpu.async_copy(tab_hbm.at[sidx2.at[t0 + k]], rows[k], gsem[k])
                  for k in range(NBUF)]
            sd = []
            for k in range(NBUF):
                gd[k].wait()
                sd.append(pltpu.async_copy(
                    rows[k], acc.at[didx2.at[t0 + k]], ssem, add=True))
            for d in sd:
                d.wait()
            return 0
        lax.fori_loop(0, nbr, round_, 0)

        plsc.subcore_barrier()

        rd = [None] * nzr
        wd = [None] * nzr
        for r in range(nzr):
            k = r % NBUF
            if r >= NBUF:
                wd[r - NBUF].wait()
            rd[r] = pltpu.async_copy(acc.at[pl.ds(tb + r * B, B), :], rows[k],
                                     gsem[k])
            rd[r].wait()
            wd[r] = pltpu.async_copy(
                rows[k], out_hbm.at[cid, pl.ds(tb + r * B, B), :], gsem[k])
        for r in range(max(nzr - NBUF, 0), nzr):
            wd[r].wait()

    return prop


def _make_degree(n_nodes, n_edges):
    feat = _L
    npad = _npad(n_nodes)
    ept = n_edges // _NW
    assert ept * _NW == n_edges
    B = _edge_batch(ept, feat, npad, 5)
    nb = ept // B
    nbr = nb // 5
    assert nb == nbr * 5 and nbr >= 2
    rpt = npad // _NS
    zr = rpt // 128

    mesh = plsc.VectorSubcoreMesh(core_axis_name="c", subcore_axis_name="s")

    @functools.partial(
        pl.kernel,
        mesh=mesh,
        out_type=jax.ShapeDtypeStruct((_NC, npad, feat), jnp.float32),
        compiler_params=pltpu.CompilerParams(use_tc_tiling_on_sc=False),
        scratch_types=[
            pltpu.VMEM((nb, B), jnp.int32),
            pltpu.VMEM((B, feat), jnp.float32),
            pltpu.VMEM((128, feat), jnp.float32),
            pltpu.VMEM_SHARED((npad, feat), jnp.float32),
            pltpu.SemaphoreType.DMA,
        ],
    )
    def degree(src3_hbm, out_hbm, sidx2, ones, zbuf, acc, ssem):
        cid = lax.axis_index("c")
        sid = lax.axis_index("s")
        wid = cid * _NS + sid
        tb = sid * rpt

        def orow(i, _):
            ones[i, :] = jnp.ones((_L,), jnp.float32)
            return 0
        lax.fori_loop(0, B, orow, 0)

        def zrow(i, _):
            zbuf[i, :] = jnp.zeros((_L,), jnp.float32)
            return 0
        lax.fori_loop(0, 128, zrow, 0)

        def zacc(rnd, _):
            pltpu.sync_copy(zbuf, acc.at[pl.ds(tb + rnd * 128, 128), :])
            return 0
        lax.fori_loop(0, zr, zacc, 0)

        pltpu.sync_copy(src3_hbm.at[wid], sidx2)
        plsc.subcore_barrier()

        def round_(j, _):
            sd = [pltpu.async_copy(ones, acc.at[sidx2.at[5 * j + k]], ssem,
                                   add=True)
                  for k in range(5)]
            for d in sd:
                d.wait()
            return 0
        lax.fori_loop(0, nbr, round_, 0)

        plsc.subcore_barrier()

        def readback(rnd, _):
            pltpu.sync_copy(acc.at[pl.ds(tb + rnd * 128, 128), :], zbuf)
            pltpu.sync_copy(zbuf, out_hbm.at[cid, pl.ds(tb + rnd * 128, 128), :])
            return 0
        lax.fori_loop(0, zr, readback, 0)

    return degree


def _dis_of(degm_ref):
    deg = degm_ref[0, :, 0:1] + degm_ref[1, :, 0:1]
    return jnp.where(deg > 0, lax.rsqrt(deg), 0.0)


def _tc1_body(x_ref, w0_ref, w1_ref, b_ref, degm_ref, xw0b_ref, z1_ref):
    xb = x_ref[...]
    dis = _dis_of(degm_ref)
    xw0b_ref[...] = (
        jnp.dot(xb, w0_ref[...], preferred_element_type=jnp.float32) + b_ref[...]
    )
    z1_ref[...] = dis * jnp.dot(xb, w1_ref[...], preferred_element_type=jnp.float32)


def _tc2_body(xw0b_ref, p1_ref, degm_ref, w0_ref, w1_ref, b_ref, hw0b_ref, z2_ref):
    dis = _dis_of(degm_ref)
    h = jnp.maximum(xw0b_ref[...] - dis * (p1_ref[0] + p1_ref[1]), 0.0)
    hw0b_ref[...] = (
        jnp.dot(h, w0_ref[...], preferred_element_type=jnp.float32) + b_ref[...]
    )
    z2_ref[...] = dis * jnp.dot(h, w1_ref[...], preferred_element_type=jnp.float32)


def _tc3_body(hw0b_ref, p2_ref, degm_ref, out_ref):
    dis = _dis_of(degm_ref)
    out_ref[...] = hw0b_ref[...] - dis * (p2_ref[0] + p2_ref[1])


_RB = 1000


def _full(shape):
    return pl.BlockSpec(shape, lambda i: (0,) * len(shape))


def _rows(feat):
    return pl.BlockSpec((_RB, feat), lambda i: (i, 0))


def _deg_spec():
    return pl.BlockSpec((_NC, _RB, _L), lambda i: (0, i, 0))


def _part_spec(feat):
    return pl.BlockSpec((_NC, _RB, feat), lambda i: (0, i, 0))


def kernel(x, adj, W0_1, W1_1, b1, W0_2, W1_2, b2):
    n, f_in = x.shape
    e = adj.shape[1]
    h = W0_1.shape[1]
    c = W0_2.shape[1]
    grid = (n // _RB,)

    ept = e // _NW
    npad = _npad(n)
    Bd = _edge_batch(ept, _L, npad, 5)
    B1 = _edge_batch(ept, h, npad, 5)
    B2 = _edge_batch(ept, c, npad, 5)

    def _r3(v, b):
        return v.reshape(_NW, ept // b, b)

    degree = _make_degree(n, e)
    prop1 = _make_propagate(n, e, h)
    prop2 = _make_propagate(n, e, c)

    degm = degree(_r3(adj[0], Bd))

    tc1 = pl.pallas_call(
        _tc1_body,
        grid=grid,
        in_specs=[
            _rows(f_in), _full((f_in, h)), _full((f_in, h)), _full((1, h)),
            _deg_spec(),
        ],
        out_specs=[_rows(h), _rows(h)],
        out_shape=[
            jax.ShapeDtypeStruct((n, h), jnp.float32),
            jax.ShapeDtypeStruct((n, h), jnp.float32),
        ],
    )
    xw0b, z1 = tc1(x, W0_1, W1_1, b1.reshape(1, h), degm)

    p1 = prop1(z1, _r3(adj[0], B1), _r3(adj[1], B1))

    tc2 = pl.pallas_call(
        _tc2_body,
        grid=grid,
        in_specs=[
            _rows(h), _part_spec(h), _deg_spec(),
            _full((h, c)), _full((h, c)), _full((1, c)),
        ],
        out_specs=[_rows(c), _rows(c)],
        out_shape=[
            jax.ShapeDtypeStruct((n, c), jnp.float32),
            jax.ShapeDtypeStruct((n, c), jnp.float32),
        ],
    )
    hw0b, z2 = tc2(xw0b, p1, degm, W0_2, W1_2, b2.reshape(1, c))

    p2 = prop2(z2, _r3(adj[0], B2), _r3(adj[1], B2))

    tc3 = pl.pallas_call(
        _tc3_body,
        grid=grid,
        in_specs=[_rows(c), _part_spec(c), _deg_spec()],
        out_specs=_rows(c),
        out_shape=jax.ShapeDtypeStruct((n, c), jnp.float32),
    )
    return tc3(hw0b, p2, degm)

# --- scband reference (transcript-rebuilt; emitter-appended) ---
"""Pipeline reference for scband-cheb-gcn2-15839839387778 (READ-ONLY COPY).

The authoritative reference and input builder live on the scoring server;
editing this copy changes nothing except your own understanding.
"""

import jax, jax.numpy as jnp
import numpy as np

N = 10000
E = 320000
F_IN = 128
H = 128
C = 64


def setup_inputs(seed: int = 0) -> dict:
    key = jax.random.key(seed)
    ks = jax.random.split(key, 8)
    x = jax.random.normal(ks[0], (N, F_IN), dtype=jnp.float32)
    adj = jax.random.randint(ks[1], (2, E), 0, N, dtype=jnp.int32)
    # ChebConv K=2 per layer: one linear per Chebyshev order (W0, W1) + bias
    W0_1 = jax.random.normal(ks[2], (F_IN, H), dtype=jnp.float32) * (1.0 / np.sqrt(F_IN))
    W1_1 = jax.random.normal(ks[3], (F_IN, H), dtype=jnp.float32) * (1.0 / np.sqrt(F_IN))
    b1 = jnp.zeros((H,), dtype=jnp.float32)
    W0_2 = jax.random.normal(ks[4], (H, C), dtype=jnp.float32) * (1.0 / np.sqrt(H))
    W1_2 = jax.random.normal(ks[5], (H, C), dtype=jnp.float32) * (1.0 / np.sqrt(H))
    b2 = jnp.zeros((C,), dtype=jnp.float32)
    return {"x": x, "adj": adj, "W0_1": W0_1, "W1_1": W1_1, "b1": b1,
            "W0_2": W0_2, "W1_2": W1_2, "b2": b2}


def _cheb_conv(x, src, dst, W0, W1, b):
    # PyG ChebConv with K=2, normalization='sym', lambda_max=2.0:
    # L_hat = 2*L/lambda_max - I = -D^{-1/2} A D^{-1/2} (diagonal of L_hat is 0)
    n = x.shape[0]
    ones = jnp.ones((src.shape[0],), dtype=x.dtype)
    deg = jax.ops.segment_sum(ones, src, num_segments=n)
    dis = jnp.where(deg > 0, deg ** -0.5, 0.0)
    w = -(dis[src] * dis[dst])  # edge weights of L_hat
    Tx0 = x
    Tx1 = jax.ops.segment_sum(w[:, None] * x[src], dst, num_segments=n)
    return Tx0 @ W0 + Tx1 @ W1 + b


def reference(x, adj, W0_1, W1_1, b1, W0_2, W1_2, b2):
    src = adj[0]
    dst = adj[1]
    h = jax.nn.relu(_cheb_conv(x, src, dst, W0_1, W1_1, b1))
    # dropout is identity in eval mode
    out = _cheb_conv(h, src, dst, W0_2, W1_2, b2)
    return out

if __name__ == "__main__":
    import jax
    _d = setup_inputs()
    print(jax.jit(kernel)(*tuple(_d.values())))

</pallas_src>

<mosaic_0001>
#map = affine_map<(d0, d1) -> (0, 0)>
#map1 = affine_map<(d0, d1) -> (0, 0, 0)>
module attributes {stable_mosaic.version = 14 : i64} {
  func.func @prop(%arg0: i32, %arg1: i32, %arg2: memref<10000x128xf32, #tpu.memory_space<hbm>>, %arg3: memref<32x250x40xi32, #tpu.memory_space<hbm>>, %arg4: memref<32x250x40xi32, #tpu.memory_space<hbm>>, %arg5: memref<2x10240x128xf32, #tpu.memory_space<hbm>>, %arg6: memref<250x40xi32, #tpu.memory_space<vmem>>, %arg7: memref<250x40xi32, #tpu.memory_space<vmem>>, %arg8: memref<10240x128xf32, #tpu.memory_space<vmem_shared>>, %arg9: memref<!tpu.dma_semaphore, #tpu.memory_space<semaphore_mem>>, %arg10: memref<!tpu.dma_semaphore, #tpu.memory_space<semaphore_mem>>, %arg11: memref<!tpu.dma_semaphore, #tpu.memory_space<semaphore_mem>>, %arg12: memref<!tpu.dma_semaphore, #tpu.memory_space<semaphore_mem>>, %arg13: memref<!tpu.dma_semaphore, #tpu.memory_space<semaphore_mem>>, %arg14: memref<!tpu.dma_semaphore, #tpu.memory_space<semaphore_mem>>) attributes {dimension_semantics = [#tpu.dimension_semantics<core_parallel>, #tpu.dimension_semantics<subcore_parallel>], iteration_bounds = array<i64: 2, 16>, scalar_prefetch = 0 : i64, scratch_operands = 9 : i64, tpu.core_type = #tpu.core_type<sc_vector_subcore>, window_params = [{transform_indices = #map}, {transform_indices = #map1}, {transform_indices = #map1}, {transform_indices = #map1}]} {
    "tpu.region"() ({
      %run_scoped3A = memref.alloca() : memref<40x128xf32, #tpu.memory_space<vmem>>
      %run_scoped3A_0 = memref.alloca() : memref<40x128xf32, #tpu.memory_space<vmem>>
      %run_scoped3A_1 = memref.alloca() : memref<40x128xf32, #tpu.memory_space<vmem>>
      %run_scoped3A_2 = memref.alloca() : memref<40x128xf32, #tpu.memory_space<vmem>>
      %run_scoped3A_3 = memref.alloca() : memref<40x128xf32, #tpu.memory_space<vmem>>
      %mul3A = arith.constant 16 : i32
      %mul3A_4 = arith.muli %arg0, %mul3A : i32
      %add3A = arith.addi %mul3A_4, %arg1 : i32
      %mul3A_5 = arith.constant 640 : i32
      %mul3A_6 = arith.muli %arg1, %mul3A_5 : i32
      %scan3A = arith.constant 0 : i32
      %scan3A_7 = arith.constant 0 : i32
      %scan3A_8 = arith.constant 40 : i32
      %scan3A_9 = arith.addi %scan3A_7, %scan3A_8 : i32
      %scan3A_10 = arith.constant 1 : i32
      %scan3A_11 = scf.for %scan3A_563 = %scan3A_7 to %scan3A_9 step %scan3A_10 iter_args(%scan3A_564 = %scan3A) -> (i32)  : i32 {
        %scan3A_565 = arith.constant 0 : i32
        %scan3A_566 = arith.constant 0 : i32
        %scan3A_567 = arith.constant 8 : i32
        %scan3A_568 = arith.addi %scan3A_566, %scan3A_567 : i32
        %scan3A_569 = arith.constant 1 : i32
        %scan3A_570 = scf.for %scan3A_572 = %scan3A_566 to %scan3A_568 step %scan3A_569 iter_args(%scan3A_573 = %scan3A_565) -> (i32)  : i32 {
          %broadcast_in_dim3A = arith.constant 0.000000e+00 : f32
          %broadcast_in_dim3A_574 = vector.broadcast %broadcast_in_dim3A : f32 to vector<16xf32>
          %mul3A_575 = arith.constant 16 : i32
          %mul3A_576 = arith.muli %scan3A_572, %mul3A_575 : i32
          %swap3A = arith.index_cast %scan3A_563 : i32 to index
          %swap3A_577 = arith.index_cast %mul3A_576 : i32 to index
          %swap3A_578 = tpu.vector_load %run_scoped3A[%swap3A, %swap3A_577] {strides = array<i32>} : memref<40x128xf32, #tpu.memory_space<vmem>>, vector<1x16xf32>,
          %swap3A_579 = vector.shape_cast %swap3A_578 : vector<1x16xf32> to vector<16xf32>
          %swap3A_580 = vector.shape_cast %broadcast_in_dim3A_574 : vector<16xf32> to vector<1x16xf32>
          tpu.vector_store %run_scoped3A[%swap3A, %swap3A_577], %swap3A_580 {strides = array<i32>} : memref<40x128xf32, #tpu.memory_space<vmem>>, vector<1x16xf32>,
          %scan3A_581 = arith.constant 0 : i32
          scf.yield %scan3A_581 : i32
        }
        %scan3A_571 = arith.constant 8 : i32
        scf.yield %scan3A_570 : i32
      }
      %scan3A_12 = arith.constant 40 : i32
      %add3A_13 = arith.constant 0 : i32
      %add3A_14 = arith.addi %mul3A_6, %add3A_13 : i32
      %dma_start3A = arith.constant 0 : i32
      %dma_start3A_15 = tpu.memref_slice %arg8[%add3A_14, %dma_start3A] : memref<10240x128xf32, #tpu.memory_space<vmem_shared>> -> memref<40x128xf32, #tpu.memory_space<vmem_shared>>
      %dma_start3A_16 = arith.constant 0 : i32
      %dma_start3A_17 = tpu.memref_slice %arg8[%add3A_14, %dma_start3A_16] : memref<10240x128xf32, #tpu.memory_space<vmem_shared>> -> memref<40x128xf32, #tpu.memory_space<vmem_shared>>
      tpu.enqueue_dma source(%run_scoped3A : memref<40x128xf32, #tpu.memory_space<vmem>>) target(%dma_start3A_17 : memref<40x128xf32, #tpu.memory_space<vmem_shared>>) target_semaphore(%arg14 : memref<!tpu.dma_semaphore, #tpu.memory_space<semaphore_mem>>)
      %add3A_18 = arith.constant 40 : i32
      %add3A_19 = arith.addi %mul3A_6, %add3A_18 : i32
      %dma_start3A_20 = arith.constant 0 : i32
      %dma_start3A_21 = tpu.memref_slice %arg8[%add3A_19, %dma_start3A_20] : memref<10240x128xf32, #tpu.memory_space<vmem_shared>> -> memref<40x128xf32, #tpu.memory_space<vmem_shared>>
      %dma_start3A_22 = arith.constant 0 : i32
      %dma_start3A_23 = tpu.memref_slice %arg8[%add3A_19, %dma_start3A_22] : memref<10240x128xf32, #tpu.memory_space<vmem_shared>> -> memref<40x128xf32, #tpu.memory_space<vmem_shared>>
      tpu.enqueue_dma source(%run_scoped3A : memref<40x128xf32, #tpu.memory_space<vmem>>) target(%dma_start3A_23 : memref<40x128xf32, #tpu.memory_space<vmem_shared>>) target_semaphore(%arg14 : memref<!tpu.dma_semaphore, #tpu.memory_space<semaphore_mem>>)
      %add3A_24 = arith.constant 80 : i32
      %add3A_25 = arith.addi %mul3A_6, %add3A_24 : i32
      %dma_start3A_26 = arith.constant 0 : i32
      %dma_start3A_27 = tpu.memref_slice %arg8[%add3A_25, %dma_start3A_26] : memref<10240x128xf32, #tpu.memory_space<vmem_shared>> -> memref<40x128xf32, #tpu.memory_space<vmem_shared>>
      %dma_start3A_28 = arith.constant 0 : i32
      %dma_start3A_29 = tpu.memref_slice %arg8[%add3A_25, %dma_start3A_28] : memref<10240x128xf32, #tpu.memory_space<vmem_shared>> -> memref<40x128xf32, #tpu.memory_space<vmem_shared>>
      tpu.enqueue_dma source(%run_scoped3A : memref<40x128xf32, #tpu.memory_space<vmem>>) target(%dma_start3A_29 : memref<40x128xf32, #tpu.memory_space<vmem_shared>>) target_semaphore(%arg14 : memref<!tpu.dma_semaphore, #tpu.memory_space<semaphore_mem>>)
      %add3A_30 = arith.constant 120 : i32
      %add3A_31 = arith.addi %mul3A_6, %add3A_30 : i32
      %dma_start3A_32 = arith.constant 0 : i32
      %dma_start3A_33 = tpu.memref_slice %arg8[%add3A_31, %dma_start3A_32] : memref<10240x128xf32, #tpu.memory_space<vmem_shared>> -> memref<40x128xf32, #tpu.memory_space<vmem_shared>>
      %dma_start3A_34 = arith.constant 0 : i32
      %dma_start3A_35 = tpu.memref_slice %arg8[%add3A_31, %dma_start3A_34] : memref<10240x128xf32, #tpu.memory_space<vmem_shared>> -> memref<40x128xf32, #tpu.memory_space<vmem_shared>>
      tpu.enqueue_dma source(%run_scoped3A : memref<40x128xf32, #tpu.memory_space<vmem>>) target(%dma_start3A_35 : memref<40x128xf32, #tpu.memory_space<vmem_shared>>) target_semaphore(%arg14 : memref<!tpu.dma_semaphore, #tpu.memory_space<semaphore_mem>>)
      %add3A_36 = arith.constant 160 : i32
      %add3A_37 = arith.addi %mul3A_6, %add3A_36 : i32
      %dma_start3A_38 = arith.constant 0 : i32
      %dma_start3A_39 = tpu.memref_slice %arg8[%add3A_37, %dma_start3A_38] : memref<10240x128xf32, #tpu.memory_space<vmem_shared>> -> memref<40x128xf32, #tpu.memory_space<vmem_shared>>
      %dma_start3A_40 = arith.constant 0 : i32
      %dma_start3A_41 = tpu.memref_slice %arg8[%add3A_37, %dma_start3A_40] : memref<10240x128xf32, #tpu.memory_space<vmem_shared>> -> memref<40x128xf32, #tpu.memory_space<vmem_shared>>
      tpu.enqueue_dma source(%run_scoped3A : memref<40x128xf32, #tpu.memory_space<vmem>>) target(%dma_start3A_41 : memref<40x128xf32, #tpu.memory_space<vmem_shared>>) target_semaphore(%arg14 : memref<!tpu.dma_semaphore, #tpu.memory_space<semaphore_mem>>)
      %add3A_42 = arith.constant 200 : i32
      %add3A_43 = arith.addi %mul3A_6, %add3A_42 : i32
      %dma_start3A_44 = arith.constant 0 : i32
      %dma_start3A_45 = tpu.memref_slice %arg8[%add3A_43, %dma_start3A_44] : memref<10240x128xf32, #tpu.memory_space<vmem_shared>> -> memref<40x128xf32, #tpu.memory_space<vmem_shared>>
      %dma_start3A_46 = arith.constant 0 : i32
      %dma_start3A_47 = tpu.memref_slice %arg8[%add3A_43, %dma_start3A_46] : memref<10240x128xf32, #tpu.memory_space<vmem_shared>> -> memref<40x128xf32, #tpu.memory_space<vmem_shared>>
      tpu.enqueue_dma source(%run_scoped3A : memref<40x128xf32, #tpu.memory_space<vmem>>) target(%dma_start3A_47 : memref<40x128xf32, #tpu.memory_space<vmem_shared>>) target_semaphore(%arg14 : memref<!tpu.dma_semaphore, #tpu.memory_space<semaphore_mem>>)
      %add3A_48 = arith.constant 240 : i32
      %add3A_49 = arith.addi %mul3A_6, %add3A_48 : i32
      %dma_start3A_50 = arith.constant 0 : i32
      %dma_start3A_51 = tpu.memref_slice %arg8[%add3A_49, %dma_start3A_50] : memref<10240x128xf32, #tpu.memory_space<vmem_shared>> -> memref<40x128xf32, #tpu.memory_space<vmem_shared>>
      %dma_start3A_52 = arith.constant 0 : i32
      %dma_start3A_53 = tpu.memref_slice %arg8[%add3A_49, %dma_start3A_52] : memref<10240x128xf32, #tpu.memory_space<vmem_shared>> -> memref<40x128xf32, #tpu.memory_space<vmem_shared>>
      tpu.enqueue_dma source(%run_scoped3A : memref<40x128xf32, #tpu.memory_space<vmem>>) target(%dma_start3A_53 : memref<40x128xf32, #tpu.memory_space<vmem_shared>>) target_semaphore(%arg14 : memref<!tpu.dma_semaphore, #tpu.memory_space<semaphore_mem>>)
      %add3A_54 = arith.constant 280 : i32
      %add3A_55 = arith.addi %mul3A_6, %add3A_54 : i32
      %dma_start3A_56 = arith.constant 0 : i32
      %dma_start3A_57 = tpu.memref_slice %arg8[%add3A_55, %dma_start3A_56] : memref<10240x128xf32, #tpu.memory_space<vmem_shared>> -> memref<40x128xf32, #tpu.memory_space<vmem_shared>>
      %dma_start3A_58 = arith.constant 0 : i32
      %dma_start3A_59 = tpu.memref_slice %arg8[%add3A_55, %dma_start3A_58] : memref<10240x128xf32, #tpu.memory_space<vmem_shared>> -> memref<40x128xf32, #tpu.memory_space<vmem_shared>>
      tpu.enqueue_dma source(%run_scoped3A : memref<40x128xf32, #tpu.memory_space<vmem>>) target(%dma_start3A_59 : memref<40x128xf32, #tpu.memory_space<vmem_shared>>) target_semaphore(%arg14 : memref<!tpu.dma_semaphore, #tpu.memory_space<semaphore_mem>>)
      %add3A_60 = arith.constant 320 : i32
      %add3A_61 = arith.addi %mul3A_6, %add3A_60 : i32
      %dma_start3A_62 = arith.constant 0 : i32
      %dma_start3A_63 = tpu.memref_slice %arg8[%add3A_61, %dma_start3A_62] : memref<10240x128xf32, #tpu.memory_space<vmem_shared>> -> memref<40x128xf32, #tpu.memory_space<vmem_shared>>
      %dma_start3A_64 = arith.constant 0 : i32
      %dma_start3A_65 = tpu.memref_slice %arg8[%add3A_61, %dma_start3A_64] : memref<10240x128xf32, #tpu.memory_space<vmem_shared>> -> memref<40x128xf32, #tpu.memory_space<vmem_shared>>
      tpu.enqueue_dma source(%run_scoped3A : memref<40x128xf32, #tpu.memory_space<vmem>>) target(%dma_start3A_65 : memref<40x128xf32, #tpu.memory_space<vmem_shared>>) target_semaphore(%arg14 : memref<!tpu.dma_semaphore, #tpu.memory_space<semaphore_mem>>)
      %add3A_66 = arith.constant 360 : i32
      %add3A_67 = arith.addi %mul3A_6, %add3A_66 : i32
      %dma_start3A_68 = arith.constant 0 : i32
      %dma_start3A_69 = tpu.memref_slice %arg8[%add3A_67, %dma_start3A_68] : memref<10240x128xf32, #tpu.memory_space<vmem_shared>> -> memref<40x128xf32, #tpu.memory_space<vmem_shared>>
      %dma_start3A_70 = arith.constant 0 : i32
      %dma_start3A_71 = tpu.memref_slice %arg8[%add3A_67, %dma_start3A_70] : memref<10240x128xf32, #tpu.memory_space<vmem_shared>> -> memref<40x128xf32, #tpu.memory_space<vmem_shared>>
      tpu.enqueue_dma source(%run_scoped3A : memref<40x128xf32, #tpu.memory_space<vmem>>) target(%dma_start3A_71 : memref<40x128xf32, #tpu.memory_space<vmem_shared>>) target_semaphore(%arg14 : memref<!tpu.dma_semaphore, #tpu.memory_space<semaphore_mem>>)
      %add3A_72 = arith.constant 400 : i32
      %add3A_73 = arith.addi %mul3A_6, %add3A_72 : i32
      %dma_start3A_74 = arith.constant 0 : i32
      %dma_start3A_75 = tpu.memref_slice %arg8[%add3A_73, %dma_start3A_74] : memref<10240x128xf32, #tpu.memory_space<vmem_shared>> -> memref<40x128xf32, #tpu.memory_space<vmem_shared>>
      %dma_start3A_76 = arith.constant 0 : i32
      %dma_start3A_77 = tpu.memref_slice %arg8[%add3A_73, %dma_start3A_76] : memref<10240x128xf32, #tpu.memory_space<vmem_shared>> -> memref<40x128xf32, #tpu.memory_space<vmem_shared>>
      tpu.enqueue_dma source(%run_scoped3A : memref<40x128xf32, #tpu.memory_space<vmem>>) target(%dma_start3A_77 : memref<40x128xf32, #tpu.memory_space<vmem_shared>>) target_semaphore(%arg14 : memref<!tpu.dma_semaphore, #tpu.memory_space<semaphore_mem>>)
      %add3A_78 = arith.constant 440 : i32
      %add3A_79 = arith.addi %mul3A_6, %add3A_78 : i32
      %dma_start3A_80 = arith.constant 0 : i32
      %dma_start3A_81 = tpu.memref_slice %arg8[%add3A_79, %dma_start3A_80] : memref<10240x128xf32, #tpu.memory_space<vmem_shared>> -> memref<40x128xf32, #tpu.memory_space<vmem_shared>>
      %dma_start3A_82 = arith.constant 0 : i32
      %dma_start3A_83 = tpu.memref_slice %arg8[%add3A_79, %dma_start3A_82] : memref<10240x128xf32, #tpu.memory_space<vmem_shared>> -> memref<40x128xf32, #tpu.memory_space<vmem_shared>>
      tpu.enqueue_dma source(%run_scoped3A : memref<40x128xf32, #tpu.memory_space<vmem>>) target(%dma_start3A_83 : memref<40x128xf32, #tpu.memory_space<vmem_shared>>) target_semaphore(%arg14 : memref<!tpu.dma_semaphore, #tpu.memory_space<semaphore_mem>>)
      %add3A_84 = arith.constant 480 : i32
      %add3A_85 = arith.addi %mul3A_6, %add3A_84 : i32
      %dma_start3A_86 = arith.constant 0 : i32
      %dma_start3A_87 = tpu.memref_slice %arg8[%add3A_85, %dma_start3A_86] : memref<10240x128xf32, #tpu.memory_space<vmem_shared>> -> memref<40x128xf32, #tpu.memory_space<vmem_shared>>
      %dma_start3A_88 = arith.constant 0 : i32
      %dma_start3A_89 = tpu.memref_slice %arg8[%add3A_85, %dma_start3A_88] : memref<10240x128xf32, #tpu.memory_space<vmem_shared>> -> memref<40x128xf32, #tpu.memory_space<vmem_shared>>
      tpu.enqueue_dma source(%run_scoped3A : memref<40x128xf32, #tpu.memory_space<vmem>>) target(%dma_start3A_89 : memref<40x128xf32, #tpu.memory_space<vmem_shared>>) target_semaphore(%arg14 : memref<!tpu.dma_semaphore, #tpu.memory_space<semaphore_mem>>)
      %add3A_90 = arith.constant 520 : i32
      %add3A_91 = arith.addi %mul3A_6, %add3A_90 : i32
      %dma_start3A_92 = arith.constant 0 : i32
      %dma_start3A_93 = tpu.memref_slice %arg8[%add3A_91, %dma_start3A_92] : memref<10240x128xf32, #tpu.memory_space<vmem_shared>> -> memref<40x128xf32, #tpu.memory_space<vmem_shared>>
      %dma_start3A_94 = arith.constant 0 : i32
      %dma_start3A_95 = tpu.memref_slice %arg8[%add3A_91, %dma_start3A_94] : memref<10240x128xf32, #tpu.memory_space<vmem_shared>> -> memref<40x128xf32, #tpu.memory_space<vmem_shared>>
      tpu.enqueue_dma source(%run_scoped3A : memref<40x128xf32, #tpu.memory_space<vmem>>) target(%dma_start3A_95 : memref<40x128xf32, #tpu.memory_space<vmem_shared>>) target_semaphore(%arg14 : memref<!tpu.dma_semaphore, #tpu.memory_space<semaphore_mem>>)
      %add3A_96 = arith.constant 560 : i32
      %add3A_97 = arith.addi %mul3A_6, %add3A_96 : i32
      %dma_start3A_98 = arith.constant 0 : i32
      %dma_start3A_99 = tpu.memref_slice %arg8[%add3A_97, %dma_start3A_98] : memref<10240x128xf32, #tpu.memory_space<vmem_shared>> -> memref<40x128xf32, #tpu.memory_space<vmem_shared>>
      %dma_start3A_100 = arith.constant 0 : i32
      %dma_start3A_101 = tpu.memref_slice %arg8[%add3A_97, %dma_start3A_100] : memref<10240x128xf32, #tpu.memory_space<vmem_shared>> -> memref<40x128xf32, #tpu.memory_space<vmem_shared>>
      tpu.enqueue_dma source(%run_scoped3A : memref<40x128xf32, #tpu.memory_space<vmem>>) target(%dma_start3A_101 : memref<40x128xf32, #tpu.memory_space<vmem_shared>>) target_semaphore(%arg14 : memref<!tpu.dma_semaphore, #tpu.memory_space<semaphore_mem>>)
      %add3A_102 = arith.constant 600 : i32
      %add3A_103 = arith.addi %mul3A_6, %add3A_102 : i32
      %dma_start3A_104 = arith.constant 0 : i32
      %dma_start3A_105 = tpu.memref_slice %arg8[%add3A_103, %dma_start3A_104] : memref<10240x128xf32, #tpu.memory_space<vmem_shared>> -> memref<40x128xf32, #tpu.memory_space<vmem_shared>>
      %dma_start3A_106 = arith.constant 0 : i32
      %dma_start3A_107 = tpu.memref_slice %arg8[%add3A_103, %dma_start3A_106] : memref<10240x128xf32, #tpu.memory_space<vmem_shared>> -> memref<40x128xf32, #tpu.memory_space<vmem_shared>>
      tpu.enqueue_dma source(%run_scoped3A : memref<40x128xf32, #tpu.memory_space<vmem>>) target(%dma_start3A_107 : memref<40x128xf32, #tpu.memory_space<vmem_shared>>) target_semaphore(%arg14 : memref<!tpu.dma_semaphore, #tpu.memory_space<semaphore_mem>>)
      %dma_wait3A = arith.constant 0 : i32
      %dma_wait3A_108 = tpu.memref_slice %arg8[%add3A_14, %dma_wait3A] : memref<10240x128xf32, #tpu.memory_space<vmem_shared>> -> memref<40x128xf32, #tpu.memory_space<vmem_shared>>
      %dma_wait3A_109 = arith.constant 0 : i32
      %dma_wait3A_110 = tpu.memref_slice %arg8[%add3A_14, %dma_wait3A_109] : memref<10240x128xf32, #tpu.memory_space<vmem_shared>> -> memref<40x128xf32, #tpu.memory_space<vmem_shared>>
      tpu.wait_dma2 semaphore(%arg14 : memref<!tpu.dma_semaphore, #tpu.memory_space<semaphore_mem>>) src(%run_scoped3A : memref<40x128xf32, #tpu.memory_space<vmem>>) dst(%dma_wait3A_110 : memref<40x128xf32, #tpu.memory_space<vmem_shared>>)
      %dma_wait3A_111 = arith.constant 0 : i32
      %dma_wait3A_112 = tpu.memref_slice %arg8[%add3A_19, %dma_wait3A_111] : memref<10240x128xf32, #tpu.memory_space<vmem_shared>> -> memref<40x128xf32, #tpu.memory_space<vmem_shared>>
      %dma_wait3A_113 = arith.constant 0 : i32
      %dma_wait3A_114 = tpu.memref_slice %arg8[%add3A_19, %dma_wait3A_113] : memref<10240x128xf32, #tpu.memory_space<vmem_shared>> -> memref<40x128xf32, #tpu.memory_space<vmem_shared>>
      tpu.wait_dma2 semaphore(%arg14 : memref<!tpu.dma_semaphore, #tpu.memory_space<semaphore_mem>>) src(%run_scoped3A : memref<40x128xf32, #tpu.memory_space<vmem>>) dst(%dma_wait3A_114 : memref<40x128xf32, #tpu.memory_space<vmem_shared>>)
      %dma_wait3A_115 = arith.constant 0 : i32
      %dma_wait3A_116 = tpu.memref_slice %arg8[%add3A_25, %dma_wait3A_115] : memref<10240x128xf32, #tpu.memory_space<vmem_shared>> -> memref<40x128xf32, #tpu.memory_space<vmem_shared>>
      %dma_wait3A_117 = arith.constant 0 : i32
      %dma_wait3A_118 = tpu.memref_slice %arg8[%add3A_25, %dma_wait3A_117] : memref<10240x128xf32, #tpu.memory_space<vmem_shared>> -> memref<40x128xf32, #tpu.memory_space<vmem_shared>>
      tpu.wait_dma2 semaphore(%arg14 : memref<!tpu.dma_semaphore, #tpu.memory_space<semaphore_mem>>) src(%run_scoped3A : memref<40x128xf32, #tpu.memory_space<vmem>>) dst(%dma_wait3A_118 : memref<40x128xf32, #tpu.memory_space<vmem_shared>>)
      %dma_wait3A_119 = arith.constant 0 : i32
      %dma_wait3A_120 = tpu.memref_slice %arg8[%add3A_31, %dma_wait3A_119] : memref<10240x128xf32, #tpu.memory_space<vmem_shared>> -> memref<40x128xf32, #tpu.memory_space<vmem_shared>>
      %dma_wait3A_121 = arith.constant 0 : i32
      %dma_wait3A_122 = tpu.memref_slice %arg8[%add3A_31, %dma_wait3A_121] : memref<10240x128xf32, #tpu.memory_space<vmem_shared>> -> memref<40x128xf32, #tpu.memory_space<vmem_shared>>
      tpu.wait_dma2 semaphore(%arg14 : memref<!tpu.dma_semaphore, #tpu.memory_space<semaphore_mem>>) src(%run_scoped3A : memref<40x128xf32, #tpu.memory_space<vmem>>) dst(%dma_wait3A_122 : memref<40x128xf32, #tpu.memory_space<vmem_shared>>)
      %dma_wait3A_123 = arith.constant 0 : i32
      %dma_wait3A_124 = tpu.memref_slice %arg8[%add3A_37, %dma_wait3A_123] : memref<10240x128xf32, #tpu.memory_space<vmem_shared>> -> memref<40x128xf32, #tpu.memory_space<vmem_shared>>
      %dma_wait3A_125 = arith.constant 0 : i32
      %dma_wait3A_126 = tpu.memref_slice %arg8[%add3A_37, %dma_wait3A_125] : memref<10240x128xf32, #tpu.memory_space<vmem_shared>> -> memref<40x128xf32, #tpu.memory_space<vmem_shared>>
      tpu.wait_dma2 semaphore(%arg14 : memref<!tpu.dma_semaphore, #tpu.memory_space<semaphore_mem>>) src(%run_scoped3A : memref<40x128xf32, #tpu.memory_space<vmem>>) dst(%dma_wait3A_126 : memref<40x128xf32, #tpu.memory_space<vmem_shared>>)
      %dma_wait3A_127 = arith.constant 0 : i32
      %dma_wait3A_128 = tpu.memref_slice %arg8[%add3A_43, %dma_wait3A_127] : memref<10240x128xf32, #tpu.memory_space<vmem_shared>> -> memref<40x128xf32, #tpu.memory_space<vmem_shared>>
      %dma_wait3A_129 = arith.constant 0 : i32
      %dma_wait3A_130 = tpu.memref_slice %arg8[%add3A_43, %dma_wait3A_129] : memref<10240x128xf32, #tpu.memory_space<vmem_shared>> -> memref<40x128xf32, #tpu.memory_space<vmem_shared>>
      tpu.wait_dma2 semaphore(%arg14 : memref<!tpu.dma_semaphore, #tpu.memory_space<semaphore_mem>>) src(%run_scoped3A : memref<40x128xf32, #tpu.memory_space<vmem>>) dst(%dma_wait3A_130 : memref<40x128xf32, #tpu.memory_space<vmem_shared>>)
      %dma_wait3A_131 = arith.constant 0 : i32
      %dma_wait3A_132 = tpu.memref_slice %arg8[%add3A_49, %dma_wait3A_131] : memref<10240x128xf32, #tpu.memory_space<vmem_shared>> -> memref<40x128xf32, #tpu.memory_space<vmem_shared>>
      %dma_wait3A_133 = arith.constant 0 : i32
      %dma_wait3A_134 = tpu.memref_slice %arg8[%add3A_49, %dma_wait3A_133] : memref<10240x128xf32, #tpu.memory_space<vmem_shared>> -> memref<40x128xf32, #tpu.memory_space<vmem_shared>>
      tpu.wait_dma2 semaphore(%arg14 : memref<!tpu.dma_semaphore, #tpu.memory_space<semaphore_mem>>) src(%run_scoped3A : memref<40x128xf32, #tpu.memory_space<vmem>>) dst(%dma_wait3A_134 : memref<40x128xf32, #tpu.memory_space<vmem_shared>>)
      %dma_wait3A_135 = arith.constant 0 : i32
      %dma_wait3A_136 = tpu.memref_slice %arg8[%add3A_55, %dma_wait3A_135] : memref<10240x128xf32, #tpu.memory_space<vmem_shared>> -> memref<40x128xf32, #tpu.memory_space<vmem_shared>>
      %dma_wait3A_137 = arith.constant 0 : i32
      %dma_wait3A_138 = tpu.memref_slice %arg8[%add3A_55, %dma_wait3A_137] : memref<10240x128xf32, #tpu.memory_space<vmem_shared>> -> memref<40x128xf32, #tpu.memory_space<vmem_shared>>
      tpu.wait_dma2 semaphore(%arg14 : memref<!tpu.dma_semaphore, #tpu.memory_space<semaphore_mem>>) src(%run_scoped3A : memref<40x128xf32, #tpu.memory_space<vmem>>) dst(%dma_wait3A_138 : memref<40x128xf32, #tpu.memory_space<vmem_shared>>)
      %dma_wait3A_139 = arith.constant 0 : i32
      %dma_wait3A_140 = tpu.memref_slice %arg8[%add3A_61, %dma_wait3A_139] : memref<10240x128xf32, #tpu.memory_space<vmem_shared>> -> memref<40x128xf32, #tpu.memory_space<vmem_shared>>
      %dma_wait3A_141 = arith.constant 0 : i32
      %dma_wait3A_142 = tpu.memref_slice %arg8[%add3A_61, %dma_wait3A_141] : memref<10240x128xf32, #tpu.memory_space<vmem_shared>> -> memref<40x128xf32, #tpu.memory_space<vmem_shared>>
      tpu.wait_dma2 semaphore(%arg14 : memref<!tpu.dma_semaphore, #tpu.memory_space<semaphore_mem>>) src(%run_scoped3A : memref<40x128xf32, #tpu.memory_space<vmem>>) dst(%dma_wait3A_142 : memref<40x128xf32, #tpu.memory_space<vmem_shared>>)
      %dma_wait3A_143 = arith.constant 0 : i32
      %dma_wait3A_144 = tpu.memref_slice %arg8[%add3A_67, %dma_wait3A_143] : memref<10240x128xf32, #tpu.memory_space<vmem_shared>> -> memref<40x128xf32, #tpu.memory_space<vmem_shared>>
      %dma_wait3A_145 = arith.constant 0 : i32
      %dma_wait3A_146 = tpu.memref_slice %arg8[%add3A_67, %dma_wait3A_145] : memref<10240x128xf32, #tpu.memory_space<vmem_shared>> -> memref<40x128xf32, #tpu.memory_space<vmem_shared>>
      tpu.wait_dma2 semaphore(%arg14 : memref<!tpu.dma_semaphore, #tpu.memory_space<semaphore_mem>>) src(%run_scoped3A : memref<40x128xf32, #tpu.memory_space<vmem>>) dst(%dma_wait3A_146 : memref<40x128xf32, #tpu.memory_space<vmem_shared>>)
      %dma_wait3A_147 = arith.constant 0 : i32
      %dma_wait3A_148 = tpu.memref_slice %arg8[%add3A_73, %dma_wait3A_147] : memref<10240x128xf32, #tpu.memory_space<vmem_shared>> -> memref<40x128xf32, #tpu.memory_space<vmem_shared>>
      %dma_wait3A_149 = arith.constant 0 : i32
      %dma_wait3A_150 = tpu.memref_slice %arg8[%add3A_73, %dma_wait3A_149] : memref<10240x128xf32, #tpu.memory_space<vmem_shared>> -> memref<40x128xf32, #tpu.memory_space<vmem_shared>>
      tpu.wait_dma2 semaphore(%arg14 : memref<!tpu.dma_semaphore, #tpu.memory_space<semaphore_mem>>) src(%run_scoped3A : memref<40x128xf32, #tpu.memory_space<vmem>>) dst(%dma_wait3A_150 : memref<40x128xf32, #tpu.memory_space<vmem_shared>>)
      %dma_wait3A_151 = arith.constant 0 : i32
      %dma_wait3A_152 = tpu.memref_slice %arg8[%add3A_79, %dma_wait3A_151] : memref<10240x128xf32, #tpu.memory_space<vmem_shared>> -> memref<40x128xf32, #tpu.memory_space<vmem_shared>>
      %dma_wait3A_153 = arith.constant 0 : i32
      %dma_wait3A_154 = tpu.memref_slice %arg8[%add3A_79, %dma_wait3A_153] : memref<10240x128xf32, #tpu.memory_space<vmem_shared>> -> memref<40x128xf32, #tpu.memory_space<vmem_shared>>
      tpu.wait_dma2 semaphore(%arg14 : memref<!tpu.dma_semaphore, #tpu.memory_space<semaphore_mem>>) src(%run_scoped3A : memref<40x128xf32, #tpu.memory_space<vmem>>) dst(%dma_wait3A_154 : memref<40x128xf32, #tpu.memory_space<vmem_shared>>)
      %dma_wait3A_155 = arith.constant 0 : i32
      %dma_wait3A_156 = tpu.memref_slice %arg8[%add3A_85, %dma_wait3A_155] : memref<10240x128xf32, #tpu.memory_space<vmem_shared>> -> memref<40x128xf32, #tpu.memory_space<vmem_shared>>
      %dma_wait3A_157 = arith.constant 0 : i32
      %dma_wait3A_158 = tpu.memref_slice %arg8[%add3A_85, %dma_wait3A_157] : memref<10240x128xf32, #tpu.memory_space<vmem_shared>> -> memref<40x128xf32, #tpu.memory_space<vmem_shared>>
      tpu.wait_dma2 semaphore(%arg14 : memref<!tpu.dma_semaphore, #tpu.memory_space<semaphore_mem>>) src(%run_scoped3A : memref<40x128xf32, #tpu.memory_space<vmem>>) dst(%dma_wait3A_158 : memref<40x128xf32, #tpu.memory_space<vmem_shared>>)
      %dma_wait3A_159 = arith.constant 0 : i32
      %dma_wait3A_160 = tpu.memref_slice %arg8[%add3A_91, %dma_wait3A_159] : memref<10240x128xf32, #tpu.memory_space<vmem_shared>> -> memref<40x128xf32, #tpu.memory_space<vmem_shared>>
      %dma_wait3A_161 = arith.constant 0 : i32
      %dma_wait3A_162 = tpu.memref_slice %arg8[%add3A_91, %dma_wait3A_161] : memref<10240x128xf32, #tpu.memory_space<vmem_shared>> -> memref<40x128xf32, #tpu.memory_space<vmem_shared>>
      tpu.wait_dma2 semaphore(%arg14 : memref<!tpu.dma_semaphore, #tpu.memory_space<semaphore_mem>>) src(%run_scoped3A : memref<40x128xf32, #tpu.memory_space<vmem>>) dst(%dma_wait3A_162 : memref<40x128xf32, #tpu.memory_space<vmem_shared>>)
      %dma_wait3A_163 = arith.constant 0 : i32
      %dma_wait3A_164 = tpu.memref_slice %arg8[%add3A_97, %dma_wait3A_163] : memref<10240x128xf32, #tpu.memory_space<vmem_shared>> -> memref<40x128xf32, #tpu.memory_space<vmem_shared>>
      %dma_wait3A_165 = arith.constant 0 : i32
      %dma_wait3A_166 = tpu.memref_slice %arg8[%add3A_97, %dma_wait3A_165] : memref<10240x128xf32, #tpu.memory_space<vmem_shared>> -> memref<40x128xf32, #tpu.memory_space<vmem_shared>>
      tpu.wait_dma2 semaphore(%arg14 : memref<!tpu.dma_semaphore, #tpu.memory_space<semaphore_mem>>) src(%run_scoped3A : memref<40x128xf32, #tpu.memory_space<vmem>>) dst(%dma_wait3A_166 : memref<40x128xf32, #tpu.memory_space<vmem_shared>>)
      %dma_wait3A_167 = arith.constant 0 : i32
      %dma_wait3A_168 = tpu.memref_slice %arg8[%add3A_103, %dma_wait3A_167] : memref<10240x128xf32, #tpu.memory_space<vmem_shared>> -> memref<40x128xf32, #tpu.memory_space<vmem_shared>>
      %dma_wait3A_169 = arith.constant 0 : i32
      %dma_wait3A_170 = tpu.memref_slice %arg8[%add3A_103, %dma_wait3A_169] : memref<10240x128xf32, #tpu.memory_space<vmem_shared>> -> memref<40x128xf32, #tpu.memory_space<vmem_shared>>
      tpu.wait_dma2 semaphore(%arg14 : memref<!tpu.dma_semaphore, #tpu.memory_space<semaphore_mem>>) src(%run_scoped3A : memref<40x128xf32, #tpu.memory_space<vmem>>) dst(%dma_wait3A_170 : memref<40x128xf32, #tpu.memory_space<vmem_shared>>)
      "tpu.region"() ({
        %run_scoped3A_563 = tpu.sem_alloc : memref<!tpu.dma_semaphore, #tpu.memory_space<semaphore_mem>>
        %dma_start3A_564 = arith.constant 0 : i32
        %dma_start3A_565 = arith.constant 0 : i32
        %dma_start3A_566 = tpu.memref_slice %arg3[%add3A, %dma_start3A_564, %dma_start3A_565] : memref<32x250x40xi32, #tpu.memory_space<hbm>> -> memref<1x250x40xi32, #tpu.memory_space<hbm>>
        %dma_start3A_567 = tpu.memref_squeeze %dma_start3A_566 : memref<1x250x40xi32, #tpu.memory_space<hbm>> -> memref<250x40xi32, #tpu.memory_space<hbm>>
        %dma_start3A_568 = arith.constant 0 : i32
        %dma_start3A_569 = arith.constant 0 : i32
        %dma_start3A_570 = tpu.memref_slice %arg3[%add3A, %dma_start3A_568, %dma_start3A_569] : memref<32x250x40xi32, #tpu.memory_space<hbm>> -> memref<1x250x40xi32, #tpu.memory_space<hbm>>
        %dma_start3A_571 = tpu.memref_squeeze %dma_start3A_570 : memref<1x250x40xi32, #tpu.memory_space<hbm>> -> memref<250x40xi32, #tpu.memory_space<hbm>>
        tpu.enqueue_dma source(%dma_start3A_571 : memref<250x40xi32, #tpu.memory_space<hbm>>) target(%arg6 : memref<250x40xi32, #tpu.memory_space<vmem>>) target_semaphore(%run_scoped3A_563 : memref<!tpu.dma_semaphore, #tpu.memory_space<semaphore_mem>>)
        %dma_wait3A_572 = arith.constant 0 : i32
        %dma_wait3A_573 = arith.constant 0 : i32
        %dma_wait3A_574 = tpu.memref_slice %arg3[%add3A, %dma_wait3A_572, %dma_wait3A_573] : memref<32x250x40xi32, #tpu.memory_space<hbm>> -> memref<1x250x40xi32, #tpu.memory_space<hbm>>
        %dma_wait3A_575 = tpu.memref_squeeze %dma_wait3A_574 : memref<1x250x40xi32, #tpu.memory_space<hbm>> -> memref<250x40xi32, #tpu.memory_space<hbm>>
        %dma_wait3A_576 = arith.constant 0 : i32
        %dma_wait3A_577 = arith.constant 0 : i32
        %dma_wait3A_578 = tpu.memref_slice %arg3[%add3A, %dma_wait3A_576, %dma_wait3A_577] : memref<32x250x40xi32, #tpu.memory_space<hbm>> -> memref<1x250x40xi32, #tpu.memory_space<hbm>>
        %dma_wait3A_579 = tpu.memref_squeeze %dma_wait3A_578 : memref<1x250x40xi32, #tpu.memory_space<hbm>> -> memref<250x40xi32, #tpu.memory_space<hbm>>
        tpu.wait_dma2 semaphore(%run_scoped3A_563 : memref<!tpu.dma_semaphore, #tpu.memory_space<semaphore_mem>>) src(%dma_wait3A_579 : memref<250x40xi32, #tpu.memory_space<hbm>>) dst(%arg6 : memref<250x40xi32, #tpu.memory_space<vmem>>)
        tpu.yield
      }) : () -> ()
      "tpu.region"() ({
        %run_scoped3A_563 = tpu.sem_alloc : memref<!tpu.dma_semaphore, #tpu.memory_space<semaphore_mem>>
        %dma_start3A_564 = arith.constant 0 : i32
        %dma_start3A_565 = arith.constant 0 : i32
        %dma_start3A_566 = tpu.memref_slice %arg4[%add3A, %dma_start3A_564, %dma_start3A_565] : memref<32x250x40xi32, #tpu.memory_space<hbm>> -> memref<1x250x40xi32, #tpu.memory_space<hbm>>
        %dma_start3A_567 = tpu.memref_squeeze %dma_start3A_566 : memref<1x250x40xi32, #tpu.memory_space<hbm>> -> memref<250x40xi32, #tpu.memory_space<hbm>>
        %dma_start3A_568 = arith.constant 0 : i32
        %dma_start3A_569 = arith.constant 0 : i32
        %dma_start3A_570 = tpu.memref_slice %arg4[%add3A, %dma_start3A_568, %dma_start3A_569] : memref<32x250x40xi32, #tpu.memory_space<hbm>> -> memref<1x250x40xi32, #tpu.memory_space<hbm>>
        %dma_start3A_571 = tpu.memref_squeeze %dma_start3A_570 : memref<1x250x40xi32, #tpu.memory_space<hbm>> -> memref<250x40xi32, #tpu.memory_space<hbm>>
        tpu.enqueue_dma source(%dma_start3A_571 : memref<250x40xi32, #tpu.memory_space<hbm>>) target(%arg7 : memref<250x40xi32, #tpu.memory_space<vmem>>) target_semaphore(%run_scoped3A_563 : memref<!tpu.dma_semaphore, #tpu.memory_space<semaphore_mem>>)
        %dma_wait3A_572 = arith.constant 0 : i32
        %dma_wait3A_573 = arith.constant 0 : i32
        %dma_wait3A_574 = tpu.memref_slice %arg4[%add3A, %dma_wait3A_572, %dma_wait3A_573] : memref<32x250x40xi32, #tpu.memory_space<hbm>> -> memref<1x250x40xi32, #tpu.memory_space<hbm>>
        %dma_wait3A_575 = tpu.memref_squeeze %dma_wait3A_574 : memref<1x250x40xi32, #tpu.memory_space<hbm>> -> memref<250x40xi32, #tpu.memory_space<hbm>>
        %dma_wait3A_576 = arith.constant 0 : i32
        %dma_wait3A_577 = arith.constant 0 : i32
        %dma_wait3A_578 = tpu.memref_slice %arg4[%add3A, %dma_wait3A_576, %dma_wait3A_577] : memref<32x250x40xi32, #tpu.memory_space<hbm>> -> memref<1x250x40xi32, #tpu.memory_space<hbm>>
        %dma_wait3A_579 = tpu.memref_squeeze %dma_wait3A_578 : memref<1x250x40xi32, #tpu.memory_space<hbm>> -> memref<250x40xi32, #tpu.memory_space<hbm>>
        tpu.wait_dma2 semaphore(%run_scoped3A_563 : memref<!tpu.dma_semaphore, #tpu.memory_space<semaphore_mem>>) src(%dma_wait3A_579 : memref<250x40xi32, #tpu.memory_space<hbm>>) dst(%arg7 : memref<250x40xi32, #tpu.memory_space<vmem>>)
        tpu.yield
      }) : () -> ()
      %barrier3A = arith.constant 0 : index
      tpu.barrier barrier_id(%barrier3A)
      %scan3A_171 = arith.constant 0 : i32
      %scan3A_172 = arith.constant 0 : i32
      %scan3A_173 = arith.constant 50 : i32
      %scan3A_174 = arith.addi %scan3A_172, %scan3A_173 : i32
      %scan3A_175 = arith.constant 1 : i32
      %scan3A_176 = scf.for %scan3A_563 = %scan3A_172 to %scan3A_174 step %scan3A_175 iter_args(%scan3A_564 = %scan3A_171) -> (i32)  : i32 {
        %mul3A_565 = arith.constant 5 : i32
        %mul3A_566 = arith.muli %mul3A_565, %scan3A_563 : i32
        %add3A_567 = arith.constant 0 : i32
        %add3A_568 = arith.addi %mul3A_566, %add3A_567 : i32
        %dma_start3A_569 = arith.constant 0 : i32
        %dma_start3A_570 = tpu.memref_slice %arg6[%add3A_568, %dma_start3A_569] : memref<250x40xi32, #tpu.memory_space<vmem>> -> memref<1x40xi32, #tpu.memory_space<vmem>>
        %dma_start3A_571 = tpu.memref_squeeze %dma_start3A_570 : memref<1x40xi32, #tpu.memory_space<vmem>> -> memref<40xi32, #tpu.memory_space<vmem>>
        %dma_start3A_572 = arith.constant 0 : i32
        %dma_start3A_573 = arith.constant 0 : i32
        %dma_start3A_574 = tpu.memref_slice %arg2[%dma_start3A_572, %dma_start3A_573] : memref<10000x128xf32, #tpu.memory_space<hbm>> -> memref<10000x128xf32, #tpu.memory_space<hbm>>
        tpu.enqueue_indirect_dma source(%dma_start3A_574 : memref<10000x128xf32, #tpu.memory_space<hbm>>) target(%run_scoped3A : memref<40x128xf32, #tpu.memory_space<vmem>>) offsets(%dma_start3A_571 : memref<40xi32, #tpu.memory_space<vmem>>) semaphore(%arg9 : memref<!tpu.dma_semaphore, #tpu.memory_space<semaphore_mem>>)
        %add3A_575 = arith.constant 1 : i32
        %add3A_576 = arith.addi %mul3A_566, %add3A_575 : i32
        %dma_start3A_577 = arith.constant 0 : i32
        %dma_start3A_578 = tpu.memref_slice %arg6[%add3A_576, %dma_start3A_577] : memref<250x40xi32, #tpu.memory_space<vmem>> -> memref<1x40xi32, #tpu.memory_space<vmem>>
        %dma_start3A_579 = tpu.memref_squeeze %dma_start3A_578 : memref<1x40xi32, #tpu.memory_space<vmem>> -> memref<40xi32, #tpu.memory_space<vmem>>
        %dma_start3A_580 = arith.constant 0 : i32
        %dma_start3A_581 = arith.constant 0 : i32
        %dma_start3A_582 = tpu.memref_slice %arg2[%dma_start3A_580, %dma_start3A_581] : memref<10000x128xf32, #tpu.memory_space<hbm>> -> memref<10000x128xf32, #tpu.memory_space<hbm>>
        tpu.enqueue_indirect_dma source(%dma_start3A_582 : memref<10000x128xf32, #tpu.memory_space<hbm>>) target(%run_scoped3A_0 : memref<40x128xf32, #tpu.memory_space<vmem>>) offsets(%dma_start3A_579 : memref<40xi32, #tpu.memory_space<vmem>>) semaphore(%arg10 : memref<!tpu.dma_semaphore, #tpu.memory_space<semaphore_mem>>)
        %add3A_583 = arith.constant 2 : i32
        %add3A_584 = arith.addi %mul3A_566, %add3A_583 : i32
        %dma_start3A_585 = arith.constant 0 : i32
        %dma_start3A_586 = tpu.memref_slice %arg6[%add3A_584, %dma_start3A_585] : memref<250x40xi32, #tpu.memory_space<vmem>> -> memref<1x40xi32, #tpu.memory_space<vmem>>
        %dma_start3A_587 = tpu.memref_squeeze %dma_start3A_586 : memref<1x40xi32, #tpu.memory_space<vmem>> -> memref<40xi32, #tpu.memory_space<vmem>>
        %dma_start3A_588 = arith.constant 0 : i32
        %dma_start3A_589 = arith.constant 0 : i32
        %dma_start3A_590 = tpu.memref_slice %arg2[%dma_start3A_588, %dma_start3A_589] : memref<10000x128xf32, #tpu.memory_space<hbm>> -> memref<10000x128xf32, #tpu.memory_space<hbm>>
        tpu.enqueue_indirect_dma source(%dma_start3A_590 : memref<10000x128xf32, #tpu.memory_space<hbm>>) target(%run_scoped3A_1 : memref<40x128xf32, #tpu.memory_space<vmem>>) offsets(%dma_start3A_587 : memref<40xi32, #tpu.memory_space<vmem>>) semaphore(%arg11 : memref<!tpu.dma_semaphore, #tpu.memory_space<semaphore_mem>>)
        %add3A_591 = arith.constant 3 : i32
        %add3A_592 = arith.addi %mul3A_566, %add3A_591 : i32
        %dma_start3A_593 = arith.constant 0 : i32
        %dma_start3A_594 = tpu.memref_slice %arg6[%add3A_592, %dma_start3A_593] : memref<250x40xi32, #tpu.memory_space<vmem>> -> memref<1x40xi32, #tpu.memory_space<vmem>>
        %dma_start3A_595 = tpu.memref_squeeze %dma_start3A_594 : memref<1x40xi32, #tpu.memory_space<vmem>> -> memref<40xi32, #tpu.memory_space<vmem>>
        %dma_start3A_596 = arith.constant 0 : i32
        %dma_start3A_597 = arith.constant 0 : i32
        %dma_start3A_598 = tpu.memref_slice %arg2[%dma_start3A_596, %dma_start3A_597] : memref<10000x128xf32, #tpu.memory_space<hbm>> -> memref<10000x128xf32, #tpu.memory_space<hbm>>
        tpu.enqueue_indirect_dma source(%dma_start3A_598 : memref<10000x128xf32, #tpu.memory_space<hbm>>) target(%run_scoped3A_2 : memref<40x128xf32, #tpu.memory_space<vmem>>) offsets(%dma_start3A_595 : memref<40xi32, #tpu.memory_space<vmem>>) semaphore(%arg12 : memref<!tpu.dma_semaphore, #tpu.memory_space<semaphore_mem>>)
        %add3A_599 = arith.constant 4 : i32
        %add3A_600 = arith.addi %mul3A_566, %add3A_599 : i32
        %dma_start3A_601 = arith.constant 0 : i32
        %dma_start3A_602 = tpu.memref_slice %arg6[%add3A_600, %dma_start3A_601] : memref<250x40xi32, #tpu.memory_space<vmem>> -> memref<1x40xi32, #tpu.memory_space<vmem>>
        %dma_start3A_603 = tpu.memref_squeeze %dma_start3A_602 : memref<1x40xi32, #tpu.memory_space<vmem>> -> memref<40xi32, #tpu.memory_space<vmem>>
        %dma_start3A_604 = arith.constant 0 : i32
        %dma_start3A_605 = arith.constant 0 : i32
        %dma_start3A_606 = tpu.memref_slice %arg2[%dma_start3A_604, %dma_start3A_605] : memref<10000x128xf32, #tpu.memory_space<hbm>> -> memref<10000x128xf32, #tpu.memory_space<hbm>>
        tpu.enqueue_indirect_dma source(%dma_start3A_606 : memref<10000x128xf32, #tpu.memory_space<hbm>>) target(%run_scoped3A_3 : memref<40x128xf32, #tpu.memory_space<vmem>>) offsets(%dma_start3A_603 : memref<40xi32, #tpu.memory_space<vmem>>) semaphore(%arg13 : memref<!tpu.dma_semaphore, #tpu.memory_space<semaphore_mem>>)
        %dma_wait3A_607 = arith.constant 0 : i32
        %dma_wait3A_608 = tpu.memref_slice %arg6[%add3A_568, %dma_wait3A_607] : memref<250x40xi32, #tpu.memory_space<vmem>> -> memref<1x40xi32, #tpu.memory_space<vmem>>
        %dma_wait3A_609 = tpu.memref_squeeze %dma_wait3A_608 : memref<1x40xi32, #tpu.memory_space<vmem>> -> memref<40xi32, #tpu.memory_space<vmem>>
        %dma_wait3A_610 = arith.constant 0 : i32
        %dma_wait3A_611 = arith.constant 0 : i32
        %dma_wait3A_612 = tpu.memref_slice %arg2[%dma_wait3A_610, %dma_wait3A_611] : memref<10000x128xf32, #tpu.memory_space<hbm>> -> memref<10000x128xf32, #tpu.memory_space<hbm>>
        tpu.wait_indirect_dma semaphore(%arg9 : memref<!tpu.dma_semaphore, #tpu.memory_space<semaphore_mem>>) src(%dma_wait3A_612 : memref<10000x128xf32, #tpu.memory_space<hbm>>) dst(%run_scoped3A : memref<40x128xf32, #tpu.memory_space<vmem>>)
        %add3A_613 = arith.constant 0 : i32
        %add3A_614 = arith.addi %mul3A_566, %add3A_613 : i32
        %dma_start3A_615 = arith.constant 0 : i32
        %dma_start3A_616 = tpu.memref_slice %arg7[%add3A_614, %dma_start3A_615] : memref<250x40xi32, #tpu.memory_space<vmem>> -> memref<1x40xi32, #tpu.memory_space<vmem>>
        %dma_start3A_617 = tpu.memref_squeeze %dma_start3A_616 : memref<1x40xi32, #tpu.memory_space<vmem>> -> memref<40xi32, #tpu.memory_space<vmem>>
        %dma_start3A_618 = arith.constant 0 : i32
        %dma_start3A_619 = arith.constant 0 : i32
        %dma_start3A_620 = tpu.memref_slice %arg8[%dma_start3A_618, %dma_start3A_619] : memref<10240x128xf32, #tpu.memory_space<vmem_shared>> -> memref<10240x128xf32, #tpu.memory_space<vmem_shared>>
        tpu.enqueue_indirect_dma source(%run_scoped3A : memref<40x128xf32, #tpu.memory_space<vmem>>) target(%dma_start3A_620 : memref<10240x128xf32, #tpu.memory_space<vmem_shared>>) offsets(%dma_start3A_617 : memref<40xi32, #tpu.memory_space<vmem>>) semaphore(%arg14 : memref<!tpu.dma_semaphore, #tpu.memory_space<semaphore_mem>>) {add = true}
        %dma_wait3A_621 = arith.constant 0 : i32
        %dma_wait3A_622 = tpu.memref_slice %arg6[%add3A_576, %dma_wait3A_621] : memref<250x40xi32, #tpu.memory_space<vmem>> -> memref<1x40xi32, #tpu.memory_space<vmem>>
        %dma_wait3A_623 = tpu.memref_squeeze %dma_wait3A_622 : memref<1x40xi32, #tpu.memory_space<vmem>> -> memref<40xi32, #tpu.memory_space<vmem>>
        %dma_wait3A_624 = arith.constant 0 : i32
        %dma_wait3A_625 = arith.constant 0 : i32
        %dma_wait3A_626 = tpu.memref_slice %arg2[%dma_wait3A_624, %dma_wait3A_625] : memref<10000x128xf32, #tpu.memory_space<hbm>> -> memref<10000x128xf32, #tpu.memory_space<hbm>>
        tpu.wait_indirect_dma semaphore(%arg10 : memref<!tpu.dma_semaphore, #tpu.memory_space<semaphore_mem>>) src(%dma_wait3A_626 : memref<10000x128xf32, #tpu.memory_space<hbm>>) dst(%run_scoped3A_0 : memref<40x128xf32, #tpu.memory_space<vmem>>)
        %add3A_627 = arith.constant 1 : i32
        %add3A_628 = arith.addi %mul3A_566, %add3A_627 : i32
        %dma_start3A_629 = arith.constant 0 : i32
        %dma_start3A_630 = tpu.memref_slice %arg7[%add3A_628, %dma_start3A_629] : memref<250x40xi32, #tpu.memory_space<vmem>> -> memref<1x40xi32, #tpu.memory_space<vmem>>
        %dma_start3A_631 = tpu.memref_squeeze %dma_start3A_630 : memref<1x40xi32, #tpu.memory_space<vmem>> -> memref<40xi32, #tpu.memory_space<vmem>>
        %dma_start3A_632 = arith.constant 0 : i32
        %dma_start3A_633 = arith.constant 0 : i32
        %dma_start3A_634 = tpu.memref_slice %arg8[%dma_start3A_632, %dma_start3A_633] : memref<10240x128xf32, #tpu.memory_space<vmem_shared>> -> memref<10240x128xf32, #tpu.memory_space<vmem_shared>>
        tpu.enqueue_indirect_dma source(%run_scoped3A_0 : memref<40x128xf32, #tpu.memory_space<vmem>>) target(%dma_start3A_634 : memref<10240x128xf32, #tpu.memory_space<vmem_shared>>) offsets(%dma_start3A_631 : memref<40xi32, #tpu.memory_space<vmem>>) semaphore(%arg14 : memref<!tpu.dma_semaphore, #tpu.memory_space<semaphore_mem>>) {add = true}
        %dma_wait3A_635 = arith.constant 0 : i32
        %dma_wait3A_636 = tpu.memref_slice %arg6[%add3A_584, %dma_wait3A_635] : memref<250x40xi32, #tpu.memory_space<vmem>> -> memref<1x40xi32, #tpu.memory_space<vmem>>
        %dma_wait3A_637 = tpu.memref_squeeze %dma_wait3A_636 : memref<1x40xi32, #tpu.memory_space<vmem>> -> memref<40xi32, #tpu.memory_space<vmem>>
        %dma_wait3A_638 = arith.constant 0 : i32
        %dma_wait3A_639 = arith.constant 0 : i32
        %dma_wait3A_640 = tpu.memref_slice %arg2[%dma_wait3A_638, %dma_wait3A_639] : memref<10000x128xf32, #tpu.memory_space<hbm>> -> memref<10000x128xf32, #tpu.memory_space<hbm>>
        tpu.wait_indirect_dma semaphore(%arg11 : memref<!tpu.dma_semaphore, #tpu.memory_space<semaphore_mem>>) src(%dma_wait3A_640 : memref<10000x128xf32, #tpu.memory_space<hbm>>) dst(%run_scoped3A_1 : memref<40x128xf32, #tpu.memory_space<vmem>>)
        %add3A_641 = arith.constant 2 : i32
        %add3A_642 = arith.addi %mul3A_566, %add3A_641 : i32
        %dma_start3A_643 = arith.constant 0 : i32
        %dma_start3A_644 = tpu.memref_slice %arg7[%add3A_642, %dma_start3A_643] : memref<250x40xi32, #tpu.memory_space<vmem>> -> memref<1x40xi32, #tpu.memory_space<vmem>>
        %dma_start3A_645 = tpu.memref_squeeze %dma_start3A_644 : memref<1x40xi32, #tpu.memory_space<vmem>> -> memref<40xi32, #tpu.memory_space<vmem>>
        %dma_start3A_646 = arith.constant 0 : i32
        %dma_start3A_647 = arith.constant 0 : i32
        %dma_start3A_648 = tpu.memref_slice %arg8[%dma_start3A_646, %dma_start3A_647] : memref<10240x128xf32, #tpu.memory_space<vmem_shared>> -> memref<10240x128xf32, #tpu.memory_space<vmem_shared>>
        tpu.enqueue_indirect_dma source(%run_scoped3A_1 : memref<40x128xf32, #tpu.memory_space<vmem>>) target(%dma_start3A_648 : memref<10240x128xf32, #tpu.memory_space<vmem_shared>>) offsets(%dma_start3A_645 : memref<40xi32, #tpu.memory_space<vmem>>) semaphore(%arg14 : memref<!tpu.dma_semaphore, #tpu.memory_space<semaphore_mem>>) {add = true}
        %dma_wait3A_649 = arith.constant 0 : i32
        %dma_wait3A_650 = tpu.memref_slice %arg6[%add3A_592, %dma_wait3A_649] : memref<250x40xi32, #tpu.memory_space<vmem>> -> memref<1x40xi32, #tpu.memory_space<vmem>>
        %dma_wait3A_651 = tpu.memref_squeeze %dma_wait3A_650 : memref<1x40xi32, #tpu.memory_space<vmem>> -> memref<40xi32, #tpu.memory_space<vmem>>
        %dma_wait3A_652 = arith.constant 0 : i32
        %dma_wait3A_653 = arith.constant 0 : i32
        %dma_wait3A_654 = tpu.memref_slice %arg2[%dma_wait3A_652, %dma_wait3A_653] : memref<10000x128xf32, #tpu.memory_space<hbm>> -> memref<10000x128xf32, #tpu.memory_space<hbm>>
        tpu.wait_indirect_dma semaphore(%arg12 : memref<!tpu.dma_semaphore, #tpu.memory_space<semaphore_mem>>) src(%dma_wait3A_654 : memref<10000x128xf32, #tpu.memory_space<hbm>>) dst(%run_scoped3A_2 : memref<40x128xf32, #tpu.memory_space<vmem>>)
        %add3A_655 = arith.constant 3 : i32
        %add3A_656 = arith.addi %mul3A_566, %add3A_655 : i32
        %dma_start3A_657 = arith.constant 0 : i32
        %dma_start3A_658 = tpu.memref_slice %arg7[%add3A_656, %dma_start3A_657] : memref<250x40xi32, #tpu.memory_space<vmem>> -> memref<1x40xi32, #tpu.memory_space<vmem>>
        %dma_start3A_659 = tpu.memref_squeeze %dma_start3A_658 : memref<1x40xi32, #tpu.memory_space<vmem>> -> memref<40xi32, #tpu.memory_space<vmem>>
        %dma_start3A_660 = arith.constant 0 : i32
        %dma_start3A_661 = arith.constant 0 : i32
        %dma_start3A_662 = tpu.memref_slice %arg8[%dma_start3A_660, %dma_start3A_661] : memref<10240x128xf32, #tpu.memory_space<vmem_shared>> -> memref<10240x128xf32, #tpu.memory_space<vmem_shared>>
        tpu.enqueue_indirect_dma source(%run_scoped3A_2 : memref<40x128xf32, #tpu.memory_space<vmem>>) target(%dma_start3A_662 : memref<10240x128xf32, #tpu.memory_space<vmem_shared>>) offsets(%dma_start3A_659 : memref<40xi32, #tpu.memory_space<vmem>>) semaphore(%arg14 : memref<!tpu.dma_semaphore, #tpu.memory_space<semaphore_mem>>) {add = true}
        %dma_wait3A_663 = arith.constant 0 : i32
        %dma_wait3A_664 = tpu.memref_slice %arg6[%add3A_600, %dma_wait3A_663] : memref<250x40xi32, #tpu.memory_space<vmem>> -> memref<1x40xi32, #tpu.memory_space<vmem>>
        %dma_wait3A_665 = tpu.memref_squeeze %dma_wait3A_664 : memref<1x40xi32, #tpu.memory_space<vmem>> -> memref<40xi32, #tpu.memory_space<vmem>>
        %dma_wait3A_666 = arith.constant 0 : i32
        %dma_wait3A_667 = arith.constant 0 : i32
        %dma_wait3A_668 = tpu.memref_slice %arg2[%dma_wait3A_666, %dma_wait3A_667] : memref<10000x128xf32, #tpu.memory_space<hbm>> -> memref<10000x128xf32, #tpu.memory_space<hbm>>
        tpu.wait_indirect_dma semaphore(%arg13 : memref<!tpu.dma_semaphore, #tpu.memory_space<semaphore_mem>>) src(%dma_wait3A_668 : memref<10000x128xf32, #tpu.memory_space<hbm>>) dst(%run_scoped3A_3 : memref<40x128xf32, #tpu.memory_space<vmem>>)
        %add3A_669 = arith.constant 4 : i32
        %add3A_670 = arith.addi %mul3A_566, %add3A_669 : i32
        %dma_start3A_671 = arith.constant 0 : i32
        %dma_start3A_672 = tpu.memref_slice %arg7[%add3A_670, %dma_start3A_671] : memref<250x40xi32, #tpu.memory_space<vmem>> -> memref<1x40xi32, #tpu.memory_space<vmem>>
        %dma_start3A_673 = tpu.memref_squeeze %dma_start3A_672 : memref<1x40xi32, #tpu.memory_space<vmem>> -> memref<40xi32, #tpu.memory_space<vmem>>
        %dma_start3A_674 = arith.constant 0 : i32
        %dma_start3A_675 = arith.constant 0 : i32
        %dma_start3A_676 = tpu.memref_slice %arg8[%dma_start3A_674, %dma_start3A_675] : memref<10240x128xf32, #tpu.memory_space<vmem_shared>> -> memref<10240x128xf32, #tpu.memory_space<vmem_shared>>
        tpu.enqueue_indirect_dma source(%run_scoped3A_3 : memref<40x128xf32, #tpu.memory_space<vmem>>) target(%dma_start3A_676 : memref<10240x128xf32, #tpu.memory_space<vmem_shared>>) offsets(%dma_start3A_673 : memref<40xi32, #tpu.memory_space<vmem>>) semaphore(%arg14 : memref<!tpu.dma_semaphore, #tpu.memory_space<semaphore_mem>>) {add = true}
        %dma_wait3A_677 = arith.constant 0 : i32
        %dma_wait3A_678 = tpu.memref_slice %arg7[%add3A_614, %dma_wait3A_677] : memref<250x40xi32, #tpu.memory_space<vmem>> -> memref<1x40xi32, #tpu.memory_space<vmem>>
        %dma_wait3A_679 = tpu.memref_squeeze %dma_wait3A_678 : memref<1x40xi32, #tpu.memory_space<vmem>> -> memref<40xi32, #tpu.memory_space<vmem>>
        %dma_wait3A_680 = arith.constant 0 : i32
        %dma_wait3A_681 = arith.constant 0 : i32
        %dma_wait3A_682 = tpu.memref_slice %arg8[%dma_wait3A_680, %dma_wait3A_681] : memref<10240x128xf32, #tpu.memory_space<vmem_shared>> -> memref<10240x128xf32, #tpu.memory_space<vmem_shared>>
        tpu.wait_indirect_dma semaphore(%arg14 : memref<!tpu.dma_semaphore, #tpu.memory_space<semaphore_mem>>) src(%run_scoped3A : memref<40x128xf32, #tpu.memory_space<vmem>>) dst(%dma_wait3A_682 : memref<10240x128xf32, #tpu.memory_space<vmem_shared>>)
        %dma_wait3A_683 = arith.constant 0 : i32
        %dma_wait3A_684 = tpu.memref_slice %arg7[%add3A_628, %dma_wait3A_683] : memref<250x40xi32, #tpu.memory_space<vmem>> -> memref<1x40xi32, #tpu.memory_space<vmem>>
        %dma_wait3A_685 = tpu.memref_squeeze %dma_wait3A_684 : memref<1x40xi32, #tpu.memory_space<vmem>> -> memref<40xi32, #tpu.memory_space<vmem>>
        %dma_wait3A_686 = arith.constant 0 : i32
        %dma_wait3A_687 = arith.constant 0 : i32
        %dma_wait3A_688 = tpu.memref_slice %arg8[%dma_wait3A_686, %dma_wait3A_687] : memref<10240x128xf32, #tpu.memory_space<vmem_shared>> -> memref<10240x128xf32, #tpu.memory_space<vmem_shared>>
        tpu.wait_indirect_dma semaphore(%arg14 : memref<!tpu.dma_semaphore, #tpu.memory_space<semaphore_mem>>) src(%run_scoped3A_0 : memref<40x128xf32, #tpu.memory_space<vmem>>) dst(%dma_wait3A_688 : memref<10240x128xf32, #tpu.memory_space<vmem_shared>>)
        %dma_wait3A_689 = arith.constant 0 : i32
        %dma_wait3A_690 = tpu.memref_slice %arg7[%add3A_642, %dma_wait3A_689] : memref<250x40xi32, #tpu.memory_space<vmem>> -> memref<1x40xi32, #tpu.memory_space<vmem>>
        %dma_wait3A_691 = tpu.memref_squeeze %dma_wait3A_690 : memref<1x40xi32, #tpu.memory_space<vmem>> -> memref<40xi32, #tpu.memory_space<vmem>>
        %dma_wait3A_692 = arith.constant 0 : i32
        %dma_wait3A_693 = arith.constant 0 : i32
        %dma_wait3A_694 = tpu.memref_slice %arg8[%dma_wait3A_692, %dma_wait3A_693] : memref<10240x128xf32, #tpu.memory_space<vmem_shared>> -> memref<10240x128xf32, #tpu.memory_space<vmem_shared>>
        tpu.wait_indirect_dma semaphore(%arg14 : memref<!tpu.dma_semaphore, #tpu.memory_space<semaphore_mem>>) src(%run_scoped3A_1 : memref<40x128xf32, #tpu.memory_space<vmem>>) dst(%dma_wait3A_694 : memref<10240x128xf32, #tpu.memory_space<vmem_shared>>)
        %dma_wait3A_695 = arith.constant 0 : i32
        %dma_wait3A_696 = tpu.memref_slice %arg7[%add3A_656, %dma_wait3A_695] : memref<250x40xi32, #tpu.memory_space<vmem>> -> memref<1x40xi32, #tpu.memory_space<vmem>>
        %dma_wait3A_697 = tpu.memref_squeeze %dma_wait3A_696 : memref<1x40xi32, #tpu.memory_space<vmem>> -> memref<40xi32, #tpu.memory_space<vmem>>
        %dma_wait3A_698 = arith.constant 0 : i32
        %dma_wait3A_699 = arith.constant 0 : i32
        %dma_wait3A_700 = tpu.memref_slice %arg8[%dma_wait3A_698, %dma_wait3A_699] : memref<10240x128xf32, #tpu.memory_space<vmem_shared>> -> memref<10240x128xf32, #tpu.memory_space<vmem_shared>>
        tpu.wait_indirect_dma semaphore(%arg14 : memref<!tpu.dma_semaphore, #tpu.memory_space<semaphore_mem>>) src(%run_scoped3A_2 : memref<40x128xf32, #tpu.memory_space<vmem>>) dst(%dma_wait3A_700 : memref<10240x128xf32, #tpu.memory_space<vmem_shared>>)
        %dma_wait3A_701 = arith.constant 0 : i32
        %dma_wait3A_702 = tpu.memref_slice %arg7[%add3A_670, %dma_wait3A_701] : memref<250x40xi32, #tpu.memory_space<vmem>> -> memref<1x40xi32, #tpu.memory_space<vmem>>
        %dma_wait3A_703 = tpu.memref_squeeze %dma_wait3A_702 : memref<1x40xi32, #tpu.memory_space<vmem>> -> memref<40xi32, #tpu.memory_space<vmem>>
        %dma_wait3A_704 = arith.constant 0 : i32
        %dma_wait3A_705 = arith.constant 0 : i32
        %dma_wait3A_706 = tpu.memref_slice %arg8[%dma_wait3A_704, %dma_wait3A_705] : memref<10240x128xf32, #tpu.memory_space<vmem_shared>> -> memref<10240x128xf32, #tpu.memory_space<vmem_shared>>
        tpu.wait_indirect_dma semaphore(%arg14 : memref<!tpu.dma_semaphore, #tpu.memory_space<semaphore_mem>>) src(%run_scoped3A_3 : memref<40x128xf32, #tpu.memory_space<vmem>>) dst(%dma_wait3A_706 : memref<10240x128xf32, #tpu.memory_space<vmem_shared>>)
        %scan3A_707 = arith.constant 0 : i32
        scf.yield %scan3A_707 : i32
      }
      %scan3A_177 = arith.constant 50 : i32
      %barrier3A_178 = arith.constant 0 : index
      tpu.barrier barrier_id(%barrier3A_178)
      %add3A_179 = arith.constant 0 : i32
      %add3A_180 = arith.addi %mul3A_6, %add3A_179 : i32
      %dma_start3A_181 = arith.constant 0 : i32
      %dma_start3A_182 = tpu.memref_slice %arg8[%add3A_180, %dma_start3A_181] : memref<10240x128xf32, #tpu.memory_space<vmem_shared>> -> memref<40x128xf32, #tpu.memory_space<vmem_shared>>
      %dma_start3A_183 = arith.constant 0 : i32
      %dma_start3A_184 = tpu.memref_slice %arg8[%add3A_180, %dma_start3A_183] : memref<10240x128xf32, #tpu.memory_space<vmem_shared>> -> memref<40x128xf32, #tpu.memory_space<vmem_shared>>
      tpu.enqueue_dma source(%dma_start3A_184 : memref<40x128xf32, #tpu.memory_space<vmem_shared>>) target(%run_scoped3A : memref<40x128xf32, #tpu.memory_space<vmem>>) target_semaphore(%arg9 : memref<!tpu.dma_semaphore, #tpu.memory_space<semaphore_mem>>)
      %dma_wait3A_185 = arith.constant 0 : i32
      %dma_wait3A_186 = tpu.memref_slice %arg8[%add3A_180, %dma_wait3A_185] : memref<10240x128xf32, #tpu.memory_space<vmem_shared>> -> memref<40x128xf32, #tpu.memory_space<vmem_shared>>
      %dma_wait3A_187 = arith.constant 0 : i32
      %dma_wait3A_188 = tpu.memref_slice %arg8[%add3A_180, %dma_wait3A_187] : memref<10240x128xf32, #tpu.memory_space<vmem_shared>> -> memref<40x128xf32, #tpu.memory_space<vmem_shared>>
      tpu.wait_dma2 semaphore(%arg9 : memref<!tpu.dma_semaphore, #tpu.memory_space<semaphore_mem>>) src(%dma_wait3A_188 : memref<40x128xf32, #tpu.memory_space<vmem_shared>>) dst(%run_scoped3A : memref<40x128xf32, #tpu.memory_space<vmem>>)
      %add3A_189 = arith.constant 0 : i32
      %add3A_190 = arith.addi %mul3A_6, %add3A_189 : i32
      %dma_start3A_191 = arith.constant 0 : i32
      %dma_start3A_192 = tpu.memref_slice %arg5[%arg0, %add3A_190, %dma_start3A_191] : memref<2x10240x128xf32, #tpu.memory_space<hbm>> -> memref<1x40x128xf32, #tpu.memory_space<hbm>>
      %dma_start3A_193 = tpu.memref_squeeze %dma_start3A_192 : memref<1x40x128xf32, #tpu.memory_space<hbm>> -> memref<40x128xf32, #tpu.memory_space<hbm>>
      %dma_start3A_194 = arith.constant 0 : i32
      %dma_start3A_195 = tpu.memref_slice %arg5[%arg0, %add3A_190, %dma_start3A_194] : memref<2x10240x128xf32, #tpu.memory_space<hbm>> -> memref<1x40x128xf32, #tpu.memory_space<hbm>>
      %dma_start3A_196 = tpu.memref_squeeze %dma_start3A_195 : memref<1x40x128xf32, #tpu.memory_space<hbm>> -> memref<40x128xf32, #tpu.memory_space<hbm>>
      tpu.enqueue_dma source(%run_scoped3A : memref<40x128xf32, #tpu.memory_space<vmem>>) target(%dma_start3A_196 : memref<40x128xf32, #tpu.memory_space<hbm>>) target_semaphore(%arg9 : memref<!tpu.dma_semaphore, #tpu.memory_space<semaphore_mem>>)
      %add3A_197 = arith.constant 40 : i32
      %add3A_198 = arith.addi %mul3A_6, %add3A_197 : i32
      %dma_start3A_199 = arith.constant 0 : i32
      %dma_start3A_200 = tpu.memref_slice %arg8[%add3A_198, %dma_start3A_199] : memref<10240x128xf32, #tpu.memory_space<vmem_shared>> -> memref<40x128xf32, #tpu.memory_space<vmem_shared>>
      %dma_start3A_201 = arith.constant 0 : i32
      %dma_start3A_202 = tpu.memref_slice %arg8[%add3A_198, %dma_start3A_201] : memref<10240x128xf32, #tpu.memory_space<vmem_shared>> -> memref<40x128xf32, #tpu.memory_space<vmem_shared>>
      tpu.enqueue_dma source(%dma_start3A_202 : memref<40x128xf32, #tpu.memory_space<vmem_shared>>) target(%run_scoped3A_0 : memref<40x128xf32, #tpu.memory_space<vmem>>) target_semaphore(%arg10 : memref<!tpu.dma_semaphore, #tpu.memory_space<semaphore_mem>>)
      %dma_wait3A_203 = arith.constant 0 : i32
      %dma_wait3A_204 = tpu.memref_slice %arg8[%add3A_198, %dma_wait3A_203] : memref<10240x128xf32, #tpu.memory_space<vmem_shared>> -> memref<40x128xf32, #tpu.memory_space<vmem_shared>>
      %dma_wait3A_205 = arith.constant 0 : i32
      %dma_wait3A_206 = tpu.memref_slice %arg8[%add3A_198, %dma_wait3A_205] : memref<10240x128xf32, #tpu.memory_space<vmem_shared>> -> memref<40x128xf32, #tpu.memory_space<vmem_shared>>
      tpu.wait_dma2 semaphore(%arg10 : memref<!tpu.dma_semaphore, #tpu.memory_space<semaphore_mem>>) src(%dma_wait3A_206 : memref<40x128xf32, #tpu.memory_space<vmem_shared>>) dst(%run_scoped3A_0 : memref<40x128xf32, #tpu.memory_space<vmem>>)
      %add3A_207 = arith.constant 40 : i32
      %add3A_208 = arith.addi %mul3A_6, %add3A_207 : i32
      %dma_start3A_209 = arith.constant 0 : i32
      %dma_start3A_210 = tpu.memref_slice %arg5[%arg0, %add3A_208, %dma_start3A_209] : memref<2x10240x128xf32, #tpu.memory_space<hbm>> -> memref<1x40x128xf32, #tpu.memory_space<hbm>>
      %dma_start3A_211 = tpu.memref_squeeze %dma_start3A_210 : memref<1x40x128xf32, #tpu.memory_space<hbm>> -> memref<40x128xf32, #tpu.memory_space<hbm>>
      %dma_start3A_212 = arith.constant 0 : i32
      %dma_start3A_213 = tpu.memref_slice %arg5[%arg0, %add3A_208, %dma_start3A_212] : memref<2x10240x128xf32, #tpu.memory_space<hbm>> -> memref<1x40x128xf32, #tpu.memory_space<hbm>>
      %dma_start3A_214 = tpu.memref_squeeze %dma_start3A_213 : memref<1x40x128xf32, #tpu.memory_space<hbm>> -> memref<40x128xf32, #tpu.memory_space<hbm>>
      tpu.enqueue_dma source(%run_scoped3A_0 : memref<40x128xf32, #tpu.memory_space<vmem>>) target(%dma_start3A_214 : memref<40x128xf32, #tpu.memory_space<hbm>>) target_semaphore(%arg10 : memref<!tpu.dma_semaphore, #tpu.memory_space<semaphore_mem>>)
      %add3A_215 = arith.constant 80 : i32
      %add3A_216 = arith.addi %mul3A_6, %add3A_215 : i32
      %dma_start3A_217 = arith.constant 0 : i32
      %dma_start3A_218 = tpu.memref_slice %arg8[%add3A_216, %dma_start3A_217] : memref<10240x128xf32, #tpu.memory_space<vmem_shared>> -> memref<40x128xf32, #tpu.memory_space<vmem_shared>>
      %dma_start3A_219 = arith.constant 0 : i32
      %dma_start3A_220 = tpu.memref_slice %arg8[%add3A_216, %dma_start3A_219] : memref<10240x128xf32, #tpu.memory_space<vmem_shared>> -> memref<40x128xf32, #tpu.memory_space<vmem_shared>>
      tpu.enqueue_dma source(%dma_start3A_220 : memref<40x128xf32, #tpu.memory_space<vmem_shared>>) target(%run_scoped3A_1 : memref<40x128xf32, #tpu.memory_space<vmem>>) target_semaphore(%arg11 : memref<!tpu.dma_semaphore, #tpu.memory_space<semaphore_mem>>)
      %dma_wait3A_221 = arith.constant 0 : i32
      %dma_wait3A_222 = tpu.memref_slice %arg8[%add3A_216, %dma_wait3A_221] : memref<10240x128xf32, #tpu.memory_space<vmem_shared>> -> memref<40x128xf32, #tpu.memory_space<vmem_shared>>
      %dma_wait3A_223 = arith.constant 0 : i32
      %dma_wait3A_224 = tpu.memref_slice %arg8[%add3A_216, %dma_wait3A_223] : memref<10240x128xf32, #tpu.memory_space<vmem_shared>> -> memref<40x128xf32, #tpu.memory_space<vmem_shared>>
      tpu.wait_dma2 semaphore(%arg11 : memref<!tpu.dma_semaphore, #tpu.memory_space<semaphore_mem>>) src(%dma_wait3A_224 : memref<40x128xf32, #tpu.memory_space<vmem_shared>>) dst(%run_scoped3A_1 : memref<40x128xf32, #tpu.memory_space<vmem>>)
      %add3A_225 = arith.constant 80 : i32
      %add3A_226 = arith.addi %mul3A_6, %add3A_225 : i32
      %dma_start3A_227 = arith.constant 0 : i32
      %dma_start3A_228 = tpu.memref_slice %arg5[%arg0, %add3A_226, %dma_start3A_227] : memref<2x10240x128xf32, #tpu.memory_space<hbm>> -> memref<1x40x128xf32, #tpu.memory_space<hbm>>
      %dma_start3A_229 = tpu.memref_squeeze %dma_start3A_228 : memref<1x40x128xf32, #tpu.memory_space<hbm>> -> memref<40x128xf32, #tpu.memory_space<hbm>>
      %dma_start3A_230 = arith.constant 0 : i32
      %dma_start3A_231 = tpu.memref_slice %arg5[%arg0, %add3A_226, %dma_start3A_230] : memref<2x10240x128xf32, #tpu.memory_space<hbm>> -> memref<1x40x128xf32, #tpu.memory_space<hbm>>
      %dma_start3A_232 = tpu.memref_squeeze %dma_start3A_231 : memref<1x40x128xf32, #tpu.memory_space<hbm>> -> memref<40x128xf32, #tpu.memory_space<hbm>>
      tpu.enqueue_dma source(%run_scoped3A_1 : memref<40x128xf32, #tpu.memory_space<vmem>>) target(%dma_start3A_232 : memref<40x128xf32, #tpu.memory_space<hbm>>) target_semaphore(%arg11 : memref<!tpu.dma_semaphore, #tpu.memory_space<semaphore_mem>>)
      %add3A_233 = arith.constant 120 : i32
      %add3A_234 = arith.addi %mul3A_6, %add3A_233 : i32
      %dma_start3A_235 = arith.constant 0 : i32
      %dma_start3A_236 = tpu.memref_slice %arg8[%add3A_234, %dma_start3A_235] : memref<10240x128xf32, #tpu.memory_space<vmem_shared>> -> memref<40x128xf32, #tpu.memory_space<vmem_shared>>
      %dma_start3A_237 = arith.constant 0 : i32
      %dma_start3A_238 = tpu.memref_slice %arg8[%add3A_234, %dma_start3A_237] : memref<10240x128xf32, #tpu.memory_space<vmem_shared>> -> memref<40x128xf32, #tpu.memory_space<vmem_shared>>
      tpu.enqueue_dma source(%dma_start3A_238 : memref<40x128xf32, #tpu.memory_space<vmem_shared>>) target(%run_scoped3A_2 : memref<40x128xf32, #tpu.memory_space<vmem>>) target_semaphore(%arg12 : memref<!tpu.dma_semaphore, #tpu.memory_space<semaphore_mem>>)
      %dma_wait3A_239 = arith.constant 0 : i32
      %dma_wait3A_240 = tpu.memref_slice %arg8[%add3A_234, %dma_wait3A_239] : memref<10240x128xf32, #tpu.memory_space<vmem_shared>> -> memref<40x128xf32, #tpu.memory_space<vmem_shared>>
      %dma_wait3A_241 = arith.constant 0 : i32
      %dma_wait3A_242 = tpu.memref_slice %arg8[%add3A_234, %dma_wait3A_241] : memref<10240x128xf32, #tpu.memory_space<vmem_shared>> -> memref<40x128xf32, #tpu.memory_space<vmem_shared>>
      tpu.wait_dma2 semaphore(%arg12 : memref<!tpu.dma_semaphore, #tpu.memory_space<semaphore_mem>>) src(%dma_wait3A_242 : memref<40x128xf32, #tpu.memory_space<vmem_shared>>) dst(%run_scoped3A_2 : memref<40x128xf32, #tpu.memory_space<vmem>>)
      %add3A_243 = arith.constant 120 : i32
      %add3A_244 = arith.addi %mul3A_6, %add3A_243 : i32
      %dma_start3A_245 = arith.constant 0 : i32
      %dma_start3A_246 = tpu.memref_slice %arg5[%arg0, %add3A_244, %dma_start3A_245] : memref<2x10240x128xf32, #tpu.memory_space<hbm>> -> memref<1x40x128xf32, #tpu.memory_space<hbm>>
      %dma_start3A_247 = tpu.memref_squeeze %dma_start3A_246 : memref<1x40x128xf32, #tpu.memory_space<hbm>> -> memref<40x128xf32, #tpu.memory_space<hbm>>
      %dma_start3A_248 = arith.constant 0 : i32
      %dma_start3A_249 = tpu.memref_slice %arg5[%arg0, %add3A_244, %dma_start3A_248] : memref<2x10240x128xf32, #tpu.memory_space<hbm>> -> memref<1x40x128xf32, #tpu.memory_space<hbm>>
      %dma_start3A_250 = tpu.memref_squeeze %dma_start3A_249 : memref<1x40x128xf32, #tpu.memory_space<hbm>> -> memref<40x128xf32, #tpu.memory_space<hbm>>
      tpu.enqueue_dma source(%run_scoped3A_2 : memref<40x128xf32, #tpu.memory_space<vmem>>) target(%dma_start3A_250 : memref<40x128xf32, #tpu.memory_space<hbm>>) target_semaphore(%arg12 : memref<!tpu.dma_semaphore, #tpu.memory_space<semaphore_mem>>)
      %add3A_251 = arith.constant 160 : i32
      %add3A_252 = arith.addi %mul3A_6, %add3A_251 : i32
      %dma_start3A_253 = arith.constant 0 : i32
      %dma_start3A_254 = tpu.memref_slice %arg8[%add3A_252, %dma_start3A_253] : memref<10240x128xf32, #tpu.memory_space<vmem_shared>> -> memref<40x128xf32, #tpu.memory_space<vmem_shared>>
      %dma_start3A_255 = arith.constant 0 : i32
      %dma_start3A_256 = tpu.memref_slice %arg8[%add3A_252, %dma_start3A_255] : memref<10240x128xf32, #tpu.memory_space<vmem_shared>> -> memref<40x128xf32, #tpu.memory_space<vmem_shared>>
      tpu.enqueue_dma source(%dma_start3A_256 : memref<40x128xf32, #tpu.memory_space<vmem_shared>>) target(%run_scoped3A_3 : memref<40x128xf32, #tpu.memory_space<vmem>>) target_semaphore(%arg13 : memref<!tpu.dma_semaphore, #tpu.memory_space<semaphore_mem>>)
      %dma_wait3A_257 = arith.constant 0 : i32
      %dma_wait3A_258 = tpu.memref_slice %arg8[%add3A_252, %dma_wait3A_257] : memref<10240x128xf32, #tpu.memory_space<vmem_shared>> -> memref<40x128xf32, #tpu.memory_space<vmem_shared>>
      %dma_wait3A_259 = arith.constant 0 : i32
      %dma_wait3A_260 = tpu.memref_slice %arg8[%add3A_252, %dma_wait3A_259] : memref<10240x128xf32, #tpu.memory_space<vmem_shared>> -> memref<40x128xf32, #tpu.memory_space<vmem_shared>>
      tpu.wait_dma2 semaphore(%arg13 : memref<!tpu.dma_semaphore, #tpu.memory_space<semaphore_mem>>) src(%dma_wait3A_260 : memref<40x128xf32, #tpu.memory_space<vmem_shared>>) dst(%run_scoped3A_3 : memref<40x128xf32, #tpu.memory_space<vmem>>)
      %add3A_261 = arith.constant 160 : i32
      %add3A_262 = arith.addi %mul3A_6, %add3A_261 : i32
      %dma_start3A_263 = arith.constant 0 : i32
      %dma_start3A_264 = tpu.memref_slice %arg5[%arg0, %add3A_262, %dma_start3A_263] : memref<2x10240x128xf32, #tpu.memory_space<hbm>> -> memref<1x40x128xf32, #tpu.memory_space<hbm>>
      %dma_start3A_265 = tpu.memref_squeeze %dma_start3A_264 : memref<1x40x128xf32, #tpu.memory_space<hbm>> -> memref<40x128xf32, #tpu.memory_space<hbm>>
      %dma_start3A_266 = arith.constant 0 : i32
      %dma_start3A_267 = tpu.memref_slice %arg5[%arg0, %add3A_262, %dma_start3A_266] : memref<2x10240x128xf32, #tpu.memory_space<hbm>> -> memref<1x40x128xf32, #tpu.memory_space<hbm>>
      %dma_start3A_268 = tpu.memref_squeeze %dma_start3A_267 : memref<1x40x128xf32, #tpu.memory_space<hbm>> -> memref<40x128xf32, #tpu.memory_space<hbm>>
      tpu.enqueue_dma source(%run_scoped3A_3 : memref<40x128xf32, #tpu.memory_space<vmem>>) target(%dma_start3A_268 : memref<40x128xf32, #tpu.memory_space<hbm>>) target_semaphore(%arg13 : memref<!tpu.dma_semaphore, #tpu.memory_space<semaphore_mem>>)
      %dma_wait3A_269 = arith.constant 0 : i32
      %dma_wait3A_270 = tpu.memref_slice %arg5[%arg0, %add3A_190, %dma_wait3A_269] : memref<2x10240x128xf32, #tpu.memory_space<hbm>> -> memref<1x40x128xf32, #tpu.memory_space<hbm>>
      %dma_wait3A_271 = tpu.memref_squeeze %dma_wait3A_270 : memref<1x40x128xf32, #tpu.memory_space<hbm>> -> memref<40x128xf32, #tpu.memory_space<hbm>>
      %dma_wait3A_272 = arith.constant 0 : i32
      %dma_wait3A_273 = tpu.memref_slice %arg5[%arg0, %add3A_190, %dma_wait3A_272] : memref<2x10240x128xf32, #tpu.memory_space<hbm>> -> memref<1x40x128xf32, #tpu.memory_space<hbm>>
      %dma_wait3A_274 = tpu.memref_squeeze %dma_wait3A_273 : memref<1x40x128xf32, #tpu.memory_space<hbm>> -> memref<40x128xf32, #tpu.memory_space<hbm>>
      tpu.wait_dma2 semaphore(%arg9 : memref<!tpu.dma_semaphore, #tpu.memory_space<semaphore_mem>>) src(%run_scoped3A : memref<40x128xf32, #tpu.memory_space<vmem>>) dst(%dma_wait3A_274 : memref<40x128xf32, #tpu.memory_space<hbm>>)
      %add3A_275 = arith.constant 200 : i32
      %add3A_276 = arith.addi %mul3A_6, %add3A_275 : i32
      %dma_start3A_277 = arith.constant 0 : i32
      %dma_start3A_278 = tpu.memref_slice %arg8[%add3A_276, %dma_start3A_277] : memref<10240x128xf32, #tpu.memory_space<vmem_shared>> -> memref<40x128xf32, #tpu.memory_space<vmem_shared>>
      %dma_start3A_279 = arith.constant 0 : i32
      %dma_start3A_280 = tpu.memref_slice %arg8[%add3A_276, %dma_start3A_279] : memref<10240x128xf32, #tpu.memory_space<vmem_shared>> -> memref<40x128xf32, #tpu.memory_space<vmem_shared>>
      tpu.enqueue_dma source(%dma_start3A_280 : memref<40x128xf32, #tpu.memory_space<vmem_shared>>) target(%run_scoped3A : memref<40x128xf32, #tpu.memory_space<vmem>>) target_semaphore(%arg9 : memref<!tpu.dma_semaphore, #tpu.memory_space<semaphore_mem>>)
      %dma_wait3A_281 = arith.constant 0 : i32
      %dma_wait3A_282 = tpu.memref_slice %arg8[%add3A_276, %dma_wait3A_281] : memref<10240x128xf32, #tpu.memory_space<vmem_shared>> -> memref<40x128xf32, #tpu.memory_space<vmem_shared>>
      %dma_wait3A_283 = arith.constant 0 : i32
      %dma_wait3A_284 = tpu.memref_slice %arg8[%add3A_276, %dma_wait3A_283] : memref<10240x128xf32, #tpu.memory_space<vmem_shared>> -> memref<40x128xf32, #tpu.memory_space<vmem_shared>>
      tpu.wait_dma2 semaphore(%arg9 : memref<!tpu.dma_semaphore, #tpu.memory_space<semaphore_mem>>) src(%dma_wait3A_284 : memref<40x128xf32, #tpu.memory_space<vmem_shared>>) dst(%run_scoped3A : memref<40x128xf32, #tpu.memory_space<vmem>>)
      %add3A_285 = arith.constant 200 : i32
      %add3A_286 = arith.addi %mul3A_6, %add3A_285 : i32
      %dma_start3A_287 = arith.constant 0 : i32
      %dma_start3A_288 = tpu.memref_slice %arg5[%arg0, %add3A_286, %dma_start3A_287] : memref<2x10240x128xf32, #tpu.memory_space<hbm>> -> memref<1x40x128xf32, #tpu.memory_space<hbm>>
      %dma_start3A_289 = tpu.memref_squeeze %dma_start3A_288 : memref<1x40x128xf32, #tpu.memory_space<hbm>> -> memref<40x128xf32, #tpu.memory_space<hbm>>
      %dma_start3A_290 = arith.constant 0 : i32
      %dma_start3A_291 = tpu.memref_slice %arg5[%arg0, %add3A_286, %dma_start3A_290] : memref<2x10240x128xf32, #tpu.memory_space<hbm>> -> memref<1x40x128xf32, #tpu.memory_space<hbm>>
      %dma_start3A_292 = tpu.memref_squeeze %dma_start3A_291 : memref<1x40x128xf32, #tpu.memory_space<hbm>> -> memref<40x128xf32, #tpu.memory_space<hbm>>
      tpu.enqueue_dma source(%run_scoped3A : memref<40x128xf32, #tpu.memory_space<vmem>>) target(%dma_start3A_292 : memref<40x128xf32, #tpu.memory_space<hbm>>) target_semaphore(%arg9 : memref<!tpu.dma_semaphore, #tpu.memory_space<semaphore_mem>>)
      %dma_wait3A_293 = arith.constant 0 : i32
      %dma_wait3A_294 = tpu.memref_slice %arg5[%arg0, %add3A_208, %dma_wait3A_293] : memref<2x10240x128xf32, #tpu.memory_space<hbm>> -> memref<1x40x128xf32, #tpu.memory_space<hbm>>
      %dma_wait3A_295 = tpu.memref_squeeze %dma_wait3A_294 : memref<1x40x128xf32, #tpu.memory_space<hbm>> -> memref<40x128xf32, #tpu.memory_space<hbm>>
      %dma_wait3A_296 = arith.constant 0 : i32
      %dma_wait3A_297 = tpu.memref_slice %arg5[%arg0, %add3A_208, %dma_wait3A_296] : memref<2x10240x128xf32, #tpu.memory_space<hbm>> -> memref<1x40x128xf32, #tpu.memory_space<hbm>>
      %dma_wait3A_298 = tpu.memref_squeeze %dma_wait3A_297 : memref<1x40x128xf32, #tpu.memory_space<hbm>> -> memref<40x128xf32, #tpu.memory_space<hbm>>
      tpu.wait_dma2 semaphore(%arg10 : memref<!tpu.dma_semaphore, #tpu.memory_space<semaphore_mem>>) src(%run_scoped3A_0 : memref<40x128xf32, #tpu.memory_space<vmem>>) dst(%dma_wait3A_298 : memref<40x128xf32, #tpu.memory_space<hbm>>)
      %add3A_299 = arith.constant 240 : i32
      %add3A_300 = arith.addi %mul3A_6, %add3A_299 : i32
      %dma_start3A_301 = arith.constant 0 : i32
      %dma_start3A_302 = tpu.memref_slice %arg8[%add3A_300, %dma_start3A_301] : memref<10240x128xf32, #tpu.memory_space<vmem_shared>> -> memref<40x128xf32, #tpu.memory_space<vmem_shared>>
      %dma_start3A_303 = arith.constant 0 : i32
      %dma_start3A_304 = tpu.memref_slice %arg8[%add3A_300, %dma_start3A_303] : memref<10240x128xf32, #tpu.memory_space<vmem_shared>> -> memref<40x128xf32, #tpu.memory_space<vmem_shared>>
      tpu.enqueue_dma source(%dma_start3A_304 : memref<40x128xf32, #tpu.memory_space<vmem_shared>>) target(%run_scoped3A_0 : memref<40x128xf32, #tpu.memory_space<vmem>>) target_semaphore(%arg10 : memref<!tpu.dma_semaphore, #tpu.memory_space<semaphore_mem>>)
      %dma_wait3A_305 = arith.constant 0 : i32
      %dma_wait3A_306 = tpu.memref_slice %arg8[%add3A_300, %dma_wait3A_305] : memref<10240x128xf32, #tpu.memory_space<vmem_shared>> -> memref<40x128xf32, #tpu.memory_space<vmem_shared>>
      %dma_wait3A_307 = arith.constant 0 : i32
      %dma_wait3A_308 = tpu.memref_slice %arg8[%add3A_300, %dma_wait3A_307] : memref<10240x128xf32, #tpu.memory_space<vmem_shared>> -> memref<40x128xf32, #tpu.memory_space<vmem_shared>>
      tpu.wait_dma2 semaphore(%arg10 : memref<!tpu.dma_semaphore, #tpu.memory_space<semaphore_mem>>) src(%dma_wait3A_308 : memref<40x128xf32, #tpu.memory_space<vmem_shared>>) dst(%run_scoped3A_0 : memref<40x128xf32, #tpu.memory_space<vmem>>)
      %add3A_309 = arith.constant 240 : i32
      %add3A_310 = arith.addi %mul3A_6, %add3A_309 : i32
      %dma_start3A_311 = arith.constant 0 : i32
      %dma_start3A_312 = tpu.memref_slice %arg5[%arg0, %add3A_310, %dma_start3A_311] : memref<2x10240x128xf32, #tpu.memory_space<hbm>> -> memref<1x40x128xf32, #tpu.memory_space<hbm>>
      %dma_start3A_313 = tpu.memref_squeeze %dma_start3A_312 : memref<1x40x128xf32, #tpu.memory_space<hbm>> -> memref<40x128xf32, #tpu.memory_space<hbm>>
      %dma_start3A_314 = arith.constant 0 : i32
      %dma_start3A_315 = tpu.memref_slice %arg5[%arg0, %add3A_310, %dma_start3A_314] : memref<2x10240x128xf32, #tpu.memory_space<hbm>> -> memref<1x40x128xf32, #tpu.memory_space<hbm>>
      %dma_start3A_316 = tpu.memref_squeeze %dma_start3A_315 : memref<1x40x128xf32, #tpu.memory_space<hbm>> -> memref<40x128xf32, #tpu.memory_space<hbm>>
      tpu.enqueue_dma source(%run_scoped3A_0 : memref<40x128xf32, #tpu.memory_space<vmem>>) target(%dma_start3A_316 : memref<40x128xf32, #tpu.memory_space<hbm>>) target_semaphore(%arg10 : memref<!tpu.dma_semaphore, #tpu.memory_space<semaphore_mem>>)
      %dma_wait3A_317 = arith.constant 0 : i32
      %dma_wait3A_318 = tpu.memref_slice %arg5[%arg0, %add3A_226, %dma_wait3A_317] : memref<2x10240x128xf32, #tpu.memory_space<hbm>> -> memref<1x40x128xf32, #tpu.memory_space<hbm>>
      %dma_wait3A_319 = tpu.memref_squeeze %dma_wait3A_318 : memref<1x40x128xf32, #tpu.memory_space<hbm>> -> memref<40x128xf32, #tpu.memory_space<hbm>>
      %dma_wait3A_320 = arith.constant 0 : i32
      %dma_wait3A_321 = tpu.memref_slice %arg5[%arg0, %add3A_226, %dma_wait3A_320] : memref<2x10240x128xf32, #tpu.memory_space<hbm>> -> memref<1x40x128xf32, #tpu.memory_space<hbm>>
      %dma_wait3A_322 = tpu.memref_squeeze %dma_wait3A_321 : memref<1x40x128xf32, #tpu.memory_space<hbm>> -> memref<40x128xf32, #tpu.memory_space<hbm>>
      tpu.wait_dma2 semaphore(%arg11 : memref<!tpu.dma_semaphore, #tpu.memory_space<semaphore_mem>>) src(%run_scoped3A_1 : memref<40x128xf32, #tpu.memory_space<vmem>>) dst(%dma_wait3A_322 : memref<40x128xf32, #tpu.memory_space<hbm>>)
      %add3A_323 = arith.constant 280 : i32
      %add3A_324 = arith.addi %mul3A_6, %add3A_323 : i32
      %dma_start3A_325 = arith.constant 0 : i32
      %dma_start3A_326 = tpu.memref_slice %arg8[%add3A_324, %dma_start3A_325] : memref<10240x128xf32, #tpu.memory_space<vmem_shared>> -> memref<40x128xf32, #tpu.memory_space<vmem_shared>>
      %dma_start3A_327 = arith.constant 0 : i32
      %dma_start3A_328 = tpu.memref_slice %arg8[%add3A_324, %dma_start3A_327] : memref<10240x128xf32, #tpu.memory_space<vmem_shared>> -> memref<40x128xf32, #tpu.memory_space<vmem_shared>>
      tpu.enqueue_dma source(%dma_start3A_328 : memref<40x128xf32, #tpu.memory_space<vmem_shared>>) target(%run_scoped3A_1 : memref<40x128xf32, #tpu.memory_space<vmem>>) target_semaphore(%arg11 : memref<!tpu.dma_semaphore, #tpu.memory_space<semaphore_mem>>)
      %dma_wait3A_329 = arith.constant 0 : i32
      %dma_wait3A_330 = tpu.memref_slice %arg8[%add3A_324, %dma_wait3A_329] : memref<10240x128xf32, #tpu.memory_space<vmem_shared>> -> memref<40x128xf32, #tpu.memory_space<vmem_shared>>
      %dma_wait3A_331 = arith.constant 0 : i32
      %dma_wait3A_332 = tpu.memref_slice %arg8[%add3A_324, %dma_wait3A_331] : memref<10240x128xf32, #tpu.memory_space<vmem_shared>> -> memref<40x128xf32, #tpu.memory_space<vmem_shared>>
      tpu.wait_dma2 semaphore(%arg11 : memref<!tpu.dma_semaphore, #tpu.memory_space<semaphore_mem>>) src(%dma_wait3A_332 : memref<40x128xf32, #tpu.memory_space<vmem_shared>>) dst(%run_scoped3A_1 : memref<40x128xf32, #tpu.memory_space<vmem>>)
      %add3A_333 = arith.constant 280 : i32
      %add3A_334 = arith.addi %mul3A_6, %add3A_333 : i32
      %dma_start3A_335 = arith.constant 0 : i32
      %dma_start3A_336 = tpu.memref_slice %arg5[%arg0, %add3A_334, %dma_start3A_335] : memref<2x10240x128xf32, #tpu.memory_space<hbm>> -> memref<1x40x128xf32, #tpu.memory_space<hbm>>
      %dma_start3A_337 = tpu.memref_squeeze %dma_start3A_336 : memref<1x40x128xf32, #tpu.memory_space<hbm>> -> memref<40x128xf32, #tpu.memory_space<hbm>>
      %dma_start3A_338 = arith.constant 0 : i32
      %dma_start3A_339 = tpu.memref_slice %arg5[%arg0, %add3A_334, %dma_start3A_338] : memref<2x10240x128xf32, #tpu.memory_space<hbm>> -> memref<1x40x128xf32, #tpu.memory_space<hbm>>
      %dma_start3A_340 = tpu.memref_squeeze %dma_start3A_339 : memref<1x40x128xf32, #tpu.memory_space<hbm>> -> memref<40x128xf32, #tpu.memory_space<hbm>>
      tpu.enqueue_dma source(%run_scoped3A_1 : memref<40x128xf32, #tpu.memory_space<vmem>>) target(%dma_start3A_340 : memref<40x128xf32, #tpu.memory_space<hbm>>) target_semaphore(%arg11 : memref<!tpu.dma_semaphore, #tpu.memory_space<semaphore_mem>>)
      %dma_wait3A_341 = arith.constant 0 : i32
      %dma_wait3A_342 = tpu.memref_slice %arg5[%arg0, %add3A_244, %dma_wait3A_341] : memref<2x10240x128xf32, #tpu.memory_space<hbm>> -> memref<1x40x128xf32, #tpu.memory_space<hbm>>
      %dma_wait3A_343 = tpu.memref_squeeze %dma_wait3A_342 : memref<1x40x128xf32, #tpu.memory_space<hbm>> -> memref<40x128xf32, #tpu.memory_space<hbm>>
      %dma_wait3A_344 = arith.constant 0 : i32
      %dma_wait3A_345 = tpu.memref_slice %arg5[%arg0, %add3A_244, %dma_wait3A_344] : memref<2x10240x128xf32, #tpu.memory_space<hbm>> -> memref<1x40x128xf32, #tpu.memory_space<hbm>>
      %dma_wait3A_346 = tpu.memref_squeeze %dma_wait3A_345 : memref<1x40x128xf32, #tpu.memory_space<hbm>> -> memref<40x128xf32, #tpu.memory_space<hbm>>
      tpu.wait_dma2 semaphore(%arg12 : memref<!tpu.dma_semaphore, #tpu.memory_space<semaphore_mem>>) src(%run_scoped3A_2 : memref<40x128xf32, #tpu.memory_space<vmem>>) dst(%dma_wait3A_346 : memref<40x128xf32, #tpu.memory_space<hbm>>)
      %add3A_347 = arith.constant 320 : i32
      %add3A_348 = arith.addi %mul3A_6, %add3A_347 : i32
      %dma_start3A_349 = arith.constant 0 : i32
      %dma_start3A_350 = tpu.memref_slice %arg8[%add3A_348, %dma_start3A_349] : memref<10240x128xf32, #tpu.memory_space<vmem_shared>> -> memref<40x128xf32, #tpu.memory_space<vmem_shared>>
      %dma_start3A_351 = arith.constant 0 : i32
      %dma_start3A_352 = tpu.memref_slice %arg8[%add3A_348, %dma_start3A_351] : memref<10240x128xf32, #tpu.memory_space<vmem_shared>> -> memref<40x128xf32, #tpu.memory_space<vmem_shared>>
      tpu.enqueue_dma source(%dma_start3A_352 : memref<40x128xf32, #tpu.memory_space<vmem_shared>>) target(%run_scoped3A_2 : memref<40x128xf32, #tpu.memory_space<vmem>>) target_semaphore(%arg12 : memref<!tpu.dma_semaphore, #tpu.memory_space<semaphore_mem>>)
      %dma_wait3A_353 = arith.constant 0 : i32
      %dma_wait3A_354 = tpu.memref_slice %arg8[%add3A_348, %dma_wait3A_353] : memref<10240x128xf32, #tpu.memory_space<vmem_shared>> -> memref<40x128xf32, #tpu.memory_space<vmem_shared>>
      %dma_wait3A_355 = arith.constant 0 : i32
      %dma_wait3A_356 = tpu.memref_slice %arg8[%add3A_348, %dma_wait3A_355] : memref<10240x128xf32, #tpu.memory_space<vmem_shared>> -> memref<40x128xf32, #tpu.memory_space<vmem_shared>>
      tpu.wait_dma2 semaphore(%arg12 : memref<!tpu.dma_semaphore, #tpu.memory_space<semaphore_mem>>) src(%dma_wait3A_356 : memref<40x128xf32, #tpu.memory_space<vmem_shared>>) dst(%run_scoped3A_2 : memref<40x128xf32, #tpu.memory_space<vmem>>)
      %add3A_357 = arith.constant 320 : i32
      %add3A_358 = arith.addi %mul3A_6, %add3A_357 : i32
      %dma_start3A_359 = arith.constant 0 : i32
      %dma_start3A_360 = tpu.memref_slice %arg5[%arg0, %add3A_358, %dma_start3A_359] : memref<2x10240x128xf32, #tpu.memory_space<hbm>> -> memref<1x40x128xf32, #tpu.memory_space<hbm>>
      %dma_start3A_361 = tpu.memref_squeeze %dma_start3A_360 : memref<1x40x128xf32, #tpu.memory_space<hbm>> -> memref<40x128xf32, #tpu.memory_space<hbm>>
      %dma_start3A_362 = arith.constant 0 : i32
      %dma_start3A_363 = tpu.memref_slice %arg5[%arg0, %add3A_358, %dma_start3A_362] : memref<2x10240x128xf32, #tpu.memory_space<hbm>> -> memref<1x40x128xf32, #tpu.memory_space<hbm>>
      %dma_start3A_364 = tpu.memref_squeeze %dma_start3A_363 : memref<1x40x128xf32, #tpu.memory_space<hbm>> -> memref<40x128xf32, #tpu.memory_space<hbm>>
      tpu.enqueue_dma source(%run_scoped3A_2 : memref<40x128xf32, #tpu.memory_space<vmem>>) target(%dma_start3A_364 : memref<40x128xf32, #tpu.memory_space<hbm>>) target_semaphore(%arg12 : memref<!tpu.dma_semaphore, #tpu.memory_space<semaphore_mem>>)
      %dma_wait3A_365 = arith.constant 0 : i32
      %dma_wait3A_366 = tpu.memref_slice %arg5[%arg0, %add3A_262, %dma_wait3A_365] : memref<2x10240x128xf32, #tpu.memory_space<hbm>> -> memref<1x40x128xf32, #tpu.memory_space<hbm>>
      %dma_wait3A_367 = tpu.memref_squeeze %dma_wait3A_366 : memref<1x40x128xf32, #tpu.memory_space<hbm>> -> memref<40x128xf32, #tpu.memory_space<hbm>>
      %dma_wait3A_368 = arith.constant 0 : i32
      %dma_wait3A_369 = tpu.memref_slice %arg5[%arg0, %add3A_262, %dma_wait3A_368] : memref<2x10240x128xf32, #tpu.memory_space<hbm>> -> memref<1x40x128xf32, #tpu.memory_space<hbm>>
      %dma_wait3A_370 = tpu.memref_squeeze %dma_wait3A_369 : memref<1x40x128xf32, #tpu.memory_space<hbm>> -> memref<40x128xf32, #tpu.memory_space<hbm>>
      tpu.wait_dma2 semaphore(%arg13 : memref<!tpu.dma_semaphore, #tpu.memory_space<semaphore_mem>>) src(%run_scoped3A_3 : memref<40x128xf32, #tpu.memory_space<vmem>>) dst(%dma_wait3A_370 : memref<40x128xf32, #tpu.memory_space<hbm>>)
      %add3A_371 = arith.constant 360 : i32
      %add3A_372 = arith.addi %mul3A_6, %add3A_371 : i32
      %dma_start3A_373 = arith.constant 0 : i32
      %dma_start3A_374 = tpu.memref_slice %arg8[%add3A_372, %dma_start3A_373] : memref<10240x128xf32, #tpu.memory_space<vmem_shared>> -> memref<40x128xf32, #tpu.memory_space<vmem_shared>>
      %dma_start3A_375 = arith.constant 0 : i32
      %dma_start3A_376 = tpu.memref_slice %arg8[%add3A_372, %dma_start3A_375] : memref<10240x128xf32, #tpu.memory_space<vmem_shared>> -> memref<40x128xf32, #tpu.memory_space<vmem_shared>>
      tpu.enqueue_dma source(%dma_start3A_376 : memref<40x128xf32, #tpu.memory_space<vmem_shared>>) target(%run_scoped3A_3 : memref<40x128xf32, #tpu.memory_space<vmem>>) target_semaphore(%arg13 : memref<!tpu.dma_semaphore, #tpu.memory_space<semaphore_mem>>)
      %dma_wait3A_377 = arith.constant 0 : i32
      %dma_wait3A_378 = tpu.memref_slice %arg8[%add3A_372, %dma_wait3A_377] : memref<10240x128xf32, #tpu.memory_space<vmem_shared>> -> memref<40x128xf32, #tpu.memory_space<vmem_shared>>
      %dma_wait3A_379 = arith.constant 0 : i32
      %dma_wait3A_380 = tpu.memref_slice %arg8[%add3A_372, %dma_wait3A_379] : memref<10240x128xf32, #tpu.memory_space<vmem_shared>> -> memref<40x128xf32, #tpu.memory_space<vmem_shared>>
      tpu.wait_dma2 semaphore(%arg13 : memref<!tpu.dma_semaphore, #tpu.memory_space<semaphore_mem>>) src(%dma_wait3A_380 : memref<40x128xf32, #tpu.memory_space<vmem_shared>>) dst(%run_scoped3A_3 : memref<40x128xf32, #tpu.memory_space<vmem>>)
      %add3A_381 = arith.constant 360 : i32
      %add3A_382 = arith.addi %mul3A_6, %add3A_381 : i32
      %dma_start3A_383 = arith.constant 0 : i32
      %dma_start3A_384 = tpu.memref_slice %arg5[%arg0, %add3A_382, %dma_start3A_383] : memref<2x10240x128xf32, #tpu.memory_space<hbm>> -> memref<1x40x128xf32, #tpu.memory_space<hbm>>
      %dma_start3A_385 = tpu.memref_squeeze %dma_start3A_384 : memref<1x40x128xf32, #tpu.memory_space<hbm>> -> memref<40x128xf32, #tpu.memory_space<hbm>>
      %dma_start3A_386 = arith.constant 0 : i32
      %dma_start3A_387 = tpu.memref_slice %arg5[%arg0, %add3A_382, %dma_start3A_386] : memref<2x10240x128xf32, #tpu.memory_space<hbm>> -> memref<1x40x128xf32, #tpu.memory_space<hbm>>
      %dma_start3A_388 = tpu.memref_squeeze %dma_start3A_387 : memref<1x40x128xf32, #tpu.memory_space<hbm>> -> memref<40x128xf32, #tpu.memory_space<hbm>>
      tpu.enqueue_dma source(%run_scoped3A_3 : memref<40x128xf32, #tpu.memory_space<vmem>>) target(%dma_start3A_388 : memref<40x128xf32, #tpu.memory_space<hbm>>) target_semaphore(%arg13 : memref<!tpu.dma_semaphore, #tpu.memory_space<semaphore_mem>>)
      %dma_wait3A_389 = arith.constant 0 : i32
      %dma_wait3A_390 = tpu.memref_slice %arg5[%arg0, %add3A_286, %dma_wait3A_389] : memref<2x10240x128xf32, #tpu.memory_space<hbm>> -> memref<1x40x128xf32, #tpu.memory_space<hbm>>
      %dma_wait3A_391 = tpu.memref_squeeze %dma_wait3A_390 : memref<1x40x128xf32, #tpu.memory_space<hbm>> -> memref<40x128xf32, #tpu.memory_space<hbm>>
      %dma_wait3A_392 = arith.constant 0 : i32
      %dma_wait3A_393 = tpu.memref_slice %arg5[%arg0, %add3A_286, %dma_wait3A_392] : memref<2x10240x128xf32, #tpu.memory_space<hbm>> -> memref<1x40x128xf32, #tpu.memory_space<hbm>>
      %dma_wait3A_394 = tpu.memref_squeeze %dma_wait3A_393 : memref<1x40x128xf32, #tpu.memory_space<hbm>> -> memref<40x128xf32, #tpu.memory_space<hbm>>
      tpu.wait_dma2 semaphore(%arg9 : memref<!tpu.dma_semaphore, #tpu.memory_space<semaphore_mem>>) src(%run_scoped3A : memref<40x128xf32, #tpu.memory_space<vmem>>) dst(%dma_wait3A_394 : memref<40x128xf32, #tpu.memory_space<hbm>>)
      %add3A_395 = arith.constant 400 : i32
      %add3A_396 = arith.addi %mul3A_6, %add3A_395 : i32
      %dma_start3A_397 = arith.constant 0 : i32
      %dma_start3A_398 = tpu.memref_slice %arg8[%add3A_396, %dma_start3A_397] : memref<10240x128xf32, #tpu.memory_space<vmem_shared>> -> memref<40x128xf32, #tpu.memory_space<vmem_shared>>
      %dma_start3A_399 = arith.constant 0 : i32
      %dma_start3A_400 = tpu.memref_slice %arg8[%add3A_396, %dma_start3A_399] : memref<10240x128xf32, #tpu.memory_space<vmem_shared>> -> memref<40x128xf32, #tpu.memory_space<vmem_shared>>
      tpu.enqueue_dma source(%dma_start3A_400 : memref<40x128xf32, #tpu.memory_space<vmem_shared>>) target(%run_scoped3A : memref<40x128xf32, #tpu.memory_space<vmem>>) target_semaphore(%arg9 : memref<!tpu.dma_semaphore, #tpu.memory_space<semaphore_mem>>)
      %dma_wait3A_401 = arith.constant 0 : i32
      %dma_wait3A_402 = tpu.memref_slice %arg8[%add3A_396, %dma_wait3A_401] : memref<10240x128xf32, #tpu.memory_space<vmem_shared>> -> memref<40x128xf32, #tpu.memory_space<vmem_shared>>
      %dma_wait3A_403 = arith.constant 0 : i32
      %dma_wait3A_404 = tpu.memref_slice %arg8[%add3A_396, %dma_wait3A_403] : memref<10240x128xf32, #tpu.memory_space<vmem_shared>> -> memref<40x128xf32, #tpu.memory_space<vmem_shared>>
      tpu.wait_dma2 semaphore(%arg9 : memref<!tpu.dma_semaphore, #tpu.memory_space<semaphore_mem>>) src(%dma_wait3A_404 : memref<40x128xf32, #tpu.memory_space<vmem_shared>>) dst(%run_scoped3A : memref<40x128xf32, #tpu.memory_space<vmem>>)
      %add3A_405 = arith.constant 400 : i32
      %add3A_406 = arith.addi %mul3A_6, %add3A_405 : i32
      %dma_start3A_407 = arith.constant 0 : i32
      %dma_start3A_408 = tpu.memref_slice %arg5[%arg0, %add3A_406, %dma_start3A_407] : memref<2x10240x128xf32, #tpu.memory_space<hbm>> -> memref<1x40x128xf32, #tpu.memory_space<hbm>>
      %dma_start3A_409 = tpu.memref_squeeze %dma_start3A_408 : memref<1x40x128xf32, #tpu.memory_space<hbm>> -> memref<40x128xf32, #tpu.memory_space<hbm>>
      %dma_start3A_410 = arith.constant 0 : i32
      %dma_start3A_411 = tpu.memref_slice %arg5[%arg0, %add3A_406, %dma_start3A_410] : memref<2x10240x128xf32, #tpu.memory_space<hbm>> -> memref<1x40x128xf32, #tpu.memory_space<hbm>>
      %dma_start3A_412 = tpu.memref_squeeze %dma_start3A_411 : memref<1x40x128xf32, #tpu.memory_space<hbm>> -> memref<40x128xf32, #tpu.memory_space<hbm>>
      tpu.enqueue_dma source(%run_scoped3A : memref<40x128xf32, #tpu.memory_space<vmem>>) target(%dma_start3A_412 : memref<40x128xf32, #tpu.memory_space<hbm>>) target_semaphore(%arg9 : memref<!tpu.dma_semaphore, #tpu.memory_space<semaphore_mem>>)
      %dma_wait3A_413 = arith.constant 0 : i32
      %dma_wait3A_414 = tpu.memref_slice %arg5[%arg0, %add3A_310, %dma_wait3A_413] : memref<2x10240x128xf32, #tpu.memory_space<hbm>> -> memref<1x40x128xf32, #tpu.memory_space<hbm>>
      %dma_wait3A_415 = tpu.memref_squeeze %dma_wait3A_414 : memref<1x40x128xf32, #tpu.memory_space<hbm>> -> memref<40x128xf32, #tpu.memory_space<hbm>>
      %dma_wait3A_416 = arith.constant 0 : i32
      %dma_wait3A_417 = tpu.memref_slice %arg5[%arg0, %add3A_310, %dma_wait3A_416] : memref<2x10240x128xf32, #tpu.memory_space<hbm>> -> memref<1x40x128xf32, #tpu.memory_space<hbm>>
      %dma_wait3A_418 = tpu.memref_squeeze %dma_wait3A_417 : memref<1x40x128xf32, #tpu.memory_space<hbm>> -> memref<40x128xf32, #tpu.memory_space<hbm>>
      tpu.wait_dma2 semaphore(%arg10 : memref<!tpu.dma_semaphore, #tpu.memory_space<semaphore_mem>>) src(%run_scoped3A_0 : memref<40x128xf32, #tpu.memory_space<vmem>>) dst(%dma_wait3A_418 : memref<40x128xf32, #tpu.memory_space<hbm>>)
      %add3A_419 = arith.constant 440 : i32
      %add3A_420 = arith.addi %mul3A_6, %add3A_419 : i32
      %dma_start3A_421 = arith.constant 0 : i32
      %dma_start3A_422 = tpu.memref_slice %arg8[%add3A_420, %dma_start3A_421] : memref<10240x128xf32, #tpu.memory_space<vmem_shared>> -> memref<40x128xf32, #tpu.memory_space<vmem_shared>>
      %dma_start3A_423 = arith.constant 0 : i32
      %dma_start3A_424 = tpu.memref_slice %arg8[%add3A_420, %dma_start3A_423] : memref<10240x128xf32, #tpu.memory_space<vmem_shared>> -> memref<40x128xf32, #tpu.memory_space<vmem_shared>>
      tpu.enqueue_dma source(%dma_start3A_424 : memref<40x128xf32, #tpu.memory_space<vmem_shared>>) target(%run_scoped3A_0 : memref<40x128xf32, #tpu.memory_space<vmem>>) target_semaphore(%arg10 : memref<!tpu.dma_semaphore, #tpu.memory_space<semaphore_mem>>)
      %dma_wait3A_425 = arith.constant 0 : i32
      %dma_wait3A_426 = tpu.memref_slice %arg8[%add3A_420, %dma_wait3A_425] : memref<10240x128xf32, #tpu.memory_space<vmem_shared>> -> memref<40x128xf32, #tpu.memory_space<vmem_shared>>
      %dma_wait3A_427 = arith.constant 0 : i32
      %dma_wait3A_428 = tpu.memref_slice %arg8[%add3A_420, %dma_wait3A_427] : memref<10240x128xf32, #tpu.memory_space<vmem_shared>> -> memref<40x128xf32, #tpu.memory_space<vmem_shared>>
      tpu.wait_dma2 semaphore(%arg10 : memref<!tpu.dma_semaphore, #tpu.memory_space<semaphore_mem>>) src(%dma_wait3A_428 : memref<40x128xf32, #tpu.memory_space<vmem_shared>>) dst(%run_scoped3A_0 : memref<40x128xf32, #tpu.memory_space<vmem>>)
      %add3A_429 = arith.constant 440 : i32
      %add3A_430 = arith.addi %mul3A_6, %add3A_429 : i32
      %dma_start3A_431 = arith.constant 0 : i32
      %dma_start3A_432 = tpu.memref_slice %arg5[%arg0, %add3A_430, %dma_start3A_431] : memref<2x10240x128xf32, #tpu.memory_space<hbm>> -> memref<1x40x128xf32, #tpu.memory_space<hbm>>
      %dma_start3A_433 = tpu.memref_squeeze %dma_start3A_432 : memref<1x40x128xf32, #tpu.memory_space<hbm>> -> memref<40x128xf32, #tpu.memory_space<hbm>>
      %dma_start3A_434 = arith.constant 0 : i32
      %dma_start3A_435 = tpu.memref_slice %arg5[%arg0, %add3A_430, %dma_start3A_434] : memref<2x10240x128xf32, #tpu.memory_space<hbm>> -> memref<1x40x128xf32, #tpu.memory_space<hbm>>
      %dma_start3A_436 = tpu.memref_squeeze %dma_start3A_435 : memref<1x40x128xf32, #tpu.memory_space<hbm>> -> memref<40x128xf32, #tpu.memory_space<hbm>>
      tpu.enqueue_dma source(%run_scoped3A_0 : memref<40x128xf32, #tpu.memory_space<vmem>>) target(%dma_start3A_436 : memref<40x128xf32, #tpu.memory_space<hbm>>) target_semaphore(%arg10 : memref<!tpu.dma_semaphore, #tpu.memory_space<semaphore_mem>>)
      %dma_wait3A_437 = arith.constant 0 : i32
      %dma_wait3A_438 = tpu.memref_slice %arg5[%arg0, %add3A_334, %dma_wait3A_437] : memref<2x10240x128xf32, #tpu.memory_space<hbm>> -> memref<1x40x128xf32, #tpu.memory_space<hbm>>
      %dma_wait3A_439 = tpu.memref_squeeze %dma_wait3A_438 : memref<1x40x128xf32, #tpu.memory_space<hbm>> -> memref<40x128xf32, #tpu.memory_space<hbm>>
      %dma_wait3A_440 = arith.constant 0 : i32
      %dma_wait3A_441 = tpu.memref_slice %arg5[%arg0, %add3A_334, %dma_wait3A_440] : memref<2x10240x128xf32, #tpu.memory_space<hbm>> -> memref<1x40x128xf32, #tpu.memory_space<hbm>>
      %dma_wait3A_442 = tpu.memref_squeeze %dma_wait3A_441 : memref<1x40x128xf32, #tpu.memory_space<hbm>> -> memref<40x128xf32, #tpu.memory_space<hbm>>
      tpu.wait_dma2 semaphore(%arg11 : memref<!tpu.dma_semaphore, #tpu.memory_space<semaphore_mem>>) src(%run_scoped3A_1 : memref<40x128xf32, #tpu.memory_space<vmem>>) dst(%dma_wait3A_442 : memref<40x128xf32, #tpu.memory_space<hbm>>)
      %add3A_443 = arith.constant 480 : i32
      %add3A_444 = arith.addi %mul3A_6, %add3A_443 : i32
      %dma_start3A_445 = arith.constant 0 : i32
      %dma_start3A_446 = tpu.memref_slice %arg8[%add3A_444, %dma_start3A_445] : memref<10240x128xf32, #tpu.memory_space<vmem_shared>> -> memref<40x128xf32, #tpu.memory_space<vmem_shared>>
      %dma_start3A_447 = arith.constant 0 : i32
      %dma_start3A_448 = tpu.memref_slice %arg8[%add3A_444, %dma_start3A_447] : memref<10240x128xf32, #tpu.memory_space<vmem_shared>> -> memref<40x128xf32, #tpu.memory_space<vmem_shared>>
      tpu.enqueue_dma source(%dma_start3A_448 : memref<40x128xf32, #tpu.memory_space<vmem_shared>>) target(%run_scoped3A_1 : memref<40x128xf32, #tpu.memory_space<vmem>>) target_semaphore(%arg11 : memref<!tpu.dma_semaphore, #tpu.memory_space<semaphore_mem>>)
      %dma_wait3A_449 = arith.constant 0 : i32
      %dma_wait3A_450 = tpu.memref_slice %arg8[%add3A_444, %dma_wait3A_449] : memref<10240x128xf32, #tpu.memory_space<vmem_shared>> -> memref<40x128xf32, #tpu.memory_space<vmem_shared>>
      %dma_wait3A_451 = arith.constant 0 : i32
      %dma_wait3A_452 = tpu.memref_slice %arg8[%add3A_444, %dma_wait3A_451] : memref<10240x128xf32, #tpu.memory_space<vmem_shared>> -> memref<40x128xf32, #tpu.memory_space<vmem_shared>>
      tpu.wait_dma2 semaphore(%arg11 : memref<!tpu.dma_semaphore, #tpu.memory_space<semaphore_mem>>) src(%dma_wait3A_452 : memref<40x128xf32, #tpu.memory_space<vmem_shared>>) dst(%run_scoped3A_1 : memref<40x128xf32, #tpu.memory_space<vmem>>)
      %add3A_453 = arith.constant 480 : i32
      %add3A_454 = arith.addi %mul3A_6, %add3A_453 : i32
      %dma_start3A_455 = arith.constant 0 : i32
      %dma_start3A_456 = tpu.memref_slice %arg5[%arg0, %add3A_454, %dma_start3A_455] : memref<2x10240x128xf32, #tpu.memory_space<hbm>> -> memref<1x40x128xf32, #tpu.memory_space<hbm>>
      %dma_start3A_457 = tpu.memref_squeeze %dma_start3A_456 : memref<1x40x128xf32, #tpu.memory_space<hbm>> -> memref<40x128xf32, #tpu.memory_space<hbm>>
      %dma_start3A_458 = arith.constant 0 : i32
      %dma_start3A_459 = tpu.memref_slice %arg5[%arg0, %add3A_454, %dma_start3A_458] : memref<2x10240x128xf32, #tpu.memory_space<hbm>> -> memref<1x40x128xf32, #tpu.memory_space<hbm>>
      %dma_start3A_460 = tpu.memref_squeeze %dma_start3A_459 : memref<1x40x128xf32, #tpu.memory_space<hbm>> -> memref<40x128xf32, #tpu.memory_space<hbm>>
      tpu.enqueue_dma source(%run_scoped3A_1 : memref<40x128xf32, #tpu.memory_space<vmem>>) target(%dma_start3A_460 : memref<40x128xf32, #tpu.memory_space<hbm>>) target_semaphore(%arg11 : memref<!tpu.dma_semaphore, #tpu.memory_space<semaphore_mem>>)
      %dma_wait3A_461 = arith.constant 0 : i32
      %dma_wait3A_462 = tpu.memref_slice %arg5[%arg0, %add3A_358, %dma_wait3A_461] : memref<2x10240x128xf32, #tpu.memory_space<hbm>> -> memref<1x40x128xf32, #tpu.memory_space<hbm>>
      %dma_wait3A_463 = tpu.memref_squeeze %dma_wait3A_462 : memref<1x40x128xf32, #tpu.memory_space<hbm>> -> memref<40x128xf32, #tpu.memory_space<hbm>>
      %dma_wait3A_464 = arith.constant 0 : i32
      %dma_wait3A_465 = tpu.memref_slice %arg5[%arg0, %add3A_358, %dma_wait3A_464] : memref<2x10240x128xf32, #tpu.memory_space<hbm>> -> memref<1x40x128xf32, #tpu.memory_space<hbm>>
      %dma_wait3A_466 = tpu.memref_squeeze %dma_wait3A_465 : memref<1x40x128xf32, #tpu.memory_space<hbm>> -> memref<40x128xf32, #tpu.memory_space<hbm>>
      tpu.wait_dma2 semaphore(%arg12 : memref<!tpu.dma_semaphore, #tpu.memory_space<semaphore_mem>>) src(%run_scoped3A_2 : memref<40x128xf32, #tpu.memory_space<vmem>>) dst(%dma_wait3A_466 : memref<40x128xf32, #tpu.memory_space<hbm>>)
      %add3A_467 = arith.constant 520 : i32
      %add3A_468 = arith.addi %mul3A_6, %add3A_467 : i32
      %dma_start3A_469 = arith.constant 0 : i32
      %dma_start3A_470 = tpu.memref_slice %arg8[%add3A_468, %dma_start3A_469] : memref<10240x128xf32, #tpu.memory_space<vmem_shared>> -> memref<40x128xf32, #tpu.memory_space<vmem_shared>>
      %dma_start3A_471 = arith.constant 0 : i32
      %dma_start3A_472 = tpu.memref_slice %arg8[%add3A_468, %dma_start3A_471] : memref<10240x128xf32, #tpu.memory_space<vmem_shared>> -> memref<40x128xf32, #tpu.memory_space<vmem_shared>>
      tpu.enqueue_dma source(%dma_start3A_472 : memref<40x128xf32, #tpu.memory_space<vmem_shared>>) target(%run_scoped3A_2 : memref<40x128xf32, #tpu.memory_space<vmem>>) target_semaphore(%arg12 : memref<!tpu.dma_semaphore, #tpu.memory_space<semaphore_mem>>)
      %dma_wait3A_473 = arith.constant 0 : i32
      %dma_wait3A_474 = tpu.memref_slice %arg8[%add3A_468, %dma_wait3A_473] : memref<10240x128xf32, #tpu.memory_space<vmem_shared>> -> memref<40x128xf32, #tpu.memory_space<vmem_shared>>
      %dma_wait3A_475 = arith.constant 0 : i32
      %dma_wait3A_476 = tpu.memref_slice %arg8[%add3A_468, %dma_wait3A_475] : memref<10240x128xf32, #tpu.memory_space<vmem_shared>> -> memref<40x128xf32, #tpu.memory_space<vmem_shared>>
      tpu.wait_dma2 semaphore(%arg12 : memref<!tpu.dma_semaphore, #tpu.memory_space<semaphore_mem>>) src(%dma_wait3A_476 : memref<40x128xf32, #tpu.memory_space<vmem_shared>>) dst(%run_scoped3A_2 : memref<40x128xf32, #tpu.memory_space<vmem>>)
      %add3A_477 = arith.constant 520 : i32
      %add3A_478 = arith.addi %mul3A_6, %add3A_477 : i32
      %dma_start3A_479 = arith.constant 0 : i32
      %dma_start3A_480 = tpu.memref_slice %arg5[%arg0, %add3A_478, %dma_start3A_479] : memref<2x10240x128xf32, #tpu.memory_space<hbm>> -> memref<1x40x128xf32, #tpu.memory_space<hbm>>
      %dma_start3A_481 = tpu.memref_squeeze %dma_start3A_480 : memref<1x40x128xf32, #tpu.memory_space<hbm>> -> memref<40x128xf32, #tpu.memory_space<hbm>>
      %dma_start3A_482 = arith.constant 0 : i32
      %dma_start3A_483 = tpu.memref_slice %arg5[%arg0, %add3A_478, %dma_start3A_482] : memref<2x10240x128xf32, #tpu.memory_space<hbm>> -> memref<1x40x128xf32, #tpu.memory_space<hbm>>
      %dma_start3A_484 = tpu.memref_squeeze %dma_start3A_483 : memref<1x40x128xf32, #tpu.memory_space<hbm>> -> memref<40x128xf32, #tpu.memory_space<hbm>>
      tpu.enqueue_dma source(%run_scoped3A_2 : memref<40x128xf32, #tpu.memory_space<vmem>>) target(%dma_start3A_484 : memref<40x128xf32, #tpu.memory_space<hbm>>) target_semaphore(%arg12 : memref<!tpu.dma_semaphore, #tpu.memory_space<semaphore_mem>>)
      %dma_wait3A_485 = arith.constant 0 : i32
      %dma_wait3A_486 = tpu.memref_slice %arg5[%arg0, %add3A_382, %dma_wait3A_485] : memref<2x10240x128xf32, #tpu.memory_space<hbm>> -> memref<1x40x128xf32, #tpu.memory_space<hbm>>
      %dma_wait3A_487 = tpu.memref_squeeze %dma_wait3A_486 : memref<1x40x128xf32, #tpu.memory_space<hbm>> -> memref<40x128xf32, #tpu.memory_space<hbm>>
      %dma_wait3A_488 = arith.constant 0 : i32
      %dma_wait3A_489 = tpu.memref_slice %arg5[%arg0, %add3A_382, %dma_wait3A_488] : memref<2x10240x128xf32, #tpu.memory_space<hbm>> -> memref<1x40x128xf32, #tpu.memory_space<hbm>>
      %dma_wait3A_490 = tpu.memref_squeeze %dma_wait3A_489 : memref<1x40x128xf32, #tpu.memory_space<hbm>> -> memref<40x128xf32, #tpu.memory_space<hbm>>
      tpu.wait_dma2 semaphore(%arg13 : memref<!tpu.dma_semaphore, #tpu.memory_space<semaphore_mem>>) src(%run_scoped3A_3 : memref<40x128xf32, #tpu.memory_space<vmem>>) dst(%dma_wait3A_490 : memref<40x128xf32, #tpu.memory_space<hbm>>)
      %add3A_491 = arith.constant 560 : i32
      %add3A_492 = arith.addi %mul3A_6, %add3A_491 : i32
      %dma_start3A_493 = arith.constant 0 : i32
      %dma_start3A_494 = tpu.memref_slice %arg8[%add3A_492, %dma_start3A_493] : memref<10240x128xf32, #tpu.memory_space<vmem_shared>> -> memref<40x128xf32, #tpu.memory_space<vmem_shared>>
      %dma_start3A_495 = arith.constant 0 : i32
      %dma_start3A_496 = tpu.memref_slice %arg8[%add3A_492, %dma_start3A_495] : memref<10240x128xf32, #tpu.memory_space<vmem_shared>> -> memref<40x128xf32, #tpu.memory_space<vmem_shared>>
      tpu.enqueue_dma source(%dma_start3A_496 : memref<40x128xf32, #tpu.memory_space<vmem_shared>>) target(%run_scoped3A_3 : memref<40x128xf32, #tpu.memory_space<vmem>>) target_semaphore(%arg13 : memref<!tpu.dma_semaphore, #tpu.memory_space<semaphore_mem>>)
      %dma_wait3A_497 = arith.constant 0 : i32
      %dma_wait3A_498 = tpu.memref_slice %arg8[%add3A_492, %dma_wait3A_497] : memref<10240x128xf32, #tpu.memory_space<vmem_shared>> -> memref<40x128xf32, #tpu.memory_space<vmem_shared>>
      %dma_wait3A_499 = arith.constant 0 : i32
      %dma_wait3A_500 = tpu.memref_slice %arg8[%add3A_492, %dma_wait3A_499] : memref<10240x128xf32, #tpu.memory_space<vmem_shared>> -> memref<40x128xf32, #tpu.memory_space<vmem_shared>>
      tpu.wait_dma2 semaphore(%arg13 : memref<!tpu.dma_semaphore, #tpu.memory_space<semaphore_mem>>) src(%dma_wait3A_500 : memref<40x128xf32, #tpu.memory_space<vmem_shared>>) dst(%run_scoped3A_3 : memref<40x128xf32, #tpu.memory_space<vmem>>)
      %add3A_501 = arith.constant 560 : i32
      %add3A_502 = arith.addi %mul3A_6, %add3A_501 : i32
      %dma_start3A_503 = arith.constant 0 : i32
      %dma_start3A_504 = tpu.memref_slice %arg5[%arg0, %add3A_502, %dma_start3A_503] : memref<2x10240x128xf32, #tpu.memory_space<hbm>> -> memref<1x40x128xf32, #tpu.memory_space<hbm>>
      %dma_start3A_505 = tpu.memref_squeeze %dma_start3A_504 : memref<1x40x128xf32, #tpu.memory_space<hbm>> -> memref<40x128xf32, #tpu.memory_space<hbm>>
      %dma_start3A_506 = arith.constant 0 : i32
      %dma_start3A_507 = tpu.memref_slice %arg5[%arg0, %add3A_502, %dma_start3A_506] : memref<2x10240x128xf32, #tpu.memory_space<hbm>> -> memref<1x40x128xf32, #tpu.memory_space<hbm>>
      %dma_start3A_508 = tpu.memref_squeeze %dma_start3A_507 : memref<1x40x128xf32, #tpu.memory_space<hbm>> -> memref<40x128xf32, #tpu.memory_space<hbm>>
      tpu.enqueue_dma source(%run_scoped3A_3 : memref<40x128xf32, #tpu.memory_space<vmem>>) target(%dma_start3A_508 : memref<40x128xf32, #tpu.memory_space<hbm>>) target_semaphore(%arg13 : memref<!tpu.dma_semaphore, #tpu.memory_space<semaphore_mem>>)
      %dma_wait3A_509 = arith.constant 0 : i32
      %dma_wait3A_510 = tpu.memref_slice %arg5[%arg0, %add3A_406, %dma_wait3A_509] : memref<2x10240x128xf32, #tpu.memory_space<hbm>> -> memref<1x40x128xf32, #tpu.memory_space<hbm>>
      %dma_wait3A_511 = tpu.memref_squeeze %dma_wait3A_510 : memref<1x40x128xf32, #tpu.memory_space<hbm>> -> memref<40x128xf32, #tpu.memory_space<hbm>>
      %dma_wait3A_512 = arith.constant 0 : i32
      %dma_wait3A_513 = tpu.memref_slice %arg5[%arg0, %add3A_406, %dma_wait3A_512] : memref<2x10240x128xf32, #tpu.memory_space<hbm>> -> memref<1x40x128xf32, #tpu.memory_space<hbm>>
      %dma_wait3A_514 = tpu.memref_squeeze %dma_wait3A_513 : memref<1x40x128xf32, #tpu.memory_space<hbm>> -> memref<40x128xf32, #tpu.memory_space<hbm>>
      tpu.wait_dma2 semaphore(%arg9 : memref<!tpu.dma_semaphore, #tpu.memory_space<semaphore_mem>>) src(%run_scoped3A : memref<40x128xf32, #tpu.memory_space<vmem>>) dst(%dma_wait3A_514 : memref<40x128xf32, #tpu.memory_space<hbm>>)
      %add3A_515 = arith.constant 600 : i32
      %add3A_516 = arith.addi %mul3A_6, %add3A_515 : i32
      %dma_start3A_517 = arith.constant 0 : i32
      %dma_start3A_518 = tpu.memref_slice %arg8[%add3A_516, %dma_start3A_517] : memref<10240x128xf32, #tpu.memory_space<vmem_shared>> -> memref<40x128xf32, #tpu.memory_space<vmem_shared>>
      %dma_start3A_519 = arith.constant 0 : i32
      %dma_start3A_520 = tpu.memref_slice %arg8[%add3A_516, %dma_start3A_519] : memref<10240x128xf32, #tpu.memory_space<vmem_shared>> -> memref<40x128xf32, #tpu.memory_space<vmem_shared>>
      tpu.enqueue_dma source(%dma_start3A_520 : memref<40x128xf32, #tpu.memory_space<vmem_shared>>) target(%run_scoped3A : memref<40x128xf32, #tpu.memory_space<vmem>>) target_semaphore(%arg9 : memref<!tpu.dma_semaphore, #tpu.memory_space<semaphore_mem>>)
      %dma_wait3A_521 = arith.constant 0 : i32
      %dma_wait3A_522 = tpu.memref_slice %arg8[%add3A_516, %dma_wait3A_521] : memref<10240x128xf32, #tpu.memory_space<vmem_shared>> -> memref<40x128xf32, #tpu.memory_space<vmem_shared>>
      %dma_wait3A_523 = arith.constant 0 : i32
      %dma_wait3A_524 = tpu.memref_slice %arg8[%add3A_516, %dma_wait3A_523] : memref<10240x128xf32, #tpu.memory_space<vmem_shared>> -> memref<40x128xf32, #tpu.memory_space<vmem_shared>>
      tpu.wait_dma2 semaphore(%arg9 : memref<!tpu.dma_semaphore, #tpu.memory_space<semaphore_mem>>) src(%dma_wait3A_524 : memref<40x128xf32, #tpu.memory_space<vmem_shared>>) dst(%run_scoped3A : memref<40x128xf32, #tpu.memory_space<vmem>>)
      %add3A_525 = arith.constant 600 : i32
      %add3A_526 = arith.addi %mul3A_6, %add3A_525 : i32
      %dma_start3A_527 = arith.constant 0 : i32
      %dma_start3A_528 = tpu.memref_slice %arg5[%arg0, %add3A_526, %dma_start3A_527] : memref<2x10240x128xf32, #tpu.memory_space<hbm>> -> memref<1x40x128xf32, #tpu.memory_space<hbm>>
      %dma_start3A_529 = tpu.memref_squeeze %dma_start3A_528 : memref<1x40x128xf32, #tpu.memory_space<hbm>> -> memref<40x128xf32, #tpu.memory_space<hbm>>
      %dma_start3A_530 = arith.constant 0 : i32
      %dma_start3A_531 = tpu.memref_slice %arg5[%arg0, %add3A_526, %dma_start3A_530] : memref<2x10240x128xf32, #tpu.memory_space<hbm>> -> memref<1x40x128xf32, #tpu.memory_space<hbm>>
      %dma_start3A_532 = tpu.memref_squeeze %dma_start3A_531 : memref<1x40x128xf32, #tpu.memory_space<hbm>> -> memref<40x128xf32, #tpu.memory_space<hbm>>
      tpu.enqueue_dma source(%run_scoped3A : memref<40x128xf32, #tpu.memory_space<vmem>>) target(%dma_start3A_532 : memref<40x128xf32, #tpu.memory_space<hbm>>) target_semaphore(%arg9 : memref<!tpu.dma_semaphore, #tpu.memory_space<semaphore_mem>>)
      %dma_wait3A_533 = arith.constant 0 : i32
      %dma_wait3A_534 = tpu.memref_slice %arg5[%arg0, %add3A_430, %dma_wait3A_533] : memref<2x10240x128xf32, #tpu.memory_space<hbm>> -> memref<1x40x128xf32, #tpu.memory_space<hbm>>
      %dma_wait3A_535 = tpu.memref_squeeze %dma_wait3A_534 : memref<1x40x128xf32, #tpu.memory_space<hbm>> -> memref<40x128xf32, #tpu.memory_space<hbm>>
      %dma_wait3A_536 = arith.constant 0 : i32
      %dma_wait3A_537 = tpu.memref_slice %arg5[%arg0, %add3A_430, %dma_wait3A_536] : memref<2x10240x128xf32, #tpu.memory_space<hbm>> -> memref<1x40x128xf32, #tpu.memory_space<hbm>>
      %dma_wait3A_538 = tpu.memref_squeeze %dma_wait3A_537 : memref<1x40x128xf32, #tpu.memory_space<hbm>> -> memref<40x128xf32, #tpu.memory_space<hbm>>
      tpu.wait_dma2 semaphore(%arg10 : memref<!tpu.dma_semaphore, #tpu.memory_space<semaphore_mem>>) src(%run_scoped3A_0 : memref<40x128xf32, #tpu.memory_space<vmem>>) dst(%dma_wait3A_538 : memref<40x128xf32, #tpu.memory_space<hbm>>)
      %dma_wait3A_539 = arith.constant 0 : i32
      %dma_wait3A_540 = tpu.memref_slice %arg5[%arg0, %add3A_454, %dma_wait3A_539] : memref<2x10240x128xf32, #tpu.memory_space<hbm>> -> memref<1x40x128xf32, #tpu.memory_space<hbm>>
      %dma_wait3A_541 = tpu.memref_squeeze %dma_wait3A_540 : memref<1x40x128xf32, #tpu.memory_space<hbm>> -> memref<40x128xf32, #tpu.memory_space<hbm>>
      %dma_wait3A_542 = arith.constant 0 : i32
      %dma_wait3A_543 = tpu.memref_slice %arg5[%arg0, %add3A_454, %dma_wait3A_542] : memref<2x10240x128xf32, #tpu.memory_space<hbm>> -> memref<1x40x128xf32, #tpu.memory_space<hbm>>
      %dma_wait3A_544 = tpu.memref_squeeze %dma_wait3A_543 : memref<1x40x128xf32, #tpu.memory_space<hbm>> -> memref<40x128xf32, #tpu.memory_space<hbm>>
      tpu.wait_dma2 semaphore(%arg11 : memref<!tpu.dma_semaphore, #tpu.memory_space<semaphore_mem>>) src(%run_scoped3A_1 : memref<40x128xf32, #tpu.memory_space<vmem>>) dst(%dma_wait3A_544 : memref<40x128xf32, #tpu.memory_space<hbm>>)
      %dma_wait3A_545 = arith.constant 0 : i32
      %dma_wait3A_546 = tpu.memref_slice %arg5[%arg0, %add3A_478, %dma_wait3A_545] : memref<2x10240x128xf32, #tpu.memory_space<hbm>> -> memref<1x40x128xf32, #tpu.memory_space<hbm>>
      %dma_wait3A_547 = tpu.memref_squeeze %dma_wait3A_546 : memref<1x40x128xf32, #tpu.memory_space<hbm>> -> memref<40x128xf32, #tpu.memory_space<hbm>>
      %dma_wait3A_548 = arith.constant 0 : i32
      %dma_wait3A_549 = tpu.memref_slice %arg5[%arg0, %add3A_478, %dma_wait3A_548] : memref<2x10240x128xf32, #tpu.memory_space<hbm>> -> memref<1x40x128xf32, #tpu.memory_space<hbm>>
      %dma_wait3A_550 = tpu.memref_squeeze %dma_wait3A_549 : memref<1x40x128xf32, #tpu.memory_space<hbm>> -> memref<40x128xf32, #tpu.memory_space<hbm>>
      tpu.wait_dma2 semaphore(%arg12 : memref<!tpu.dma_semaphore, #tpu.memory_space<semaphore_mem>>) src(%run_scoped3A_2 : memref<40x128xf32, #tpu.memory_space<vmem>>) dst(%dma_wait3A_550 : memref<40x128xf32, #tpu.memory_space<hbm>>)
      %dma_wait3A_551 = arith.constant 0 : i32
      %dma_wait3A_552 = tpu.memref_slice %arg5[%arg0, %add3A_502, %dma_wait3A_551] : memref<2x10240x128xf32, #tpu.memory_space<hbm>> -> memref<1x40x128xf32, #tpu.memory_space<hbm>>
      %dma_wait3A_553 = tpu.memref_squeeze %dma_wait3A_552 : memref<1x40x128xf32, #tpu.memory_space<hbm>> -> memref<40x128xf32, #tpu.memory_space<hbm>>
      %dma_wait3A_554 = arith.constant 0 : i32
      %dma_wait3A_555 = tpu.memref_slice %arg5[%arg0, %add3A_502, %dma_wait3A_554] : memref<2x10240x128xf32, #tpu.memory_space<hbm>> -> memref<1x40x128xf32, #tpu.memory_space<hbm>>
      %dma_wait3A_556 = tpu.memref_squeeze %dma_wait3A_555 : memref<1x40x128xf32, #tpu.memory_space<hbm>> -> memref<40x128xf32, #tpu.memory_space<hbm>>
      tpu.wait_dma2 semaphore(%arg13 : memref<!tpu.dma_semaphore, #tpu.memory_space<semaphore_mem>>) src(%run_scoped3A_3 : memref<40x128xf32, #tpu.memory_space<vmem>>) dst(%dma_wait3A_556 : memref<40x128xf32, #tpu.memory_space<hbm>>)
      %dma_wait3A_557 = arith.constant 0 : i32
      %dma_wait3A_558 = tpu.memref_slice %arg5[%arg0, %add3A_526, %dma_wait3A_557] : memref<2x10240x128xf32, #tpu.memory_space<hbm>> -> memref<1x40x128xf32, #tpu.memory_space<hbm>>
      %dma_wait3A_559 = tpu.memref_squeeze %dma_wait3A_558 : memref<1x40x128xf32, #tpu.memory_space<hbm>> -> memref<40x128xf32, #tpu.memory_space<hbm>>
      %dma_wait3A_560 = arith.constant 0 : i32
      %dma_wait3A_561 = tpu.memref_slice %arg5[%arg0, %add3A_526, %dma_wait3A_560] : memref<2x10240x128xf32, #tpu.memory_space<hbm>> -> memref<1x40x128xf32, #tpu.memory_space<hbm>>
      %dma_wait3A_562 = tpu.memref_squeeze %dma_wait3A_561 : memref<1x40x128xf32, #tpu.memory_space<hbm>> -> memref<40x128xf32, #tpu.memory_space<hbm>>
      tpu.wait_dma2 semaphore(%arg9 : memref<!tpu.dma_semaphore, #tpu.memory_space<semaphore_mem>>) src(%run_scoped3A : memref<40x128xf32, #tpu.memory_space<vmem>>) dst(%dma_wait3A_562 : memref<40x128xf32, #tpu.memory_space<hbm>>)
      tpu.yield
    }) : () -> ()
    return
  }
}

#map = affine_map<(d0, d1) -> (0, 0, 0)>
module attributes {stable_mosaic.version = 14 : i64} {
  func.func @degree(%arg0: i32, %arg1: i32, %arg2: memref<32x125x80xi32, #tpu.memory_space<hbm>>, %arg3: memref<2x10240x16xf32, #tpu.memory_space<hbm>>, %arg4: memref<125x80xi32, #tpu.memory_space<vmem>>, %arg5: memref<80x16xf32, #tpu.memory_space<vmem>>, %arg6: memref<128x16xf32, #tpu.memory_space<vmem>>, %arg7: memref<10240x16xf32, #tpu.memory_space<vmem_shared>>, %arg8: memref<!tpu.dma_semaphore, #tpu.memory_space<semaphore_mem>>) attributes {dimension_semantics = [#tpu.dimension_semantics<core_parallel>, #tpu.dimension_semantics<subcore_parallel>], iteration_bounds = array<i64: 2, 16>, scalar_prefetch = 0 : i64, scratch_operands = 5 : i64, tpu.core_type = #tpu.core_type<sc_vector_subcore>, window_params = [{transform_indices = #map}, {transform_indices = #map}]} {
    %mul3A = arith.constant 16 : i32
    %mul3A_0 = arith.muli %arg0, %mul3A : i32
    %add3A = arith.addi %mul3A_0, %arg1 : i32
    %mul3A_1 = arith.constant 640 : i32
    %mul3A_2 = arith.muli %arg1, %mul3A_1 : i32
    %scan3A = arith.constant 0 : i32
    %scan3A_3 = arith.constant 0 : i32
    %scan3A_4 = arith.constant 80 : i32
    %scan3A_5 = arith.addi %scan3A_3, %scan3A_4 : i32
    %scan3A_6 = arith.constant 1 : i32
    %scan3A_7 = scf.for %scan3A_38 = %scan3A_3 to %scan3A_5 step %scan3A_6 iter_args(%scan3A_39 = %scan3A) -> (i32)  : i32 {
      %broadcast_in_dim3A = arith.constant 1.000000e+00 : f32
      %broadcast_in_dim3A_40 = vector.broadcast %broadcast_in_dim3A : f32 to vector<16xf32>
      %swap3A = arith.index_cast %scan3A_38 : i32 to index
      %swap3A_41 = arith.constant 0 : index
      %swap3A_42 = tpu.vector_load %arg5[%swap3A, %swap3A_41] {strides = array<i32>} : memref<80x16xf32, #tpu.memory_space<vmem>>, vector<1x16xf32>,
      %swap3A_43 = vector.shape_cast %swap3A_42 : vector<1x16xf32> to vector<16xf32>
      %swap3A_44 = vector.shape_cast %broadcast_in_dim3A_40 : vector<16xf32> to vector<1x16xf32>
      tpu.vector_store %arg5[%swap3A, %swap3A_41], %swap3A_44 {strides = array<i32>} : memref<80x16xf32, #tpu.memory_space<vmem>>, vector<1x16xf32>,
      %scan3A_45 = arith.constant 0 : i32
      scf.yield %scan3A_45 : i32
    }
    %scan3A_8 = arith.constant 80 : i32
    %scan3A_9 = arith.constant 0 : i32
    %scan3A_10 = arith.constant 0 : i32
    %scan3A_11 = arith.constant 128 : i32
    %scan3A_12 = arith.addi %scan3A_10, %scan3A_11 : i32
    %scan3A_13 = arith.constant 1 : i32
    %scan3A_14 = scf.for %scan3A_38 = %scan3A_10 to %scan3A_12 step %scan3A_13 iter_args(%scan3A_39 = %scan3A_9) -> (i32)  : i32 {
      %broadcast_in_dim3A = arith.constant 0.000000e+00 : f32
      %broadcast_in_dim3A_40 = vector.broadcast %broadcast_in_dim3A : f32 to vector<16xf32>
      %swap3A = arith.index_cast %scan3A_38 : i32 to index
      %swap3A_41 = arith.constant 0 : index
      %swap3A_42 = tpu.vector_load %arg6[%swap3A, %swap3A_41] {strides = array<i32>} : memref<128x16xf32, #tpu.memory_space<vmem>>, vector<1x16xf32>,
      %swap3A_43 = vector.shape_cast %swap3A_42 : vector<1x16xf32> to vector<16xf32>
      %swap3A_44 = vector.shape_cast %broadcast_in_dim3A_40 : vector<16xf32> to vector<1x16xf32>
      tpu.vector_store %arg6[%swap3A, %swap3A_41], %swap3A_44 {strides = array<i32>} : memref<128x16xf32, #tpu.memory_space<vmem>>, vector<1x16xf32>,
      %scan3A_45 = arith.constant 0 : i32
      scf.yield %scan3A_45 : i32
    }
    %scan3A_15 = arith.constant 128 : i32
    %scan3A_16 = arith.constant 0 : i32
    %scan3A_17 = arith.constant 0 : i32
    %scan3A_18 = arith.constant 5 : i32
    %scan3A_19 = arith.addi %scan3A_17, %scan3A_18 : i32
    %scan3A_20 = arith.constant 1 : i32
    %scan3A_21 = scf.for %scan3A_38 = %scan3A_17 to %scan3A_19 step %scan3A_20 iter_args(%scan3A_39 = %scan3A_16) -> (i32)  : i32 {
      %mul3A_40 = arith.constant 128 : i32
      %mul3A_41 = arith.muli %scan3A_38, %mul3A_40 : i32
      %add3A_42 = arith.addi %mul3A_2, %mul3A_41 : i32
      "tpu.region"() ({
        %run_scoped3A = tpu.sem_alloc : memref<!tpu.dma_semaphore, #tpu.memory_space<semaphore_mem>>
        %dma_start3A = arith.constant 0 : i32
        %dma_start3A_44 = tpu.memref_slice %arg7[%add3A_42, %dma_start3A] : memref<10240x16xf32, #tpu.memory_space<vmem_shared>> -> memref<128x16xf32, #tpu.memory_space<vmem_shared>>
        %dma_start3A_45 = arith.constant 0 : i32
        %dma_start3A_46 = tpu.memref_slice %arg7[%add3A_42, %dma_start3A_45] : memref<10240x16xf32, #tpu.memory_space<vmem_shared>> -> memref<128x16xf32, #tpu.memory_space<vmem_shared>>
        tpu.enqueue_dma source(%arg6 : memref<128x16xf32, #tpu.memory_space<vmem>>) target(%dma_start3A_46 : memref<128x16xf32, #tpu.memory_space<vmem_shared>>) target_semaphore(%run_scoped3A : memref<!tpu.dma_semaphore, #tpu.memory_space<semaphore_mem>>)
        %dma_wait3A = arith.constant 0 : i32
        %dma_wait3A_47 = tpu.memref_slice %arg7[%add3A_42, %dma_wait3A] : memref<10240x16xf32, #tpu.memory_space<vmem_shared>> -> memref<128x16xf32, #tpu.memory_space<vmem_shared>>
        %dma_wait3A_48 = arith.constant 0 : i32
        %dma_wait3A_49 = tpu.memref_slice %arg7[%add3A_42, %dma_wait3A_48] : memref<10240x16xf32, #tpu.memory_space<vmem_shared>> -> memref<128x16xf32, #tpu.memory_space<vmem_shared>>
        tpu.wait_dma2 semaphore(%run_scoped3A : memref<!tpu.dma_semaphore, #tpu.memory_space<semaphore_mem>>) src(%arg6 : memref<128x16xf32, #tpu.memory_space<vmem>>) dst(%dma_wait3A_49 : memref<128x16xf32, #tpu.memory_space<vmem_shared>>)
        tpu.yield
      }) : () -> ()
      %scan3A_43 = arith.constant 0 : i32
      scf.yield %scan3A_43 : i32
    }
    %scan3A_22 = arith.constant 5 : i32
    "tpu.region"() ({
      %run_scoped3A = tpu.sem_alloc : memref<!tpu.dma_semaphore, #tpu.memory_space<semaphore_mem>>
      %dma_start3A = arith.constant 0 : i32
      %dma_start3A_38 = arith.constant 0 : i32
      %dma_start3A_39 = tpu.memref_slice %arg2[%add3A, %dma_start3A, %dma_start3A_38] : memref<32x125x80xi32, #tpu.memory_space<hbm>> -> memref<1x125x80xi32, #tpu.memory_space<hbm>>
      %dma_start3A_40 = tpu.memref_squeeze %dma_start3A_39 : memref<1x125x80xi32, #tpu.memory_space<hbm>> -> memref<125x80xi32, #tpu.memory_space<hbm>>
      %dma_start3A_41 = arith.constant 0 : i32
      %dma_start3A_42 = arith.constant 0 : i32
      %dma_start3A_43 = tpu.memref_slice %arg2[%add3A, %dma_start3A_41, %dma_start3A_42] : memref<32x125x80xi32, #tpu.memory_space<hbm>> -> memref<1x125x80xi32, #tpu.memory_space<hbm>>
      %dma_start3A_44 = tpu.memref_squeeze %dma_start3A_43 : memref<1x125x80xi32, #tpu.memory_space<hbm>> -> memref<125x80xi32, #tpu.memory_space<hbm>>
      tpu.enqueue_dma source(%dma_start3A_44 : memref<125x80xi32, #tpu.memory_space<hbm>>) target(%arg4 : memref<125x80xi32, #tpu.memory_space<vmem>>) target_semaphore(%run_scoped3A : memref<!tpu.dma_semaphore, #tpu.memory_space<semaphore_mem>>)
      %dma_wait3A = arith.constant 0 : i32
      %dma_wait3A_45 = arith.constant 0 : i32
      %dma_wait3A_46 = tpu.memref_slice %arg2[%add3A, %dma_wait3A, %dma_wait3A_45] : memref<32x125x80xi32, #tpu.memory_space<hbm>> -> memref<1x125x80xi32, #tpu.memory_space<hbm>>
      %dma_wait3A_47 = tpu.memref_squeeze %dma_wait3A_46 : memref<1x125x80xi32, #tpu.memory_space<hbm>> -> memref<125x80xi32, #tpu.memory_space<hbm>>
      %dma_wait3A_48 = arith.constant 0 : i32
      %dma_wait3A_49 = arith.constant 0 : i32
      %dma_wait3A_50 = tpu.memref_slice %arg2[%add3A, %dma_wait3A_48, %dma_wait3A_49] : memref<32x125x80xi32, #tpu.memory_space<hbm>> -> memref<1x125x80xi32, #tpu.memory_space<hbm>>
      %dma_wait3A_51 = tpu.memref_squeeze %dma_wait3A_50 : memref<1x125x80xi32, #tpu.memory_space<hbm>> -> memref<125x80xi32, #tpu.memory_space<hbm>>
      tpu.wait_dma2 semaphore(%run_scoped3A : memref<!tpu.dma_semaphore, #tpu.memory_space<semaphore_mem>>) src(%dma_wait3A_51 : memref<125x80xi32, #tpu.memory_space<hbm>>) dst(%arg4 : memref<125x80xi32, #tpu.memory_space<vmem>>)
      tpu.yield
    }) : () -> ()
    %barrier3A = arith.constant 0 : index
    tpu.barrier barrier_id(%barrier3A)
    %scan3A_23 = arith.constant 0 : i32
    %scan3A_24 = arith.constant 0 : i32
    %scan3A_25 = arith.constant 25 : i32
    %scan3A_26 = arith.addi %scan3A_24, %scan3A_25 : i32
    %scan3A_27 = arith.constant 1 : i32
    %scan3A_28 = scf.for %scan3A_38 = %scan3A_24 to %scan3A_26 step %scan3A_27 iter_args(%scan3A_39 = %scan3A_23) -> (i32)  : i32 {
      %mul3A_40 = arith.constant 5 : i32
      %mul3A_41 = arith.muli %mul3A_40, %scan3A_38 : i32
      %add3A_42 = arith.constant 0 : i32
      %add3A_43 = arith.addi %mul3A_41, %add3A_42 : i32
      %dma_start3A = arith.constant 0 : i32
      %dma_start3A_44 = tpu.memref_slice %arg4[%add3A_43, %dma_start3A] : memref<125x80xi32, #tpu.memory_space<vmem>> -> memref<1x80xi32, #tpu.memory_space<vmem>>
      %dma_start3A_45 = tpu.memref_squeeze %dma_start3A_44 : memref<1x80xi32, #tpu.memory_space<vmem>> -> memref<80xi32, #tpu.memory_space<vmem>>
      %dma_start3A_46 = arith.constant 0 : i32
      %dma_start3A_47 = arith.constant 0 : i32
      %dma_start3A_48 = tpu.memref_slice %arg7[%dma_start3A_46, %dma_start3A_47] : memref<10240x16xf32, #tpu.memory_space<vmem_shared>> -> memref<10240x16xf32, #tpu.memory_space<vmem_shared>>
      tpu.enqueue_indirect_dma source(%arg5 : memref<80x16xf32, #tpu.memory_space<vmem>>) target(%dma_start3A_48 : memref<10240x16xf32, #tpu.memory_space<vmem_shared>>) offsets(%dma_start3A_45 : memref<80xi32, #tpu.memory_space<vmem>>) semaphore(%arg8 : memref<!tpu.dma_semaphore, #tpu.memory_space<semaphore_mem>>) {add = true}
      %mul3A_49 = arith.constant 5 : i32
      %mul3A_50 = arith.muli %mul3A_49, %scan3A_38 : i32
      %add3A_51 = arith.constant 1 : i32
      %add3A_52 = arith.addi %mul3A_50, %add3A_51 : i32
      %dma_start3A_53 = arith.constant 0 : i32
      %dma_start3A_54 = tpu.memref_slice %arg4[%add3A_52, %dma_start3A_53] : memref<125x80xi32, #tpu.memory_space<vmem>> -> memref<1x80xi32, #tpu.memory_space<vmem>>
      %dma_start3A_55 = tpu.memref_squeeze %dma_start3A_54 : memref<1x80xi32, #tpu.memory_space<vmem>> -> memref<80xi32, #tpu.memory_space<vmem>>
      %dma_start3A_56 = arith.constant 0 : i32
      %dma_start3A_57 = arith.constant 0 : i32
      %dma_start3A_58 = tpu.memref_slice %arg7[%dma_start3A_56, %dma_start3A_57] : memref<10240x16xf32, #tpu.memory_space<vmem_shared>> -> memref<10240x16xf32, #tpu.memory_space<vmem_shared>>
      tpu.enqueue_indirect_dma source(%arg5 : memref<80x16xf32, #tpu.memory_space<vmem>>) target(%dma_start3A_58 : memref<10240x16xf32, #tpu.memory_space<vmem_shared>>) offsets(%dma_start3A_55 : memref<80xi32, #tpu.memory_space<vmem>>) semaphore(%arg8 : memref<!tpu.dma_semaphore, #tpu.memory_space<semaphore_mem>>) {add = true}
      %mul3A_59 = arith.constant 5 : i32
      %mul3A_60 = arith.muli %mul3A_59, %scan3A_38 : i32
      %add3A_61 = arith.constant 2 : i32
      %add3A_62 = arith.addi %mul3A_60, %add3A_61 : i32
      %dma_start3A_63 = arith.constant 0 : i32
      %dma_start3A_64 = tpu.memref_slice %arg4[%add3A_62, %dma_start3A_63] : memref<125x80xi32, #tpu.memory_space<vmem>> -> memref<1x80xi32, #tpu.memory_space<vmem>>
      %dma_start3A_65 = tpu.memref_squeeze %dma_start3A_64 : memref<1x80xi32, #tpu.memory_space<vmem>> -> memref<80xi32, #tpu.memory_space<vmem>>
      %dma_start3A_66 = arith.constant 0 : i32
      %dma_start3A_67 = arith.constant 0 : i32
      %dma_start3A_68 = tpu.memref_slice %arg7[%dma_start3A_66, %dma_start3A_67] : memref<10240x16xf32, #tpu.memory_space<vmem_shared>> -> memref<10240x16xf32, #tpu.memory_space<vmem_shared>>
      tpu.enqueue_indirect_dma source(%arg5 : memref<80x16xf32, #tpu.memory_space<vmem>>) target(%dma_start3A_68 : memref<10240x16xf32, #tpu.memory_space<vmem_shared>>) offsets(%dma_start3A_65 : memref<80xi32, #tpu.memory_space<vmem>>) semaphore(%arg8 : memref<!tpu.dma_semaphore, #tpu.memory_space<semaphore_mem>>) {add = true}
      %mul3A_69 = arith.constant 5 : i32
      %mul3A_70 = arith.muli %mul3A_69, %scan3A_38 : i32
      %add3A_71 = arith.constant 3 : i32
      %add3A_72 = arith.addi %mul3A_70, %add3A_71 : i32
      %dma_start3A_73 = arith.constant 0 : i32
      %dma_start3A_74 = tpu.memref_slice %arg4[%add3A_72, %dma_start3A_73] : memref<125x80xi32, #tpu.memory_space<vmem>> -> memref<1x80xi32, #tpu.memory_space<vmem>>
      %dma_start3A_75 = tpu.memref_squeeze %dma_start3A_74 : memref<1x80xi32, #tpu.memory_space<vmem>> -> memref<80xi32, #tpu.memory_space<vmem>>
      %dma_start3A_76 = arith.constant 0 : i32
      %dma_start3A_77 = arith.constant 0 : i32
      %dma_start3A_78 = tpu.memref_slice %arg7[%dma_start3A_76, %dma_start3A_77] : memref<10240x16xf32, #tpu.memory_space<vmem_shared>> -> memref<10240x16xf32, #tpu.memory_space<vmem_shared>>
      tpu.enqueue_indirect_dma source(%arg5 : memref<80x16xf32, #tpu.memory_space<vmem>>) target(%dma_start3A_78 : memref<10240x16xf32, #tpu.memory_space<vmem_shared>>) offsets(%dma_start3A_75 : memref<80xi32, #tpu.memory_space<vmem>>) semaphore(%arg8 : memref<!tpu.dma_semaphore, #tpu.memory_space<semaphore_mem>>) {add = true}
      %mul3A_79 = arith.constant 5 : i32
      %mul3A_80 = arith.muli %mul3A_79, %scan3A_38 : i32
      %add3A_81 = arith.constant 4 : i32
      %add3A_82 = arith.addi %mul3A_80, %add3A_81 : i32
      %dma_start3A_83 = arith.constant 0 : i32
      %dma_start3A_84 = tpu.memref_slice %arg4[%add3A_82, %dma_start3A_83] : memref<125x80xi32, #tpu.memory_space<vmem>> -> memref<1x80xi32, #tpu.memory_space<vmem>>
      %dma_start3A_85 = tpu.memref_squeeze %dma_start3A_84 : memref<1x80xi32, #tpu.memory_space<vmem>> -> memref<80xi32, #tpu.memory_space<vmem>>
      %dma_start3A_86 = arith.constant 0 : i32
      %dma_start3A_87 = arith.constant 0 : i32
      %dma_start3A_88 = tpu.memref_slice %arg7[%dma_start3A_86, %dma_start3A_87] : memref<10240x16xf32, #tpu.memory_space<vmem_shared>> -> memref<10240x16xf32, #tpu.memory_space<vmem_shared>>
      tpu.enqueue_indirect_dma source(%arg5 : memref<80x16xf32, #tpu.memory_space<vmem>>) target(%dma_start3A_88 : memref<10240x16xf32, #tpu.memory_space<vmem_shared>>) offsets(%dma_start3A_85 : memref<80xi32, #tpu.memory_space<vmem>>) semaphore(%arg8 : memref<!tpu.dma_semaphore, #tpu.memory_space<semaphore_mem>>) {add = true}
      %dma_wait3A = arith.constant 0 : i32
      %dma_wait3A_89 = tpu.memref_slice %arg4[%add3A_43, %dma_wait3A] : memref<125x80xi32, #tpu.memory_space<vmem>> -> memref<1x80xi32, #tpu.memory_space<vmem>>
      %dma_wait3A_90 = tpu.memref_squeeze %dma_wait3A_89 : memref<1x80xi32, #tpu.memory_space<vmem>> -> memref<80xi32, #tpu.memory_space<vmem>>
      %dma_wait3A_91 = arith.constant 0 : i32
      %dma_wait3A_92 = arith.constant 0 : i32
      %dma_wait3A_93 = tpu.memref_slice %arg7[%dma_wait3A_91, %dma_wait3A_92] : memref<10240x16xf32, #tpu.memory_space<vmem_shared>> -> memref<10240x16xf32, #tpu.memory_space<vmem_shared>>
      tpu.wait_indirect_dma semaphore(%arg8 : memref<!tpu.dma_semaphore, #tpu.memory_space<semaphore_mem>>) src(%arg5 : memref<80x16xf32, #tpu.memory_space<vmem>>) dst(%dma_wait3A_93 : memref<10240x16xf32, #tpu.memory_space<vmem_shared>>)
      %dma_wait3A_94 = arith.constant 0 : i32
      %dma_wait3A_95 = tpu.memref_slice %arg4[%add3A_52, %dma_wait3A_94] : memref<125x80xi32, #tpu.memory_space<vmem>> -> memref<1x80xi32, #tpu.memory_space<vmem>>
      %dma_wait3A_96 = tpu.memref_squeeze %dma_wait3A_95 : memref<1x80xi32, #tpu.memory_space<vmem>> -> memref<80xi32, #tpu.memory_space<vmem>>
      %dma_wait3A_97 = arith.constant 0 : i32
      %dma_wait3A_98 = arith.constant 0 : i32
      %dma_wait3A_99 = tpu.memref_slice %arg7[%dma_wait3A_97, %dma_wait3A_98] : memref<10240x16xf32, #tpu.memory_space<vmem_shared>> -> memref<10240x16xf32, #tpu.memory_space<vmem_shared>>
      tpu.wait_indirect_dma semaphore(%arg8 : memref<!tpu.dma_semaphore, #tpu.memory_space<semaphore_mem>>) src(%arg5 : memref<80x16xf32, #tpu.memory_space<vmem>>) dst(%dma_wait3A_99 : memref<10240x16xf32, #tpu.memory_space<vmem_shared>>)
      %dma_wait3A_100 = arith.constant 0 : i32
      %dma_wait3A_101 = tpu.memref_slice %arg4[%add3A_62, %dma_wait3A_100] : memref<125x80xi32, #tpu.memory_space<vmem>> -> memref<1x80xi32, #tpu.memory_space<vmem>>
      %dma_wait3A_102 = tpu.memref_squeeze %dma_wait3A_101 : memref<1x80xi32, #tpu.memory_space<vmem>> -> memref<80xi32, #tpu.memory_space<vmem>>
      %dma_wait3A_103 = arith.constant 0 : i32
      %dma_wait3A_104 = arith.constant 0 : i32
      %dma_wait3A_105 = tpu.memref_slice %arg7[%dma_wait3A_103, %dma_wait3A_104] : memref<10240x16xf32, #tpu.memory_space<vmem_shared>> -> memref<10240x16xf32, #tpu.memory_space<vmem_shared>>
      tpu.wait_indirect_dma semaphore(%arg8 : memref<!tpu.dma_semaphore, #tpu.memory_space<semaphore_mem>>) src(%arg5 : memref<80x16xf32, #tpu.memory_space<vmem>>) dst(%dma_wait3A_105 : memref<10240x16xf32, #tpu.memory_space<vmem_shared>>)
      %dma_wait3A_106 = arith.constant 0 : i32
      %dma_wait3A_107 = tpu.memref_slice %arg4[%add3A_72, %dma_wait3A_106] : memref<125x80xi32, #tpu.memory_space<vmem>> -> memref<1x80xi32, #tpu.memory_space<vmem>>
      %dma_wait3A_108 = tpu.memref_squeeze %dma_wait3A_107 : memref<1x80xi32, #tpu.memory_space<vmem>> -> memref<80xi32, #tpu.memory_space<vmem>>
      %dma_wait3A_109 = arith.constant 0 : i32
      %dma_wait3A_110 = arith.constant 0 : i32
      %dma_wait3A_111 = tpu.memref_slice %arg7[%dma_wait3A_109, %dma_wait3A_110] : memref<10240x16xf32, #tpu.memory_space<vmem_shared>> -> memref<10240x16xf32, #tpu.memory_space<vmem_shared>>
      tpu.wait_indirect_dma semaphore(%arg8 : memref<!tpu.dma_semaphore, #tpu.memory_space<semaphore_mem>>) src(%arg5 : memref<80x16xf32, #tpu.memory_space<vmem>>) dst(%dma_wait3A_111 : memref<10240x16xf32, #tpu.memory_space<vmem_shared>>)
      %dma_wait3A_112 = arith.constant 0 : i32
      %dma_wait3A_113 = tpu.memref_slice %arg4[%add3A_82, %dma_wait3A_112] : memref<125x80xi32, #tpu.memory_space<vmem>> -> memref<1x80xi32, #tpu.memory_space<vmem>>
      %dma_wait3A_114 = tpu.memref_squeeze %dma_wait3A_113 : memref<1x80xi32, #tpu.memory_space<vmem>> -> memref<80xi32, #tpu.memory_space<vmem>>
      %dma_wait3A_115 = arith.constant 0 : i32
      %dma_wait3A_116 = arith.constant 0 : i32
      %dma_wait3A_117 = tpu.memref_slice %arg7[%dma_wait3A_115, %dma_wait3A_116] : memref<10240x16xf32, #tpu.memory_space<vmem_shared>> -> memref<10240x16xf32, #tpu.memory_space<vmem_shared>>
      tpu.wait_indirect_dma semaphore(%arg8 : memref<!tpu.dma_semaphore, #tpu.memory_space<semaphore_mem>>) src(%arg5 : memref<80x16xf32, #tpu.memory_space<vmem>>) dst(%dma_wait3A_117 : memref<10240x16xf32, #tpu.memory_space<vmem_shared>>)
      %scan3A_118 = arith.constant 0 : i32
      scf.yield %scan3A_118 : i32
    }
    %scan3A_29 = arith.constant 25 : i32
    %barrier3A_30 = arith.constant 0 : index
    tpu.barrier barrier_id(%barrier3A_30)
    %scan3A_31 = arith.constant 0 : i32
    %scan3A_32 = arith.constant 0 : i32
    %scan3A_33 = arith.constant 5 : i32
    %scan3A_34 = arith.addi %scan3A_32, %scan3A_33 : i32
    %scan3A_35 = arith.constant 1 : i32
    %scan3A_36 = scf.for %scan3A_38 = %scan3A_32 to %scan3A_34 step %scan3A_35 iter_args(%scan3A_39 = %scan3A_31) -> (i32)  : i32 {
      %mul3A_40 = arith.constant 128 : i32
      %mul3A_41 = arith.muli %scan3A_38, %mul3A_40 : i32
      %add3A_42 = arith.addi %mul3A_2, %mul3A_41 : i32
      "tpu.region"() ({
        %run_scoped3A = tpu.sem_alloc : memref<!tpu.dma_semaphore, #tpu.memory_space<semaphore_mem>>
        %dma_start3A = arith.constant 0 : i32
        %dma_start3A_47 = tpu.memref_slice %arg7[%add3A_42, %dma_start3A] : memref<10240x16xf32, #tpu.memory_space<vmem_shared>> -> memref<128x16xf32, #tpu.memory_space<vmem_shared>>
        %dma_start3A_48 = arith.constant 0 : i32
        %dma_start3A_49 = tpu.memref_slice %arg7[%add3A_42, %dma_start3A_48] : memref<10240x16xf32, #tpu.memory_space<vmem_shared>> -> memref<128x16xf32, #tpu.memory_space<vmem_shared>>
        tpu.enqueue_dma source(%dma_start3A_49 : memref<128x16xf32, #tpu.memory_space<vmem_shared>>) target(%arg6 : memref<128x16xf32, #tpu.memory_space<vmem>>) target_semaphore(%run_scoped3A : memref<!tpu.dma_semaphore, #tpu.memory_space<semaphore_mem>>)
        %dma_wait3A = arith.constant 0 : i32
        %dma_wait3A_50 = tpu.memref_slice %arg7[%add3A_42, %dma_wait3A] : memref<10240x16xf32, #tpu.memory_space<vmem_shared>> -> memref<128x16xf32, #tpu.memory_space<vmem_shared>>
        %dma_wait3A_51 = arith.constant 0 : i32
        %dma_wait3A_52 = tpu.memref_slice %arg7[%add3A_42, %dma_wait3A_51] : memref<10240x16xf32, #tpu.memory_space<vmem_shared>> -> memref<128x16xf32, #tpu.memory_space<vmem_shared>>
        tpu.wait_dma2 semaphore(%run_scoped3A : memref<!tpu.dma_semaphore, #tpu.memory_space<semaphore_mem>>) src(%dma_wait3A_52 : memref<128x16xf32, #tpu.memory_space<vmem_shared>>) dst(%arg6 : memref<128x16xf32, #tpu.memory_space<vmem>>)
        tpu.yield
      }) : () -> ()
      %mul3A_43 = arith.constant 128 : i32
      %mul3A_44 = arith.muli %scan3A_38, %mul3A_43 : i32
      %add3A_45 = arith.addi %mul3A_2, %mul3A_44 : i32
      "tpu.region"() ({
        %run_scoped3A = tpu.sem_alloc : memref<!tpu.dma_semaphore, #tpu.memory_space<semaphore_mem>>
        %dma_start3A = arith.constant 0 : i32
        %dma_start3A_47 = tpu.memref_slice %arg3[%arg0, %add3A_45, %dma_start3A] : memref<2x10240x16xf32, #tpu.memory_space<hbm>> -> memref<1x128x16xf32, #tpu.memory_space<hbm>>
        %dma_start3A_48 = tpu.memref_squeeze %dma_start3A_47 : memref<1x128x16xf32, #tpu.memory_space<hbm>> -> memref<128x16xf32, #tpu.memory_space<hbm>>
        %dma_start3A_49 = arith.constant 0 : i32
        %dma_start3A_50 = tpu.memref_slice %arg3[%arg0, %add3A_45, %dma_start3A_49] : memref<2x10240x16xf32, #tpu.memory_space<hbm>> -> memref<1x128x16xf32, #tpu.memory_space<hbm>>
        %dma_start3A_51 = tpu.memref_squeeze %dma_start3A_50 : memref<1x128x16xf32, #tpu.memory_space<hbm>> -> memref<128x16xf32, #tpu.memory_space<hbm>>
        tpu.enqueue_dma source(%arg6 : memref<128x16xf32, #tpu.memory_space<vmem>>) target(%dma_start3A_51 : memref<128x16xf32, #tpu.memory_space<hbm>>) target_semaphore(%run_scoped3A : memref<!tpu.dma_semaphore, #tpu.memory_space<semaphore_mem>>)
        %dma_wait3A = arith.constant 0 : i32
        %dma_wait3A_52 = tpu.memref_slice %arg3[%arg0, %add3A_45, %dma_wait3A] : memref<2x10240x16xf32, #tpu.memory_space<hbm>> -> memref<1x128x16xf32, #tpu.memory_space<hbm>>
        %dma_wait3A_53 = tpu.memref_squeeze %dma_wait3A_52 : memref<1x128x16xf32, #tpu.memory_space<hbm>> -> memref<128x16xf32, #tpu.memory_space<hbm>>
        %dma_wait3A_54 = arith.constant 0 : i32
        %dma_wait3A_55 = tpu.memref_slice %arg3[%arg0, %add3A_45, %dma_wait3A_54] : memref<2x10240x16xf32, #tpu.memory_space<hbm>> -> memref<1x128x16xf32, #tpu.memory_space<hbm>>
        %dma_wait3A_56 = tpu.memref_squeeze %dma_wait3A_55 : memref<1x128x16xf32, #tpu.memory_space<hbm>> -> memref<128x16xf32, #tpu.memory_space<hbm>>
        tpu.wait_dma2 semaphore(%run_scoped3A : memref<!tpu.dma_semaphore, #tpu.memory_space<semaphore_mem>>) src(%arg6 : memref<128x16xf32, #tpu.memory_space<vmem>>) dst(%dma_wait3A_56 : memref<128x16xf32, #tpu.memory_space<hbm>>)
        tpu.yield
      }) : () -> ()
      %scan3A_46 = arith.constant 0 : i32
      scf.yield %scan3A_46 : i32
    }
    %scan3A_37 = arith.constant 5 : i32
    return
  }
}

#map = affine_map<(d0, d1) -> (0, 0)>
#map1 = affine_map<(d0, d1) -> (0, 0, 0)>
module attributes {stable_mosaic.version = 14 : i64} {
  func.func @prop(%arg0: i32, %arg1: i32, %arg2: memref<10000x64xf32, #tpu.memory_space<hbm>>, %arg3: memref<32x125x80xi32, #tpu.memory_space<hbm>>, %arg4: memref<32x125x80xi32, #tpu.memory_space<hbm>>, %arg5: memref<2x10240x64xf32, #tpu.memory_space<hbm>>, %arg6: memref<125x80xi32, #tpu.memory_space<vmem>>, %arg7: memref<125x80xi32, #tpu.memory_space<vmem>>, %arg8: memref<10240x64xf32, #tpu.memory_space<vmem_shared>>, %arg9: memref<!tpu.dma_semaphore, #tpu.memory_space<semaphore_mem>>, %arg10: memref<!tpu.dma_semaphore, #tpu.memory_space<semaphore_mem>>, %arg11: memref<!tpu.dma_semaphore, #tpu.memory_space<semaphore_mem>>, %arg12: memref<!tpu.dma_semaphore, #tpu.memory_space<semaphore_mem>>, %arg13: memref<!tpu.dma_semaphore, #tpu.memory_space<semaphore_mem>>, %arg14: memref<!tpu.dma_semaphore, #tpu.memory_space<semaphore_mem>>) attributes {dimension_semantics = [#tpu.dimension_semantics<core_parallel>, #tpu.dimension_semantics<subcore_parallel>], iteration_bounds = array<i64: 2, 16>, scalar_prefetch = 0 : i64, scratch_operands = 9 : i64, tpu.core_type = #tpu.core_type<sc_vector_subcore>, window_params = [{transform_indices = #map}, {transform_indices = #map1}, {transform_indices = #map1}, {transform_indices = #map1}]} {
    "tpu.region"() ({
      %run_scoped3A = memref.alloca() : memref<80x64xf32, #tpu.memory_space<vmem>>
      %run_scoped3A_0 = memref.alloca() : memref<80x64xf32, #tpu.memory_space<vmem>>
      %run_scoped3A_1 = memref.alloca() : memref<80x64xf32, #tpu.memory_space<vmem>>
      %run_scoped3A_2 = memref.alloca() : memref<80x64xf32, #tpu.memory_space<vmem>>
      %run_scoped3A_3 = memref.alloca() : memref<80x64xf32, #tpu.memory_space<vmem>>
      %mul3A = arith.constant 16 : i32
      %mul3A_4 = arith.muli %arg0, %mul3A : i32
      %add3A = arith.addi %mul3A_4, %arg1 : i32
      %mul3A_5 = arith.constant 640 : i32
      %mul3A_6 = arith.muli %arg1, %mul3A_5 : i32
      %scan3A = arith.constant 0 : i32
      %scan3A_7 = arith.constant 0 : i32
      %scan3A_8 = arith.constant 80 : i32
      %scan3A_9 = arith.addi %scan3A_7, %scan3A_8 : i32
      %scan3A_10 = arith.constant 1 : i32
      %scan3A_11 = scf.for %scan3A_291 = %scan3A_7 to %scan3A_9 step %scan3A_10 iter_args(%scan3A_292 = %scan3A) -> (i32)  : i32 {
        %scan3A_293 = arith.constant 0 : i32
        %scan3A_294 = arith.constant 0 : i32
        %scan3A_295 = arith.constant 4 : i32
        %scan3A_296 = arith.addi %scan3A_294, %scan3A_295 : i32
        %scan3A_297 = arith.constant 1 : i32
        %scan3A_298 = scf.for %scan3A_300 = %scan3A_294 to %scan3A_296 step %scan3A_297 iter_args(%scan3A_301 = %scan3A_293) -> (i32)  : i32 {
          %broadcast_in_dim3A = arith.constant 0.000000e+00 : f32
          %broadcast_in_dim3A_302 = vector.broadcast %broadcast_in_dim3A : f32 to vector<16xf32>
          %mul3A_303 = arith.constant 16 : i32
          %mul3A_304 = arith.muli %scan3A_300, %mul3A_303 : i32
          %swap3A = arith.index_cast %scan3A_291 : i32 to index
          %swap3A_305 = arith.index_cast %mul3A_304 : i32 to index
          %swap3A_306 = tpu.vector_load %run_scoped3A[%swap3A, %swap3A_305] {strides = array<i32>} : memref<80x64xf32, #tpu.memory_space<vmem>>, vector<1x16xf32>,
          %swap3A_307 = vector.shape_cast %swap3A_306 : vector<1x16xf32> to vector<16xf32>
          %swap3A_308 = vector.shape_cast %broadcast_in_dim3A_302 : vector<16xf32> to vector<1x16xf32>
          tpu.vector_store %run_scoped3A[%swap3A, %swap3A_305], %swap3A_308 {strides = array<i32>} : memref<80x64xf32, #tpu.memory_space<vmem>>, vector<1x16xf32>,
          %scan3A_309 = arith.constant 0 : i32
          scf.yield %scan3A_309 : i32
        }
        %scan3A_299 = arith.constant 4 : i32
        scf.yield %scan3A_298 : i32
      }
      %scan3A_12 = arith.constant 80 : i32
      %add3A_13 = arith.constant 0 : i32
      %add3A_14 = arith.addi %mul3A_6, %add3A_13 : i32
      %dma_start3A = arith.constant 0 : i32
      %dma_start3A_15 = tpu.memref_slice %arg8[%add3A_14, %dma_start3A] : memref<10240x64xf32, #tpu.memory_space<vmem_shared>> -> memref<80x64xf32, #tpu.memory_space<vmem_shared>>
      %dma_start3A_16 = arith.constant 0 : i32
      %dma_start3A_17 = tpu.memref_slice %arg8[%add3A_14, %dma_start3A_16] : memref<10240x64xf32, #tpu.memory_space<vmem_shared>> -> memref<80x64xf32, #tpu.memory_space<vmem_shared>>
      tpu.enqueue_dma source(%run_scoped3A : memref<80x64xf32, #tpu.memory_space<vmem>>) target(%dma_start3A_17 : memref<80x64xf32, #tpu.memory_space<vmem_shared>>) target_semaphore(%arg14 : memref<!tpu.dma_semaphore, #tpu.memory_space<semaphore_mem>>)
      %add3A_18 = arith.constant 80 : i32
      %add3A_19 = arith.addi %mul3A_6, %add3A_18 : i32
      %dma_start3A_20 = arith.constant 0 : i32
      %dma_start3A_21 = tpu.memref_slice %arg8[%add3A_19, %dma_start3A_20] : memref<10240x64xf32, #tpu.memory_space<vmem_shared>> -> memref<80x64xf32, #tpu.memory_space<vmem_shared>>
      %dma_start3A_22 = arith.constant 0 : i32
      %dma_start3A_23 = tpu.memref_slice %arg8[%add3A_19, %dma_start3A_22] : memref<10240x64xf32, #tpu.memory_space<vmem_shared>> -> memref<80x64xf32, #tpu.memory_space<vmem_shared>>
      tpu.enqueue_dma source(%run_scoped3A : memref<80x64xf32, #tpu.memory_space<vmem>>) target(%dma_start3A_23 : memref<80x64xf32, #tpu.memory_space<vmem_shared>>) target_semaphore(%arg14 : memref<!tpu.dma_semaphore, #tpu.memory_space<semaphore_mem>>)
      %add3A_24 = arith.constant 160 : i32
      %add3A_25 = arith.addi %mul3A_6, %add3A_24 : i32
      %dma_start3A_26 = arith.constant 0 : i32
      %dma_start3A_27 = tpu.memref_slice %arg8[%add3A_25, %dma_start3A_26] : memref<10240x64xf32, #tpu.memory_space<vmem_shared>> -> memref<80x64xf32, #tpu.memory_space<vmem_shared>>
      %dma_start3A_28 = arith.constant 0 : i32
      %dma_start3A_29 = tpu.memref_slice %arg8[%add3A_25, %dma_start3A_28] : memref<10240x64xf32, #tpu.memory_space<vmem_shared>> -> memref<80x64xf32, #tpu.memory_space<vmem_shared>>
      tpu.enqueue_dma source(%run_scoped3A : memref<80x64xf32, #tpu.memory_space<vmem>>) target(%dma_start3A_29 : memref<80x64xf32, #tpu.memory_space<vmem_shared>>) target_semaphore(%arg14 : memref<!tpu.dma_semaphore, #tpu.memory_space<semaphore_mem>>)
      %add3A_30 = arith.constant 240 : i32
      %add3A_31 = arith.addi %mul3A_6, %add3A_30 : i32
      %dma_start3A_32 = arith.constant 0 : i32
      %dma_start3A_33 = tpu.memref_slice %arg8[%add3A_31, %dma_start3A_32] : memref<10240x64xf32, #tpu.memory_space<vmem_shared>> -> memref<80x64xf32, #tpu.memory_space<vmem_shared>>
      %dma_start3A_34 = arith.constant 0 : i32
      %dma_start3A_35 = tpu.memref_slice %arg8[%add3A_31, %dma_start3A_34] : memref<10240x64xf32, #tpu.memory_space<vmem_shared>> -> memref<80x64xf32, #tpu.memory_space<vmem_shared>>
      tpu.enqueue_dma source(%run_scoped3A : memref<80x64xf32, #tpu.memory_space<vmem>>) target(%dma_start3A_35 : memref<80x64xf32, #tpu.memory_space<vmem_shared>>) target_semaphore(%arg14 : memref<!tpu.dma_semaphore, #tpu.memory_space<semaphore_mem>>)
      %add3A_36 = arith.constant 320 : i32
      %add3A_37 = arith.addi %mul3A_6, %add3A_36 : i32
      %dma_start3A_38 = arith.constant 0 : i32
      %dma_start3A_39 = tpu.memref_slice %arg8[%add3A_37, %dma_start3A_38] : memref<10240x64xf32, #tpu.memory_space<vmem_shared>> -> memref<80x64xf32, #tpu.memory_space<vmem_shared>>
      %dma_start3A_40 = arith.constant 0 : i32
      %dma_start3A_41 = tpu.memref_slice %arg8[%add3A_37, %dma_start3A_40] : memref<10240x64xf32, #tpu.memory_space<vmem_shared>> -> memref<80x64xf32, #tpu.memory_space<vmem_shared>>
      tpu.enqueue_dma source(%run_scoped3A : memref<80x64xf32, #tpu.memory_space<vmem>>) target(%dma_start3A_41 : memref<80x64xf32, #tpu.memory_space<vmem_shared>>) target_semaphore(%arg14 : memref<!tpu.dma_semaphore, #tpu.memory_space<semaphore_mem>>)
      %add3A_42 = arith.constant 400 : i32
      %add3A_43 = arith.addi %mul3A_6, %add3A_42 : i32
      %dma_start3A_44 = arith.constant 0 : i32
      %dma_start3A_45 = tpu.memref_slice %arg8[%add3A_43, %dma_start3A_44] : memref<10240x64xf32, #tpu.memory_space<vmem_shared>> -> memref<80x64xf32, #tpu.memory_space<vmem_shared>>
      %dma_start3A_46 = arith.constant 0 : i32
      %dma_start3A_47 = tpu.memref_slice %arg8[%add3A_43, %dma_start3A_46] : memref<10240x64xf32, #tpu.memory_space<vmem_shared>> -> memref<80x64xf32, #tpu.memory_space<vmem_shared>>
      tpu.enqueue_dma source(%run_scoped3A : memref<80x64xf32, #tpu.memory_space<vmem>>) target(%dma_start3A_47 : memref<80x64xf32, #tpu.memory_space<vmem_shared>>) target_semaphore(%arg14 : memref<!tpu.dma_semaphore, #tpu.memory_space<semaphore_mem>>)
      %add3A_48 = arith.constant 480 : i32
      %add3A_49 = arith.addi %mul3A_6, %add3A_48 : i32
      %dma_start3A_50 = arith.constant 0 : i32
      %dma_start3A_51 = tpu.memref_slice %arg8[%add3A_49, %dma_start3A_50] : memref<10240x64xf32, #tpu.memory_space<vmem_shared>> -> memref<80x64xf32, #tpu.memory_space<vmem_shared>>
      %dma_start3A_52 = arith.constant 0 : i32
      %dma_start3A_53 = tpu.memref_slice %arg8[%add3A_49, %dma_start3A_52] : memref<10240x64xf32, #tpu.memory_space<vmem_shared>> -> memref<80x64xf32, #tpu.memory_space<vmem_shared>>
      tpu.enqueue_dma source(%run_scoped3A : memref<80x64xf32, #tpu.memory_space<vmem>>) target(%dma_start3A_53 : memref<80x64xf32, #tpu.memory_space<vmem_shared>>) target_semaphore(%arg14 : memref<!tpu.dma_semaphore, #tpu.memory_space<semaphore_mem>>)
      %add3A_54 = arith.constant 560 : i32
      %add3A_55 = arith.addi %mul3A_6, %add3A_54 : i32
      %dma_start3A_56 = arith.constant 0 : i32
      %dma_start3A_57 = tpu.memref_slice %arg8[%add3A_55, %dma_start3A_56] : memref<10240x64xf32, #tpu.memory_space<vmem_shared>> -> memref<80x64xf32, #tpu.memory_space<vmem_shared>>
      %dma_start3A_58 = arith.constant 0 : i32
      %dma_start3A_59 = tpu.memref_slice %arg8[%add3A_55, %dma_start3A_58] : memref<10240x64xf32, #tpu.memory_space<vmem_shared>> -> memref<80x64xf32, #tpu.memory_space<vmem_shared>>
      tpu.enqueue_dma source(%run_scoped3A : memref<80x64xf32, #tpu.memory_space<vmem>>) target(%dma_start3A_59 : memref<80x64xf32, #tpu.memory_space<vmem_shared>>) target_semaphore(%arg14 : memref<!tpu.dma_semaphore, #tpu.memory_space<semaphore_mem>>)
      %dma_wait3A = arith.constant 0 : i32
      %dma_wait3A_60 = tpu.memref_slice %arg8[%add3A_14, %dma_wait3A] : memref<10240x64xf32, #tpu.memory_space<vmem_shared>> -> memref<80x64xf32, #tpu.memory_space<vmem_shared>>
      %dma_wait3A_61 = arith.constant 0 : i32
      %dma_wait3A_62 = tpu.memref_slice %arg8[%add3A_14, %dma_wait3A_61] : memref<10240x64xf32, #tpu.memory_space<vmem_shared>> -> memref<80x64xf32, #tpu.memory_space<vmem_shared>>
      tpu.wait_dma2 semaphore(%arg14 : memref<!tpu.dma_semaphore, #tpu.memory_space<semaphore_mem>>) src(%run_scoped3A : memref<80x64xf32, #tpu.memory_space<vmem>>) dst(%dma_wait3A_62 : memref<80x64xf32, #tpu.memory_space<vmem_shared>>)
      %dma_wait3A_63 = arith.constant 0 : i32
      %dma_wait3A_64 = tpu.memref_slice %arg8[%add3A_19, %dma_wait3A_63] : memref<10240x64xf32, #tpu.memory_space<vmem_shared>> -> memref<80x64xf32, #tpu.memory_space<vmem_shared>>
      %dma_wait3A_65 = arith.constant 0 : i32
      %dma_wait3A_66 = tpu.memref_slice %arg8[%add3A_19, %dma_wait3A_65] : memref<10240x64xf32, #tpu.memory_space<vmem_shared>> -> memref<80x64xf32, #tpu.memory_space<vmem_shared>>
      tpu.wait_dma2 semaphore(%arg14 : memref<!tpu.dma_semaphore, #tpu.memory_space<semaphore_mem>>) src(%run_scoped3A : memref<80x64xf32, #tpu.memory_space<vmem>>) dst(%dma_wait3A_66 : memref<80x64xf32, #tpu.memory_space<vmem_shared>>)
      %dma_wait3A_67 = arith.constant 0 : i32
      %dma_wait3A_68 = tpu.memref_slice %arg8[%add3A_25, %dma_wait3A_67] : memref<10240x64xf32, #tpu.memory_space<vmem_shared>> -> memref<80x64xf32, #tpu.memory_space<vmem_shared>>
      %dma_wait3A_69 = arith.constant 0 : i32
      %dma_wait3A_70 = tpu.memref_slice %arg8[%add3A_25, %dma_wait3A_69] : memref<10240x64xf32, #tpu.memory_space<vmem_shared>> -> memref<80x64xf32, #tpu.memory_space<vmem_shared>>
      tpu.wait_dma2 semaphore(%arg14 : memref<!tpu.dma_semaphore, #tpu.memory_space<semaphore_mem>>) src(%run_scoped3A : memref<80x64xf32, #tpu.memory_space<vmem>>) dst(%dma_wait3A_70 : memref<80x64xf32, #tpu.memory_space<vmem_shared>>)
      %dma_wait3A_71 = arith.constant 0 : i32
      %dma_wait3A_72 = tpu.memref_slice %arg8[%add3A_31, %dma_wait3A_71] : memref<10240x64xf32, #tpu.memory_space<vmem_shared>> -> memref<80x64xf32, #tpu.memory_space<vmem_shared>>
      %dma_wait3A_73 = arith.constant 0 : i32
      %dma_wait3A_74 = tpu.memref_slice %arg8[%add3A_31, %dma_wait3A_73] : memref<10240x64xf32, #tpu.memory_space<vmem_shared>> -> memref<80x64xf32, #tpu.memory_space<vmem_shared>>
      tpu.wait_dma2 semaphore(%arg14 : memref<!tpu.dma_semaphore, #tpu.memory_space<semaphore_mem>>) src(%run_scoped3A : memref<80x64xf32, #tpu.memory_space<vmem>>) dst(%dma_wait3A_74 : memref<80x64xf32, #tpu.memory_space<vmem_shared>>)
      %dma_wait3A_75 = arith.constant 0 : i32
      %dma_wait3A_76 = tpu.memref_slice %arg8[%add3A_37, %dma_wait3A_75] : memref<10240x64xf32, #tpu.memory_space<vmem_shared>> -> memref<80x64xf32, #tpu.memory_space<vmem_shared>>
      %dma_wait3A_77 = arith.constant 0 : i32
      %dma_wait3A_78 = tpu.memref_slice %arg8[%add3A_37, %dma_wait3A_77] : memref<10240x64xf32, #tpu.memory_space<vmem_shared>> -> memref<80x64xf32, #tpu.memory_space<vmem_shared>>
      tpu.wait_dma2 semaphore(%arg14 : memref<!tpu.dma_semaphore, #tpu.memory_space<semaphore_mem>>) src(%run_scoped3A : memref<80x64xf32, #tpu.memory_space<vmem>>) dst(%dma_wait3A_78 : memref<80x64xf32, #tpu.memory_space<vmem_shared>>)
      %dma_wait3A_79 = arith.constant 0 : i32
      %dma_wait3A_80 = tpu.memref_slice %arg8[%add3A_43, %dma_wait3A_79] : memref<10240x64xf32, #tpu.memory_space<vmem_shared>> -> memref<80x64xf32, #tpu.memory_space<vmem_shared>>
      %dma_wait3A_81 = arith.constant 0 : i32
      %dma_wait3A_82 = tpu.memref_slice %arg8[%add3A_43, %dma_wait3A_81] : memref<10240x64xf32, #tpu.memory_space<vmem_shared>> -> memref<80x64xf32, #tpu.memory_space<vmem_shared>>
      tpu.wait_dma2 semaphore(%arg14 : memref<!tpu.dma_semaphore, #tpu.memory_space<semaphore_mem>>) src(%run_scoped3A : memref<80x64xf32, #tpu.memory_space<vmem>>) dst(%dma_wait3A_82 : memref<80x64xf32, #tpu.memory_space<vmem_shared>>)
      %dma_wait3A_83 = arith.constant 0 : i32
      %dma_wait3A_84 = tpu.memref_slice %arg8[%add3A_49, %dma_wait3A_83] : memref<10240x64xf32, #tpu.memory_space<vmem_shared>> -> memref<80x64xf32, #tpu.memory_space<vmem_shared>>
      %dma_wait3A_85 = arith.constant 0 : i32
      %dma_wait3A_86 = tpu.memref_slice %arg8[%add3A_49, %dma_wait3A_85] : memref<10240x64xf32, #tpu.memory_space<vmem_shared>> -> memref<80x64xf32, #tpu.memory_space<vmem_shared>>
      tpu.wait_dma2 semaphore(%arg14 : memref<!tpu.dma_semaphore, #tpu.memory_space<semaphore_mem>>) src(%run_scoped3A : memref<80x64xf32, #tpu.memory_space<vmem>>) dst(%dma_wait3A_86 : memref<80x64xf32, #tpu.memory_space<vmem_shared>>)
      %dma_wait3A_87 = arith.constant 0 : i32
      %dma_wait3A_88 = tpu.memref_slice %arg8[%add3A_55, %dma_wait3A_87] : memref<10240x64xf32, #tpu.memory_space<vmem_shared>> -> memref<80x64xf32, #tpu.memory_space<vmem_shared>>
      %dma_wait3A_89 = arith.constant 0 : i32
      %dma_wait3A_90 = tpu.memref_slice %arg8[%add3A_55, %dma_wait3A_89] : memref<10240x64xf32, #tpu.memory_space<vmem_shared>> -> memref<80x64xf32, #tpu.memory_space<vmem_shared>>
      tpu.wait_dma2 semaphore(%arg14 : memref<!tpu.dma_semaphore, #tpu.memory_space<semaphore_mem>>) src(%run_scoped3A : memref<80x64xf32, #tpu.memory_space<vmem>>) dst(%dma_wait3A_90 : memref<80x64xf32, #tpu.memory_space<vmem_shared>>)
      "tpu.region"() ({
        %run_scoped3A_291 = tpu.sem_alloc : memref<!tpu.dma_semaphore, #tpu.memory_space<semaphore_mem>>
        %dma_start3A_292 = arith.constant 0 : i32
        %dma_start3A_293 = arith.constant 0 : i32
        %dma_start3A_294 = tpu.memref_slice %arg3[%add3A, %dma_start3A_292, %dma_start3A_293] : memref<32x125x80xi32, #tpu.memory_space<hbm>> -> memref<1x125x80xi32, #tpu.memory_space<hbm>>
        %dma_start3A_295 = tpu.memref_squeeze %dma_start3A_294 : memref<1x125x80xi32, #tpu.memory_space<hbm>> -> memref<125x80xi32, #tpu.memory_space<hbm>>
        %dma_start3A_296 = arith.constant 0 : i32
        %dma_start3A_297 = arith.constant 0 : i32
        %dma_start3A_298 = tpu.memref_slice %arg3[%add3A, %dma_start3A_296, %dma_start3A_297] : memref<32x125x80xi32, #tpu.memory_space<hbm>> -> memref<1x125x80xi32, #tpu.memory_space<hbm>>
        %dma_start3A_299 = tpu.memref_squeeze %dma_start3A_298 : memref<1x125x80xi32, #tpu.memory_space<hbm>> -> memref<125x80xi32, #tpu.memory_space<hbm>>
        tpu.enqueue_dma source(%dma_start3A_299 : memref<125x80xi32, #tpu.memory_space<hbm>>) target(%arg6 : memref<125x80xi32, #tpu.memory_space<vmem>>) target_semaphore(%run_scoped3A_291 : memref<!tpu.dma_semaphore, #tpu.memory_space<semaphore_mem>>)
        %dma_wait3A_300 = arith.constant 0 : i32
        %dma_wait3A_301 = arith.constant 0 : i32
        %dma_wait3A_302 = tpu.memref_slice %arg3[%add3A, %dma_wait3A_300, %dma_wait3A_301] : memref<32x125x80xi32, #tpu.memory_space<hbm>> -> memref<1x125x80xi32, #tpu.memory_space<hbm>>
        %dma_wait3A_303 = tpu.memref_squeeze %dma_wait3A_302 : memref<1x125x80xi32, #tpu.memory_space<hbm>> -> memref<125x80xi32, #tpu.memory_space<hbm>>
        %dma_wait3A_304 = arith.constant 0 : i32
        %dma_wait3A_305 = arith.constant 0 : i32
        %dma_wait3A_306 = tpu.memref_slice %arg3[%add3A, %dma_wait3A_304, %dma_wait3A_305] : memref<32x125x80xi32, #tpu.memory_space<hbm>> -> memref<1x125x80xi32, #tpu.memory_space<hbm>>
        %dma_wait3A_307 = tpu.memref_squeeze %dma_wait3A_306 : memref<1x125x80xi32, #tpu.memory_space<hbm>> -> memref<125x80xi32, #tpu.memory_space<hbm>>
        tpu.wait_dma2 semaphore(%run_scoped3A_291 : memref<!tpu.dma_semaphore, #tpu.memory_space<semaphore_mem>>) src(%dma_wait3A_307 : memref<125x80xi32, #tpu.memory_space<hbm>>) dst(%arg6 : memref<125x80xi32, #tpu.memory_space<vmem>>)
        tpu.yield
      }) : () -> ()
      "tpu.region"() ({
        %run_scoped3A_291 = tpu.sem_alloc : memref<!tpu.dma_semaphore, #tpu.memory_space<semaphore_mem>>
        %dma_start3A_292 = arith.constant 0 : i32
        %dma_start3A_293 = arith.constant 0 : i32
        %dma_start3A_294 = tpu.memref_slice %arg4[%add3A, %dma_start3A_292, %dma_start3A_293] : memref<32x125x80xi32, #tpu.memory_space<hbm>> -> memref<1x125x80xi32, #tpu.memory_space<hbm>>
        %dma_start3A_295 = tpu.memref_squeeze %dma_start3A_294 : memref<1x125x80xi32, #tpu.memory_space<hbm>> -> memref<125x80xi32, #tpu.memory_space<hbm>>
        %dma_start3A_296 = arith.constant 0 : i32
        %dma_start3A_297 = arith.constant 0 : i32
        %dma_start3A_298 = tpu.memref_slice %arg4[%add3A, %dma_start3A_296, %dma_start3A_297] : memref<32x125x80xi32, #tpu.memory_space<hbm>> -> memref<1x125x80xi32, #tpu.memory_space<hbm>>
        %dma_start3A_299 = tpu.memref_squeeze %dma_start3A_298 : memref<1x125x80xi32, #tpu.memory_space<hbm>> -> memref<125x80xi32, #tpu.memory_space<hbm>>
        tpu.enqueue_dma source(%dma_start3A_299 : memref<125x80xi32, #tpu.memory_space<hbm>>) target(%arg7 : memref<125x80xi32, #tpu.memory_space<vmem>>) target_semaphore(%run_scoped3A_291 : memref<!tpu.dma_semaphore, #tpu.memory_space<semaphore_mem>>)
        %dma_wait3A_300 = arith.constant 0 : i32
        %dma_wait3A_301 = arith.constant 0 : i32
        %dma_wait3A_302 = tpu.memref_slice %arg4[%add3A, %dma_wait3A_300, %dma_wait3A_301] : memref<32x125x80xi32, #tpu.memory_space<hbm>> -> memref<1x125x80xi32, #tpu.memory_space<hbm>>
        %dma_wait3A_303 = tpu.memref_squeeze %dma_wait3A_302 : memref<1x125x80xi32, #tpu.memory_space<hbm>> -> memref<125x80xi32, #tpu.memory_space<hbm>>
        %dma_wait3A_304 = arith.constant 0 : i32
        %dma_wait3A_305 = arith.constant 0 : i32
        %dma_wait3A_306 = tpu.memref_slice %arg4[%add3A, %dma_wait3A_304, %dma_wait3A_305] : memref<32x125x80xi32, #tpu.memory_space<hbm>> -> memref<1x125x80xi32, #tpu.memory_space<hbm>>
        %dma_wait3A_307 = tpu.memref_squeeze %dma_wait3A_306 : memref<1x125x80xi32, #tpu.memory_space<hbm>> -> memref<125x80xi32, #tpu.memory_space<hbm>>
        tpu.wait_dma2 semaphore(%run_scoped3A_291 : memref<!tpu.dma_semaphore, #tpu.memory_space<semaphore_mem>>) src(%dma_wait3A_307 : memref<125x80xi32, #tpu.memory_space<hbm>>) dst(%arg7 : memref<125x80xi32, #tpu.memory_space<vmem>>)
        tpu.yield
      }) : () -> ()
      %barrier3A = arith.constant 0 : index
      tpu.barrier barrier_id(%barrier3A)
      %scan3A_91 = arith.constant 0 : i32
      %scan3A_92 = arith.constant 0 : i32
      %scan3A_93 = arith.constant 25 : i32
      %scan3A_94 = arith.addi %scan3A_92, %scan3A_93 : i32
      %scan3A_95 = arith.constant 1 : i32
      %scan3A_96 = scf.for %scan3A_291 = %scan3A_92 to %scan3A_94 step %scan3A_95 iter_args(%scan3A_292 = %scan3A_91) -> (i32)  : i32 {
        %mul3A_293 = arith.constant 5 : i32
        %mul3A_294 = arith.muli %mul3A_293, %scan3A_291 : i32
        %add3A_295 = arith.constant 0 : i32
        %add3A_296 = arith.addi %mul3A_294, %add3A_295 : i32
        %dma_start3A_297 = arith.constant 0 : i32
        %dma_start3A_298 = tpu.memref_slice %arg6[%add3A_296, %dma_start3A_297] : memref<125x80xi32, #tpu.memory_space<vmem>> -> memref<1x80xi32, #tpu.memory_space<vmem>>
        %dma_start3A_299 = tpu.memref_squeeze %dma_start3A_298 : memref<1x80xi32, #tpu.memory_space<vmem>> -> memref<80xi32, #tpu.memory_space<vmem>>
        %dma_start3A_300 = arith.constant 0 : i32
        %dma_start3A_301 = arith.constant 0 : i32
        %dma_start3A_302 = tpu.memref_slice %arg2[%dma_start3A_300, %dma_start3A_301] : memref<10000x64xf32, #tpu.memory_space<hbm>> -> memref<10000x64xf32, #tpu.memory_space<hbm>>
        tpu.enqueue_indirect_dma source(%dma_start3A_302 : memref<10000x64xf32, #tpu.memory_space<hbm>>) target(%run_scoped3A : memref<80x64xf32, #tpu.memory_space<vmem>>) offsets(%dma_start3A_299 : memref<80xi32, #tpu.memory_space<vmem>>) semaphore(%arg9 : memref<!tpu.dma_semaphore, #tpu.memory_space<semaphore_mem>>)
        %add3A_303 = arith.constant 1 : i32
        %add3A_304 = arith.addi %mul3A_294, %add3A_303 : i32
        %dma_start3A_305 = arith.constant 0 : i32
        %dma_start3A_306 = tpu.memref_slice %arg6[%add3A_304, %dma_start3A_305] : memref<125x80xi32, #tpu.memory_space<vmem>> -> memref<1x80xi32, #tpu.memory_space<vmem>>
        %dma_start3A_307 = tpu.memref_squeeze %dma_start3A_306 : memref<1x80xi32, #tpu.memory_space<vmem>> -> memref<80xi32, #tpu.memory_space<vmem>>
        %dma_start3A_308 = arith.constant 0 : i32
        %dma_start3A_309 = arith.constant 0 : i32
        %dma_start3A_310 = tpu.memref_slice %arg2[%dma_start3A_308, %dma_start3A_309] : memref<10000x64xf32, #tpu.memory_space<hbm>> -> memref<10000x64xf32, #tpu.memory_space<hbm>>
        tpu.enqueue_indirect_dma source(%dma_start3A_310 : memref<10000x64xf32, #tpu.memory_space<hbm>>) target(%run_scoped3A_0 : memref<80x64xf32, #tpu.memory_space<vmem>>) offsets(%dma_start3A_307 : memref<80xi32, #tpu.memory_space<vmem>>) semaphore(%arg10 : memref<!tpu.dma_semaphore, #tpu.memory_space<semaphore_mem>>)
        %add3A_311 = arith.constant 2 : i32
        %add3A_312 = arith.addi %mul3A_294, %add3A_311 : i32
        %dma_start3A_313 = arith.constant 0 : i32
        %dma_start3A_314 = tpu.memref_slice %arg6[%add3A_312, %dma_start3A_313] : memref<125x80xi32, #tpu.memory_space<vmem>> -> memref<1x80xi32, #tpu.memory_space<vmem>>
        %dma_start3A_315 = tpu.memref_squeeze %dma_start3A_314 : memref<1x80xi32, #tpu.memory_space<vmem>> -> memref<80xi32, #tpu.memory_space<vmem>>
        %dma_start3A_316 = arith.constant 0 : i32
        %dma_start3A_317 = arith.constant 0 : i32
        %dma_start3A_318 = tpu.memref_slice %arg2[%dma_start3A_316, %dma_start3A_317] : memref<10000x64xf32, #tpu.memory_space<hbm>> -> memref<10000x64xf32, #tpu.memory_space<hbm>>
        tpu.enqueue_indirect_dma source(%dma_start3A_318 : memref<10000x64xf32, #tpu.memory_space<hbm>>) target(%run_scoped3A_1 : memref<80x64xf32, #tpu.memory_space<vmem>>) offsets(%dma_start3A_315 : memref<80xi32, #tpu.memory_space<vmem>>) semaphore(%arg11 : memref<!tpu.dma_semaphore, #tpu.memory_space<semaphore_mem>>)
        %add3A_319 = arith.constant 3 : i32
        %add3A_320 = arith.addi %mul3A_294, %add3A_319 : i32
        %dma_start3A_321 = arith.constant 0 : i32
        %dma_start3A_322 = tpu.memref_slice %arg6[%add3A_320, %dma_start3A_321] : memref<125x80xi32, #tpu.memory_space<vmem>> -> memref<1x80xi32, #tpu.memory_space<vmem>>
        %dma_start3A_323 = tpu.memref_squeeze %dma_start3A_322 : memref<1x80xi32, #tpu.memory_space<vmem>> -> memref<80xi32, #tpu.memory_space<vmem>>
        %dma_start3A_324 = arith.constant 0 : i32
        %dma_start3A_325 = arith.constant 0 : i32
        %dma_start3A_326 = tpu.memref_slice %arg2[%dma_start3A_324, %dma_start3A_325] : memref<10000x64xf32, #tpu.memory_space<hbm>> -> memref<10000x64xf32, #tpu.memory_space<hbm>>
        tpu.enqueue_indirect_dma source(%dma_start3A_326 : memref<10000x64xf32, #tpu.memory_space<hbm>>) target(%run_scoped3A_2 : memref<80x64xf32, #tpu.memory_space<vmem>>) offsets(%dma_start3A_323 : memref<80xi32, #tpu.memory_space<vmem>>) semaphore(%arg12 : memref<!tpu.dma_semaphore, #tpu.memory_space<semaphore_mem>>)
        %add3A_327 = arith.constant 4 : i32
        %add3A_328 = arith.addi %mul3A_294, %add3A_327 : i32
        %dma_start3A_329 = arith.constant 0 : i32
        %dma_start3A_330 = tpu.memref_slice %arg6[%add3A_328, %dma_start3A_329] : memref<125x80xi32, #tpu.memory_space<vmem>> -> memref<1x80xi32, #tpu.memory_space<vmem>>
        %dma_start3A_331 = tpu.memref_squeeze %dma_start3A_330 : memref<1x80xi32, #tpu.memory_space<vmem>> -> memref<80xi32, #tpu.memory_space<vmem>>
        %dma_start3A_332 = arith.constant 0 : i32
        %dma_start3A_333 = arith.constant 0 : i32
        %dma_start3A_334 = tpu.memref_slice %arg2[%dma_start3A_332, %dma_start3A_333] : memref<10000x64xf32, #tpu.memory_space<hbm>> -> memref<10000x64xf32, #tpu.memory_space<hbm>>
        tpu.enqueue_indirect_dma source(%dma_start3A_334 : memref<10000x64xf32, #tpu.memory_space<hbm>>) target(%run_scoped3A_3 : memref<80x64xf32, #tpu.memory_space<vmem>>) offsets(%dma_start3A_331 : memref<80xi32, #tpu.memory_space<vmem>>) semaphore(%arg13 : memref<!tpu.dma_semaphore, #tpu.memory_space<semaphore_mem>>)
        %dma_wait3A_335 = arith.constant 0 : i32
        %dma_wait3A_336 = tpu.memref_slice %arg6[%add3A_296, %dma_wait3A_335] : memref<125x80xi32, #tpu.memory_space<vmem>> -> memref<1x80xi32, #tpu.memory_space<vmem>>
        %dma_wait3A_337 = tpu.memref_squeeze %dma_wait3A_336 : memref<1x80xi32, #tpu.memory_space<vmem>> -> memref<80xi32, #tpu.memory_space<vmem>>
        %dma_wait3A_338 = arith.constant 0 : i32
        %dma_wait3A_339 = arith.constant 0 : i32
        %dma_wait3A_340 = tpu.memref_slice %arg2[%dma_wait3A_338, %dma_wait3A_339] : memref<10000x64xf32, #tpu.memory_space<hbm>> -> memref<10000x64xf32, #tpu.memory_space<hbm>>
        tpu.wait_indirect_dma semaphore(%arg9 : memref<!tpu.dma_semaphore, #tpu.memory_space<semaphore_mem>>) src(%dma_wait3A_340 : memref<10000x64xf32, #tpu.memory_space<hbm>>) dst(%run_scoped3A : memref<80x64xf32, #tpu.memory_space<vmem>>)
        %add3A_341 = arith.constant 0 : i32
        %add3A_342 = arith.addi %mul3A_294, %add3A_341 : i32
        %dma_start3A_343 = arith.constant 0 : i32
        %dma_start3A_344 = tpu.memref_slice %arg7[%add3A_342, %dma_start3A_343] : memref<125x80xi32, #tpu.memory_space<vmem>> -> memref<1x80xi32, #tpu.memory_space<vmem>>
        %dma_start3A_345 = tpu.memref_squeeze %dma_start3A_344 : memref<1x80xi32, #tpu.memory_space<vmem>> -> memref<80xi32, #tpu.memory_space<vmem>>
        %dma_start3A_346 = arith.constant 0 : i32
        %dma_start3A_347 = arith.constant 0 : i32
        %dma_start3A_348 = tpu.memref_slice %arg8[%dma_start3A_346, %dma_start3A_347] : memref<10240x64xf32, #tpu.memory_space<vmem_shared>> -> memref<10240x64xf32, #tpu.memory_space<vmem_shared>>
        tpu.enqueue_indirect_dma source(%run_scoped3A : memref<80x64xf32, #tpu.memory_space<vmem>>) target(%dma_start3A_348 : memref<10240x64xf32, #tpu.memory_space<vmem_shared>>) offsets(%dma_start3A_345 : memref<80xi32, #tpu.memory_space<vmem>>) semaphore(%arg14 : memref<!tpu.dma_semaphore, #tpu.memory_space<semaphore_mem>>) {add = true}
        %dma_wait3A_349 = arith.constant 0 : i32
        %dma_wait3A_350 = tpu.memref_slice %arg6[%add3A_304, %dma_wait3A_349] : memref<125x80xi32, #tpu.memory_space<vmem>> -> memref<1x80xi32, #tpu.memory_space<vmem>>
        %dma_wait3A_351 = tpu.memref_squeeze %dma_wait3A_350 : memref<1x80xi32, #tpu.memory_space<vmem>> -> memref<80xi32, #tpu.memory_space<vmem>>
        %dma_wait3A_352 = arith.constant 0 : i32
        %dma_wait3A_353 = arith.constant 0 : i32
        %dma_wait3A_354 = tpu.memref_slice %arg2[%dma_wait3A_352, %dma_wait3A_353] : memref<10000x64xf32, #tpu.memory_space<hbm>> -> memref<10000x64xf32, #tpu.memory_space<hbm>>
        tpu.wait_indirect_dma semaphore(%arg10 : memref<!tpu.dma_semaphore, #tpu.memory_space<semaphore_mem>>) src(%dma_wait3A_354 : memref<10000x64xf32, #tpu.memory_space<hbm>>) dst(%run_scoped3A_0 : memref<80x64xf32, #tpu.memory_space<vmem>>)
        %add3A_355 = arith.constant 1 : i32
        %add3A_356 = arith.addi %mul3A_294, %add3A_355 : i32
        %dma_start3A_357 = arith.constant 0 : i32
        %dma_start3A_358 = tpu.memref_slice %arg7[%add3A_356, %dma_start3A_357] : memref<125x80xi32, #tpu.memory_space<vmem>> -> memref<1x80xi32, #tpu.memory_space<vmem>>
        %dma_start3A_359 = tpu.memref_squeeze %dma_start3A_358 : memref<1x80xi32, #tpu.memory_space<vmem>> -> memref<80xi32, #tpu.memory_space<vmem>>
        %dma_start3A_360 = arith.constant 0 : i32
        %dma_start3A_361 = arith.constant 0 : i32
        %dma_start3A_362 = tpu.memref_slice %arg8[%dma_start3A_360, %dma_start3A_361] : memref<10240x64xf32, #tpu.memory_space<vmem_shared>> -> memref<10240x64xf32, #tpu.memory_space<vmem_shared>>
        tpu.enqueue_indirect_dma source(%run_scoped3A_0 : memref<80x64xf32, #tpu.memory_space<vmem>>) target(%dma_start3A_362 : memref<10240x64xf32, #tpu.memory_space<vmem_shared>>) offsets(%dma_start3A_359 : memref<80xi32, #tpu.memory_space<vmem>>) semaphore(%arg14 : memref<!tpu.dma_semaphore, #tpu.memory_space<semaphore_mem>>) {add = true}
        %dma_wait3A_363 = arith.constant 0 : i32
        %dma_wait3A_364 = tpu.memref_slice %arg6[%add3A_312, %dma_wait3A_363] : memref<125x80xi32, #tpu.memory_space<vmem>> -> memref<1x80xi32, #tpu.memory_space<vmem>>
        %dma_wait3A_365 = tpu.memref_squeeze %dma_wait3A_364 : memref<1x80xi32, #tpu.memory_space<vmem>> -> memref<80xi32, #tpu.memory_space<vmem>>
        %dma_wait3A_366 = arith.constant 0 : i32
        %dma_wait3A_367 = arith.constant 0 : i32
        %dma_wait3A_368 = tpu.memref_slice %arg2[%dma_wait3A_366, %dma_wait3A_367] : memref<10000x64xf32, #tpu.memory_space<hbm>> -> memref<10000x64xf32, #tpu.memory_space<hbm>>
        tpu.wait_indirect_dma semaphore(%arg11 : memref<!tpu.dma_semaphore, #tpu.memory_space<semaphore_mem>>) src(%dma_wait3A_368 : memref<10000x64xf32, #tpu.memory_space<hbm>>) dst(%run_scoped3A_1 : memref<80x64xf32, #tpu.memory_space<vmem>>)
        %add3A_369 = arith.constant 2 : i32
        %add3A_370 = arith.addi %mul3A_294, %add3A_369 : i32
        %dma_start3A_371 = arith.constant 0 : i32
        %dma_start3A_372 = tpu.memref_slice %arg7[%add3A_370, %dma_start3A_371] : memref<125x80xi32, #tpu.memory_space<vmem>> -> memref<1x80xi32, #tpu.memory_space<vmem>>
        %dma_start3A_373 = tpu.memref_squeeze %dma_start3A_372 : memref<1x80xi32, #tpu.memory_space<vmem>> -> memref<80xi32, #tpu.memory_space<vmem>>
        %dma_start3A_374 = arith.constant 0 : i32
        %dma_start3A_375 = arith.constant 0 : i32
        %dma_start3A_376 = tpu.memref_slice %arg8[%dma_start3A_374, %dma_start3A_375] : memref<10240x64xf32, #tpu.memory_space<vmem_shared>> -> memref<10240x64xf32, #tpu.memory_space<vmem_shared>>
        tpu.enqueue_indirect_dma source(%run_scoped3A_1 : memref<80x64xf32, #tpu.memory_space<vmem>>) target(%dma_start3A_376 : memref<10240x64xf32, #tpu.memory_space<vmem_shared>>) offsets(%dma_start3A_373 : memref<80xi32, #tpu.memory_space<vmem>>) semaphore(%arg14 : memref<!tpu.dma_semaphore, #tpu.memory_space<semaphore_mem>>) {add = true}
        %dma_wait3A_377 = arith.constant 0 : i32
        %dma_wait3A_378 = tpu.memref_slice %arg6[%add3A_320, %dma_wait3A_377] : memref<125x80xi32, #tpu.memory_space<vmem>> -> memref<1x80xi32, #tpu.memory_space<vmem>>
        %dma_wait3A_379 = tpu.memref_squeeze %dma_wait3A_378 : memref<1x80xi32, #tpu.memory_space<vmem>> -> memref<80xi32, #tpu.memory_space<vmem>>
        %dma_wait3A_380 = arith.constant 0 : i32
        %dma_wait3A_381 = arith.constant 0 : i32
        %dma_wait3A_382 = tpu.memref_slice %arg2[%dma_wait3A_380, %dma_wait3A_381] : memref<10000x64xf32, #tpu.memory_space<hbm>> -> memref<10000x64xf32, #tpu.memory_space<hbm>>
        tpu.wait_indirect_dma semaphore(%arg12 : memref<!tpu.dma_semaphore, #tpu.memory_space<semaphore_mem>>) src(%dma_wait3A_382 : memref<10000x64xf32, #tpu.memory_space<hbm>>) dst(%run_scoped3A_2 : memref<80x64xf32, #tpu.memory_space<vmem>>)
        %add3A_383 = arith.constant 3 : i32
        %add3A_384 = arith.addi %mul3A_294, %add3A_383 : i32
        %dma_start3A_385 = arith.constant 0 : i32
        %dma_start3A_386 = tpu.memref_slice %arg7[%add3A_384, %dma_start3A_385] : memref<125x80xi32, #tpu.memory_space<vmem>> -> memref<1x80xi32, #tpu.memory_space<vmem>>
        %dma_start3A_387 = tpu.memref_squeeze %dma_start3A_386 : memref<1x80xi32, #tpu.memory_space<vmem>> -> memref<80xi32, #tpu.memory_space<vmem>>
        %dma_start3A_388 = arith.constant 0 : i32
        %dma_start3A_389 = arith.constant 0 : i32
        %dma_start3A_390 = tpu.memref_slice %arg8[%dma_start3A_388, %dma_start3A_389] : memref<10240x64xf32, #tpu.memory_space<vmem_shared>> -> memref<10240x64xf32, #tpu.memory_space<vmem_shared>>
        tpu.enqueue_indirect_dma source(%run_scoped3A_2 : memref<80x64xf32, #tpu.memory_space<vmem>>) target(%dma_start3A_390 : memref<10240x64xf32, #tpu.memory_space<vmem_shared>>) offsets(%dma_start3A_387 : memref<80xi32, #tpu.memory_space<vmem>>) semaphore(%arg14 : memref<!tpu.dma_semaphore, #tpu.memory_space<semaphore_mem>>) {add = true}
        %dma_wait3A_391 = arith.constant 0 : i32
        %dma_wait3A_392 = tpu.memref_slice %arg6[%add3A_328, %dma_wait3A_391] : memref<125x80xi32, #tpu.memory_space<vmem>> -> memref<1x80xi32, #tpu.memory_space<vmem>>
        %dma_wait3A_393 = tpu.memref_squeeze %dma_wait3A_392 : memref<1x80xi32, #tpu.memory_space<vmem>> -> memref<80xi32, #tpu.memory_space<vmem>>
        %dma_wait3A_394 = arith.constant 0 : i32
        %dma_wait3A_395 = arith.constant 0 : i32
        %dma_wait3A_396 = tpu.memref_slice %arg2[%dma_wait3A_394, %dma_wait3A_395] : memref<10000x64xf32, #tpu.memory_space<hbm>> -> memref<10000x64xf32, #tpu.memory_space<hbm>>
        tpu.wait_indirect_dma semaphore(%arg13 : memref<!tpu.dma_semaphore, #tpu.memory_space<semaphore_mem>>) src(%dma_wait3A_396 : memref<10000x64xf32, #tpu.memory_space<hbm>>) dst(%run_scoped3A_3 : memref<80x64xf32, #tpu.memory_space<vmem>>)
        %add3A_397 = arith.constant 4 : i32
        %add3A_398 = arith.addi %mul3A_294, %add3A_397 : i32
        %dma_start3A_399 = arith.constant 0 : i32
        %dma_start3A_400 = tpu.memref_slice %arg7[%add3A_398, %dma_start3A_399] : memref<125x80xi32, #tpu.memory_space<vmem>> -> memref<1x80xi32, #tpu.memory_space<vmem>>
        %dma_start3A_401 = tpu.memref_squeeze %dma_start3A_400 : memref<1x80xi32, #tpu.memory_space<vmem>> -> memref<80xi32, #tpu.memory_space<vmem>>
        %dma_start3A_402 = arith.constant 0 : i32
        %dma_start3A_403 = arith.constant 0 : i32
        %dma_start3A_404 = tpu.memref_slice %arg8[%dma_start3A_402, %dma_start3A_403] : memref<10240x64xf32, #tpu.memory_space<vmem_shared>> -> memref<10240x64xf32, #tpu.memory_space<vmem_shared>>
        tpu.enqueue_indirect_dma source(%run_scoped3A_3 : memref<80x64xf32, #tpu.memory_space<vmem>>) target(%dma_start3A_404 : memref<10240x64xf32, #tpu.memory_space<vmem_shared>>) offsets(%dma_start3A_401 : memref<80xi32, #tpu.memory_space<vmem>>) semaphore(%arg14 : memref<!tpu.dma_semaphore, #tpu.memory_space<semaphore_mem>>) {add = true}
        %dma_wait3A_405 = arith.constant 0 : i32
        %dma_wait3A_406 = tpu.memref_slice %arg7[%add3A_342, %dma_wait3A_405] : memref<125x80xi32, #tpu.memory_space<vmem>> -> memref<1x80xi32, #tpu.memory_space<vmem>>
        %dma_wait3A_407 = tpu.memref_squeeze %dma_wait3A_406 : memref<1x80xi32, #tpu.memory_space<vmem>> -> memref<80xi32, #tpu.memory_space<vmem>>
        %dma_wait3A_408 = arith.constant 0 : i32
        %dma_wait3A_409 = arith.constant 0 : i32
        %dma_wait3A_410 = tpu.memref_slice %arg8[%dma_wait3A_408, %dma_wait3A_409] : memref<10240x64xf32, #tpu.memory_space<vmem_shared>> -> memref<10240x64xf32, #tpu.memory_space<vmem_shared>>
        tpu.wait_indirect_dma semaphore(%arg14 : memref<!tpu.dma_semaphore, #tpu.memory_space<semaphore_mem>>) src(%run_scoped3A : memref<80x64xf32, #tpu.memory_space<vmem>>) dst(%dma_wait3A_410 : memref<10240x64xf32, #tpu.memory_space<vmem_shared>>)
        %dma_wait3A_411 = arith.constant 0 : i32
        %dma_wait3A_412 = tpu.memref_slice %arg7[%add3A_356, %dma_wait3A_411] : memref<125x80xi32, #tpu.memory_space<vmem>> -> memref<1x80xi32, #tpu.memory_space<vmem>>
        %dma_wait3A_413 = tpu.memref_squeeze %dma_wait3A_412 : memref<1x80xi32, #tpu.memory_space<vmem>> -> memref<80xi32, #tpu.memory_space<vmem>>
        %dma_wait3A_414 = arith.constant 0 : i32
        %dma_wait3A_415 = arith.constant 0 : i32
        %dma_wait3A_416 = tpu.memref_slice %arg8[%dma_wait3A_414, %dma_wait3A_415] : memref<10240x64xf32, #tpu.memory_space<vmem_shared>> -> memref<10240x64xf32, #tpu.memory_space<vmem_shared>>
        tpu.wait_indirect_dma semaphore(%arg14 : memref<!tpu.dma_semaphore, #tpu.memory_space<semaphore_mem>>) src(%run_scoped3A_0 : memref<80x64xf32, #tpu.memory_space<vmem>>) dst(%dma_wait3A_416 : memref<10240x64xf32, #tpu.memory_space<vmem_shared>>)
        %dma_wait3A_417 = arith.constant 0 : i32
        %dma_wait3A_418 = tpu.memref_slice %arg7[%add3A_370, %dma_wait3A_417] : memref<125x80xi32, #tpu.memory_space<vmem>> -> memref<1x80xi32, #tpu.memory_space<vmem>>
        %dma_wait3A_419 = tpu.memref_squeeze %dma_wait3A_418 : memref<1x80xi32, #tpu.memory_space<vmem>> -> memref<80xi32, #tpu.memory_space<vmem>>
        %dma_wait3A_420 = arith.constant 0 : i32
        %dma_wait3A_421 = arith.constant 0 : i32
        %dma_wait3A_422 = tpu.memref_slice %arg8[%dma_wait3A_420, %dma_wait3A_421] : memref<10240x64xf32, #tpu.memory_space<vmem_shared>> -> memref<10240x64xf32, #tpu.memory_space<vmem_shared>>
        tpu.wait_indirect_dma semaphore(%arg14 : memref<!tpu.dma_semaphore, #tpu.memory_space<semaphore_mem>>) src(%run_scoped3A_1 : memref<80x64xf32, #tpu.memory_space<vmem>>) dst(%dma_wait3A_422 : memref<10240x64xf32, #tpu.memory_space<vmem_shared>>)
        %dma_wait3A_423 = arith.constant 0 : i32
        %dma_wait3A_424 = tpu.memref_slice %arg7[%add3A_384, %dma_wait3A_423] : memref<125x80xi32, #tpu.memory_space<vmem>> -> memref<1x80xi32, #tpu.memory_space<vmem>>
        %dma_wait3A_425 = tpu.memref_squeeze %dma_wait3A_424 : memref<1x80xi32, #tpu.memory_space<vmem>> -> memref<80xi32, #tpu.memory_space<vmem>>
        %dma_wait3A_426 = arith.constant 0 : i32
        %dma_wait3A_427 = arith.constant 0 : i32
        %dma_wait3A_428 = tpu.memref_slice %arg8[%dma_wait3A_426, %dma_wait3A_427] : memref<10240x64xf32, #tpu.memory_space<vmem_shared>> -> memref<10240x64xf32, #tpu.memory_space<vmem_shared>>
        tpu.wait_indirect_dma semaphore(%arg14 : memref<!tpu.dma_semaphore, #tpu.memory_space<semaphore_mem>>) src(%run_scoped3A_2 : memref<80x64xf32, #tpu.memory_space<vmem>>) dst(%dma_wait3A_428 : memref<10240x64xf32, #tpu.memory_space<vmem_shared>>)
        %dma_wait3A_429 = arith.constant 0 : i32
        %dma_wait3A_430 = tpu.memref_slice %arg7[%add3A_398, %dma_wait3A_429] : memref<125x80xi32, #tpu.memory_space<vmem>> -> memref<1x80xi32, #tpu.memory_space<vmem>>
        %dma_wait3A_431 = tpu.memref_squeeze %dma_wait3A_430 : memref<1x80xi32, #tpu.memory_space<vmem>> -> memref<80xi32, #tpu.memory_space<vmem>>
        %dma_wait3A_432 = arith.constant 0 : i32
        %dma_wait3A_433 = arith.constant 0 : i32
        %dma_wait3A_434 = tpu.memref_slice %arg8[%dma_wait3A_432, %dma_wait3A_433] : memref<10240x64xf32, #tpu.memory_space<vmem_shared>> -> memref<10240x64xf32, #tpu.memory_space<vmem_shared>>
        tpu.wait_indirect_dma semaphore(%arg14 : memref<!tpu.dma_semaphore, #tpu.memory_space<semaphore_mem>>) src(%run_scoped3A_3 : memref<80x64xf32, #tpu.memory_space<vmem>>) dst(%dma_wait3A_434 : memref<10240x64xf32, #tpu.memory_space<vmem_shared>>)
        %scan3A_435 = arith.constant 0 : i32
        scf.yield %scan3A_435 : i32
      }
      %scan3A_97 = arith.constant 25 : i32
      %barrier3A_98 = arith.constant 0 : index
      tpu.barrier barrier_id(%barrier3A_98)
      %add3A_99 = arith.constant 0 : i32
      %add3A_100 = arith.addi %mul3A_6, %add3A_99 : i32
      %dma_start3A_101 = arith.constant 0 : i32
      %dma_start3A_102 = tpu.memref_slice %arg8[%add3A_100, %dma_start3A_101] : memref<10240x64xf32, #tpu.memory_space<vmem_shared>> -> memref<80x64xf32, #tpu.memory_space<vmem_shared>>
      %dma_start3A_103 = arith.constant 0 : i32
      %dma_start3A_104 = tpu.memref_slice %arg8[%add3A_100, %dma_start3A_103] : memref<10240x64xf32, #tpu.memory_space<vmem_shared>> -> memref<80x64xf32, #tpu.memory_space<vmem_shared>>
      tpu.enqueue_dma source(%dma_start3A_104 : memref<80x64xf32, #tpu.memory_space<vmem_shared>>) target(%run_scoped3A : memref<80x64xf32, #tpu.memory_space<vmem>>) target_semaphore(%arg9 : memref<!tpu.dma_semaphore, #tpu.memory_space<semaphore_mem>>)
      %dma_wait3A_105 = arith.constant 0 : i32
      %dma_wait3A_106 = tpu.memref_slice %arg8[%add3A_100, %dma_wait3A_105] : memref<10240x64xf32, #tpu.memory_space<vmem_shared>> -> memref<80x64xf32, #tpu.memory_space<vmem_shared>>
      %dma_wait3A_107 = arith.constant 0 : i32
      %dma_wait3A_108 = tpu.memref_slice %arg8[%add3A_100, %dma_wait3A_107] : memref<10240x64xf32, #tpu.memory_space<vmem_shared>> -> memref<80x64xf32, #tpu.memory_space<vmem_shared>>
      tpu.wait_dma2 semaphore(%arg9 : memref<!tpu.dma_semaphore, #tpu.memory_space<semaphore_mem>>) src(%dma_wait3A_108 : memref<80x64xf32, #tpu.memory_space<vmem_shared>>) dst(%run_scoped3A : memref<80x64xf32, #tpu.memory_space<vmem>>)
      %add3A_109 = arith.constant 0 : i32
      %add3A_110 = arith.addi %mul3A_6, %add3A_109 : i32
      %dma_start3A_111 = arith.constant 0 : i32
      %dma_start3A_112 = tpu.memref_slice %arg5[%arg0, %add3A_110, %dma_start3A_111] : memref<2x10240x64xf32, #tpu.memory_space<hbm>> -> memref<1x80x64xf32, #tpu.memory_space<hbm>>
      %dma_start3A_113 = tpu.memref_squeeze %dma_start3A_112 : memref<1x80x64xf32, #tpu.memory_space<hbm>> -> memref<80x64xf32, #tpu.memory_space<hbm>>
      %dma_start3A_114 = arith.constant 0 : i32
      %dma_start3A_115 = tpu.memref_slice %arg5[%arg0, %add3A_110, %dma_start3A_114] : memref<2x10240x64xf32, #tpu.memory_space<hbm>> -> memref<1x80x64xf32, #tpu.memory_space<hbm>>
      %dma_start3A_116 = tpu.memref_squeeze %dma_start3A_115 : memref<1x80x64xf32, #tpu.memory_space<hbm>> -> memref<80x64xf32, #tpu.memory_space<hbm>>
      tpu.enqueue_dma source(%run_scoped3A : memref<80x64xf32, #tpu.memory_space<vmem>>) target(%dma_start3A_116 : memref<80x64xf32, #tpu.memory_space<hbm>>) target_semaphore(%arg9 : memref<!tpu.dma_semaphore, #tpu.memory_space<semaphore_mem>>)
      %add3A_117 = arith.constant 80 : i32
      %add3A_118 = arith.addi %mul3A_6, %add3A_117 : i32
      %dma_start3A_119 = arith.constant 0 : i32
      %dma_start3A_120 = tpu.memref_slice %arg8[%add3A_118, %dma_start3A_119] : memref<10240x64xf32, #tpu.memory_space<vmem_shared>> -> memref<80x64xf32, #tpu.memory_space<vmem_shared>>
      %dma_start3A_121 = arith.constant 0 : i32
      %dma_start3A_122 = tpu.memref_slice %arg8[%add3A_118, %dma_start3A_121] : memref<10240x64xf32, #tpu.memory_space<vmem_shared>> -> memref<80x64xf32, #tpu.memory_space<vmem_shared>>
      tpu.enqueue_dma source(%dma_start3A_122 : memref<80x64xf32, #tpu.memory_space<vmem_shared>>) target(%run_scoped3A_0 : memref<80x64xf32, #tpu.memory_space<vmem>>) target_semaphore(%arg10 : memref<!tpu.dma_semaphore, #tpu.memory_space<semaphore_mem>>)
      %dma_wait3A_123 = arith.constant 0 : i32
      %dma_wait3A_124 = tpu.memref_slice %arg8[%add3A_118, %dma_wait3A_123] : memref<10240x64xf32, #tpu.memory_space<vmem_shared>> -> memref<80x64xf32, #tpu.memory_space<vmem_shared>>
      %dma_wait3A_125 = arith.constant 0 : i32
      %dma_wait3A_126 = tpu.memref_slice %arg8[%add3A_118, %dma_wait3A_125] : memref<10240x64xf32, #tpu.memory_space<vmem_shared>> -> memref<80x64xf32, #tpu.memory_space<vmem_shared>>
      tpu.wait_dma2 semaphore(%arg10 : memref<!tpu.dma_semaphore, #tpu.memory_space<semaphore_mem>>) src(%dma_wait3A_126 : memref<80x64xf32, #tpu.memory_space<vmem_shared>>) dst(%run_scoped3A_0 : memref<80x64xf32, #tpu.memory_space<vmem>>)
      %add3A_127 = arith.constant 80 : i32
      %add3A_128 = arith.addi %mul3A_6, %add3A_127 : i32
      %dma_start3A_129 = arith.constant 0 : i32
      %dma_start3A_130 = tpu.memref_slice %arg5[%arg0, %add3A_128, %dma_start3A_129] : memref<2x10240x64xf32, #tpu.memory_space<hbm>> -> memref<1x80x64xf32, #tpu.memory_space<hbm>>
      %dma_start3A_131 = tpu.memref_squeeze %dma_start3A_130 : memref<1x80x64xf32, #tpu.memory_space<hbm>> -> memref<80x64xf32, #tpu.memory_space<hbm>>
      %dma_start3A_132 = arith.constant 0 : i32
      %dma_start3A_133 = tpu.memref_slice %arg5[%arg0, %add3A_128, %dma_start3A_132] : memref<2x10240x64xf32, #tpu.memory_space<hbm>> -> memref<1x80x64xf32, #tpu.memory_space<hbm>>
      %dma_start3A_134 = tpu.memref_squeeze %dma_start3A_133 : memref<1x80x64xf32, #tpu.memory_space<hbm>> -> memref<80x64xf32, #tpu.memory_space<hbm>>
      tpu.enqueue_dma source(%run_scoped3A_0 : memref<80x64xf32, #tpu.memory_space<vmem>>) target(%dma_start3A_134 : memref<80x64xf32, #tpu.memory_space<hbm>>) target_semaphore(%arg10 : memref<!tpu.dma_semaphore, #tpu.memory_space<semaphore_mem>>)
      %add3A_135 = arith.constant 160 : i32
      %add3A_136 = arith.addi %mul3A_6, %add3A_135 : i32
      %dma_start3A_137 = arith.constant 0 : i32
      %dma_start3A_138 = tpu.memref_slice %arg8[%add3A_136, %dma_start3A_137] : memref<10240x64xf32, #tpu.memory_space<vmem_shared>> -> memref<80x64xf32, #tpu.memory_space<vmem_shared>>
      %dma_start3A_139 = arith.constant 0 : i32
      %dma_start3A_140 = tpu.memref_slice %arg8[%add3A_136, %dma_start3A_139] : memref<10240x64xf32, #tpu.memory_space<vmem_shared>> -> memref<80x64xf32, #tpu.memory_space<vmem_shared>>
      tpu.enqueue_dma source(%dma_start3A_140 : memref<80x64xf32, #tpu.memory_space<vmem_shared>>) target(%run_scoped3A_1 : memref<80x64xf32, #tpu.memory_space<vmem>>) target_semaphore(%arg11 : memref<!tpu.dma_semaphore, #tpu.memory_space<semaphore_mem>>)
      %dma_wait3A_141 = arith.constant 0 : i32
      %dma_wait3A_142 = tpu.memref_slice %arg8[%add3A_136, %dma_wait3A_141] : memref<10240x64xf32, #tpu.memory_space<vmem_shared>> -> memref<80x64xf32, #tpu.memory_space<vmem_shared>>
      %dma_wait3A_143 = arith.constant 0 : i32
      %dma_wait3A_144 = tpu.memref_slice %arg8[%add3A_136, %dma_wait3A_143] : memref<10240x64xf32, #tpu.memory_space<vmem_shared>> -> memref<80x64xf32, #tpu.memory_space<vmem_shared>>
      tpu.wait_dma2 semaphore(%arg11 : memref<!tpu.dma_semaphore, #tpu.memory_space<semaphore_mem>>) src(%dma_wait3A_144 : memref<80x64xf32, #tpu.memory_space<vmem_shared>>) dst(%run_scoped3A_1 : memref<80x64xf32, #tpu.memory_space<vmem>>)
      %add3A_145 = arith.constant 160 : i32
      %add3A_146 = arith.addi %mul3A_6, %add3A_145 : i32
      %dma_start3A_147 = arith.constant 0 : i32
      %dma_start3A_148 = tpu.memref_slice %arg5[%arg0, %add3A_146, %dma_start3A_147] : memref<2x10240x64xf32, #tpu.memory_space<hbm>> -> memref<1x80x64xf32, #tpu.memory_space<hbm>>
      %dma_start3A_149 = tpu.memref_squeeze %dma_start3A_148 : memref<1x80x64xf32, #tpu.memory_space<hbm>> -> memref<80x64xf32, #tpu.memory_space<hbm>>
      %dma_start3A_150 = arith.constant 0 : i32
      %dma_start3A_151 = tpu.memref_slice %arg5[%arg0, %add3A_146, %dma_start3A_150] : memref<2x10240x64xf32, #tpu.memory_space<hbm>> -> memref<1x80x64xf32, #tpu.memory_space<hbm>>
      %dma_start3A_152 = tpu.memref_squeeze %dma_start3A_151 : memref<1x80x64xf32, #tpu.memory_space<hbm>> -> memref<80x64xf32, #tpu.memory_space<hbm>>
      tpu.enqueue_dma source(%run_scoped3A_1 : memref<80x64xf32, #tpu.memory_space<vmem>>) target(%dma_start3A_152 : memref<80x64xf32, #tpu.memory_space<hbm>>) target_semaphore(%arg11 : memref<!tpu.dma_semaphore, #tpu.memory_space<semaphore_mem>>)
      %add3A_153 = arith.constant 240 : i32
      %add3A_154 = arith.addi %mul3A_6, %add3A_153 : i32
      %dma_start3A_155 = arith.constant 0 : i32
      %dma_start3A_156 = tpu.memref_slice %arg8[%add3A_154, %dma_start3A_155] : memref<10240x64xf32, #tpu.memory_space<vmem_shared>> -> memref<80x64xf32, #tpu.memory_space<vmem_shared>>
      %dma_start3A_157 = arith.constant 0 : i32
      %dma_start3A_158 = tpu.memref_slice %arg8[%add3A_154, %dma_start3A_157] : memref<10240x64xf32, #tpu.memory_space<vmem_shared>> -> memref<80x64xf32, #tpu.memory_space<vmem_shared>>
      tpu.enqueue_dma source(%dma_start3A_158 : memref<80x64xf32, #tpu.memory_space<vmem_shared>>) target(%run_scoped3A_2 : memref<80x64xf32, #tpu.memory_space<vmem>>) target_semaphore(%arg12 : memref<!tpu.dma_semaphore, #tpu.memory_space<semaphore_mem>>)
      %dma_wait3A_159 = arith.constant 0 : i32
      %dma_wait3A_160 = tpu.memref_slice %arg8[%add3A_154, %dma_wait3A_159] : memref<10240x64xf32, #tpu.memory_space<vmem_shared>> -> memref<80x64xf32, #tpu.memory_space<vmem_shared>>
      %dma_wait3A_161 = arith.constant 0 : i32
      %dma_wait3A_162 = tpu.memref_slice %arg8[%add3A_154, %dma_wait3A_161] : memref<10240x64xf32, #tpu.memory_space<vmem_shared>> -> memref<80x64xf32, #tpu.memory_space<vmem_shared>>
      tpu.wait_dma2 semaphore(%arg12 : memref<!tpu.dma_semaphore, #tpu.memory_space<semaphore_mem>>) src(%dma_wait3A_162 : memref<80x64xf32, #tpu.memory_space<vmem_shared>>) dst(%run_scoped3A_2 : memref<80x64xf32, #tpu.memory_space<vmem>>)
      %add3A_163 = arith.constant 240 : i32
      %add3A_164 = arith.addi %mul3A_6, %add3A_163 : i32
      %dma_start3A_165 = arith.constant 0 : i32
      %dma_start3A_166 = tpu.memref_slice %arg5[%arg0, %add3A_164, %dma_start3A_165] : memref<2x10240x64xf32, #tpu.memory_space<hbm>> -> memref<1x80x64xf32, #tpu.memory_space<hbm>>
      %dma_start3A_167 = tpu.memref_squeeze %dma_start3A_166 : memref<1x80x64xf32, #tpu.memory_space<hbm>> -> memref<80x64xf32, #tpu.memory_space<hbm>>
      %dma_start3A_168 = arith.constant 0 : i32
      %dma_start3A_169 = tpu.memref_slice %arg5[%arg0, %add3A_164, %dma_start3A_168] : memref<2x10240x64xf32, #tpu.memory_space<hbm>> -> memref<1x80x64xf32, #tpu.memory_space<hbm>>
      %dma_start3A_170 = tpu.memref_squeeze %dma_start3A_169 : memref<1x80x64xf32, #tpu.memory_space<hbm>> -> memref<80x64xf32, #tpu.memory_space<hbm>>
      tpu.enqueue_dma source(%run_scoped3A_2 : memref<80x64xf32, #tpu.memory_space<vmem>>) target(%dma_start3A_170 : memref<80x64xf32, #tpu.memory_space<hbm>>) target_semaphore(%arg12 : memref<!tpu.dma_semaphore, #tpu.memory_space<semaphore_mem>>)
      %add3A_171 = arith.constant 320 : i32
      %add3A_172 = arith.addi %mul3A_6, %add3A_171 : i32
      %dma_start3A_173 = arith.constant 0 : i32
      %dma_start3A_174 = tpu.memref_slice %arg8[%add3A_172, %dma_start3A_173] : memref<10240x64xf32, #tpu.memory_space<vmem_shared>> -> memref<80x64xf32, #tpu.memory_space<vmem_shared>>
      %dma_start3A_175 = arith.constant 0 : i32
      %dma_start3A_176 = tpu.memref_slice %arg8[%add3A_172, %dma_start3A_175] : memref<10240x64xf32, #tpu.memory_space<vmem_shared>> -> memref<80x64xf32, #tpu.memory_space<vmem_shared>>
      tpu.enqueue_dma source(%dma_start3A_176 : memref<80x64xf32, #tpu.memory_space<vmem_shared>>) target(%run_scoped3A_3 : memref<80x64xf32, #tpu.memory_space<vmem>>) target_semaphore(%arg13 : memref<!tpu.dma_semaphore, #tpu.memory_space<semaphore_mem>>)
      %dma_wait3A_177 = arith.constant 0 : i32
      %dma_wait3A_178 = tpu.memref_slice %arg8[%add3A_172, %dma_wait3A_177] : memref<10240x64xf32, #tpu.memory_space<vmem_shared>> -> memref<80x64xf32, #tpu.memory_space<vmem_shared>>
      %dma_wait3A_179 = arith.constant 0 : i32
      %dma_wait3A_180 = tpu.memref_slice %arg8[%add3A_172, %dma_wait3A_179] : memref<10240x64xf32, #tpu.memory_space<vmem_shared>> -> memref<80x64xf32, #tpu.memory_space<vmem_shared>>
      tpu.wait_dma2 semaphore(%arg13 : memref<!tpu.dma_semaphore, #tpu.memory_space<semaphore_mem>>) src(%dma_wait3A_180 : memref<80x64xf32, #tpu.memory_space<vmem_shared>>) dst(%run_scoped3A_3 : memref<80x64xf32, #tpu.memory_space<vmem>>)
      %add3A_181 = arith.constant 320 : i32
      %add3A_182 = arith.addi %mul3A_6, %add3A_181 : i32
      %dma_start3A_183 = arith.constant 0 : i32
      %dma_start3A_184 = tpu.memref_slice %arg5[%arg0, %add3A_182, %dma_start3A_183] : memref<2x10240x64xf32, #tpu.memory_space<hbm>> -> memref<1x80x64xf32, #tpu.memory_space<hbm>>
      %dma_start3A_185 = tpu.memref_squeeze %dma_start3A_184 : memref<1x80x64xf32, #tpu.memory_space<hbm>> -> memref<80x64xf32, #tpu.memory_space<hbm>>
      %dma_start3A_186 = arith.constant 0 : i32
      %dma_start3A_187 = tpu.memref_slice %arg5[%arg0, %add3A_182, %dma_start3A_186] : memref<2x10240x64xf32, #tpu.memory_space<hbm>> -> memref<1x80x64xf32, #tpu.memory_space<hbm>>
      %dma_start3A_188 = tpu.memref_squeeze %dma_start3A_187 : memref<1x80x64xf32, #tpu.memory_space<hbm>> -> memref<80x64xf32, #tpu.memory_space<hbm>>
      tpu.enqueue_dma source(%run_scoped3A_3 : memref<80x64xf32, #tpu.memory_space<vmem>>) target(%dma_start3A_188 : memref<80x64xf32, #tpu.memory_space<hbm>>) target_semaphore(%arg13 : memref<!tpu.dma_semaphore, #tpu.memory_space<semaphore_mem>>)
      %dma_wait3A_189 = arith.constant 0 : i32
      %dma_wait3A_190 = tpu.memref_slice %arg5[%arg0, %add3A_110, %dma_wait3A_189] : memref<2x10240x64xf32, #tpu.memory_space<hbm>> -> memref<1x80x64xf32, #tpu.memory_space<hbm>>
      %dma_wait3A_191 = tpu.memref_squeeze %dma_wait3A_190 : memref<1x80x64xf32, #tpu.memory_space<hbm>> -> memref<80x64xf32, #tpu.memory_space<hbm>>
      %dma_wait3A_192 = arith.constant 0 : i32
      %dma_wait3A_193 = tpu.memref_slice %arg5[%arg0, %add3A_110, %dma_wait3A_192] : memref<2x10240x64xf32, #tpu.memory_space<hbm>> -> memref<1x80x64xf32, #tpu.memory_space<hbm>>
      %dma_wait3A_194 = tpu.memref_squeeze %dma_wait3A_193 : memref<1x80x64xf32, #tpu.memory_space<hbm>> -> memref<80x64xf32, #tpu.memory_space<hbm>>
      tpu.wait_dma2 semaphore(%arg9 : memref<!tpu.dma_semaphore, #tpu.memory_space<semaphore_mem>>) src(%run_scoped3A : memref<80x64xf32, #tpu.memory_space<vmem>>) dst(%dma_wait3A_194 : memref<80x64xf32, #tpu.memory_space<hbm>>)
      %add3A_195 = arith.constant 400 : i32
      %add3A_196 = arith.addi %mul3A_6, %add3A_195 : i32
      %dma_start3A_197 = arith.constant 0 : i32
      %dma_start3A_198 = tpu.memref_slice %arg8[%add3A_196, %dma_start3A_197] : memref<10240x64xf32, #tpu.memory_space<vmem_shared>> -> memref<80x64xf32, #tpu.memory_space<vmem_shared>>
      %dma_start3A_199 = arith.constant 0 : i32
      %dma_start3A_200 = tpu.memref_slice %arg8[%add3A_196, %dma_start3A_199] : memref<10240x64xf32, #tpu.memory_space<vmem_shared>> -> memref<80x64xf32, #tpu.memory_space<vmem_shared>>
      tpu.enqueue_dma source(%dma_start3A_200 : memref<80x64xf32, #tpu.memory_space<vmem_shared>>) target(%run_scoped3A : memref<80x64xf32, #tpu.memory_space<vmem>>) target_semaphore(%arg9 : memref<!tpu.dma_semaphore, #tpu.memory_space<semaphore_mem>>)
      %dma_wait3A_201 = arith.constant 0 : i32
      %dma_wait3A_202 = tpu.memref_slice %arg8[%add3A_196, %dma_wait3A_201] : memref<10240x64xf32, #tpu.memory_space<vmem_shared>> -> memref<80x64xf32, #tpu.memory_space<vmem_shared>>
      %dma_wait3A_203 = arith.constant 0 : i32
      %dma_wait3A_204 = tpu.memref_slice %arg8[%add3A_196, %dma_wait3A_203] : memref<10240x64xf32, #tpu.memory_space<vmem_shared>> -> memref<80x64xf32, #tpu.memory_space<vmem_shared>>
      tpu.wait_dma2 semaphore(%arg9 : memref<!tpu.dma_semaphore, #tpu.memory_space<semaphore_mem>>) src(%dma_wait3A_204 : memref<80x64xf32, #tpu.memory_space<vmem_shared>>) dst(%run_scoped3A : memref<80x64xf32, #tpu.memory_space<vmem>>)
      %add3A_205 = arith.constant 400 : i32
      %add3A_206 = arith.addi %mul3A_6, %add3A_205 : i32
      %dma_start3A_207 = arith.constant 0 : i32
      %dma_start3A_208 = tpu.memref_slice %arg5[%arg0, %add3A_206, %dma_start3A_207] : memref<2x10240x64xf32, #tpu.memory_space<hbm>> -> memref<1x80x64xf32, #tpu.memory_space<hbm>>
      %dma_start3A_209 = tpu.memref_squeeze %dma_start3A_208 : memref<1x80x64xf32, #tpu.memory_space<hbm>> -> memref<80x64xf32, #tpu.memory_space<hbm>>
      %dma_start3A_210 = arith.constant 0 : i32
      %dma_start3A_211 = tpu.memref_slice %arg5[%arg0, %add3A_206, %dma_start3A_210] : memref<2x10240x64xf32, #tpu.memory_space<hbm>> -> memref<1x80x64xf32, #tpu.memory_space<hbm>>
      %dma_start3A_212 = tpu.memref_squeeze %dma_start3A_211 : memref<1x80x64xf32, #tpu.memory_space<hbm>> -> memref<80x64xf32, #tpu.memory_space<hbm>>
      tpu.enqueue_dma source(%run_scoped3A : memref<80x64xf32, #tpu.memory_space<vmem>>) target(%dma_start3A_212 : memref<80x64xf32, #tpu.memory_space<hbm>>) target_semaphore(%arg9 : memref<!tpu.dma_semaphore, #tpu.memory_space<semaphore_mem>>)
      %dma_wait3A_213 = arith.constant 0 : i32
      %dma_wait3A_214 = tpu.memref_slice %arg5[%arg0, %add3A_128, %dma_wait3A_213] : memref<2x10240x64xf32, #tpu.memory_space<hbm>> -> memref<1x80x64xf32, #tpu.memory_space<hbm>>
      %dma_wait3A_215 = tpu.memref_squeeze %dma_wait3A_214 : memref<1x80x64xf32, #tpu.memory_space<hbm>> -> memref<80x64xf32, #tpu.memory_space<hbm>>
      %dma_wait3A_216 = arith.constant 0 : i32
      %dma_wait3A_217 = tpu.memref_slice %arg5[%arg0, %add3A_128, %dma_wait3A_216] : memref<2x10240x64xf32, #tpu.memory_space<hbm>> -> memref<1x80x64xf32, #tpu.memory_space<hbm>>
      %dma_wait3A_218 = tpu.memref_squeeze %dma_wait3A_217 : memref<1x80x64xf32, #tpu.memory_space<hbm>> -> memref<80x64xf32, #tpu.memory_space<hbm>>
      tpu.wait_dma2 semaphore(%arg10 : memref<!tpu.dma_semaphore, #tpu.memory_space<semaphore_mem>>) src(%run_scoped3A_0 : memref<80x64xf32, #tpu.memory_space<vmem>>) dst(%dma_wait3A_218 : memref<80x64xf32, #tpu.memory_space<hbm>>)
      %add3A_219 = arith.constant 480 : i32
      %add3A_220 = arith.addi %mul3A_6, %add3A_219 : i32
      %dma_start3A_221 = arith.constant 0 : i32
      %dma_start3A_222 = tpu.memref_slice %arg8[%add3A_220, %dma_start3A_221] : memref<10240x64xf32, #tpu.memory_space<vmem_shared>> -> memref<80x64xf32, #tpu.memory_space<vmem_shared>>
      %dma_start3A_223 = arith.constant 0 : i32
      %dma_start3A_224 = tpu.memref_slice %arg8[%add3A_220, %dma_start3A_223] : memref<10240x64xf32, #tpu.memory_space<vmem_shared>> -> memref<80x64xf32, #tpu.memory_space<vmem_shared>>
      tpu.enqueue_dma source(%dma_start3A_224 : memref<80x64xf32, #tpu.memory_space<vmem_shared>>) target(%run_scoped3A_0 : memref<80x64xf32, #tpu.memory_space<vmem>>) target_semaphore(%arg10 : memref<!tpu.dma_semaphore, #tpu.memory_space<semaphore_mem>>)
      %dma_wait3A_225 = arith.constant 0 : i32
      %dma_wait3A_226 = tpu.memref_slice %arg8[%add3A_220, %dma_wait3A_225] : memref<10240x64xf32, #tpu.memory_space<vmem_shared>> -> memref<80x64xf32, #tpu.memory_space<vmem_shared>>
      %dma_wait3A_227 = arith.constant 0 : i32
      %dma_wait3A_228 = tpu.memref_slice %arg8[%add3A_220, %dma_wait3A_227] : memref<10240x64xf32, #tpu.memory_space<vmem_shared>> -> memref<80x64xf32, #tpu.memory_space<vmem_shared>>
      tpu.wait_dma2 semaphore(%arg10 : memref<!tpu.dma_semaphore, #tpu.memory_space<semaphore_mem>>) src(%dma_wait3A_228 : memref<80x64xf32, #tpu.memory_space<vmem_shared>>) dst(%run_scoped3A_0 : memref<80x64xf32, #tpu.memory_space<vmem>>)
      %add3A_229 = arith.constant 480 : i32
      %add3A_230 = arith.addi %mul3A_6, %add3A_229 : i32
      %dma_start3A_231 = arith.constant 0 : i32
      %dma_start3A_232 = tpu.memref_slice %arg5[%arg0, %add3A_230, %dma_start3A_231] : memref<2x10240x64xf32, #tpu.memory_space<hbm>> -> memref<1x80x64xf32, #tpu.memory_space<hbm>>
      %dma_start3A_233 = tpu.memref_squeeze %dma_start3A_232 : memref<1x80x64xf32, #tpu.memory_space<hbm>> -> memref<80x64xf32, #tpu.memory_space<hbm>>
      %dma_start3A_234 = arith.constant 0 : i32
      %dma_start3A_235 = tpu.memref_slice %arg5[%arg0, %add3A_230, %dma_start3A_234] : memref<2x10240x64xf32, #tpu.memory_space<hbm>> -> memref<1x80x64xf32, #tpu.memory_space<hbm>>
      %dma_start3A_236 = tpu.memref_squeeze %dma_start3A_235 : memref<1x80x64xf32, #tpu.memory_space<hbm>> -> memref<80x64xf32, #tpu.memory_space<hbm>>
      tpu.enqueue_dma source(%run_scoped3A_0 : memref<80x64xf32, #tpu.memory_space<vmem>>) target(%dma_start3A_236 : memref<80x64xf32, #tpu.memory_space<hbm>>) target_semaphore(%arg10 : memref<!tpu.dma_semaphore, #tpu.memory_space<semaphore_mem>>)
      %dma_wait3A_237 = arith.constant 0 : i32
      %dma_wait3A_238 = tpu.memref_slice %arg5[%arg0, %add3A_146, %dma_wait3A_237] : memref<2x10240x64xf32, #tpu.memory_space<hbm>> -> memref<1x80x64xf32, #tpu.memory_space<hbm>>
      %dma_wait3A_239 = tpu.memref_squeeze %dma_wait3A_238 : memref<1x80x64xf32, #tpu.memory_space<hbm>> -> memref<80x64xf32, #tpu.memory_space<hbm>>
      %dma_wait3A_240 = arith.constant 0 : i32
      %dma_wait3A_241 = tpu.memref_slice %arg5[%arg0, %add3A_146, %dma_wait3A_240] : memref<2x10240x64xf32, #tpu.memory_space<hbm>> -> memref<1x80x64xf32, #tpu.memory_space<hbm>>
      %dma_wait3A_242 = tpu.memref_squeeze %dma_wait3A_241 : memref<1x80x64xf32, #tpu.memory_space<hbm>> -> memref<80x64xf32, #tpu.memory_space<hbm>>
      tpu.wait_dma2 semaphore(%arg11 : memref<!tpu.dma_semaphore, #tpu.memory_space<semaphore_mem>>) src(%run_scoped3A_1 : memref<80x64xf32, #tpu.memory_space<vmem>>) dst(%dma_wait3A_242 : memref<80x64xf32, #tpu.memory_space<hbm>>)
      %add3A_243 = arith.constant 560 : i32
      %add3A_244 = arith.addi %mul3A_6, %add3A_243 : i32
      %dma_start3A_245 = arith.constant 0 : i32
      %dma_start3A_246 = tpu.memref_slice %arg8[%add3A_244, %dma_start3A_245] : memref<10240x64xf32, #tpu.memory_space<vmem_shared>> -> memref<80x64xf32, #tpu.memory_space<vmem_shared>>
      %dma_start3A_247 = arith.constant 0 : i32
      %dma_start3A_248 = tpu.memref_slice %arg8[%add3A_244, %dma_start3A_247] : memref<10240x64xf32, #tpu.memory_space<vmem_shared>> -> memref<80x64xf32, #tpu.memory_space<vmem_shared>>
      tpu.enqueue_dma source(%dma_start3A_248 : memref<80x64xf32, #tpu.memory_space<vmem_shared>>) target(%run_scoped3A_1 : memref<80x64xf32, #tpu.memory_space<vmem>>) target_semaphore(%arg11 : memref<!tpu.dma_semaphore, #tpu.memory_space<semaphore_mem>>)
      %dma_wait3A_249 = arith.constant 0 : i32
      %dma_wait3A_250 = tpu.memref_slice %arg8[%add3A_244, %dma_wait3A_249] : memref<10240x64xf32, #tpu.memory_space<vmem_shared>> -> memref<80x64xf32, #tpu.memory_space<vmem_shared>>
      %dma_wait3A_251 = arith.constant 0 : i32
      %dma_wait3A_252 = tpu.memref_slice %arg8[%add3A_244, %dma_wait3A_251] : memref<10240x64xf32, #tpu.memory_space<vmem_shared>> -> memref<80x64xf32, #tpu.memory_space<vmem_shared>>
      tpu.wait_dma2 semaphore(%arg11 : memref<!tpu.dma_semaphore, #tpu.memory_space<semaphore_mem>>) src(%dma_wait3A_252 : memref<80x64xf32, #tpu.memory_space<vmem_shared>>) dst(%run_scoped3A_1 : memref<80x64xf32, #tpu.memory_space<vmem>>)
      %add3A_253 = arith.constant 560 : i32
      %add3A_254 = arith.addi %mul3A_6, %add3A_253 : i32
      %dma_start3A_255 = arith.constant 0 : i32
      %dma_start3A_256 = tpu.memref_slice %arg5[%arg0, %add3A_254, %dma_start3A_255] : memref<2x10240x64xf32, #tpu.memory_space<hbm>> -> memref<1x80x64xf32, #tpu.memory_space<hbm>>
      %dma_start3A_257 = tpu.memref_squeeze %dma_start3A_256 : memref<1x80x64xf32, #tpu.memory_space<hbm>> -> memref<80x64xf32, #tpu.memory_space<hbm>>
      %dma_start3A_258 = arith.constant 0 : i32
      %dma_start3A_259 = tpu.memref_slice %arg5[%arg0, %add3A_254, %dma_start3A_258] : memref<2x10240x64xf32, #tpu.memory_space<hbm>> -> memref<1x80x64xf32, #tpu.memory_space<hbm>>
      %dma_start3A_260 = tpu.memref_squeeze %dma_start3A_259 : memref<1x80x64xf32, #tpu.memory_space<hbm>> -> memref<80x64xf32, #tpu.memory_space<hbm>>
      tpu.enqueue_dma source(%run_scoped3A_1 : memref<80x64xf32, #tpu.memory_space<vmem>>) target(%dma_start3A_260 : memref<80x64xf32, #tpu.memory_space<hbm>>) target_semaphore(%arg11 : memref<!tpu.dma_semaphore, #tpu.memory_space<semaphore_mem>>)
      %dma_wait3A_261 = arith.constant 0 : i32
      %dma_wait3A_262 = tpu.memref_slice %arg5[%arg0, %add3A_164, %dma_wait3A_261] : memref<2x10240x64xf32, #tpu.memory_space<hbm>> -> memref<1x80x64xf32, #tpu.memory_space<hbm>>
      %dma_wait3A_263 = tpu.memref_squeeze %dma_wait3A_262 : memref<1x80x64xf32, #tpu.memory_space<hbm>> -> memref<80x64xf32, #tpu.memory_space<hbm>>
      %dma_wait3A_264 = arith.constant 0 : i32
      %dma_wait3A_265 = tpu.memref_slice %arg5[%arg0, %add3A_164, %dma_wait3A_264] : memref<2x10240x64xf32, #tpu.memory_space<hbm>> -> memref<1x80x64xf32, #tpu.memory_space<hbm>>
      %dma_wait3A_266 = tpu.memref_squeeze %dma_wait3A_265 : memref<1x80x64xf32, #tpu.memory_space<hbm>> -> memref<80x64xf32, #tpu.memory_space<hbm>>
      tpu.wait_dma2 semaphore(%arg12 : memref<!tpu.dma_semaphore, #tpu.memory_space<semaphore_mem>>) src(%run_scoped3A_2 : memref<80x64xf32, #tpu.memory_space<vmem>>) dst(%dma_wait3A_266 : memref<80x64xf32, #tpu.memory_space<hbm>>)
      %dma_wait3A_267 = arith.constant 0 : i32
      %dma_wait3A_268 = tpu.memref_slice %arg5[%arg0, %add3A_182, %dma_wait3A_267] : memref<2x10240x64xf32, #tpu.memory_space<hbm>> -> memref<1x80x64xf32, #tpu.memory_space<hbm>>
      %dma_wait3A_269 = tpu.memref_squeeze %dma_wait3A_268 : memref<1x80x64xf32, #tpu.memory_space<hbm>> -> memref<80x64xf32, #tpu.memory_space<hbm>>
      %dma_wait3A_270 = arith.constant 0 : i32
      %dma_wait3A_271 = tpu.memref_slice %arg5[%arg0, %add3A_182, %dma_wait3A_270] : memref<2x10240x64xf32, #tpu.memory_space<hbm>> -> memref<1x80x64xf32, #tpu.memory_space<hbm>>
      %dma_wait3A_272 = tpu.memref_squeeze %dma_wait3A_271 : memref<1x80x64xf32, #tpu.memory_space<hbm>> -> memref<80x64xf32, #tpu.memory_space<hbm>>
      tpu.wait_dma2 semaphore(%arg13 : memref<!tpu.dma_semaphore, #tpu.memory_space<semaphore_mem>>) src(%run_scoped3A_3 : memref<80x64xf32, #tpu.memory_space<vmem>>) dst(%dma_wait3A_272 : memref<80x64xf32, #tpu.memory_space<hbm>>)
      %dma_wait3A_273 = arith.constant 0 : i32
      %dma_wait3A_274 = tpu.memref_slice %arg5[%arg0, %add3A_206, %dma_wait3A_273] : memref<2x10240x64xf32, #tpu.memory_space<hbm>> -> memref<1x80x64xf32, #tpu.memory_space<hbm>>
      %dma_wait3A_275 = tpu.memref_squeeze %dma_wait3A_274 : memref<1x80x64xf32, #tpu.memory_space<hbm>> -> memref<80x64xf32, #tpu.memory_space<hbm>>
      %dma_wait3A_276 = arith.constant 0 : i32
      %dma_wait3A_277 = tpu.memref_slice %arg5[%arg0, %add3A_206, %dma_wait3A_276] : memref<2x10240x64xf32, #tpu.memory_space<hbm>> -> memref<1x80x64xf32, #tpu.memory_space<hbm>>
      %dma_wait3A_278 = tpu.memref_squeeze %dma_wait3A_277 : memref<1x80x64xf32, #tpu.memory_space<hbm>> -> memref<80x64xf32, #tpu.memory_space<hbm>>
      tpu.wait_dma2 semaphore(%arg9 : memref<!tpu.dma_semaphore, #tpu.memory_space<semaphore_mem>>) src(%run_scoped3A : memref<80x64xf32, #tpu.memory_space<vmem>>) dst(%dma_wait3A_278 : memref<80x64xf32, #tpu.memory_space<hbm>>)
      %dma_wait3A_279 = arith.constant 0 : i32
      %dma_wait3A_280 = tpu.memref_slice %arg5[%arg0, %add3A_230, %dma_wait3A_279] : memref<2x10240x64xf32, #tpu.memory_space<hbm>> -> memref<1x80x64xf32, #tpu.memory_space<hbm>>
      %dma_wait3A_281 = tpu.memref_squeeze %dma_wait3A_280 : memref<1x80x64xf32, #tpu.memory_space<hbm>> -> memref<80x64xf32, #tpu.memory_space<hbm>>
      %dma_wait3A_282 = arith.constant 0 : i32
      %dma_wait3A_283 = tpu.memref_slice %arg5[%arg0, %add3A_230, %dma_wait3A_282] : memref<2x10240x64xf32, #tpu.memory_space<hbm>> -> memref<1x80x64xf32, #tpu.memory_space<hbm>>
      %dma_wait3A_284 = tpu.memref_squeeze %dma_wait3A_283 : memref<1x80x64xf32, #tpu.memory_space<hbm>> -> memref<80x64xf32, #tpu.memory_space<hbm>>
      tpu.wait_dma2 semaphore(%arg10 : memref<!tpu.dma_semaphore, #tpu.memory_space<semaphore_mem>>) src(%run_scoped3A_0 : memref<80x64xf32, #tpu.memory_space<vmem>>) dst(%dma_wait3A_284 : memref<80x64xf32, #tpu.memory_space<hbm>>)
      %dma_wait3A_285 = arith.constant 0 : i32
      %dma_wait3A_286 = tpu.memref_slice %arg5[%arg0, %add3A_254, %dma_wait3A_285] : memref<2x10240x64xf32, #tpu.memory_space<hbm>> -> memref<1x80x64xf32, #tpu.memory_space<hbm>>
      %dma_wait3A_287 = tpu.memref_squeeze %dma_wait3A_286 : memref<1x80x64xf32, #tpu.memory_space<hbm>> -> memref<80x64xf32, #tpu.memory_space<hbm>>
      %dma_wait3A_288 = arith.constant 0 : i32
      %dma_wait3A_289 = tpu.memref_slice %arg5[%arg0, %add3A_254, %dma_wait3A_288] : memref<2x10240x64xf32, #tpu.memory_space<hbm>> -> memref<1x80x64xf32, #tpu.memory_space<hbm>>
      %dma_wait3A_290 = tpu.memref_squeeze %dma_wait3A_289 : memref<1x80x64xf32, #tpu.memory_space<hbm>> -> memref<80x64xf32, #tpu.memory_space<hbm>>
      tpu.wait_dma2 semaphore(%arg11 : memref<!tpu.dma_semaphore, #tpu.memory_space<semaphore_mem>>) src(%run_scoped3A_1 : memref<80x64xf32, #tpu.memory_space<vmem>>) dst(%dma_wait3A_290 : memref<80x64xf32, #tpu.memory_space<hbm>>)
      tpu.yield
    }) : () -> ()
    return
  }
}

module attributes {stable_mosaic.version = 14 : i64} {
  func.func @_tc1_body(%arg0: i32, %arg1: memref<1000x128xf32, #tpu.memory_space<vmem>>, %arg2: memref<128x128xf32, #tpu.memory_space<vmem>>, %arg3: memref<128x128xf32, #tpu.memory_space<vmem>>, %arg4: memref<1x128xf32, #tpu.memory_space<vmem>>, %arg5: memref<2x1000x16xf32, #tpu.memory_space<vmem>>, %arg6: memref<1000x128xf32, #tpu.memory_space<vmem>>, %arg7: memref<1000x128xf32, #tpu.memory_space<vmem>>) attributes {dimension_semantics = [#tpu.dimension_semantics<arbitrary>], iteration_bounds = array<i64: 10>, scalar_prefetch = 0 : i64, scratch_operands = 0 : i64, tpu.core_type = #tpu.core_type<tc>, window_params = [{transform_indices = @transform_0, window_bounds = array<i64: 1000, 128>}, {pipeline_mode = #tpu.pipeline_mode<synchronous>, transform_indices = @transform_1, window_bounds = array<i64: 128, 128>}, {pipeline_mode = #tpu.pipeline_mode<synchronous>, transform_indices = @transform_2, window_bounds = array<i64: 128, 128>}, {pipeline_mode = #tpu.pipeline_mode<synchronous>, transform_indices = @transform_3, window_bounds = array<i64: 1, 128>}, {transform_indices = @transform_4, window_bounds = array<i64: 2, 1000, 16>}, {transform_indices = @transform_5, window_bounds = array<i64: 1000, 128>}, {transform_indices = @transform_6, window_bounds = array<i64: 1000, 128>}]} {
    %get3A = arith.constant 0 : index
    %get3A_0 = arith.constant 0 : index
    %get3A_1 = vector.load %arg1[%get3A, %get3A_0] : memref<1000x128xf32, #tpu.memory_space<vmem>>, vector<1000x128xf32>
    %get3A_2 = arith.constant 0 : index
    %get3A_3 = arith.constant 0 : index
    %get3A_4 = arith.constant 0 : index
    %get3A_5 = vector.load %arg5[%get3A_2, %get3A_3, %get3A_4] : memref<2x1000x16xf32, #tpu.memory_space<vmem>>, vector<1x1000x1xf32>
    %get3A_6 = vector.shape_cast %get3A_5 : vector<1x1000x1xf32> to vector<1000x1xf32>
    %get3A_7 = arith.constant 1 : index
    %get3A_8 = arith.constant 0 : index
    %get3A_9 = arith.constant 0 : index
    %get3A_10 = vector.load %arg5[%get3A_7, %get3A_8, %get3A_9] : memref<2x1000x16xf32, #tpu.memory_space<vmem>>, vector<1x1000x1xf32>
    %get3A_11 = vector.shape_cast %get3A_10 : vector<1x1000x1xf32> to vector<1000x1xf32>
    %add3A = arith.addf %get3A_6, %get3A_11 : vector<1000x1xf32>
    %gt3A = arith.constant 0.000000e+00 : f32
    %gt3A_12 = vector.broadcast %gt3A : f32 to vector<1000x1xf32>
    %gt3A_13 = arith.cmpf ogt, %add3A, %gt3A_12 : vector<1000x1xf32>
    %rsqrt3A = math.rsqrt %add3A : vector<1000x1xf32>
    %jit3A = arith.constant 0.000000e+00 : f32
    %broadcast_in_dim3A = vector.broadcast %jit3A : f32 to vector<1000x1xf32>
    %select_n3A = arith.select %gt3A_13, %rsqrt3A, %broadcast_in_dim3A : vector<1000x1xi1>, vector<1000x1xf32>
    %get3A_14 = arith.constant 0 : index
    %get3A_15 = arith.constant 0 : index
    %get3A_16 = vector.load %arg2[%get3A_14, %get3A_15] : memref<128x128xf32, #tpu.memory_space<vmem>>, vector<128x128xf32>
    %dot_general3A = arith.constant dense<0.000000e+00> : vector<1000x128xf32>
    %dot_general3A_17 = tpu.matmul %get3A_1, %get3A_16, %dot_general3A {dimension_numbers = #tpu.dot_dimension_numbers<[1], [0], [0], [1], [0, 0, 1, 1], [], []>, transpose_lhs_hint = false} : vector<1000x128xf32>, vector<128x128xf32>, vector<1000x128xf32> -> vector<1000x128xf32>
    %get3A_18 = arith.constant 0 : index
    %get3A_19 = arith.constant 0 : index
    %get3A_20 = vector.load %arg4[%get3A_18, %get3A_19] : memref<1x128xf32, #tpu.memory_space<vmem>>, vector<1x128xf32>
    %add3A_21 = vector.broadcast %get3A_20 : vector<1x128xf32> to vector<1000x128xf32>
    %add3A_22 = arith.addf %dot_general3A_17, %add3A_21 : vector<1000x128xf32>
    %swap3A = arith.constant 0 : index
    %swap3A_23 = arith.constant 0 : index
    %swap3A_24 = vector.load %arg6[%swap3A, %swap3A_23] : memref<1000x128xf32, #tpu.memory_space<vmem>>, vector<1000x128xf32>
    tpu.vector_store %arg6[%swap3A, %swap3A_23], %add3A_22 {strides = array<i32>} : memref<1000x128xf32, #tpu.memory_space<vmem>>, vector<1000x128xf32>,
    %get3A_25 = arith.constant 0 : index
    %get3A_26 = arith.constant 0 : index
    %get3A_27 = vector.load %arg3[%get3A_25, %get3A_26] : memref<128x128xf32, #tpu.memory_space<vmem>>, vector<128x128xf32>
    %dot_general3A_28 = arith.constant dense<0.000000e+00> : vector<1000x128xf32>
    %dot_general3A_29 = tpu.matmul %get3A_1, %get3A_27, %dot_general3A_28 {dimension_numbers = #tpu.dot_dimension_numbers<[1], [0], [0], [1], [0, 0, 1, 1], [], []>, transpose_lhs_hint = false} : vector<1000x128xf32>, vector<128x128xf32>, vector<1000x128xf32> -> vector<1000x128xf32>
    %mul3A = vector.broadcast %select_n3A : vector<1000x1xf32> to vector<1000x128xf32>
    %mul3A_30 = arith.mulf %mul3A, %dot_general3A_29 : vector<1000x128xf32>
    %swap3A_31 = arith.constant 0 : index
    %swap3A_32 = arith.constant 0 : index
    %swap3A_33 = vector.load %arg7[%swap3A_31, %swap3A_32] : memref<1000x128xf32, #tpu.memory_space<vmem>>, vector<1000x128xf32>
    tpu.vector_store %arg7[%swap3A_31, %swap3A_32], %mul3A_30 {strides = array<i32>} : memref<1000x128xf32, #tpu.memory_space<vmem>>, vector<1000x128xf32>,
    return
  }
  func.func @transform_0(%arg0: i32) -> (i32, i32) {
    %c0_i32 = arith.constant 0 : i32
    %c0_i32_0 = arith.constant 0 : i32
    return %arg0, %c0_i32 : i32, i32
  }
  func.func @transform_1(%arg0: i32) -> (i32, i32) {
    %c0_i32 = arith.constant 0 : i32
    %c0_i32_0 = arith.constant 0 : i32
    %c0_i32_1 = arith.constant 0 : i32
    return %c0_i32, %c0_i32_0 : i32, i32
  }
  func.func @transform_2(%arg0: i32) -> (i32, i32) {
    %c0_i32 = arith.constant 0 : i32
    %c0_i32_0 = arith.constant 0 : i32
    %c0_i32_1 = arith.constant 0 : i32
    return %c0_i32, %c0_i32_0 : i32, i32
  }
  func.func @transform_3(%arg0: i32) -> (i32, i32) {
    %c0_i32 = arith.constant 0 : i32
    %c0_i32_0 = arith.constant 0 : i32
    %c0_i32_1 = arith.constant 0 : i32
    return %c0_i32, %c0_i32_0 : i32, i32
  }
  func.func @transform_4(%arg0: i32) -> (i32, i32, i32) {
    %c0_i32 = arith.constant 0 : i32
    %c0_i32_0 = arith.constant 0 : i32
    %c0_i32_1 = arith.constant 0 : i32
    return %c0_i32, %arg0, %c0_i32_0 : i32, i32, i32
  }
  func.func @transform_5(%arg0: i32) -> (i32, i32) {
    %c0_i32 = arith.constant 0 : i32
    %c0_i32_0 = arith.constant 0 : i32
    return %arg0, %c0_i32 : i32, i32
  }
  func.func @transform_6(%arg0: i32) -> (i32, i32) {
    %c0_i32 = arith.constant 0 : i32
    %c0_i32_0 = arith.constant 0 : i32
    return %arg0, %c0_i32 : i32, i32
  }
}

module attributes {stable_mosaic.version = 14 : i64} {
  func.func @_tc2_body(%arg0: i32, %arg1: memref<1000x128xf32, #tpu.memory_space<vmem>>, %arg2: memref<2x1000x128xf32, #tpu.memory_space<vmem>>, %arg3: memref<2x1000x16xf32, #tpu.memory_space<vmem>>, %arg4: memref<128x64xf32, #tpu.memory_space<vmem>>, %arg5: memref<128x64xf32, #tpu.memory_space<vmem>>, %arg6: memref<1x64xf32, #tpu.memory_space<vmem>>, %arg7: memref<1000x64xf32, #tpu.memory_space<vmem>>, %arg8: memref<1000x64xf32, #tpu.memory_space<vmem>>) attributes {dimension_semantics = [#tpu.dimension_semantics<arbitrary>], iteration_bounds = array<i64: 10>, scalar_prefetch = 0 : i64, scratch_operands = 0 : i64, tpu.core_type = #tpu.core_type<tc>, window_params = [{transform_indices = @transform_0, window_bounds = array<i64: 1000, 128>}, {transform_indices = @transform_1, window_bounds = array<i64: 2, 1000, 128>}, {transform_indices = @transform_2, window_bounds = array<i64: 2, 1000, 16>}, {pipeline_mode = #tpu.pipeline_mode<synchronous>, transform_indices = @transform_3, window_bounds = array<i64: 128, 64>}, {pipeline_mode = #tpu.pipeline_mode<synchronous>, transform_indices = @transform_4, window_bounds = array<i64: 128, 64>}, {pipeline_mode = #tpu.pipeline_mode<synchronous>, transform_indices = @transform_5, window_bounds = array<i64: 1, 64>}, {transform_indices = @transform_6, window_bounds = array<i64: 1000, 64>}, {transform_indices = @transform_7, window_bounds = array<i64: 1000, 64>}]} {
    %get3A = arith.constant 0 : index
    %get3A_0 = arith.constant 0 : index
    %get3A_1 = arith.constant 0 : index
    %get3A_2 = vector.load %arg3[%get3A, %get3A_0, %get3A_1] : memref<2x1000x16xf32, #tpu.memory_space<vmem>>, vector<1x1000x1xf32>
    %get3A_3 = vector.shape_cast %get3A_2 : vector<1x1000x1xf32> to vector<1000x1xf32>
    %get3A_4 = arith.constant 1 : index
    %get3A_5 = arith.constant 0 : index
    %get3A_6 = arith.constant 0 : index
    %get3A_7 = vector.load %arg3[%get3A_4, %get3A_5, %get3A_6] : memref<2x1000x16xf32, #tpu.memory_space<vmem>>, vector<1x1000x1xf32>
    %get3A_8 = vector.shape_cast %get3A_7 : vector<1x1000x1xf32> to vector<1000x1xf32>
    %add3A = arith.addf %get3A_3, %get3A_8 : vector<1000x1xf32>
    %gt3A = arith.constant 0.000000e+00 : f32
    %gt3A_9 = vector.broadcast %gt3A : f32 to vector<1000x1xf32>
    %gt3A_10 = arith.cmpf ogt, %add3A, %gt3A_9 : vector<1000x1xf32>
    %rsqrt3A = math.rsqrt %add3A : vector<1000x1xf32>
    %jit3A = arith.constant 0.000000e+00 : f32
    %broadcast_in_dim3A = vector.broadcast %jit3A : f32 to vector<1000x1xf32>
    %select_n3A = arith.select %gt3A_10, %rsqrt3A, %broadcast_in_dim3A : vector<1000x1xi1>, vector<1000x1xf32>
    %get3A_11 = arith.constant 0 : index
    %get3A_12 = arith.constant 0 : index
    %get3A_13 = vector.load %arg1[%get3A_11, %get3A_12] : memref<1000x128xf32, #tpu.memory_space<vmem>>, vector<1000x128xf32>
    %get3A_14 = arith.constant 0 : index
    %get3A_15 = arith.constant 0 : index
    %get3A_16 = arith.constant 0 : index
    %get3A_17 = vector.load %arg2[%get3A_14, %get3A_15, %get3A_16] : memref<2x1000x128xf32, #tpu.memory_space<vmem>>, vector<1x1000x128xf32>
    %get3A_18 = vector.shape_cast %get3A_17 : vector<1x1000x128xf32> to vector<1000x128xf32>
    %get3A_19 = arith.constant 1 : index
    %get3A_20 = arith.constant 0 : index
    %get3A_21 = arith.constant 0 : index
    %get3A_22 = vector.load %arg2[%get3A_19, %get3A_20, %get3A_21] : memref<2x1000x128xf32, #tpu.memory_space<vmem>>, vector<1x1000x128xf32>
    %get3A_23 = vector.shape_cast %get3A_22 : vector<1x1000x128xf32> to vector<1000x128xf32>
    %add3A_24 = arith.addf %get3A_18, %get3A_23 : vector<1000x128xf32>
    %mul3A = vector.broadcast %select_n3A : vector<1000x1xf32> to vector<1000x128xf32>
    %mul3A_25 = arith.mulf %mul3A, %add3A_24 : vector<1000x128xf32>
    %sub3A = arith.subf %get3A_13, %mul3A_25 : vector<1000x128xf32>
    %max3A = arith.constant 0.000000e+00 : f32
    %max3A_26 = vector.broadcast %max3A : f32 to vector<1000x128xf32>
    %max3A_27 = arith.maximumf %sub3A, %max3A_26 : vector<1000x128xf32>
    %get3A_28 = arith.constant 0 : index
    %get3A_29 = arith.constant 0 : index
    %get3A_30 = vector.load %arg4[%get3A_28, %get3A_29] : memref<128x64xf32, #tpu.memory_space<vmem>>, vector<128x64xf32>
    %dot_general3A = arith.constant dense<0.000000e+00> : vector<1000x64xf32>
    %dot_general3A_31 = tpu.matmul %max3A_27, %get3A_30, %dot_general3A {dimension_numbers = #tpu.dot_dimension_numbers<[1], [0], [0], [1], [0, 0, 1, 1], [], []>, transpose_lhs_hint = false} : vector<1000x128xf32>, vector<128x64xf32>, vector<1000x64xf32> -> vector<1000x64xf32>
    %get3A_32 = arith.constant 0 : index
    %get3A_33 = arith.constant 0 : index
    %get3A_34 = vector.load %arg6[%get3A_32, %get3A_33] : memref<1x64xf32, #tpu.memory_space<vmem>>, vector<1x64xf32>
    %add3A_35 = vector.broadcast %get3A_34 : vector<1x64xf32> to vector<1000x64xf32>
    %add3A_36 = arith.addf %dot_general3A_31, %add3A_35 : vector<1000x64xf32>
    %swap3A = arith.constant 0 : index
    %swap3A_37 = arith.constant 0 : index
    %swap3A_38 = vector.load %arg7[%swap3A, %swap3A_37] : memref<1000x64xf32, #tpu.memory_space<vmem>>, vector<1000x64xf32>
    tpu.vector_store %arg7[%swap3A, %swap3A_37], %add3A_36 {strides = array<i32>} : memref<1000x64xf32, #tpu.memory_space<vmem>>, vector<1000x64xf32>,
    %get3A_39 = arith.constant 0 : index
    %get3A_40 = arith.constant 0 : index
    %get3A_41 = vector.load %arg5[%get3A_39, %get3A_40] : memref<128x64xf32, #tpu.memory_space<vmem>>, vector<128x64xf32>
    %dot_general3A_42 = arith.constant dense<0.000000e+00> : vector<1000x64xf32>
    %dot_general3A_43 = tpu.matmul %max3A_27, %get3A_41, %dot_general3A_42 {dimension_numbers = #tpu.dot_dimension_numbers<[1], [0], [0], [1], [0, 0, 1, 1], [], []>, transpose_lhs_hint = false} : vector<1000x128xf32>, vector<128x64xf32>, vector<1000x64xf32> -> vector<1000x64xf32>
    %mul3A_44 = vector.broadcast %select_n3A : vector<1000x1xf32> to vector<1000x64xf32>
    %mul3A_45 = arith.mulf %mul3A_44, %dot_general3A_43 : vector<1000x64xf32>
    %swap3A_46 = arith.constant 0 : index
    %swap3A_47 = arith.constant 0 : index
    %swap3A_48 = vector.load %arg8[%swap3A_46, %swap3A_47] : memref<1000x64xf32, #tpu.memory_space<vmem>>, vector<1000x64xf32>
    tpu.vector_store %arg8[%swap3A_46, %swap3A_47], %mul3A_45 {strides = array<i32>} : memref<1000x64xf32, #tpu.memory_space<vmem>>, vector<1000x64xf32>,
    return
  }
  func.func @transform_0(%arg0: i32) -> (i32, i32) {
    %c0_i32 = arith.constant 0 : i32
    %c0_i32_0 = arith.constant 0 : i32
    return %arg0, %c0_i32 : i32, i32
  }
  func.func @transform_1(%arg0: i32) -> (i32, i32, i32) {
    %c0_i32 = arith.constant 0 : i32
    %c0_i32_0 = arith.constant 0 : i32
    %c0_i32_1 = arith.constant 0 : i32
    return %c0_i32, %arg0, %c0_i32_0 : i32, i32, i32
  }
  func.func @transform_2(%arg0: i32) -> (i32, i32, i32) {
    %c0_i32 = arith.constant 0 : i32
    %c0_i32_0 = arith.constant 0 : i32
    %c0_i32_1 = arith.constant 0 : i32
    return %c0_i32, %arg0, %c0_i32_0 : i32, i32, i32
  }
  func.func @transform_3(%arg0: i32) -> (i32, i32) {
    %c0_i32 = arith.constant 0 : i32
    %c0_i32_0 = arith.constant 0 : i32
    %c0_i32_1 = arith.constant 0 : i32
    return %c0_i32, %c0_i32_0 : i32, i32
  }
  func.func @transform_4(%arg0: i32) -> (i32, i32) {
    %c0_i32 = arith.constant 0 : i32
    %c0_i32_0 = arith.constant 0 : i32
    %c0_i32_1 = arith.constant 0 : i32
    return %c0_i32, %c0_i32_0 : i32, i32
  }
  func.func @transform_5(%arg0: i32) -> (i32, i32) {
    %c0_i32 = arith.constant 0 : i32
    %c0_i32_0 = arith.constant 0 : i32
    %c0_i32_1 = arith.constant 0 : i32
    return %c0_i32, %c0_i32_0 : i32, i32
  }
  func.func @transform_6(%arg0: i32) -> (i32, i32) {
    %c0_i32 = arith.constant 0 : i32
    %c0_i32_0 = arith.constant 0 : i32
    return %arg0, %c0_i32 : i32, i32
  }
  func.func @transform_7(%arg0: i32) -> (i32, i32) {
    %c0_i32 = arith.constant 0 : i32
    %c0_i32_0 = arith.constant 0 : i32
    return %arg0, %c0_i32 : i32, i32
  }
}

module attributes {stable_mosaic.version = 14 : i64} {
  func.func @_tc3_body(%arg0: i32, %arg1: memref<1000x64xf32, #tpu.memory_space<vmem>>, %arg2: memref<2x1000x64xf32, #tpu.memory_space<vmem>>, %arg3: memref<2x1000x16xf32, #tpu.memory_space<vmem>>, %arg4: memref<1000x64xf32, #tpu.memory_space<vmem>>) attributes {dimension_semantics = [#tpu.dimension_semantics<arbitrary>], iteration_bounds = array<i64: 10>, scalar_prefetch = 0 : i64, scratch_operands = 0 : i64, tpu.core_type = #tpu.core_type<tc>, window_params = [{transform_indices = @transform_0, window_bounds = array<i64: 1000, 64>}, {transform_indices = @transform_1, window_bounds = array<i64: 2, 1000, 64>}, {transform_indices = @transform_2, window_bounds = array<i64: 2, 1000, 16>}, {transform_indices = @transform_3, window_bounds = array<i64: 1000, 64>}]} {
    %get3A = arith.constant 0 : index
    %get3A_0 = arith.constant 0 : index
    %get3A_1 = arith.constant 0 : index
    %get3A_2 = vector.load %arg3[%get3A, %get3A_0, %get3A_1] : memref<2x1000x16xf32, #tpu.memory_space<vmem>>, vector<1x1000x1xf32>
    %get3A_3 = vector.shape_cast %get3A_2 : vector<1x1000x1xf32> to vector<1000x1xf32>
    %get3A_4 = arith.constant 1 : index
    %get3A_5 = arith.constant 0 : index
    %get3A_6 = arith.constant 0 : index
    %get3A_7 = vector.load %arg3[%get3A_4, %get3A_5, %get3A_6] : memref<2x1000x16xf32, #tpu.memory_space<vmem>>, vector<1x1000x1xf32>
    %get3A_8 = vector.shape_cast %get3A_7 : vector<1x1000x1xf32> to vector<1000x1xf32>
    %add3A = arith.addf %get3A_3, %get3A_8 : vector<1000x1xf32>
    %gt3A = arith.constant 0.000000e+00 : f32
    %gt3A_9 = vector.broadcast %gt3A : f32 to vector<1000x1xf32>
    %gt3A_10 = arith.cmpf ogt, %add3A, %gt3A_9 : vector<1000x1xf32>
    %rsqrt3A = math.rsqrt %add3A : vector<1000x1xf32>
    %jit3A = arith.constant 0.000000e+00 : f32
    %broadcast_in_dim3A = vector.broadcast %jit3A : f32 to vector<1000x1xf32>
    %select_n3A = arith.select %gt3A_10, %rsqrt3A, %broadcast_in_dim3A : vector<1000x1xi1>, vector<1000x1xf32>
    %get3A_11 = arith.constant 0 : index
    %get3A_12 = arith.constant 0 : index
    %get3A_13 = vector.load %arg1[%get3A_11, %get3A_12] : memref<1000x64xf32, #tpu.memory_space<vmem>>, vector<1000x64xf32>
    %get3A_14 = arith.constant 0 : index
    %get3A_15 = arith.constant 0 : index
    %get3A_16 = arith.constant 0 : index
    %get3A_17 = vector.load %arg2[%get3A_14, %get3A_15, %get3A_16] : memref<2x1000x64xf32, #tpu.memory_space<vmem>>, vector<1x1000x64xf32>
    %get3A_18 = vector.shape_cast %get3A_17 : vector<1x1000x64xf32> to vector<1000x64xf32>
    %get3A_19 = arith.constant 1 : index
    %get3A_20 = arith.constant 0 : index
    %get3A_21 = arith.constant 0 : index
    %get3A_22 = vector.load %arg2[%get3A_19, %get3A_20, %get3A_21] : memref<2x1000x64xf32, #tpu.memory_space<vmem>>, vector<1x1000x64xf32>
    %get3A_23 = vector.shape_cast %get3A_22 : vector<1x1000x64xf32> to vector<1000x64xf32>
    %add3A_24 = arith.addf %get3A_18, %get3A_23 : vector<1000x64xf32>
    %mul3A = vector.broadcast %select_n3A : vector<1000x1xf32> to vector<1000x64xf32>
    %mul3A_25 = arith.mulf %mul3A, %add3A_24 : vector<1000x64xf32>
    %sub3A = arith.subf %get3A_13, %mul3A_25 : vector<1000x64xf32>
    %swap3A = arith.constant 0 : index
    %swap3A_26 = arith.constant 0 : index
    %swap3A_27 = vector.load %arg4[%swap3A, %swap3A_26] : memref<1000x64xf32, #tpu.memory_space<vmem>>, vector<1000x64xf32>
    tpu.vector_store %arg4[%swap3A, %swap3A_26], %sub3A {strides = array<i32>} : memref<1000x64xf32, #tpu.memory_space<vmem>>, vector<1000x64xf32>,
    return
  }
  func.func @transform_0(%arg0: i32) -> (i32, i32) {
    %c0_i32 = arith.constant 0 : i32
    %c0_i32_0 = arith.constant 0 : i32
    return %arg0, %c0_i32 : i32, i32
  }
  func.func @transform_1(%arg0: i32) -> (i32, i32, i32) {
    %c0_i32 = arith.constant 0 : i32
    %c0_i32_0 = arith.constant 0 : i32
    %c0_i32_1 = arith.constant 0 : i32
    return %c0_i32, %arg0, %c0_i32_0 : i32, i32, i32
  }
  func.func @transform_2(%arg0: i32) -> (i32, i32, i32) {
    %c0_i32 = arith.constant 0 : i32
    %c0_i32_0 = arith.constant 0 : i32
    %c0_i32_1 = arith.constant 0 : i32
    return %c0_i32, %arg0, %c0_i32_0 : i32, i32, i32
  }
  func.func @transform_3(%arg0: i32) -> (i32, i32) {
    %c0_i32 = arith.constant 0 : i32
    %c0_i32_0 = arith.constant 0 : i32
    return %arg0, %c0_i32 : i32, i32
  }
}

</mosaic_0001>

<sc_bundles>
// kernel: kernel.11.cloned.1.call-start
scs
__scs_entry_jumppad:
0x0: {  	(pc) =	sbr.rel $0x88, $3  }
0x1: {  	(tag) =	ssettag $0x0;
	lr =	simm.s32 $0x1  }
0x2: {  	[smem:$0x3F99] =	sst lr;
	_ =	strace $0xD0000000  }
0x3: {  	_ = 	snop  }
0x4: {  	_ = 	snop  }
0x5: {  	_ = 	snop  }
0x6: {  	_ = 	snop  }
0x7: {  	_ = 	snop  }
__scs_overlays_trampoline_lowered:
0x8: {  	[smem:$0x3FA8] =	sst s0  }
0x9: {  	[smem:$0x3FA9] =	sst s1  }
0xa: {  	[smem:$0x3FAA] =	sst s2  }
0xb: {  	[smem:$0x3FAB] =	sst s3  }
0xc: {  	[smem:$0x3FAC] =	sst s4  }
0xd: {  	[smem:$0x3FAD] =	sst s5  }
0xe: {  	[smem:$0x3FAE] =	sst s6  }
0xf: {  	[smem:$0x3FAF] =	sst s7  }
0x10: {  	[smem:$0x3FB0] =	sst s8  }
0x11: {  	[smem:$0x3FB1] =	sst s9;
	s0 =	simm.s32 @!p0 $0x0  }
0x12: {  	s1 =	sld [smem:$0x3F97];
	s0 =	simm.s32 @p0 $0x1  }
0x13: {  	[smem:$0x3FB2] =	sst s0;
	s0 =	simm.s32 @!p1 $0x0  }
0x14: {  	s2 =	sld [smem:$0x3F96];
	s0 =	simm.s32 @p1 $0x1  }
0x15: {  	[smem:$0x3FB3] =	sst s0;
	s0 =	simm.s32 @!p2 $0x0  }
0x16: {  	s3 =	sld [smem:$0x3FDB];
	s0 =	simm.s32 @p2 $0x1  }
0x17: {  	s4 =	simm.s32 $0x1BF5;
	[smem:$0x3FB5] =	sst s0  }
0x18: {  	s0 =	sld [smem:$0x3F98];
	_ =	swait.ge [sflag:s4], $0x0  }
0x19: {  	s7 =	sld [smem:$0x3F99]  }
0x1a: {  	s8 =	sadd.s32 $0xFFFFE003, lr  }
0x1b: {  	s9 =	sadd.s32 $0xFFFFFEF7, lr;
	s5 =	simm.s32 $0xFFFFFFFF;
	p2 =	slt.u32 s8, $0xFFFFF086  }
0x1c: {  	p1 =	slt.u32 s9, $0xF7A;
	s5 =	simm.s32 @!p2 $0x0  }
0x1d: {  	s5 =	simm.s32 @p1 $0x1;
	p0 =	seq.s32 s7, s2  }
0x1e: {  	s7 =	smul.u32 @!p0 $0xF7A, s2;
	p2 =	seq.s32 @!p0 s5, $0x0  }
0x1f: {  	s9 =	smul.u32 $0xF7A, s1;
	s8 =	simm.s32 @!p0 $0x1BF5;
	p2 =	por !p2, p0  }
0x20: {  	[sflag:s8] =	ssyncset.s32 @!p0 $0xFFFFF086;
	s6 =	sadd.s32 @!p0 s3, s7;
	s7 =	simm.s32 @!p0 $0x108  }
0x21: {  	s3 =	sadd.s32 s3, s9;
	s6 =	sadd.s32 @!p0 $0x88, s6;
	s7 =	simm.s32 @p2 $0x1082  }
0x22: {  	[simem:s7], [sflag:s8] =	dma.local @!p0 [hbm:s6], $0xF7A  }
0x23: {  	s9 =	sor.u32 $0xD0000000, s2;
	s6 =	simm.s32 $0x108;
	_ =	swait.ge @!p0 [sflag:s8], $0x0  }
0x24: {  	s3 =	sadd.s32 $0x88, s3;
	s6 =	simm.s32 @!p1 $0x1082;
	[sflag:s4] =	ssyncset.s32 $0xFFFFF086  }
0x25: {  	[simem:s6], [sflag:s4] =	dma.local [hbm:s3], $0xF7A  }
0x26: {  	[smem:$0x3F99] =	sst s1;
	(tag) =	ssettag s2;
	_ =	strace s9  }
0x27: {  	s1 =	sld [smem:$0x3FA9]  }
0x28: {  	s2 =	sld [smem:$0x3FAA]  }
0x29: {  	s4 =	sld [smem:$0x3FAC]  }
0x2a: {  	p0 =	seq.s32 s5, $0x0;
	s5 =	sld [smem:$0x3FAD]  }
0x2b: {  	s6 =	sld [smem:$0x3FAE]  }
0x2c: {  	s7 =	sld [smem:$0x3FAF]  }
0x2d: {  	s3 =	simm.s32 $0x108;
	s8 =	sld [smem:$0x3FB0]  }
0x2e: {  	s3 =	simm.s32 @!p0 $0x1082;
	s9 =	sld [smem:$0x3FB1]  }
0x2f: {  	lr =	sadd.s32 s0, s3;
	s0 =	sld [smem:$0x3FA8]  }
0x30: {  	s3 =	sld [smem:$0x3FAB]  }
0x31: {  	[smem:$0x3FB4] =	sst s10  }
0x32: {  	s10 =	sld [smem:$0x3FB2];
	_ =	sdelay $0x3  }
0x33: {  	p0 =	seq.s32 s10, $0x1;
	s10 =	sld [smem:$0x3FB4];
	_ =	sdelay $0x3  }
0x34: {  	[smem:$0x3FB4] =	sst s10  }
0x35: {  	s10 =	sld [smem:$0x3FB3];
	_ =	sdelay $0x3  }
0x36: {  	p1 =	seq.s32 s10, $0x1;
	s10 =	sld [smem:$0x3FB4];
	_ =	sdelay $0x3  }
0x37: {  	[smem:$0x3FB4] =	sst s10  }
0x38: {  	s10 =	sld [smem:$0x3FB5]  }
0x39: {  	_ = 	snop;
	(pc) =	sbr.ind lr, $3  }
0x3a: {  	_ = 	snop  }
0x3b: {  	_ = 	snop  }
0x3c: {  	p2 =	seq.s32 s10, $0x1;
	s10 =	sld [smem:$0x3FB4]  }
0x3d: {  	_ =	shalt  }
0x3e: {  	_ =	shalt  }
0x3f: {  	_ =	shalt  }
0x40: {  	_ =	shalt  }
0x41: {  	_ =	shalt  }
0x42: {  	_ =	shalt  }
0x43: {  	_ =	shalt  }
0x44: {  	_ =	shalt  }
0x45: {  	_ =	shalt  }
0x46: {  	_ =	shalt  }
0x47: {  	_ =	shalt  }
0x48: {  	_ =	shalt  }
0x49: {  	_ =	shalt  }
0x4a: {  	_ =	shalt  }
0x4b: {  	_ =	shalt  }
0x4c: {  	_ =	shalt  }
0x4d: {  	_ =	shalt  }
0x4e: {  	_ =	shalt  }
0x4f: {  	_ =	shalt  }
0x50: {  	_ =	shalt  }
0x51: {  	_ =	shalt  }
0x52: {  	_ =	shalt  }
0x53: {  	_ =	shalt  }
0x54: {  	_ =	shalt  }
0x55: {  	_ =	shalt  }
0x56: {  	_ =	shalt  }
0x57: {  	_ =	shalt  }
0x58: {  	_ =	shalt  }
0x59: {  	_ =	shalt  }
0x5a: {  	_ =	shalt  }
0x5b: {  	_ =	shalt  }
0x5c: {  	_ =	shalt  }
0x5d: {  	_ =	shalt  }
0x5e: {  	_ =	shalt  }
0x5f: {  	_ =	shalt  }
0x60: {  	_ =	shalt  }
0x61: {  	_ =	shalt  }
0x62: {  	_ =	shalt  }
0x63: {  	_ =	shalt  }
0x64: {  	_ =	shalt  }
0x65: {  	_ =	shalt  }
0x66: {  	_ =	shalt  }
0x67: {  	_ =	shalt  }
0x68: {  	_ =	shalt  }
0x69: {  	_ =	shalt  }
0x6a: {  	_ =	shalt  }
0x6b: {  	_ =	shalt  }
0x6c: {  	_ =	shalt  }
0x6d: {  	_ =	shalt  }
0x6e: {  	_ =	shalt  }
0x6f: {  	_ =	shalt  }
0x70: {  	_ =	shalt  }
0x71: {  	_ =	shalt  }
0x72: {  	_ =	shalt  }
0x73: {  	_ =	shalt  }
0x74: {  	_ =	shalt  }
0x75: {  	_ =	shalt  }
0x76: {  	_ =	shalt  }
0x77: {  	_ =	shalt  }
0x78: {  	_ =	shalt  }
0x79: {  	_ =	shalt  }
0x7a: {  	_ =	shalt  }
0x7b: {  	_ =	shalt  }
0x7c: {  	_ =	shalt  }
0x7d: {  	_ =	shalt  }
0x7e: {  	_ =	shalt  }
0x7f: {  	_ =	shalt  }
0x80: {  	_ =	shalt  }
0x81: {  	_ =	shalt  }
0x82: {  	_ =	shalt  }
0x83: {  	_ =	shalt  }
0x84: {  	_ =	shalt  }
0x85: {  	_ =	shalt  }
0x86: {  	_ =	shalt  }
0x87: {  	_ =	shalt  }
.Lfunc_end0:
.L_simem_size_0:
called_computation.1_lowered:
.L_overlay_start_0:
0x88: {  	s2 =	sld [smem:$0x3FD9]  }
0x89: {  	s3 =	sld [smem:$0x3FFE];
	_ =	sdelay $0x1  }
0x8a: {  	s1 =	srdreg.scid  }
0x8b: {  	s0 =	sand.u32 $0x1, s1  }
0x8c: {  	s16 =	sshll.u32 s0, $0xA;
	s2 =	sadd.s32 s3, s2  }
0x8d: {  	s2 =	sadd.s32 s2, s16  }
0x8e: {  	[smem:$0x3FC0] =	sst s2  }
0x8f: {  	_ = 	snop  }
0x90: {  	(tm) =	ssettm $0x1  }
0x91: {  	s17 =	sld [smem:$0x3FFB];
	_ =	sdelay $0x3  }
0x92: {  	_ =	strace s17  }
0x93: {  	s2 =	sld [smem:$0x3FFC];
	_ =	sdelay $0x3  }
0x94: {  	_ =	strace s2  }
0x95: {  	s2 =	sld [smem:$0x3FFD];
	_ =	sdelay $0x3  }
0x96: {  	_ =	strace s2  }
0x97: {  	_ =	strace $0x8FFFFFFF  }
0x98: {  	s18 =	sld [smem:$0x3FDB];
	_ =	sdelay $0x1  }
0x99: {  	s19 =	simm.s32 $_scs_section_size  }
0x9a: {  	s4 =	simm.s32 $_size__tile_overlayer_lowered;
	s5 =	simm.s32 $_tile_overlayer_lowered  }
0x9b: {  	s22 =	simm.s32 $0x1BFF;
	s21 =	sshll.u32 s5, $0x1;
	s2 =	sadd.s32 s19, s18  }
0x9c: {  	s6 =	simm.s32 $0x0;
	s20 =	sshll.u32 s4, $0x1;
	s4 =	sadd.s32 s21, s2  }
0x9d: {  	[timem:s6], [sflag:s22] =	dma.local [hbm:s4], s20  }
0x9e: {  	_ =	swait.ge [sflag:s22], s20  }
0x9f: {  	s3 =	ssub.s32 $0x0, s20;
	[sflag:s22] =	ssyncset.done $0x0  }
0xa0: {  	[sflag:s22] =	ssyncadd.s32 s3;
	_ =	sdelay $0x1  }
0xa1: {  	s23 =	simm.s32 $0x1B8B  }
0xa2: {  	_ =	swait.ge [sflag:s23], $0x1  }
0xa3: {  	[sflag:s23] =	ssyncset.done $0x0  }
0xa4: {  	s25 =	simm.s32 $0x1B8E;
	s24 =	sld [smem:$0x3FFE];
	[sflag:s23] =	ssyncadd.s32 $0xFFFFFFFF  }
0xa5: {  	s26 =	simm.s32 $execute0_lowered;
	[smem:$0x3FD2] =	sst s25  }
0xa6: {  	s4 =	sshll.u32 s26, $0x1;
	_ =	strace $0x80000049;
	[dreg:$0x1] =	wrdreg $0xFFFFFFFF  }
0xa7: {  	s28 =	simm.s32 $_size_execute0_lowered;
	s2 =	sadd.s32 s2, s4;
	[dreg:$0x0] =	wrdreg $0x0  }
0xa8: {  	s4 =	sshll.u32 s28, $0x1;
	[dreg:$0x2] =	wrdreg s2  }
0xa9: {  	[dreg:$0x3] =	wrdreg s4  }
0xaa: {  	[dreg:$0x4] =	wrdreg $0xC0  }
0xab: {  	_ =	task [dreg:s6], $0x5FFFF  }
0xac: {  	[dreg:$0x1] =	wrdreg $0xFFFFFFFF  }
0xad: {  	[dreg:$0x0] =	wrdreg $0x60  }
0xae: {  	[dreg:$0x2] =	wrdreg s24  }
0xaf: {  	[dreg:$0x3] =	wrdreg $0x4E200  }
0xb0: {  	[dreg:$0x4] =	wrdreg $0x9  }
0xb1: {  	_ =	task.clear_ibuf [dreg:s6], $0x5FFFF;
	_ =	strace $0x90000049  }
0xb2: {  	s29 =	simm.s32 $0x9;
	_ =	strace $0x8000004B  }
0xb3: {  	_ =	swait.ge [sflag:s29], $0x1  }
0xb4: {  	[sflag:s29] =	ssyncadd.s32 $0xFFFFFFFF  }
0xb5: {  	_ =	strace $0x9000004B  }
0xb6: {  	_ =	sfence  }
0xb7: {  	s30 =	sld [smem:$0x0];
	_ =	sdelay $0x2  }
0xb8: {  	s31 =	sshll.u32 s1, $0xD;
	s1 =	sshrl.u32 s1, $0x2  }
0xb9: {  	s3 =	sand.u32 $0x4000, s31;
	s1 =	sadd.s32 s1, s30  }
0xba: {  	s0 =	sor.u32 s3, s0;
	s1 =	sshll.u32 s1, $0x11  }
0xbb: {  	s0 =	sor.u32 s1, s0  }
0xbc: {  	s0 =	sadd.s32 $0x8F2B, s0  }
0xbd: {  	[sflag:s0] =	ssyncadd.remote.s32 $0x1  }
0xbe: {  	_ =	sfence.sel $0xFFFF  }
0xbf: {  	[dreg:$0x0] =	wrdreg $0xFFFFFFFF;
	(pc) =	sbr.abs _section_cstart, $3  }
0xc0: {  	[dreg:$0x1] =	wrdreg $0xFFFFFFFF  }
0xc1: {  	_ =	task.clear_ibuf [dreg:s6], $0x2FFFF;
	_ =	strace $0x9FFFFFFF  }
0xc2: {  	(tm) =	ssettm $0x7FFFFFFF  }
0xc3: {  	_ =	shalt  }
tec
execute0_lowered:
.L_overlay_start_1:
0x0: {  	(tag) =	ssettag $0x1  }
0x1: {  	s1 =	srdreg.scid;
	s0 =	rddreg [dreg:$0x0]  }
0x2: {  	s5 =	stileid.u32;
	s8 =	sand.u32 $0x1, s1;
	s1 =	simm.s32 $0x0  }
0x3: {  	s14 =	sadd.s32 $0x8CC00, s0;
	s2 =	sshll.u32 s8, $0x4;
	s16 =	smul.u32 $0x140000, s8  }
0x4: {  	s4 =	ssub.s32 $0x2, s8;
	s3 =	sor.u32 s5, s2;
	s2 =	smul.u32 $0x14000, s5  }
0x5: {  	[smem:$0x7FF] =	sst s1;
	s19 =	sshrl.u32 s4, $0x1;
	s3 =	smul.u32 $0x4E2, s3  }
0x6: {  	s6 =	ssub.s32 s4, s19;
	s4 =	sor.u32 $0x1400, s2;
	s5 =	sor.u32 $0x2800, s2  }
0x7: {  	s7 =	sor.u32 $0x3C00, s2;
	s8 =	sadd.s32 $0x5000, s2;
	s9 =	sadd.s32 $0x6400, s2  }
0x8: {  	s10 =	sadd.s32 $0x7800, s2;
	s11 =	sadd.s32 $0x8C00, s2;
	s12 =	sadd.s32 $0xA000, s2  }
0x9: {  	s15 =	sadd.s32 s2, s16;
	s13 =	sadd.s32 $0xB400, s2;
	s6 =	smax.u32 s6, $0x1  }
0xa: {  	s17 =	sshrl.u32 s15, $0x3;
	s18 =	sadd.s32 s16, s4;
	s15 =	sadd.s32 $0xC800, s2  }
0xb: {  	s21 =	sadd.s32 s16, s5;
	s22 =	sadd.s32 s16, s7;
	s19 =	sadd.s32 s16, s8  }
0xc: {  	s25 =	sadd.s32 s16, s9;
	s26 =	sadd.s32 s16, s10;
	s28 =	sadd.s32 s16, s11  }
0xd: {  	s17 =	sadd.s32 s14, s17;
	s20 =	sshrl.u32 s18, $0x3;
	s18 =	sshrl.u32 s22, $0x3  }
0xe: {  	s24 =	sshrl.u32 s19, $0x3;
	s19 =	sadd.s32 s16, s12;
	[dreg:$0x3] =	wrdreg s17  }
0xf: {  	s17 =	sadd.s32 s14, s20;
	s23 =	sadd.s32 s14, s18;
	s18 =	sshrl.u32 s26, $0x3  }
0x10: {  	s20 =	sadd.s32 s16, s13;
	[dreg:$0x4] =	wrdreg s17;
	s17 =	sshrl.u32 s21, $0x3  }
0x11: {  	[dreg:$0x6] =	wrdreg s23;
	s29 =	sadd.s32 s14, s18;
	s17 =	sadd.s32 s14, s17  }
0x12: {  	s18 =	sshrl.u32 s28, $0x3;
	[dreg:$0x5] =	wrdreg s17;
	s17 =	sadd.s32 s14, s24  }
0x13: {  	s21 =	sadd.s32 s16, s15;
	[dreg:$0x7] =	wrdreg s17;
	s17 =	sshrl.u32 s25, $0x3  }
0x14: {  	[dreg:$0x9] =	wrdreg s29;
	s23 =	sshrl.u32 s21, $0x3;
	s17 =	sadd.s32 s14, s17  }
0x15: {  	s21 =	sadd.s32 $0x10400, s2;
	[dreg:$0x8] =	wrdreg s17;
	s17 =	sadd.s32 s14, s18  }
0x16: {  	s29 =	sadd.s32 s3, s0;
	s18 =	sshrl.u32 s20, $0x3;
	[dreg:$0xa] =	wrdreg s17  }
0x17: {  	s17 =	sshrl.u32 s19, $0x3;
	s22 =	sadd.s32 s14, s18;
	s18 =	sadd.s32 $0xDC00, s2  }
0x18: {  	s19 =	sadd.s32 $0xF000, s2;
	s17 =	sadd.s32 s14, s17;
	[dreg:$0xc] =	wrdreg s22  }
0x19: {  	s24 =	sadd.s32 s16, s18;
	s20 =	sadd.s32 s16, s19;
	s22 =	sadd.s32 s16, s21  }
0x1a: {  	[dreg:$0xb] =	wrdreg s17;
	s17 =	sadd.s32 s14, s23;
	s20 =	sshrl.u32 s20, $0x3  }
0x1b: {  	s26 =	sshrl.u32 s22, $0x3;
	s22 =	sadd.s32 $0x11800, s2;
	s23 =	sadd.s32 $0x12C00, s2  }
0x1c: {  	[dreg:$0xd] =	wrdreg s17;
	s17 =	sshrl.u32 s24, $0x3;
	s25 =	sadd.s32 s14, s20  }
0x1d: {  	s28 =	sadd.s32 s16, s22;
	s17 =	sadd.s32 s14, s17;
	[dreg:$0xf] =	wrdreg s25  }
0x1e: {  	s16 =	sadd.s32 s16, s23;
	[dreg:$0xe] =	wrdreg s17;
	s17 =	sadd.s32 s14, s26  }
0x1f: {  	s20 =	sshrl.u32 s28, $0x3;
	s16 =	sshrl.u32 s16, $0x3;
	[dreg:$0x10] =	wrdreg s17  }
0x20: {  	s28 =	sadd.s32 $0xBC00, s29;
	s20 =	sadd.s32 s14, s20;
	s17 =	rddreg [dreg:$0x1]  }
0x21: {  	s29 =	sadd.s32 $0x1E00, s29;
	s14 =	sadd.s32 s14, s16;
	[dreg:$0x11] =	wrdreg s20  }
0x22: {  	[dreg:$0x12] =	wrdreg s14;
	s20 =	sadd.s32 $0x65A00, s0;
	s14 =	simm.s32 $0x1B620  }
0x23: {  	_ =	strace $0x8000004A;
	s25 =	sadd.s32 s2, s17;
	s26 =	sadd.s32 s4, s17  }
0x24: {  	s5 =	sadd.s32 s5, s17;
	s7 =	sadd.s32 s7, s17;
	s8 =	sadd.s32 s8, s17  }
0x25: {  	s9 =	sadd.s32 s9, s17;
	s16 =	sadd.s32 s10, s17;
	[dreg:$0x19] =	wrdreg s28  }
0x26: {  	s24 =	sadd.s32 s11, s17;
	s30 =	sadd.s32 s12, s17;
	[dreg:$0x1a] =	wrdreg s29  }
0x27: {  	s31 =	sadd.s32 s13, s17;
	s0 =	sadd.s32 s18, s17;
	[dreg:$0x1b] =	wrdreg s6  }
0x28: {  	s2 =	sadd.s32 s19, s17;
	s3 =	sadd.s32 s21, s17;
	[dreg:$0x13] =	wrdreg s5  }
0x29: {  	s4 =	sadd.s32 s22, s17;
	s10 =	simm.s32 $0x6;
	[dreg:$0x14] =	wrdreg s7  }
0x2a: {  	s11 =	simm.s32 $0x7;
	s12 =	simm.s32 $0x28;
	[dreg:$0x15] =	wrdreg s8  }
0x2b: {  	s13 =	simm.s32 $0x1A220;
	s18 =	simm.s32 $0x1DE20;
	[dreg:$0x16] =	wrdreg s9  }
0x2c: {  	s19 =	simm.s32 $0x1;
	s6 =	simm.s32 $0x2;
	[dreg:$0x17] =	wrdreg s16  }
0x2d: {  	s21 =	simm.s32 $0x5;
	s22 =	simm.s32 $0x0;
	[dreg:$0x18] =	wrdreg s24  }
0x2e: {  	s16 =	sadd.s32 s15, s17;
	s5 =	sadd.s32 s23, s17;
	s9 =	simm.s32 $0x18E20  }
0x2f: {  	v0 =	vimm.f32 $0.0e+00;
	s15 =	simm.s32 $0x1CA20;
	s7 =	simm.s32 $0x3;
	s8 =	simm.s32 $0x4  }
.LBB2_1:
0x30: {  	s23 =	simm.s32 $0x70;
	s24 =	simm.s32 $0x3C0  }
.LBB2_2:
0x31: {  	p0 =	sne.s32 s24, $0x4FC0;
	[tilespmem:s23+$0x18E20] =	vst v0  }
0x32: {  	[tilespmem:s23+$0x18DB0] =	vst v0  }
0x33: {  	[tilespmem:s23+$0x18DC0] =	vst v0  }
.Ltmp0:
0x34: {  	[tilespmem:s23+$0x18DD0] =	vst v0;
	(pc) =	sbr.rel @p0 .LBB2_2-.Ltmp0, $4  }
0x35: {  	[tilespmem:s23+$0x18DE0] =	vst v0  }
0x36: {  	[tilespmem:s23+$0x18DF0] =	vst v0  }
0x37: {  	[tilespmem:s23+$0x18E00] =	vst v0  }
0x38: {  	[tilespmem:s23+$0x18E10] =	vst v0;
	s23 =	sshra.s32 s24, $0x2;
	s24 =	sadd.s32 $0x200, s24  }
0x39: {  	[tilespmem:s23+$0x18E20] =	vst v0  }
0x3a: {  	[tilespmem:s23+$0x18DB0] =	vst v0  }
0x3b: {  	[tilespmem:s23+$0x18DC0] =	vst v0  }
0x3c: {  	[tilespmem:s23+$0x18DD0] =	vst v0  }
0x3d: {  	[tilespmem:s23+$0x18DE0] =	vst v0  }
0x3e: {  	[tilespmem:s23+$0x18DF0] =	vst v0  }
0x3f: {  	[tilespmem:s23+$0x18E00] =	vst v0  }
0x40: {  	[tilespmem:s23+$0x18E10] =	vst v0  }
0x41: {  	[spmem:s25] =	stream.linear.scatter [tilespmem:s9], [sflag:$0x6], $0x1400, $0x38;
	[tilespmem:$0x1F220] =	vst v63  }
0x42: {  	_ = 	snop  }
0x43: {  	[spmem:s26] =	stream.linear.scatter [tilespmem:s9], [sflag:$0x6], $0x1400, $0x38;
	[tilespmem:$0x1F220] =	vst v63  }
0x44: {  	s28 =	smov.u32 s25;
	s25 =	rddreg [dreg:$0x13]  }
0x45: {  	[spmem:s25] =	stream.linear.scatter [tilespmem:s9], [sflag:$0x6], $0x1400, $0x38;
	[tilespmem:$0x1F220] =	vst v63  }
0x46: {  	s29 =	smov.u32 s26;
	s26 =	rddreg [dreg:$0x14]  }
0x47: {  	[spmem:s26] =	stream.linear.scatter [tilespmem:s9], [sflag:$0x6], $0x1400, $0x38;
	[tilespmem:$0x1F220] =	vst v63  }
0x48: {  	s24 =	rddreg [dreg:$0x15]  }
0x49: {  	[spmem:s24] =	stream.linear.scatter [tilespmem:s9], [sflag:$0x6], $0x1400, $0x38;
	[tilespmem:$0x1F220] =	vst v63  }
0x4a: {  	s25 =	rddreg [dreg:$0x16]  }
0x4b: {  	[spmem:s25] =	stream.linear.scatter [tilespmem:s9], [sflag:$0x6], $0x1400, $0x38;
	[tilespmem:$0x1F220] =	vst v63  }
0x4c: {  	s26 =	rddreg [dreg:$0x17]  }
0x4d: {  	[spmem:s26] =	stream.linear.scatter [tilespmem:s9], [sflag:$0x6], $0x1400, $0x38;
	[tilespmem:$0x1F220] =	vst v63  }
0x4e: {  	s24 =	rddreg [dreg:$0x18]  }
0x4f: {  	[spmem:s24] =	stream.linear.scatter [tilespmem:s9], [sflag:$0x6], $0x1400, $0x38;
	[tilespmem:$0x1F220] =	vst v63  }
0x50: {  	_ = 	snop  }
0x51: {  	[spmem:s30] =	stream.linear.scatter [tilespmem:s9], [sflag:$0x6], $0x1400, $0x38;
	[tilespmem:$0x1F220] =	vst v63  }
0x52: {  	_ = 	snop  }
0x53: {  	[spmem:s31] =	stream.linear.scatter [tilespmem:s9], [sflag:$0x6], $0x1400, $0x38;
	[tilespmem:$0x1F220] =	vst v63  }
0x54: {  	_ = 	snop  }
0x55: {  	[spmem:s16] =	stream.linear.scatter [tilespmem:s9], [sflag:$0x6], $0x1400, $0x38;
	[tilespmem:$0x1F220] =	vst v63  }
0x56: {  	_ = 	snop  }
0x57: {  	[spmem:s0] =	stream.linear.scatter [tilespmem:s9], [sflag:$0x6], $0x1400, $0x38;
	[tilespmem:$0x1F220] =	vst v63  }
0x58: {  	_ = 	snop  }
0x59: {  	[spmem:s2] =	stream.linear.scatter [tilespmem:s9], [sflag:$0x6], $0x1400, $0x38;
	[tilespmem:$0x1F220] =	vst v63  }
0x5a: {  	_ = 	snop  }
0x5b: {  	[spmem:s3] =	stream.linear.scatter [tilespmem:s9], [sflag:$0x6], $0x1400, $0x38;
	[tilespmem:$0x1F220] =	vst v63  }
0x5c: {  	_ = 	snop  }
0x5d: {  	[spmem:s4] =	stream.linear.scatter [tilespmem:s9], [sflag:$0x6], $0x1400, $0x38;
	[tilespmem:$0x1F220] =	vst v63  }
0x5e: {  	_ = 	snop  }
0x5f: {  	[spmem:s5] =	stream.linear.scatter [tilespmem:s9], [sflag:$0x6], $0x1400, $0x38;
	[tilespmem:$0x1F220] =	vst v63  }
0x60: {  	_ =	swait.ge [sflag:s10], $0x1400  }
0x61: {  	[sflag:s10] =	ssyncset.done $0x0  }
0x62: {  	[sflag:s10] =	ssyncadd.s32 $0xFFFFEC00  }
0x63: {  	_ =	swait.ge [sflag:s10], $0x1400  }
0x64: {  	[sflag:s10] =	ssyncset.done $0x0  }
0x65: {  	[sflag:s10] =	ssyncadd.s32 $0xFFFFEC00  }
0x66: {  	_ =	swait.ge [sflag:s10], $0x1400  }
0x67: {  	[sflag:s10] =	ssyncset.done $0x0  }
0x68: {  	[sflag:s10] =	ssyncadd.s32 $0xFFFFEC00  }
0x69: {  	_ =	swait.ge [sflag:s10], $0x1400  }
0x6a: {  	[sflag:s10] =	ssyncset.done $0x0  }
0x6b: {  	[sflag:s10] =	ssyncadd.s32 $0xFFFFEC00  }
0x6c: {  	_ =	swait.ge [sflag:s10], $0x1400  }
0x6d: {  	[sflag:s10] =	ssyncset.done $0x0  }
0x6e: {  	[sflag:s10] =	ssyncadd.s32 $0xFFFFEC00  }
0x6f: {  	_ =	swait.ge [sflag:s10], $0x1400  }
0x70: {  	[sflag:s10] =	ssyncset.done $0x0  }
0x71: {  	[sflag:s10] =	ssyncadd.s32 $0xFFFFEC00  }
0x72: {  	_ =	swait.ge [sflag:s10], $0x1400  }
0x73: {  	[sflag:s10] =	ssyncset.done $0x0  }
0x74: {  	[sflag:s10] =	ssyncadd.s32 $0xFFFFEC00  }
0x75: {  	_ =	swait.ge [sflag:s10], $0x1400  }
0x76: {  	[sflag:s10] =	ssyncset.done $0x0  }
0x77: {  	[sflag:s10] =	ssyncadd.s32 $0xFFFFEC00  }
0x78: {  	_ =	swait.ge [sflag:s10], $0x1400  }
0x79: {  	[sflag:s10] =	ssyncset.done $0x0  }
0x7a: {  	[sflag:s10] =	ssyncadd.s32 $0xFFFFEC00  }
0x7b: {  	_ =	swait.ge [sflag:s10], $0x1400  }
0x7c: {  	[sflag:s10] =	ssyncset.done $0x0  }
0x7d: {  	[sflag:s10] =	ssyncadd.s32 $0xFFFFEC00  }
0x7e: {  	_ =	swait.ge [sflag:s10], $0x1400  }
0x7f: {  	[sflag:s10] =	ssyncset.done $0x0  }
0x80: {  	[sflag:s10] =	ssyncadd.s32 $0xFFFFEC00  }
0x81: {  	_ =	swait.ge [sflag:s10], $0x1400  }
0x82: {  	[sflag:s10] =	ssyncset.done $0x0  }
0x83: {  	[sflag:s10] =	ssyncadd.s32 $0xFFFFEC00  }
0x84: {  	_ =	swait.ge [sflag:s10], $0x1400  }
0x85: {  	[sflag:s10] =	ssyncset.done $0x0  }
0x86: {  	[sflag:s10] =	ssyncadd.s32 $0xFFFFEC00  }
0x87: {  	_ =	swait.ge [sflag:s10], $0x1400  }
0x88: {  	[sflag:s10] =	ssyncset.done $0x0  }
0x89: {  	[sflag:s10] =	ssyncadd.s32 $0xFFFFEC00  }
0x8a: {  	_ =	swait.ge [sflag:s10], $0x1400  }
0x8b: {  	[sflag:s10] =	ssyncset.done $0x0  }
0x8c: {  	[sflag:s10] =	ssyncadd.s32 $0xFFFFEC00  }
0x8d: {  	_ =	swait.ge [sflag:s10], $0x1400  }
0x8e: {  	[sflag:s10] =	ssyncset.done $0x0  }
0x8f: {  	s23 =	simm.s32 $0x0;
	s24 =	rddreg [dreg:$0x19];
	[sflag:s10] =	ssyncadd.s32 $0xFFFFEC00  }
0x90: {  	[tilespmem:s23], [sflag:$0x7] =	stream.linear.gather [hbm4b:s24+s23], $0x2710, $0x38;
	[tilespmem:$0x1F220] =	vst v63  }
0x91: {  	_ =	swait.ge [sflag:s11], $0x2710  }
0x92: {  	[sflag:s11] =	ssyncset.done $0x0  }
0x93: {  	s26 =	simm.s32 $0x2710;
	s25 =	rddreg [dreg:$0x1a];
	[sflag:s11] =	ssyncadd.s32 $0xFFFFD8F0  }
0x94: {  	[tilespmem:s26], [sflag:$0x7] =	stream.linear.gather [hbm4b:s25+s23], $0x2710, $0x38;
	[tilespmem:$0x1F220] =	vst v63  }
0x95: {  	_ =	swait.ge [sflag:s11], $0x2710  }
0x96: {  	[sflag:s11] =	ssyncset.done $0x0  }
0x97: {  	[sflag:s11] =	ssyncadd.s32 $0xFFFFD8F0  }
0x98: {  	s26 =	simm.s32 $0x0;
	[bflag:$0x0] =	sbarrier.arrive $0xFFFF  }
0x99: {  	[tilespmem:s9], [sflag:$0x1] =	stream.indirect.gather [hbm4b:s20+s12], $0x80, s26, s12, $0xb8;
	[tilespmem:$0x1F220] =	vst v63  }
0x9a: {  	s24 =	simm.s32 $0x28  }
0x9b: {  	[tilespmem:s13], [sflag:$0x2] =	stream.indirect.gather [hbm4b:s20+s12], $0x80, s24, s12, $0xb8;
	[tilespmem:$0x1F220] =	vst v63  }
0x9c: {  	s25 =	simm.s32 $0x50  }
0x9d: {  	[tilespmem:s14], [sflag:$0x3] =	stream.indirect.gather [hbm4b:s20+s12], $0x80, s25, s12, $0xb8;
	[tilespmem:$0x1F220] =	vst v63  }
0x9e: {  	s26 =	simm.s32 $0x78  }
0x9f: {  	[tilespmem:s15], [sflag:$0x4] =	stream.indirect.gather [hbm4b:s20+s12], $0x80, s26, s12, $0xb8;
	[tilespmem:$0x1F220] =	vst v63  }
0xa0: {  	s24 =	simm.s32 $0xA0  }
0xa1: {  	[tilespmem:s18], [sflag:$0x5] =	stream.indirect.gather [hbm4b:s20+s12], $0x80, s24, s12, $0xb8;
	[tilespmem:$0x1F220] =	vst v63  }
0xa2: {  	_ =	swait.ge [sflag:s19], $0x1400  }
0xa3: {  	[sflag:s19] =	ssyncset.done $0x0  }
0xa4: {  	s25 =	simm.s32 $0x2710;
	[sflag:s19] =	ssyncadd.s32 $0xFFFFEC00  }
0xa5: {  	[spmem:s17] =	stream.indirect.scatter.add.f32 [tilespmem:s9], [sflag:$0x6], $0x80, s25, s12, $0xb8;
	[tilespmem:$0x1F220] =	vst v63  }
0xa6: {  	_ =	swait.ge [sflag:s6], $0x1400  }
0xa7: {  	[sflag:s6] =	ssyncset.done $0x0  }
0xa8: {  	s26 =	simm.s32 $0x2738;
	[sflag:s6] =	ssyncadd.s32 $0xFFFFEC00  }
0xa9: {  	[spmem:s17] =	stream.indirect.scatter.add.f32 [tilespmem:s13], [sflag:$0x6], $0x80, s26, s12, $0xb8;
	[tilespmem:$0x1F220] =	vst v63  }
0xaa: {  	_ =	swait.ge [sflag:s7], $0x1400  }
0xab: {  	[sflag:s7] =	ssyncset.done $0x0  }
0xac: {  	s24 =	simm.s32 $0x2760;
	[sflag:s7] =	ssyncadd.s32 $0xFFFFEC00  }
0xad: {  	[spmem:s17] =	stream.indirect.scatter.add.f32 [tilespmem:s14], [sflag:$0x6], $0x80, s24, s12, $0xb8;
	[tilespmem:$0x1F220] =	vst v63  }
0xae: {  	_ =	swait.ge [sflag:s8], $0x1400  }
0xaf: {  	[sflag:s8] =	ssyncset.done $0x0  }
0xb0: {  	s25 =	simm.s32 $0x2788;
	[sflag:s8] =	ssyncadd.s32 $0xFFFFEC00  }
0xb1: {  	[spmem:s17] =	stream.indirect.scatter.add.f32 [tilespmem:s15], [sflag:$0x6], $0x80, s25, s12, $0xb8;
	[tilespmem:$0x1F220] =	vst v63  }
0xb2: {  	_ =	swait.ge [sflag:s21], $0x1400  }
0xb3: {  	[sflag:s21] =	ssyncset.done $0x0  }
0xb4: {  	s26 =	simm.s32 $0x27B0;
	[sflag:s21] =	ssyncadd.s32 $0xFFFFEC00  }
0xb5: {  	[spmem:s17] =	stream.indirect.scatter.add.f32 [tilespmem:s18], [sflag:$0x6], $0x80, s26, s12, $0xb8;
	[tilespmem:$0x1F220] =	vst v63  }
0xb6: {  	_ =	swait.ge [sflag:s10], $0x1400  }
0xb7: {  	[sflag:s10] =	ssyncset.done $0x0  }
0xb8: {  	[sflag:s10] =	ssyncadd.s32 $0xFFFFEC00  }
0xb9: {  	_ =	swait.ge [sflag:s10], $0x1400  }
0xba: {  	[sflag:s10] =	ssyncset.done $0x0  }
0xbb: {  	[sflag:s10] =	ssyncadd.s32 $0xFFFFEC00  }
0xbc: {  	_ =	swait.ge [sflag:s10], $0x1400  }
0xbd: {  	[sflag:s10] =	ssyncset.done $0x0  }
0xbe: {  	[sflag:s10] =	ssyncadd.s32 $0xFFFFEC00  }
0xbf: {  	_ =	swait.ge [sflag:s10], $0x1400  }
0xc0: {  	[sflag:s10] =	ssyncset.done $0x0  }
0xc1: {  	[sflag:s10] =	ssyncadd.s32 $0xFFFFEC00  }
0xc2: {  	_ =	swait.ge [sflag:s10], $0x1400  }
0xc3: {  	s23 =	simm.s32 $0x320;
	s24 =	simm.s32 $0x640;
	[sflag:s10] =	ssyncset.done $0x0  }
.LBB2_4:
0xc4: {  	s25 =	sshra.s32 s23, $0x2  }
0xc5: {  	[sflag:s10] =	ssyncadd.s32 $0xFFFFEC00;
	s23 =	smov.u32 s24;
	s26 =	sadd.s32 $0x320, s24  }
0xc6: {  	[tilespmem:s9], [sflag:$0x1] =	stream.indirect.gather [hbm4b:s20+s12], $0x80, s25, s12, $0xb8;
	[tilespmem:$0x1F220] =	vst v63  }
0xc7: {  	p0 =	sne.s32 s24, $0x9920;
	s24 =	sadd.s32 $0x28, s25  }
0xc8: {  	[tilespmem:s13], [sflag:$0x2] =	stream.indirect.gather [hbm4b:s20+s12], $0x80, s24, s12, $0xb8;
	[tilespmem:$0x1F220] =	vst v63  }
0xc9: {  	s24 =	sadd.s32 $0x50, s25  }
0xca: {  	[tilespmem:s14], [sflag:$0x3] =	stream.indirect.gather [hbm4b:s20+s12], $0x80, s24, s12, $0xb8;
	[tilespmem:$0x1F220] =	vst v63  }
0xcb: {  	s24 =	sadd.s32 $0x78, s25  }
0xcc: {  	[tilespmem:s15], [sflag:$0x4] =	stream.indirect.gather [hbm4b:s20+s12], $0x80, s24, s12, $0xb8;
	[tilespmem:$0x1F220] =	vst v63  }
0xcd: {  	s24 =	sadd.s32 $0xA0, s25  }
0xce: {  	[tilespmem:s18], [sflag:$0x5] =	stream.indirect.gather [hbm4b:s20+s12], $0x80, s24, s12, $0xb8;
	[tilespmem:$0x1F220] =	vst v63  }
0xcf: {  	_ =	swait.ge [sflag:s19], $0x1400  }
0xd0: {  	[sflag:s19] =	ssyncset.done $0x0  }
0xd1: {  	s24 =	sadd.s32 $0x2710, s25;
	[sflag:s19] =	ssyncadd.s32 $0xFFFFEC00  }
0xd2: {  	[spmem:s17] =	stream.indirect.scatter.add.f32 [tilespmem:s9], [sflag:$0x6], $0x80, s24, s12, $0xb8;
	[tilespmem:$0x1F220] =	vst v63  }
0xd3: {  	_ =	swait.ge [sflag:s6], $0x1400  }
0xd4: {  	[sflag:s6] =	ssyncset.done $0x0  }
0xd5: {  	s24 =	sadd.s32 $0x2738, s25;
	[sflag:s6] =	ssyncadd.s32 $0xFFFFEC00  }
0xd6: {  	[spmem:s17] =	stream.indirect.scatter.add.f32 [tilespmem:s13], [sflag:$0x6], $0x80, s24, s12, $0xb8;
	[tilespmem:$0x1F220] =	vst v63  }
0xd7: {  	_ =	swait.ge [sflag:s7], $0x1400  }
0xd8: {  	[sflag:s7] =	ssyncset.done $0x0  }
0xd9: {  	s24 =	sadd.s32 $0x2760, s25;
	[sflag:s7] =	ssyncadd.s32 $0xFFFFEC00  }
0xda: {  	[spmem:s17] =	stream.indirect.scatter.add.f32 [tilespmem:s14], [sflag:$0x6], $0x80, s24, s12, $0xb8;
	[tilespmem:$0x1F220] =	vst v63  }
0xdb: {  	_ =	swait.ge [sflag:s8], $0x1400  }
0xdc: {  	[sflag:s8] =	ssyncset.done $0x0  }
0xdd: {  	s24 =	sadd.s32 $0x2788, s25;
	[sflag:s8] =	ssyncadd.s32 $0xFFFFEC00  }
0xde: {  	[spmem:s17] =	stream.indirect.scatter.add.f32 [tilespmem:s15], [sflag:$0x6], $0x80, s24, s12, $0xb8;
	[tilespmem:$0x1F220] =	vst v63  }
0xdf: {  	_ =	swait.ge [sflag:s21], $0x1400  }
0xe0: {  	[sflag:s21] =	ssyncset.done $0x0  }
0xe1: {  	s24 =	sadd.s32 $0x27B0, s25;
	[sflag:s21] =	ssyncadd.s32 $0xFFFFEC00  }
0xe2: {  	[spmem:s17] =	stream.indirect.scatter.add.f32 [tilespmem:s18], [sflag:$0x6], $0x80, s24, s12, $0xb8;
	[tilespmem:$0x1F220] =	vst v63  }
0xe3: {  	_ =	swait.ge [sflag:s10], $0x1400  }
0xe4: {  	[sflag:s10] =	ssyncset.done $0x0  }
0xe5: {  	[sflag:s10] =	ssyncadd.s32 $0xFFFFEC00  }
0xe6: {  	_ =	swait.ge [sflag:s10], $0x1400  }
0xe7: {  	[sflag:s10] =	ssyncset.done $0x0  }
0xe8: {  	[sflag:s10] =	ssyncadd.s32 $0xFFFFEC00  }
0xe9: {  	_ =	swait.ge [sflag:s10], $0x1400  }
0xea: {  	[sflag:s10] =	ssyncset.done $0x0  }
0xeb: {  	[sflag:s10] =	ssyncadd.s32 $0xFFFFEC00  }
.Ltmp1:
0xec: {  	_ =	swait.ge [sflag:s10], $0x1400;
	(pc) =	sbr.rel @p0 .LBB2_4-.Ltmp1, $4  }
0xed: {  	[sflag:s10] =	ssyncset.done $0x0  }
0xee: {  	[sflag:s10] =	ssyncadd.s32 $0xFFFFEC00  }
0xef: {  	_ =	swait.ge [sflag:s10], $0x1400  }
0xf0: {  	s24 =	smov.u32 s26;
	[sflag:s10] =	ssyncset.done $0x0  }
0xf1: {  	s23 =	sshra.s32 s23, $0x2;
	[sflag:s10] =	ssyncadd.s32 $0xFFFFEC00  }
0xf2: {  	[tilespmem:s9], [sflag:$0x1] =	stream.indirect.gather [hbm4b:s20+s12], $0x80, s23, s12, $0xb8;
	[tilespmem:$0x1F220] =	vst v63  }
0xf3: {  	s24 =	sadd.s32 $0x28, s23  }
0xf4: {  	[tilespmem:s13], [sflag:$0x2] =	stream.indirect.gather [hbm4b:s20+s12], $0x80, s24, s12, $0xb8;
	[tilespmem:$0x1F220] =	vst v63  }
0xf5: {  	s26 =	sadd.s32 $0x50, s23  }
0xf6: {  	[tilespmem:s14], [sflag:$0x3] =	stream.indirect.gather [hbm4b:s20+s12], $0x80, s26, s12, $0xb8;
	[tilespmem:$0x1F220] =	vst v63  }
0xf7: {  	s25 =	sadd.s32 $0x78, s23  }
0xf8: {  	[tilespmem:s15], [sflag:$0x4] =	stream.indirect.gather [hbm4b:s20+s12], $0x80, s25, s12, $0xb8;
	[tilespmem:$0x1F220] =	vst v63  }
0xf9: {  	s26 =	sadd.s32 $0xA0, s23  }
0xfa: {  	[tilespmem:s18], [sflag:$0x5] =	stream.indirect.gather [hbm4b:s20+s12], $0x80, s26, s12, $0xb8;
	[tilespmem:$0x1F220] =	vst v63  }
0xfb: {  	_ =	swait.ge [sflag:s19], $0x1400  }
0xfc: {  	[sflag:s19] =	ssyncset.done $0x0  }
0xfd: {  	s25 =	sadd.s32 $0x2710, s23;
	[sflag:s19] =	ssyncadd.s32 $0xFFFFEC00  }
0xfe: {  	[spmem:s17] =	stream.indirect.scatter.add.f32 [tilespmem:s9], [sflag:$0x6], $0x80, s25, s12, $0xb8;
	[tilespmem:$0x1F220] =	vst v63  }
0xff: {  	_ =	swait.ge [sflag:s6], $0x1400  }
0x100: {  	[sflag:s6] =	ssyncset.done $0x0  }
0x101: {  	s26 =	sadd.s32 $0x2738, s23;
	[sflag:s6] =	ssyncadd.s32 $0xFFFFEC00  }
0x102: {  	[spmem:s17] =	stream.indirect.scatter.add.f32 [tilespmem:s13], [sflag:$0x6], $0x80, s26, s12, $0xb8;
	[tilespmem:$0x1F220] =	vst v63  }
0x103: {  	_ =	swait.ge [sflag:s7], $0x1400  }
0x104: {  	[sflag:s7] =	ssyncset.done $0x0  }
0x105: {  	s25 =	sadd.s32 $0x2760, s23;
	[sflag:s7] =	ssyncadd.s32 $0xFFFFEC00  }
0x106: {  	[spmem:s17] =	stream.indirect.scatter.add.f32 [tilespmem:s14], [sflag:$0x6], $0x80, s25, s12, $0xb8;
	[tilespmem:$0x1F220] =	vst v63  }
0x107: {  	_ =	swait.ge [sflag:s8], $0x1400  }
0x108: {  	[sflag:s8] =	ssyncset.done $0x0  }
0x109: {  	s26 =	sadd.s32 $0x2788, s23;
	[sflag:s8] =	ssyncadd.s32 $0xFFFFEC00  }
0x10a: {  	[spmem:s17] =	stream.indirect.scatter.add.f32 [tilespmem:s15], [sflag:$0x6], $0x80, s26, s12, $0xb8;
	[tilespmem:$0x1F220] =	vst v63  }
0x10b: {  	_ =	swait.ge [sflag:s21], $0x1400  }
0x10c: {  	[sflag:s21] =	ssyncset.done $0x0  }
0x10d: {  	s23 =	sadd.s32 $0x27B0, s23;
	[sflag:s21] =	ssyncadd.s32 $0xFFFFEC00  }
0x10e: {  	[spmem:s17] =	stream.indirect.scatter.add.f32 [tilespmem:s18], [sflag:$0x6], $0x80, s23, s12, $0xb8;
	[tilespmem:$0x1F220] =	vst v63  }
0x10f: {  	_ =	swait.ge [sflag:s10], $0x1400  }
0x110: {  	[sflag:s10] =	ssyncset.done $0x0  }
0x111: {  	[sflag:s10] =	ssyncadd.s32 $0xFFFFEC00  }
0x112: {  	_ =	swait.ge [sflag:s10], $0x1400  }
0x113: {  	[sflag:s10] =	ssyncset.done $0x0  }
0x114: {  	[sflag:s10] =	ssyncadd.s32 $0xFFFFEC00  }
0x115: {  	_ =	swait.ge [sflag:s10], $0x1400  }
0x116: {  	[sflag:s10] =	ssyncset.done $0x0  }
0x117: {  	[sflag:s10] =	ssyncadd.s32 $0xFFFFEC00  }
0x118: {  	_ =	swait.ge [sflag:s10], $0x1400  }
0x119: {  	[sflag:s10] =	ssyncset.done $0x0  }
0x11a: {  	[sflag:s10] =	ssyncadd.s32 $0xFFFFEC00  }
0x11b: {  	_ =	swait.ge [sflag:s10], $0x1400  }
0x11c: {  	[sflag:s10] =	ssyncset.done $0x0  }
0x11d: {  	[sflag:s10] =	ssyncadd.s32 $0xFFFFEC00  }
0x11e: {  	[bflag:$0x0] =	sbarrier.arrive $0xFFFF  }
0x11f: {  	[tilespmem:s9], [sflag:$0x1] =	stream.linear.gather [spmem:s28], $0x1400, $0x38;
	[tilespmem:$0x1F220] =	vst v63  }
0x120: {  	_ =	swait.ge [sflag:s19], $0x1400  }
0x121: {  	[sflag:s19] =	ssyncset.done $0x0  }
0x122: {  	s25 =	smov.u32 s28;
	s28 =	rddreg [dreg:$0x3];
	[sflag:s19] =	ssyncadd.s32 $0xFFFFEC00  }
0x123: {  	[hbm4b:s28+s1] =	stream.linear.scatter [tilespmem:s9], [sflag:$0x1], $0x1400, $0x38;
	[tilespmem:$0x1F220] =	vst v63  }
0x124: {  	_ = 	snop  }
0x125: {  	[tilespmem:s13], [sflag:$0x2] =	stream.linear.gather [spmem:s29], $0x1400, $0x38;
	[tilespmem:$0x1F220] =	vst v63  }
0x126: {  	_ =	swait.ge [sflag:s6], $0x1400  }
0x127: {  	[sflag:s6] =	ssyncset.done $0x0  }
0x128: {  	s26 =	smov.u32 s29;
	s29 =	rddreg [dreg:$0x4];
	[sflag:s6] =	ssyncadd.s32 $0xFFFFEC00  }
0x129: {  	[hbm4b:s29+s1] =	stream.linear.scatter [tilespmem:s13], [sflag:$0x2], $0x1400, $0x38;
	[tilespmem:$0x1F220] =	vst v63  }
0x12a: {  	s24 =	rddreg [dreg:$0x13]  }
0x12b: {  	[tilespmem:s14], [sflag:$0x3] =	stream.linear.gather [spmem:s24], $0x1400, $0x38;
	[tilespmem:$0x1F220] =	vst v63  }
0x12c: {  	_ =	swait.ge [sflag:s7], $0x1400  }
0x12d: {  	[sflag:s7] =	ssyncset.done $0x0  }
0x12e: {  	s28 =	rddreg [dreg:$0x5];
	[sflag:s7] =	ssyncadd.s32 $0xFFFFEC00  }
0x12f: {  	[hbm4b:s28+s1] =	stream.linear.scatter [tilespmem:s14], [sflag:$0x3], $0x1400, $0x38;
	[tilespmem:$0x1F220] =	vst v63  }
0x130: {  	s29 =	rddreg [dreg:$0x14]  }
0x131: {  	[tilespmem:s15], [sflag:$0x4] =	stream.linear.gather [spmem:s29], $0x1400, $0x38;
	[tilespmem:$0x1F220] =	vst v63  }
0x132: {  	_ =	swait.ge [sflag:s8], $0x1400  }
0x133: {  	[sflag:s8] =	ssyncset.done $0x0  }
0x134: {  	s24 =	rddreg [dreg:$0x6];
	[sflag:s8] =	ssyncadd.s32 $0xFFFFEC00  }
0x135: {  	[hbm4b:s24+s1] =	stream.linear.scatter [tilespmem:s15], [sflag:$0x4], $0x1400, $0x38;
	[tilespmem:$0x1F220] =	vst v63  }
0x136: {  	s28 =	rddreg [dreg:$0x15]  }
0x137: {  	[tilespmem:s18], [sflag:$0x5] =	stream.linear.gather [spmem:s28], $0x1400, $0x38;
	[tilespmem:$0x1F220] =	vst v63  }
0x138: {  	_ =	swait.ge [sflag:s21], $0x1400  }
0x139: {  	[sflag:s21] =	ssyncset.done $0x0  }
0x13a: {  	s29 =	rddreg [dreg:$0x7];
	[sflag:s21] =	ssyncadd.s32 $0xFFFFEC00  }
0x13b: {  	[hbm4b:s29+s1] =	stream.linear.scatter [tilespmem:s18], [sflag:$0x5], $0x1400, $0x38;
	[tilespmem:$0x1F220] =	vst v63  }
0x13c: {  	_ =	swait.ge [sflag:s19], $0x1400  }
0x13d: {  	[sflag:s19] =	ssyncset.done $0x0  }
0x13e: {  	s24 =	rddreg [dreg:$0x16];
	[sflag:s19] =	ssyncadd.s32 $0xFFFFEC00  }
0x13f: {  	[tilespmem:s9], [sflag:$0x1] =	stream.linear.gather [spmem:s24], $0x1400, $0x38;
	[tilespmem:$0x1F220] =	vst v63  }
0x140: {  	_ =	swait.ge [sflag:s19], $0x1400  }
0x141: {  	[sflag:s19] =	ssyncset.done $0x0  }
0x142: {  	s28 =	rddreg [dreg:$0x8];
	[sflag:s19] =	ssyncadd.s32 $0xFFFFEC00  }
0x143: {  	[hbm4b:s28+s1] =	stream.linear.scatter [tilespmem:s9], [sflag:$0x1], $0x1400, $0x38;
	[tilespmem:$0x1F220] =	vst v63  }
0x144: {  	_ =	swait.ge [sflag:s6], $0x1400  }
0x145: {  	[sflag:s6] =	ssyncset.done $0x0  }
0x146: {  	s29 =	rddreg [dreg:$0x17];
	[sflag:s6] =	ssyncadd.s32 $0xFFFFEC00  }
0x147: {  	[tilespmem:s13], [sflag:$0x2] =	stream.linear.gather [spmem:s29], $0x1400, $0x38;
	[tilespmem:$0x1F220] =	vst v63  }
0x148: {  	_ =	swait.ge [sflag:s6], $0x1400  }
0x149: {  	[sflag:s6] =	ssyncset.done $0x0  }
0x14a: {  	s24 =	rddreg [dreg:$0x9];
	[sflag:s6] =	ssyncadd.s32 $0xFFFFEC00  }
0x14b: {  	[hbm4b:s24+s1] =	stream.linear.scatter [tilespmem:s13], [sflag:$0x2], $0x1400, $0x38;
	[tilespmem:$0x1F220] =	vst v63  }
0x14c: {  	_ =	swait.ge [sflag:s7], $0x1400  }
0x14d: {  	[sflag:s7] =	ssyncset.done $0x0  }
0x14e: {  	s28 =	rddreg [dreg:$0x18];
	[sflag:s7] =	ssyncadd.s32 $0xFFFFEC00  }
0x14f: {  	[tilespmem:s14], [sflag:$0x3] =	stream.linear.gather [spmem:s28], $0x1400, $0x38;
	[tilespmem:$0x1F220] =	vst v63  }
0x150: {  	_ =	swait.ge [sflag:s7], $0x1400  }
0x151: {  	[sflag:s7] =	ssyncset.done $0x0  }
0x152: {  	s29 =	rddreg [dreg:$0xa];
	[sflag:s7] =	ssyncadd.s32 $0xFFFFEC00  }
0x153: {  	[hbm4b:s29+s1] =	stream.linear.scatter [tilespmem:s14], [sflag:$0x3], $0x1400, $0x38;
	[tilespmem:$0x1F220] =	vst v63  }
0x154: {  	_ =	swait.ge [sflag:s8], $0x1400  }
0x155: {  	[sflag:s8] =	ssyncset.done $0x0  }
0x156: {  	[sflag:s8] =	ssyncadd.s32 $0xFFFFEC00  }
0x157: {  	[tilespmem:s15], [sflag:$0x4] =	stream.linear.gather [spmem:s30], $0x1400, $0x38;
	[tilespmem:$0x1F220] =	vst v63  }
0x158: {  	_ =	swait.ge [sflag:s8], $0x1400  }
0x159: {  	[sflag:s8] =	ssyncset.done $0x0  }
0x15a: {  	s24 =	rddreg [dreg:$0xb];
	[sflag:s8] =	ssyncadd.s32 $0xFFFFEC00  }
0x15b: {  	[hbm4b:s24+s1] =	stream.linear.scatter [tilespmem:s15], [sflag:$0x4], $0x1400, $0x38;
	[tilespmem:$0x1F220] =	vst v63  }
0x15c: {  	_ =	swait.ge [sflag:s21], $0x1400  }
0x15d: {  	[sflag:s21] =	ssyncset.done $0x0  }
0x15e: {  	[sflag:s21] =	ssyncadd.s32 $0xFFFFEC00  }
0x15f: {  	[tilespmem:s18], [sflag:$0x5] =	stream.linear.gather [spmem:s31], $0x1400, $0x38;
	[tilespmem:$0x1F220] =	vst v63  }
0x160: {  	_ =	swait.ge [sflag:s21], $0x1400  }
0x161: {  	[sflag:s21] =	ssyncset.done $0x0  }
0x162: {  	s28 =	rddreg [dreg:$0xc];
	[sflag:s21] =	ssyncadd.s32 $0xFFFFEC00  }
0x163: {  	[hbm4b:s28+s1] =	stream.linear.scatter [tilespmem:s18], [sflag:$0x5], $0x1400, $0x38;
	[tilespmem:$0x1F220] =	vst v63  }
0x164: {  	_ =	swait.ge [sflag:s19], $0x1400  }
0x165: {  	[sflag:s19] =	ssyncset.done $0x0  }
0x166: {  	[sflag:s19] =	ssyncadd.s32 $0xFFFFEC00  }
0x167: {  	[tilespmem:s9], [sflag:$0x1] =	stream.linear.gather [spmem:s16], $0x1400, $0x38;
	[tilespmem:$0x1F220] =	vst v63  }
0x168: {  	_ =	swait.ge [sflag:s19], $0x1400  }
0x169: {  	[sflag:s19] =	ssyncset.done $0x0  }
0x16a: {  	s29 =	rddreg [dreg:$0xd];
	[sflag:s19] =	ssyncadd.s32 $0xFFFFEC00  }
0x16b: {  	[hbm4b:s29+s1] =	stream.linear.scatter [tilespmem:s9], [sflag:$0x1], $0x1400, $0x38;
	[tilespmem:$0x1F220] =	vst v63  }
0x16c: {  	_ =	swait.ge [sflag:s6], $0x1400  }
0x16d: {  	[sflag:s6] =	ssyncset.done $0x0  }
0x16e: {  	[sflag:s6] =	ssyncadd.s32 $0xFFFFEC00  }
0x16f: {  	[tilespmem:s13], [sflag:$0x2] =	stream.linear.gather [spmem:s0], $0x1400, $0x38;
	[tilespmem:$0x1F220] =	vst v63  }
0x170: {  	_ =	swait.ge [sflag:s6], $0x1400  }
0x171: {  	[sflag:s6] =	ssyncset.done $0x0  }
0x172: {  	s24 =	rddreg [dreg:$0xe];
	[sflag:s6] =	ssyncadd.s32 $0xFFFFEC00  }
0x173: {  	[hbm4b:s24+s1] =	stream.linear.scatter [tilespmem:s13], [sflag:$0x2], $0x1400, $0x38;
	[tilespmem:$0x1F220] =	vst v63  }
0x174: {  	_ =	swait.ge [sflag:s7], $0x1400  }
0x175: {  	[sflag:s7] =	ssyncset.done $0x0  }
0x176: {  	[sflag:s7] =	ssyncadd.s32 $0xFFFFEC00  }
0x177: {  	[tilespmem:s14], [sflag:$0x3] =	stream.linear.gather [spmem:s2], $0x1400, $0x38;
	[tilespmem:$0x1F220] =	vst v63  }
0x178: {  	_ =	swait.ge [sflag:s7], $0x1400  }
0x179: {  	[sflag:s7] =	ssyncset.done $0x0  }
0x17a: {  	s28 =	rddreg [dreg:$0xf];
	[sflag:s7] =	ssyncadd.s32 $0xFFFFEC00  }
0x17b: {  	[hbm4b:s28+s1] =	stream.linear.scatter [tilespmem:s14], [sflag:$0x3], $0x1400, $0x38;
	[tilespmem:$0x1F220] =	vst v63  }
0x17c: {  	_ =	swait.ge [sflag:s8], $0x1400  }
0x17d: {  	[sflag:s8] =	ssyncset.done $0x0  }
0x17e: {  	[sflag:s8] =	ssyncadd.s32 $0xFFFFEC00  }
0x17f: {  	[tilespmem:s15], [sflag:$0x4] =	stream.linear.gather [spmem:s3], $0x1400, $0x38;
	[tilespmem:$0x1F220] =	vst v63  }
0x180: {  	_ =	swait.ge [sflag:s8], $0x1400  }
0x181: {  	[sflag:s8] =	ssyncset.done $0x0  }
0x182: {  	s29 =	rddreg [dreg:$0x10];
	[sflag:s8] =	ssyncadd.s32 $0xFFFFEC00  }
0x183: {  	[hbm4b:s29+s1] =	stream.linear.scatter [tilespmem:s15], [sflag:$0x4], $0x1400, $0x38;
	[tilespmem:$0x1F220] =	vst v63  }
0x184: {  	_ =	swait.ge [sflag:s21], $0x1400  }
0x185: {  	[sflag:s21] =	ssyncset.done $0x0  }
0x186: {  	[sflag:s21] =	ssyncadd.s32 $0xFFFFEC00  }
0x187: {  	[tilespmem:s18], [sflag:$0x5] =	stream.linear.gather [spmem:s4], $0x1400, $0x38;
	[tilespmem:$0x1F220] =	vst v63  }
0x188: {  	_ =	swait.ge [sflag:s21], $0x1400  }
0x189: {  	[sflag:s21] =	ssyncset.done $0x0  }
0x18a: {  	s24 =	rddreg [dreg:$0x11];
	[sflag:s21] =	ssyncadd.s32 $0xFFFFEC00  }
0x18b: {  	[hbm4b:s24+s1] =	stream.linear.scatter [tilespmem:s18], [sflag:$0x5], $0x1400, $0x38;
	[tilespmem:$0x1F220] =	vst v63  }
0x18c: {  	_ =	swait.ge [sflag:s19], $0x1400  }
0x18d: {  	[sflag:s19] =	ssyncset.done $0x0  }
0x18e: {  	[sflag:s19] =	ssyncadd.s32 $0xFFFFEC00  }
0x18f: {  	[tilespmem:s9], [sflag:$0x1] =	stream.linear.gather [spmem:s5], $0x1400, $0x38;
	[tilespmem:$0x1F220] =	vst v63  }
0x190: {  	_ =	swait.ge [sflag:s19], $0x1400  }
0x191: {  	[sflag:s19] =	ssyncset.done $0x0  }
0x192: {  	s28 =	rddreg [dreg:$0x12];
	[sflag:s19] =	ssyncadd.s32 $0xFFFFEC00  }
0x193: {  	[hbm4b:s28+s1] =	stream.linear.scatter [tilespmem:s9], [sflag:$0x1], $0x1400, $0x38;
	[tilespmem:$0x1F220] =	vst v63  }
0x194: {  	_ =	swait.ge [sflag:s6], $0x1400  }
0x195: {  	[sflag:s6] =	ssyncset.done $0x0  }
0x196: {  	[sflag:s6] =	ssyncadd.s32 $0xFFFFEC00  }
0x197: {  	_ =	swait.ge [sflag:s7], $0x1400  }
0x198: {  	[sflag:s7] =	ssyncset.done $0x0  }
0x199: {  	[sflag:s7] =	ssyncadd.s32 $0xFFFFEC00  }
0x19a: {  	_ =	swait.ge [sflag:s8], $0x1400  }
0x19b: {  	[sflag:s8] =	ssyncset.done $0x0  }
0x19c: {  	[sflag:s8] =	ssyncadd.s32 $0xFFFFEC00  }
0x19d: {  	_ =	swait.ge [sflag:s21], $0x1400  }
0x19e: {  	[sflag:s21] =	ssyncset.done $0x0  }
0x19f: {  	[sflag:s21] =	ssyncadd.s32 $0xFFFFEC00  }
0x1a0: {  	_ =	swait.ge [sflag:s19], $0x1400  }
0x1a1: {  	s22 =	sadd.s32 $0x1, s22;
	s29 =	rddreg [dreg:$0x1b]  }
0x1a2: {  	p0 =	sne.s32 s22, s29  }
.Ltmp2:
0x1a3: {  	_ = 	snop;
	(pc) =	sbr.rel @p0 .LBB2_1-.Ltmp2, $3  }
0x1a4: {  	_ =	sdelay $0x1  }
0x1a5: {  	[sflag:s19] =	ssyncset.done $0x0  }
0x1a6: {  	[sflag:s19] =	ssyncadd.s32 $0xFFFFEC00  }
0x1a7: {  	_ =	sfence.sel $0x180000  }
0x1a8: {  	[bflag:$0x0] =	sbarrier.arrive $0xFFFF  }
0x1a9: {  	_ =	strace $0x9000004A  }
0x1aa: {  	s0 =	stileid.u32;
	[bflag:$0x2] =	sbarrier.arrive $0xFFFF  }
0x1ab: {  	p0 =	sne.s32 s0, $0x0;
	s0 =	rddreg [dreg:$0x2]  }
0x1ac: {  	s0 =	sadd.s32 @!p0 $0x100000, s0  }
0x1ad: {  	[sflag:s0] =	ssyncadd.tile.s32 @!p0 $0x1;
	_ =	shalt  }
.Lfunc_end2:
_tile_overlayer_lowered:
.L_overlay_start_2:
0x1ae: {  	(tag) =	ssettag $0x2  }
0x1af: {  	s0 =	rddreg [dreg:$0x0];
	s2 =	stileid.u32  }
0x1b0: {  	s1 =	rddreg [dreg:$0x1];
	p0 =	sne.s32 s2, $0x0  }
0x1b1: {  	s3 =	rddreg [dreg:$0x2];
	[bflag:$0x3] =	sbarrier.arrive $0xFFFF;
	s2 =	simm.s32 @!p0 $0x1C07  }
0x1b2: {  	[timem:s3], [sflag:s2] =	dma.local @!p0 [hbm:s0], s1  }
0x1b3: {  	s0 =	simm.s32 @!p0 $0x7  }
0x1b4: {  	_ =	swait.ge @!p0 [sflag:s0], s1  }
0x1b5: {  	s1 =	ssub.s32 @!p0 $0x0, s1;
	[sflag:s0] =	ssyncset.done @!p0 $0x0  }
0x1b6: {  	[sflag:s0] =	ssyncadd.s32 @!p0 s1  }
0x1b7: {  	[bflag:$0x3] =	sbarrier.arrive $0xFFFF  }
0x1b8: {  	_ =	shalt  }

// kernel: kernel.14.cloned.1.call-start
scs
__scs_entry_jumppad:
0x0: {  	(pc) =	sbr.rel $0x88, $3  }
0x1: {  	(tag) =	ssettag $0x0;
	lr =	simm.s32 $0x1  }
0x2: {  	[smem:$0x3F99] =	sst lr;
	_ =	strace $0xD0000000  }
0x3: {  	_ = 	snop  }
0x4: {  	_ = 	snop  }
0x5: {  	_ = 	snop  }
0x6: {  	_ = 	snop  }
0x7: {  	_ = 	snop  }
__scs_overlays_trampoline_lowered:
0x8: {  	[smem:$0x3FA8] =	sst s0  }
0x9: {  	[smem:$0x3FA9] =	sst s1  }
0xa: {  	[smem:$0x3FAA] =	sst s2  }
0xb: {  	[smem:$0x3FAB] =	sst s3  }
0xc: {  	[smem:$0x3FAC] =	sst s4  }
0xd: {  	[smem:$0x3FAD] =	sst s5  }
0xe: {  	[smem:$0x3FAE] =	sst s6  }
0xf: {  	[smem:$0x3FAF] =	sst s7  }
0x10: {  	[smem:$0x3FB0] =	sst s8  }
0x11: {  	[smem:$0x3FB1] =	sst s9;
	s0 =	simm.s32 @!p0 $0x0  }
0x12: {  	s1 =	sld [smem:$0x3F97];
	s0 =	simm.s32 @p0 $0x1  }
0x13: {  	[smem:$0x3FB2] =	sst s0;
	s0 =	simm.s32 @!p1 $0x0  }
0x14: {  	s2 =	sld [smem:$0x3F96];
	s0 =	simm.s32 @p1 $0x1  }
0x15: {  	[smem:$0x3FB3] =	sst s0;
	s0 =	simm.s32 @!p2 $0x0  }
0x16: {  	s3 =	sld [smem:$0x3FDB];
	s0 =	simm.s32 @p2 $0x1  }
0x17: {  	s4 =	simm.s32 $0x1BF5;
	[smem:$0x3FB5] =	sst s0  }
0x18: {  	s0 =	sld [smem:$0x3F98];
	_ =	swait.ge [sflag:s4], $0x0  }
0x19: {  	s7 =	sld [smem:$0x3F99]  }
0x1a: {  	s8 =	sadd.s32 $0xFFFFE003, lr  }
0x1b: {  	s9 =	sadd.s32 $0xFFFFFEF7, lr;
	s5 =	simm.s32 $0xFFFFFFFF;
	p2 =	slt.u32 s8, $0xFFFFF086  }
0x1c: {  	p1 =	slt.u32 s9, $0xF7A;
	s5 =	simm.s32 @!p2 $0x0  }
0x1d: {  	s5 =	simm.s32 @p1 $0x1;
	p0 =	seq.s32 s7, s2  }
0x1e: {  	s7 =	smul.u32 @!p0 $0xF7A, s2;
	p2 =	seq.s32 @!p0 s5, $0x0  }
0x1f: {  	s9 =	smul.u32 $0xF7A, s1;
	s8 =	simm.s32 @!p0 $0x1BF5;
	p2 =	por !p2, p0  }
0x20: {  	[sflag:s8] =	ssyncset.s32 @!p0 $0xFFFFF086;
	s6 =	sadd.s32 @!p0 s3, s7;
	s7 =	simm.s32 @!p0 $0x108  }
0x21: {  	s3 =	sadd.s32 s3, s9;
	s6 =	sadd.s32 @!p0 $0x88, s6;
	s7 =	simm.s32 @p2 $0x1082  }
0x22: {  	[simem:s7], [sflag:s8] =	dma.local @!p0 [hbm:s6], $0xF7A  }
0x23: {  	s9 =	sor.u32 $0xD0000000, s2;
	s6 =	simm.s32 $0x108;
	_ =	swait.ge @!p0 [sflag:s8], $0x0  }
0x24: {  	s3 =	sadd.s32 $0x88, s3;
	s6 =	simm.s32 @!p1 $0x1082;
	[sflag:s4] =	ssyncset.s32 $0xFFFFF086  }
0x25: {  	[simem:s6], [sflag:s4] =	dma.local [hbm:s3], $0xF7A  }
0x26: {  	[smem:$0x3F99] =	sst s1;
	(tag) =	ssettag s2;
	_ =	strace s9  }
0x27: {  	s1 =	sld [smem:$0x3FA9]  }
0x28: {  	s2 =	sld [smem:$0x3FAA]  }
0x29: {  	s4 =	sld [smem:$0x3FAC]  }
0x2a: {  	p0 =	seq.s32 s5, $0x0;
	s5 =	sld [smem:$0x3FAD]  }
0x2b: {  	s6 =	sld [smem:$0x3FAE]  }
0x2c: {  	s7 =	sld [smem:$0x3FAF]  }
0x2d: {  	s3 =	simm.s32 $0x108;
	s8 =	sld [smem:$0x3FB0]  }
0x2e: {  	s3 =	simm.s32 @!p0 $0x1082;
	s9 =	sld [smem:$0x3FB1]  }
0x2f: {  	lr =	sadd.s32 s0, s3;
	s0 =	sld [smem:$0x3FA8]  }
0x30: {  	s3 =	sld [smem:$0x3FAB]  }
0x31: {  	[smem:$0x3FB4] =	sst s10  }
0x32: {  	s10 =	sld [smem:$0x3FB2];
	_ =	sdelay $0x3  }
0x33: {  	p0 =	seq.s32 s10, $0x1;
	s10 =	sld [smem:$0x3FB4];
	_ =	sdelay $0x3  }
0x34: {  	[smem:$0x3FB4] =	sst s10  }
0x35: {  	s10 =	sld [smem:$0x3FB3];
	_ =	sdelay $0x3  }
0x36: {  	p1 =	seq.s32 s10, $0x1;
	s10 =	sld [smem:$0x3FB4];
	_ =	sdelay $0x3  }
0x37: {  	[smem:$0x3FB4] =	sst s10  }
0x38: {  	s10 =	sld [smem:$0x3FB5]  }
0x39: {  	_ = 	snop;
	(pc) =	sbr.ind lr, $3  }
0x3a: {  	_ = 	snop  }
0x3b: {  	_ = 	snop  }
0x3c: {  	p2 =	seq.s32 s10, $0x1;
	s10 =	sld [smem:$0x3FB4]  }
0x3d: {  	_ =	shalt  }
0x3e: {  	_ =	shalt  }
0x3f: {  	_ =	shalt  }
0x40: {  	_ =	shalt  }
0x41: {  	_ =	shalt  }
0x42: {  	_ =	shalt  }
0x43: {  	_ =	shalt  }
0x44: {  	_ =	shalt  }
0x45: {  	_ =	shalt  }
0x46: {  	_ =	shalt  }
0x47: {  	_ =	shalt  }
0x48: {  	_ =	shalt  }
0x49: {  	_ =	shalt  }
0x4a: {  	_ =	shalt  }
0x4b: {  	_ =	shalt  }
0x4c: {  	_ =	shalt  }
0x4d: {  	_ =	shalt  }
0x4e: {  	_ =	shalt  }
0x4f: {  	_ =	shalt  }
0x50: {  	_ =	shalt  }
0x51: {  	_ =	shalt  }
0x52: {  	_ =	shalt  }
0x53: {  	_ =	shalt  }
0x54: {  	_ =	shalt  }
0x55: {  	_ =	shalt  }
0x56: {  	_ =	shalt  }
0x57: {  	_ =	shalt  }
0x58: {  	_ =	shalt  }
0x59: {  	_ =	shalt  }
0x5a: {  	_ =	shalt  }
0x5b: {  	_ =	shalt  }
0x5c: {  	_ =	shalt  }
0x5d: {  	_ =	shalt  }
0x5e: {  	_ =	shalt  }
0x5f: {  	_ =	shalt  }
0x60: {  	_ =	shalt  }
0x61: {  	_ =	shalt  }
0x62: {  	_ =	shalt  }
0x63: {  	_ =	shalt  }
0x64: {  	_ =	shalt  }
0x65: {  	_ =	shalt  }
0x66: {  	_ =	shalt  }
0x67: {  	_ =	shalt  }
0x68: {  	_ =	shalt  }
0x69: {  	_ =	shalt  }
0x6a: {  	_ =	shalt  }
0x6b: {  	_ =	shalt  }
0x6c: {  	_ =	shalt  }
0x6d: {  	_ =	shalt  }
0x6e: {  	_ =	shalt  }
0x6f: {  	_ =	shalt  }
0x70: {  	_ =	shalt  }
0x71: {  	_ =	shalt  }
0x72: {  	_ =	shalt  }
0x73: {  	_ =	shalt  }
0x74: {  	_ =	shalt  }
0x75: {  	_ =	shalt  }
0x76: {  	_ =	shalt  }
0x77: {  	_ =	shalt  }
0x78: {  	_ =	shalt  }
0x79: {  	_ =	shalt  }
0x7a: {  	_ =	shalt  }
0x7b: {  	_ =	shalt  }
0x7c: {  	_ =	shalt  }
0x7d: {  	_ =	shalt  }
0x7e: {  	_ =	shalt  }
0x7f: {  	_ =	shalt  }
0x80: {  	_ =	shalt  }
0x81: {  	_ =	shalt  }
0x82: {  	_ =	shalt  }
0x83: {  	_ =	shalt  }
0x84: {  	_ =	shalt  }
0x85: {  	_ =	shalt  }
0x86: {  	_ =	shalt  }
0x87: {  	_ =	shalt  }
.Lfunc_end0:
.L_simem_size_0:
called_computation.2_lowered:
.L_overlay_start_0:
0x88: {  	s2 =	sld [smem:$0x3FD9]  }
0x89: {  	s3 =	sld [smem:$0x3FFE];
	_ =	sdelay $0x1  }
0x8a: {  	s1 =	srdreg.scid  }
0x8b: {  	s0 =	sand.u32 $0x1, s1  }
0x8c: {  	s17 =	sshll.u32 s0, $0xA;
	s2 =	sadd.s32 s3, s2  }
0x8d: {  	s2 =	sadd.s32 s2, s17  }
0x8e: {  	[smem:$0x3FC0] =	sst s2  }
0x8f: {  	_ = 	snop  }
0x90: {  	s2 =	sld [smem:$0x3FD0];
	(tm) =	ssettm $0x1  }
0x91: {  	s18 =	sld [smem:$0x3FFB];
	_ =	sdelay $0x3  }
0x92: {  	_ =	strace s18  }
0x93: {  	s3 =	sld [smem:$0x3FFC];
	_ =	sdelay $0x3  }
0x94: {  	_ =	strace s3  }
0x95: {  	s3 =	sld [smem:$0x3FFD];
	_ =	sdelay $0x3  }
0x96: {  	_ =	strace s3  }
0x97: {  	_ =	strace $0x8FFFFFFF  }
0x98: {  	s19 =	sld [smem:$0x3FDB];
	_ =	sdelay $0x1  }
0x99: {  	s4 =	simm.s32 $_scs_section_size  }
0x9a: {  	s5 =	simm.s32 $_size__tile_overlayer_lowered;
	s6 =	simm.s32 $_tile_overlayer_lowered  }
0x9b: {  	s22 =	simm.s32 $0x1BFF;
	s21 =	sshll.u32 s6, $0x1;
	s3 =	sadd.s32 s4, s19  }
0x9c: {  	s7 =	simm.s32 $0x0;
	s20 =	sshll.u32 s5, $0x1;
	s5 =	sadd.s32 s21, s3  }
0x9d: {  	[timem:s7], [sflag:s22] =	dma.local [hbm:s5], s20  }
0x9e: {  	_ =	swait.ge [sflag:s22], s20  }
0x9f: {  	s4 =	ssub.s32 $0x0, s20;
	[sflag:s22] =	ssyncset.done $0x0  }
0xa0: {  	[sflag:s22] =	ssyncadd.s32 s4;
	_ =	sdelay $0x1  }
0xa1: {  	s23 =	simm.s32 $0x1B8B  }
0xa2: {  	_ =	swait.ge [sflag:s23], $0x1  }
0xa3: {  	[sflag:s23] =	ssyncset.done $0x0  }
0xa4: {  	s25 =	simm.s32 $0x1B8E;
	s24 =	sld [smem:$0x3FFE];
	[sflag:s23] =	ssyncadd.s32 $0xFFFFFFFF  }
0xa5: {  	s26 =	simm.s32 $execute0_lowered;
	[smem:$0x3FD2] =	sst s25  }
0xa6: {  	s5 =	sshll.u32 s26, $0x1;
	_ =	strace $0x8000004C;
	[dreg:$0x1] =	wrdreg $0xFFFFFFFF  }
0xa7: {  	s28 =	simm.s32 $_size_execute0_lowered;
	s3 =	sadd.s32 s3, s5;
	[dreg:$0x0] =	wrdreg $0x0  }
0xa8: {  	s5 =	sshll.u32 s28, $0x1;
	[dreg:$0x2] =	wrdreg s3  }
0xa9: {  	[dreg:$0x3] =	wrdreg s5  }
0xaa: {  	[dreg:$0x4] =	wrdreg $0xC0  }
0xab: {  	_ =	task [dreg:s7], $0x5FFFF  }
0xac: {  	[dreg:$0x1] =	wrdreg $0xFFFFFFFF  }
0xad: {  	[dreg:$0x0] =	wrdreg $0x60  }
0xae: {  	[dreg:$0x2] =	wrdreg s2  }
0xaf: {  	[dreg:$0x3] =	wrdreg s24  }
0xb0: {  	[dreg:$0x4] =	wrdreg $0x4E200  }
0xb1: {  	[dreg:$0x5] =	wrdreg $0x9  }
0xb2: {  	_ =	task.clear_ibuf [dreg:s7], $0x6FFFF;
	_ =	strace $0x9000004C  }
0xb3: {  	s29 =	simm.s32 $0x9;
	_ =	strace $0x8000004E  }
0xb4: {  	_ =	swait.ge [sflag:s29], $0x1  }
0xb5: {  	[sflag:s29] =	ssyncadd.s32 $0xFFFFFFFF  }
0xb6: {  	_ =	strace $0x9000004E  }
0xb7: {  	_ =	sfence  }
0xb8: {  	s30 =	sld [smem:$0x0];
	_ =	sdelay $0x2  }
0xb9: {  	s31 =	sshll.u32 s1, $0xD;
	s1 =	sshrl.u32 s1, $0x2  }
0xba: {  	s3 =	sand.u32 $0x4000, s31;
	s1 =	sadd.s32 s1, s30  }
0xbb: {  	s0 =	sor.u32 s3, s0;
	s1 =	sshll.u32 s1, $0x11  }
0xbc: {  	s0 =	sor.u32 s1, s0  }
0xbd: {  	s0 =	sadd.s32 $0x8F2B, s0  }
0xbe: {  	[sflag:s0] =	ssyncadd.remote.s32 $0x1  }
0xbf: {  	_ =	sfence.sel $0xFFFF  }
0xc0: {  	[dreg:$0x0] =	wrdreg $0xFFFFFFFF;
	(pc) =	sbr.abs _section_cstart, $3  }
0xc1: {  	[dreg:$0x1] =	wrdreg $0xFFFFFFFF  }
0xc2: {  	_ =	task.clear_ibuf [dreg:s7], $0x2FFFF;
	_ =	strace $0x9FFFFFFF  }
0xc3: {  	(tm) =	ssettm $0x7FFFFFFF  }
tec
execute0_lowered:
.L_overlay_start_1:
0x0: {  	(tag) =	ssettag $0x1  }
0x1: {  	s1 =	rddreg [dreg:$0x0]  }
0x2: {  	s0 =	srdreg.scid;
	s2 =	rddreg [dreg:$0x1]  }
0x3: {  	s7 =	stileid.u32;
	s3 =	rddreg [dreg:$0x2];
	s29 =	simm.s32 $0x50  }
0x4: {  	s30 =	simm.s32 $0x10220;
	s31 =	simm.s32 $0x11620;
	s0 =	sand.u32 $0x1, s0  }
0x5: {  	s28 =	simm.s32 $0x1;
	s13 =	smul.u32 $0xA000, s7;
	s4 =	sshll.u32 s0, $0x4  }
0x6: {  	s6 =	ssub.s32 $0x2, s0;
	s0 =	smul.u32 $0xA0000, s0;
	s5 =	sor.u32 s7, s4  }
0x7: {  	s4 =	simm.s32 $0x0;
	s24 =	sshrl.u32 s6, $0x1;
	s16 =	sor.u32 $0x1400, s13  }
0x8: {  	s17 =	sadd.s32 $0x2800, s13;
	s18 =	sadd.s32 $0x3C00, s13;
	s19 =	sadd.s32 $0x5000, s13  }
0x9: {  	s20 =	sadd.s32 $0x6400, s13;
	s21 =	sadd.s32 $0x7800, s13;
	s22 =	sadd.s32 $0x8C00, s13  }
0xa: {  	s5 =	smul.u32 $0x4E2, s5;
	[smem:$0x7FF] =	sst s4;
	s15 =	ssub.s32 s6, s24  }
0xb: {  	s6 =	sadd.s32 s16, s3;
	s7 =	sadd.s32 s17, s3;
	s8 =	sadd.s32 s18, s3  }
0xc: {  	s9 =	sadd.s32 s19, s3;
	s10 =	sadd.s32 s20, s3;
	s11 =	sadd.s32 s21, s3  }
0xd: {  	s12 =	sadd.s32 s22, s3;
	s16 =	sadd.s32 s0, s16;
	s24 =	sadd.s32 s0, s20  }
0xe: {  	_ =	strace $0x8000004D;
	s25 =	sshrl.u32 s16, $0x3;
	s16 =	sadd.s32 s0, s18  }
0xf: {  	s14 =	sadd.s32 s5, s2;
	s2 =	sadd.s32 $0x65A00, s2;
	s5 =	sadd.s32 s13, s3  }
0x10: {  	s13 =	sadd.s32 s13, s0;
	s18 =	sshrl.u32 s16, $0x3;
	s23 =	sadd.s32 $0xBC00, s14  }
0x11: {  	s16 =	simm.s32 $0x5;
	s14 =	sadd.s32 $0x1E00, s14;
	[dreg:$0x4] =	wrdreg s23  }
0x12: {  	s13 =	sshrl.u32 s13, $0x3;
	s26 =	sadd.s32 s2, s25;
	[dreg:$0x5] =	wrdreg s14  }
0x13: {  	s25 =	sadd.s32 s0, s21;
	s13 =	sadd.s32 s2, s13;
	[dreg:$0x7] =	wrdreg s26  }
0x14: {  	s14 =	sadd.s32 s0, s17;
	s17 =	sadd.s32 s0, s19;
	s0 =	sadd.s32 s0, s22  }
0x15: {  	s26 =	sshrl.u32 s25, $0x3;
	s25 =	simm.s32 $0x6;
	[dreg:$0x6] =	wrdreg s13  }
0x16: {  	s13 =	sshrl.u32 s14, $0x3;
	s19 =	sshrl.u32 s17, $0x3;
	s0 =	sshrl.u32 s0, $0x3  }
0x17: {  	s14 =	simm.s32 $0x3;
	s17 =	simm.s32 $0x0;
	s13 =	sadd.s32 s2, s13  }
0x18: {  	s23 =	sadd.s32 s2, s19;
	s22 =	sadd.s32 s2, s0;
	[dreg:$0x8] =	wrdreg s13  }
0x19: {  	s0 =	simm.s32 $0x13E20;
	s13 =	sadd.s32 s2, s18;
	[dreg:$0xa] =	wrdreg s23  }
0x1a: {  	s23 =	smax.u32 s15, $0x1;
	[dreg:$0x9] =	wrdreg s13;
	s13 =	sshrl.u32 s24, $0x3  }
0x1b: {  	s15 =	simm.s32 $0x4;
	s24 =	simm.s32 $0xEE20;
	s13 =	sadd.s32 s2, s13  }
0x1c: {  	[dreg:$0xb] =	wrdreg s13;
	s13 =	sadd.s32 s2, s26;
	s26 =	simm.s32 $0x7  }
0x1d: {  	v0 =	vimm.f32 $0.0e+00;
	s2 =	simm.s32 $0x12A20;
	[dreg:$0xc] =	wrdreg s13;
	s13 =	simm.s32 $0x2  }
.LBB2_1:
0x1e: {  	s19 =	simm.s32 $0x100;
	s18 =	simm.s32 $0x0  }
.LBB2_2:
0x1f: {  	p0 =	sne.s32 s19, $0x4F00;
	[tilespmem:s18+$0xEE50] =	vst v0;
	s20 =	smov.u32 s19;
	s19 =	sadd.s32 $0x100, s19  }
.Ltmp0:
0x20: {  	[tilespmem:s18+$0xEE40] =	vst v0;
	(pc) =	sbr.rel @p0 .LBB2_2-.Ltmp0, $3  }
0x21: {  	[tilespmem:s18+$0xEE20] =	vst v0  }
0x22: {  	[tilespmem:s18+$0xEE30] =	vst v0;
	_ =	sdelay $0x1  }
0x23: {  	s18 =	sshra.s32 s20, $0x2  }
0x24: {  	[tilespmem:s18+$0xEE50] =	vst v0  }
0x25: {  	[tilespmem:s18+$0xEE40] =	vst v0  }
0x26: {  	[tilespmem:s18+$0xEE20] =	vst v0  }
0x27: {  	[tilespmem:s18+$0xEE30] =	vst v0  }
0x28: {  	[spmem:s5] =	stream.linear.scatter [tilespmem:s24], [sflag:$0x6], $0x1400, $0x38;
	[tilespmem:$0x15220] =	vst v63  }
0x29: {  	_ = 	snop  }
0x2a: {  	[spmem:s6] =	stream.linear.scatter [tilespmem:s24], [sflag:$0x6], $0x1400, $0x38;
	[tilespmem:$0x15220] =	vst v63  }
0x2b: {  	_ = 	snop  }
0x2c: {  	[spmem:s7] =	stream.linear.scatter [tilespmem:s24], [sflag:$0x6], $0x1400, $0x38;
	[tilespmem:$0x15220] =	vst v63  }
0x2d: {  	_ = 	snop  }
0x2e: {  	[spmem:s8] =	stream.linear.scatter [tilespmem:s24], [sflag:$0x6], $0x1400, $0x38;
	[tilespmem:$0x15220] =	vst v63  }
0x2f: {  	_ = 	snop  }
0x30: {  	[spmem:s9] =	stream.linear.scatter [tilespmem:s24], [sflag:$0x6], $0x1400, $0x38;
	[tilespmem:$0x15220] =	vst v63  }
0x31: {  	_ = 	snop  }
0x32: {  	[spmem:s10] =	stream.linear.scatter [tilespmem:s24], [sflag:$0x6], $0x1400, $0x38;
	[tilespmem:$0x15220] =	vst v63  }
0x33: {  	_ = 	snop  }
0x34: {  	[spmem:s11] =	stream.linear.scatter [tilespmem:s24], [sflag:$0x6], $0x1400, $0x38;
	[tilespmem:$0x15220] =	vst v63  }
0x35: {  	_ = 	snop  }
0x36: {  	[spmem:s12] =	stream.linear.scatter [tilespmem:s24], [sflag:$0x6], $0x1400, $0x38;
	[tilespmem:$0x15220] =	vst v63  }
0x37: {  	_ =	swait.ge [sflag:s25], $0x1400  }
0x38: {  	[sflag:s25] =	ssyncset.done $0x0  }
0x39: {  	[sflag:s25] =	ssyncadd.s32 $0xFFFFEC00  }
0x3a: {  	_ =	swait.ge [sflag:s25], $0x1400  }
0x3b: {  	[sflag:s25] =	ssyncset.done $0x0  }
0x3c: {  	[sflag:s25] =	ssyncadd.s32 $0xFFFFEC00  }
0x3d: {  	_ =	swait.ge [sflag:s25], $0x1400  }
0x3e: {  	[sflag:s25] =	ssyncset.done $0x0  }
0x3f: {  	[sflag:s25] =	ssyncadd.s32 $0xFFFFEC00  }
0x40: {  	_ =	swait.ge [sflag:s25], $0x1400  }
0x41: {  	[sflag:s25] =	ssyncset.done $0x0  }
0x42: {  	[sflag:s25] =	ssyncadd.s32 $0xFFFFEC00  }
0x43: {  	_ =	swait.ge [sflag:s25], $0x1400  }
0x44: {  	[sflag:s25] =	ssyncset.done $0x0  }
0x45: {  	[sflag:s25] =	ssyncadd.s32 $0xFFFFEC00  }
0x46: {  	_ =	swait.ge [sflag:s25], $0x1400  }
0x47: {  	[sflag:s25] =	ssyncset.done $0x0  }
0x48: {  	[sflag:s25] =	ssyncadd.s32 $0xFFFFEC00  }
0x49: {  	_ =	swait.ge [sflag:s25], $0x1400  }
0x4a: {  	[sflag:s25] =	ssyncset.done $0x0  }
0x4b: {  	[sflag:s25] =	ssyncadd.s32 $0xFFFFEC00  }
0x4c: {  	_ =	swait.ge [sflag:s25], $0x1400  }
0x4d: {  	[sflag:s25] =	ssyncset.done $0x0  }
0x4e: {  	s18 =	simm.s32 $0x0;
	s19 =	rddreg [dreg:$0x4];
	[sflag:s25] =	ssyncadd.s32 $0xFFFFEC00  }
0x4f: {  	[tilespmem:s18], [sflag:$0x7] =	stream.linear.gather [hbm4b:s19+s18], $0x2710, $0x38;
	[tilespmem:$0x15220] =	vst v63  }
0x50: {  	_ =	swait.ge [sflag:s26], $0x2710  }
0x51: {  	[sflag:s26] =	ssyncset.done $0x0  }
0x52: {  	s20 =	simm.s32 $0x2710;
	s21 =	rddreg [dreg:$0x5];
	[sflag:s26] =	ssyncadd.s32 $0xFFFFD8F0  }
0x53: {  	[tilespmem:s20], [sflag:$0x7] =	stream.linear.gather [hbm4b:s21+s18], $0x2710, $0x38;
	[tilespmem:$0x15220] =	vst v63  }
0x54: {  	_ =	swait.ge [sflag:s26], $0x2710  }
0x55: {  	[sflag:s26] =	ssyncset.done $0x0  }
0x56: {  	[sflag:s26] =	ssyncadd.s32 $0xFFFFD8F0  }
0x57: {  	s21 =	simm.s32 $0x0;
	[bflag:$0x0] =	sbarrier.arrive $0xFFFF  }
0x58: {  	[tilespmem:s24], [sflag:$0x1] =	stream.indirect.gather [hbm4b:s1+s29], $0x40, s21, s29, $0xb8;
	[tilespmem:$0x15220] =	vst v63  }
0x59: {  	s19 =	simm.s32 $0x50  }
0x5a: {  	[tilespmem:s30], [sflag:$0x2] =	stream.indirect.gather [hbm4b:s1+s29], $0x40, s19, s29, $0xb8;
	[tilespmem:$0x15220] =	vst v63  }
0x5b: {  	s20 =	simm.s32 $0xA0  }
0x5c: {  	[tilespmem:s31], [sflag:$0x3] =	stream.indirect.gather [hbm4b:s1+s29], $0x40, s20, s29, $0xb8;
	[tilespmem:$0x15220] =	vst v63  }
0x5d: {  	s21 =	simm.s32 $0xF0  }
0x5e: {  	[tilespmem:s2], [sflag:$0x4] =	stream.indirect.gather [hbm4b:s1+s29], $0x40, s21, s29, $0xb8;
	[tilespmem:$0x15220] =	vst v63  }
0x5f: {  	s19 =	simm.s32 $0x140  }
0x60: {  	[tilespmem:s0], [sflag:$0x5] =	stream.indirect.gather [hbm4b:s1+s29], $0x40, s19, s29, $0xb8;
	[tilespmem:$0x15220] =	vst v63  }
0x61: {  	_ =	swait.ge [sflag:s28], $0x1400  }
0x62: {  	[sflag:s28] =	ssyncset.done $0x0  }
0x63: {  	s20 =	simm.s32 $0x2710;
	[sflag:s28] =	ssyncadd.s32 $0xFFFFEC00  }
0x64: {  	[spmem:s3] =	stream.indirect.scatter.add.f32 [tilespmem:s24], [sflag:$0x6], $0x40, s20, s29, $0xb8;
	[tilespmem:$0x15220] =	vst v63  }
0x65: {  	_ =	swait.ge [sflag:s13], $0x1400  }
0x66: {  	[sflag:s13] =	ssyncset.done $0x0  }
0x67: {  	s21 =	simm.s32 $0x2760;
	[sflag:s13] =	ssyncadd.s32 $0xFFFFEC00  }
0x68: {  	[spmem:s3] =	stream.indirect.scatter.add.f32 [tilespmem:s30], [sflag:$0x6], $0x40, s21, s29, $0xb8;
	[tilespmem:$0x15220] =	vst v63  }
0x69: {  	_ =	swait.ge [sflag:s14], $0x1400  }
0x6a: {  	[sflag:s14] =	ssyncset.done $0x0  }
0x6b: {  	s19 =	simm.s32 $0x27B0;
	[sflag:s14] =	ssyncadd.s32 $0xFFFFEC00  }
0x6c: {  	[spmem:s3] =	stream.indirect.scatter.add.f32 [tilespmem:s31], [sflag:$0x6], $0x40, s19, s29, $0xb8;
	[tilespmem:$0x15220] =	vst v63  }
0x6d: {  	_ =	swait.ge [sflag:s15], $0x1400  }
0x6e: {  	[sflag:s15] =	ssyncset.done $0x0  }
0x6f: {  	s20 =	simm.s32 $0x2800;
	[sflag:s15] =	ssyncadd.s32 $0xFFFFEC00  }
0x70: {  	[spmem:s3] =	stream.indirect.scatter.add.f32 [tilespmem:s2], [sflag:$0x6], $0x40, s20, s29, $0xb8;
	[tilespmem:$0x15220] =	vst v63  }
0x71: {  	_ =	swait.ge [sflag:s16], $0x1400  }
0x72: {  	[sflag:s16] =	ssyncset.done $0x0  }
0x73: {  	s21 =	simm.s32 $0x2850;
	[sflag:s16] =	ssyncadd.s32 $0xFFFFEC00  }
0x74: {  	[spmem:s3] =	stream.indirect.scatter.add.f32 [tilespmem:s0], [sflag:$0x6], $0x40, s21, s29, $0xb8;
	[tilespmem:$0x15220] =	vst v63  }
0x75: {  	_ =	swait.ge [sflag:s25], $0x1400  }
0x76: {  	[sflag:s25] =	ssyncset.done $0x0  }
0x77: {  	[sflag:s25] =	ssyncadd.s32 $0xFFFFEC00  }
0x78: {  	_ =	swait.ge [sflag:s25], $0x1400  }
0x79: {  	[sflag:s25] =	ssyncset.done $0x0  }
0x7a: {  	[sflag:s25] =	ssyncadd.s32 $0xFFFFEC00  }
0x7b: {  	_ =	swait.ge [sflag:s25], $0x1400  }
0x7c: {  	[sflag:s25] =	ssyncset.done $0x0  }
0x7d: {  	[sflag:s25] =	ssyncadd.s32 $0xFFFFEC00  }
0x7e: {  	_ =	swait.ge [sflag:s25], $0x1400  }
0x7f: {  	[sflag:s25] =	ssyncset.done $0x0  }
0x80: {  	[sflag:s25] =	ssyncadd.s32 $0xFFFFEC00  }
0x81: {  	_ =	swait.ge [sflag:s25], $0x1400  }
0x82: {  	s18 =	simm.s32 $0x640;
	s19 =	simm.s32 $0xC80;
	[sflag:s25] =	ssyncset.done $0x0  }
.LBB2_4:
0x83: {  	s20 =	sshra.s32 s18, $0x2  }
0x84: {  	[sflag:s25] =	ssyncadd.s32 $0xFFFFEC00;
	s18 =	smov.u32 s19;
	s21 =	sadd.s32 $0x640, s19  }
0x85: {  	[tilespmem:s24], [sflag:$0x1] =	stream.indirect.gather [hbm4b:s1+s29], $0x40, s20, s29, $0xb8;
	[tilespmem:$0x15220] =	vst v63  }
0x86: {  	p0 =	sne.s32 s19, $0x9600;
	s19 =	sadd.s32 $0x50, s20  }
0x87: {  	[tilespmem:s30], [sflag:$0x2] =	stream.indirect.gather [hbm4b:s1+s29], $0x40, s19, s29, $0xb8;
	[tilespmem:$0x15220] =	vst v63  }
0x88: {  	s19 =	sadd.s32 $0xA0, s20  }
0x89: {  	[tilespmem:s31], [sflag:$0x3] =	stream.indirect.gather [hbm4b:s1+s29], $0x40, s19, s29, $0xb8;
	[tilespmem:$0x15220] =	vst v63  }
0x8a: {  	s19 =	sadd.s32 $0xF0, s20  }
0x8b: {  	[tilespmem:s2], [sflag:$0x4] =	stream.indirect.gather [hbm4b:s1+s29], $0x40, s19, s29, $0xb8;
	[tilespmem:$0x15220] =	vst v63  }
0x8c: {  	s19 =	sadd.s32 $0x140, s20  }
0x8d: {  	[tilespmem:s0], [sflag:$0x5] =	stream.indirect.gather [hbm4b:s1+s29], $0x40, s19, s29, $0xb8;
	[tilespmem:$0x15220] =	vst v63  }
0x8e: {  	_ =	swait.ge [sflag:s28], $0x1400  }
0x8f: {  	[sflag:s28] =	ssyncset.done $0x0  }
0x90: {  	s19 =	sadd.s32 $0x2710, s20;
	[sflag:s28] =	ssyncadd.s32 $0xFFFFEC00  }
0x91: {  	[spmem:s3] =	stream.indirect.scatter.add.f32 [tilespmem:s24], [sflag:$0x6], $0x40, s19, s29, $0xb8;
	[tilespmem:$0x15220] =	vst v63  }
0x92: {  	_ =	swait.ge [sflag:s13], $0x1400  }
0x93: {  	[sflag:s13] =	ssyncset.done $0x0  }
0x94: {  	s19 =	sadd.s32 $0x2760, s20;
	[sflag:s13] =	ssyncadd.s32 $0xFFFFEC00  }
0x95: {  	[spmem:s3] =	stream.indirect.scatter.add.f32 [tilespmem:s30], [sflag:$0x6], $0x40, s19, s29, $0xb8;
	[tilespmem:$0x15220] =	vst v63  }
0x96: {  	_ =	swait.ge [sflag:s14], $0x1400  }
0x97: {  	[sflag:s14] =	ssyncset.done $0x0  }
0x98: {  	s19 =	sadd.s32 $0x27B0, s20;
	[sflag:s14] =	ssyncadd.s32 $0xFFFFEC00  }
0x99: {  	[spmem:s3] =	stream.indirect.scatter.add.f32 [tilespmem:s31], [sflag:$0x6], $0x40, s19, s29, $0xb8;
	[tilespmem:$0x15220] =	vst v63  }
0x9a: {  	_ =	swait.ge [sflag:s15], $0x1400  }
0x9b: {  	[sflag:s15] =	ssyncset.done $0x0  }
0x9c: {  	s19 =	sadd.s32 $0x2800, s20;
	[sflag:s15] =	ssyncadd.s32 $0xFFFFEC00  }
0x9d: {  	[spmem:s3] =	stream.indirect.scatter.add.f32 [tilespmem:s2], [sflag:$0x6], $0x40, s19, s29, $0xb8;
	[tilespmem:$0x15220] =	vst v63  }
0x9e: {  	_ =	swait.ge [sflag:s16], $0x1400  }
0x9f: {  	[sflag:s16] =	ssyncset.done $0x0  }
0xa0: {  	s19 =	sadd.s32 $0x2850, s20;
	[sflag:s16] =	ssyncadd.s32 $0xFFFFEC00  }
0xa1: {  	[spmem:s3] =	stream.indirect.scatter.add.f32 [tilespmem:s0], [sflag:$0x6], $0x40, s19, s29, $0xb8;
	[tilespmem:$0x15220] =	vst v63  }
0xa2: {  	_ =	swait.ge [sflag:s25], $0x1400  }
0xa3: {  	[sflag:s25] =	ssyncset.done $0x0  }
0xa4: {  	[sflag:s25] =	ssyncadd.s32 $0xFFFFEC00  }
0xa5: {  	_ =	swait.ge [sflag:s25], $0x1400  }
0xa6: {  	[sflag:s25] =	ssyncset.done $0x0  }
0xa7: {  	[sflag:s25] =	ssyncadd.s32 $0xFFFFEC00  }
0xa8: {  	_ =	swait.ge [sflag:s25], $0x1400  }
0xa9: {  	[sflag:s25] =	ssyncset.done $0x0  }
0xaa: {  	[sflag:s25] =	ssyncadd.s32 $0xFFFFEC00  }
.Ltmp1:
0xab: {  	_ =	swait.ge [sflag:s25], $0x1400;
	(pc) =	sbr.rel @p0 .LBB2_4-.Ltmp1, $4  }
0xac: {  	[sflag:s25] =	ssyncset.done $0x0  }
0xad: {  	[sflag:s25] =	ssyncadd.s32 $0xFFFFEC00  }
0xae: {  	_ =	swait.ge [sflag:s25], $0x1400  }
0xaf: {  	s19 =	smov.u32 s21;
	[sflag:s25] =	ssyncset.done $0x0  }
0xb0: {  	s18 =	sshra.s32 s18, $0x2;
	[sflag:s25] =	ssyncadd.s32 $0xFFFFEC00  }
0xb1: {  	[tilespmem:s24], [sflag:$0x1] =	stream.indirect.gather [hbm4b:s1+s29], $0x40, s18, s29, $0xb8;
	[tilespmem:$0x15220] =	vst v63  }
0xb2: {  	s19 =	sadd.s32 $0x50, s18  }
0xb3: {  	[tilespmem:s30], [sflag:$0x2] =	stream.indirect.gather [hbm4b:s1+s29], $0x40, s19, s29, $0xb8;
	[tilespmem:$0x15220] =	vst v63  }
0xb4: {  	s20 =	sadd.s32 $0xA0, s18  }
0xb5: {  	[tilespmem:s31], [sflag:$0x3] =	stream.indirect.gather [hbm4b:s1+s29], $0x40, s20, s29, $0xb8;
	[tilespmem:$0x15220] =	vst v63  }
0xb6: {  	s21 =	sadd.s32 $0xF0, s18  }
0xb7: {  	[tilespmem:s2], [sflag:$0x4] =	stream.indirect.gather [hbm4b:s1+s29], $0x40, s21, s29, $0xb8;
	[tilespmem:$0x15220] =	vst v63  }
0xb8: {  	s20 =	sadd.s32 $0x140, s18  }
0xb9: {  	[tilespmem:s0], [sflag:$0x5] =	stream.indirect.gather [hbm4b:s1+s29], $0x40, s20, s29, $0xb8;
	[tilespmem:$0x15220] =	vst v63  }
0xba: {  	_ =	swait.ge [sflag:s28], $0x1400  }
0xbb: {  	[sflag:s28] =	ssyncset.done $0x0  }
0xbc: {  	s21 =	sadd.s32 $0x2710, s18;
	[sflag:s28] =	ssyncadd.s32 $0xFFFFEC00  }
0xbd: {  	[spmem:s3] =	stream.indirect.scatter.add.f32 [tilespmem:s24], [sflag:$0x6], $0x40, s21, s29, $0xb8;
	[tilespmem:$0x15220] =	vst v63  }
0xbe: {  	_ =	swait.ge [sflag:s13], $0x1400  }
0xbf: {  	[sflag:s13] =	ssyncset.done $0x0  }
0xc0: {  	s20 =	sadd.s32 $0x2760, s18;
	[sflag:s13] =	ssyncadd.s32 $0xFFFFEC00  }
0xc1: {  	[spmem:s3] =	stream.indirect.scatter.add.f32 [tilespmem:s30], [sflag:$0x6], $0x40, s20, s29, $0xb8;
	[tilespmem:$0x15220] =	vst v63  }
0xc2: {  	_ =	swait.ge [sflag:s14], $0x1400  }
0xc3: {  	[sflag:s14] =	ssyncset.done $0x0  }
0xc4: {  	s21 =	sadd.s32 $0x27B0, s18;
	[sflag:s14] =	ssyncadd.s32 $0xFFFFEC00  }
0xc5: {  	[spmem:s3] =	stream.indirect.scatter.add.f32 [tilespmem:s31], [sflag:$0x6], $0x40, s21, s29, $0xb8;
	[tilespmem:$0x15220] =	vst v63  }
0xc6: {  	_ =	swait.ge [sflag:s15], $0x1400  }
0xc7: {  	[sflag:s15] =	ssyncset.done $0x0  }
0xc8: {  	s20 =	sadd.s32 $0x2800, s18;
	[sflag:s15] =	ssyncadd.s32 $0xFFFFEC00  }
0xc9: {  	[spmem:s3] =	stream.indirect.scatter.add.f32 [tilespmem:s2], [sflag:$0x6], $0x40, s20, s29, $0xb8;
	[tilespmem:$0x15220] =	vst v63  }
0xca: {  	_ =	swait.ge [sflag:s16], $0x1400  }
0xcb: {  	[sflag:s16] =	ssyncset.done $0x0  }
0xcc: {  	s18 =	sadd.s32 $0x2850, s18;
	[sflag:s16] =	ssyncadd.s32 $0xFFFFEC00  }
0xcd: {  	[spmem:s3] =	stream.indirect.scatter.add.f32 [tilespmem:s0], [sflag:$0x6], $0x40, s18, s29, $0xb8;
	[tilespmem:$0x15220] =	vst v63  }
0xce: {  	_ =	swait.ge [sflag:s25], $0x1400  }
0xcf: {  	[sflag:s25] =	ssyncset.done $0x0  }
0xd0: {  	[sflag:s25] =	ssyncadd.s32 $0xFFFFEC00  }
0xd1: {  	_ =	swait.ge [sflag:s25], $0x1400  }
0xd2: {  	[sflag:s25] =	ssyncset.done $0x0  }
0xd3: {  	[sflag:s25] =	ssyncadd.s32 $0xFFFFEC00  }
0xd4: {  	_ =	swait.ge [sflag:s25], $0x1400  }
0xd5: {  	[sflag:s25] =	ssyncset.done $0x0  }
0xd6: {  	[sflag:s25] =	ssyncadd.s32 $0xFFFFEC00  }
0xd7: {  	_ =	swait.ge [sflag:s25], $0x1400  }
0xd8: {  	[sflag:s25] =	ssyncset.done $0x0  }
0xd9: {  	[sflag:s25] =	ssyncadd.s32 $0xFFFFEC00  }
0xda: {  	_ =	swait.ge [sflag:s25], $0x1400  }
0xdb: {  	[sflag:s25] =	ssyncset.done $0x0  }
0xdc: {  	[sflag:s25] =	ssyncadd.s32 $0xFFFFEC00  }
0xdd: {  	[bflag:$0x0] =	sbarrier.arrive $0xFFFF  }
0xde: {  	[tilespmem:s24], [sflag:$0x1] =	stream.linear.gather [spmem:s5], $0x1400, $0x38;
	[tilespmem:$0x15220] =	vst v63  }
0xdf: {  	_ =	swait.ge [sflag:s28], $0x1400  }
0xe0: {  	[sflag:s28] =	ssyncset.done $0x0  }
0xe1: {  	s21 =	rddreg [dreg:$0x6];
	[sflag:s28] =	ssyncadd.s32 $0xFFFFEC00  }
0xe2: {  	[hbm4b:s21+s4] =	stream.linear.scatter [tilespmem:s24], [sflag:$0x1], $0x1400, $0x38;
	[tilespmem:$0x15220] =	vst v63  }
0xe3: {  	_ = 	snop  }
0xe4: {  	[tilespmem:s30], [sflag:$0x2] =	stream.linear.gather [spmem:s6], $0x1400, $0x38;
	[tilespmem:$0x15220] =	vst v63  }
0xe5: {  	_ =	swait.ge [sflag:s13], $0x1400  }
0xe6: {  	[sflag:s13] =	ssyncset.done $0x0  }
0xe7: {  	s19 =	rddreg [dreg:$0x7];
	[sflag:s13] =	ssyncadd.s32 $0xFFFFEC00  }
0xe8: {  	[hbm4b:s19+s4] =	stream.linear.scatter [tilespmem:s30], [sflag:$0x2], $0x1400, $0x38;
	[tilespmem:$0x15220] =	vst v63  }
0xe9: {  	_ = 	snop  }
0xea: {  	[tilespmem:s31], [sflag:$0x3] =	stream.linear.gather [spmem:s7], $0x1400, $0x38;
	[tilespmem:$0x15220] =	vst v63  }
0xeb: {  	_ =	swait.ge [sflag:s14], $0x1400  }
0xec: {  	[sflag:s14] =	ssyncset.done $0x0  }
0xed: {  	s20 =	rddreg [dreg:$0x8];
	[sflag:s14] =	ssyncadd.s32 $0xFFFFEC00  }
0xee: {  	[hbm4b:s20+s4] =	stream.linear.scatter [tilespmem:s31], [sflag:$0x3], $0x1400, $0x38;
	[tilespmem:$0x15220] =	vst v63  }
0xef: {  	_ = 	snop  }
0xf0: {  	[tilespmem:s2], [sflag:$0x4] =	stream.linear.gather [spmem:s8], $0x1400, $0x38;
	[tilespmem:$0x15220] =	vst v63  }
0xf1: {  	_ =	swait.ge [sflag:s15], $0x1400  }
0xf2: {  	[sflag:s15] =	ssyncset.done $0x0  }
0xf3: {  	s21 =	rddreg [dreg:$0x9];
	[sflag:s15] =	ssyncadd.s32 $0xFFFFEC00  }
0xf4: {  	[hbm4b:s21+s4] =	stream.linear.scatter [tilespmem:s2], [sflag:$0x4], $0x1400, $0x38;
	[tilespmem:$0x15220] =	vst v63  }
0xf5: {  	_ = 	snop  }
0xf6: {  	[tilespmem:s0], [sflag:$0x5] =	stream.linear.gather [spmem:s9], $0x1400, $0x38;
	[tilespmem:$0x15220] =	vst v63  }
0xf7: {  	_ =	swait.ge [sflag:s16], $0x1400  }
0xf8: {  	[sflag:s16] =	ssyncset.done $0x0  }
0xf9: {  	s19 =	rddreg [dreg:$0xa];
	[sflag:s16] =	ssyncadd.s32 $0xFFFFEC00  }
0xfa: {  	[hbm4b:s19+s4] =	stream.linear.scatter [tilespmem:s0], [sflag:$0x5], $0x1400, $0x38;
	[tilespmem:$0x15220] =	vst v63  }
0xfb: {  	_ =	swait.ge [sflag:s28], $0x1400  }
0xfc: {  	[sflag:s28] =	ssyncset.done $0x0  }
0xfd: {  	[sflag:s28] =	ssyncadd.s32 $0xFFFFEC00  }
0xfe: {  	[tilespmem:s24], [sflag:$0x1] =	stream.linear.gather [spmem:s10], $0x1400, $0x38;
	[tilespmem:$0x15220] =	vst v63  }
0xff: {  	_ =	swait.ge [sflag:s28], $0x1400  }
0x100: {  	[sflag:s28] =	ssyncset.done $0x0  }
0x101: {  	s20 =	rddreg [dreg:$0xb];
	[sflag:s28] =	ssyncadd.s32 $0xFFFFEC00  }
0x102: {  	[hbm4b:s20+s4] =	stream.linear.scatter [tilespmem:s24], [sflag:$0x1], $0x1400, $0x38;
	[tilespmem:$0x15220] =	vst v63  }
0x103: {  	_ =	swait.ge [sflag:s13], $0x1400  }
0x104: {  	[sflag:s13] =	ssyncset.done $0x0  }
0x105: {  	[sflag:s13] =	ssyncadd.s32 $0xFFFFEC00  }
0x106: {  	[tilespmem:s30], [sflag:$0x2] =	stream.linear.gather [spmem:s11], $0x1400, $0x38;
	[tilespmem:$0x15220] =	vst v63  }
0x107: {  	_ =	swait.ge [sflag:s13], $0x1400  }
0x108: {  	[sflag:s13] =	ssyncset.done $0x0  }
0x109: {  	s21 =	rddreg [dreg:$0xc];
	[sflag:s13] =	ssyncadd.s32 $0xFFFFEC00  }
0x10a: {  	[hbm4b:s21+s4] =	stream.linear.scatter [tilespmem:s30], [sflag:$0x2], $0x1400, $0x38;
	[tilespmem:$0x15220] =	vst v63  }
0x10b: {  	_ =	swait.ge [sflag:s14], $0x1400  }
0x10c: {  	[sflag:s14] =	ssyncset.done $0x0  }
0x10d: {  	[sflag:s14] =	ssyncadd.s32 $0xFFFFEC00  }
0x10e: {  	[tilespmem:s31], [sflag:$0x3] =	stream.linear.gather [spmem:s12], $0x1400, $0x38;
	[tilespmem:$0x15220] =	vst v63  }
0x10f: {  	_ =	swait.ge [sflag:s14], $0x1400  }
0x110: {  	[sflag:s14] =	ssyncset.done $0x0  }
0x111: {  	[sflag:s14] =	ssyncadd.s32 $0xFFFFEC00  }
0x112: {  	[hbm4b:s22+s4] =	stream.linear.scatter [tilespmem:s31], [sflag:$0x3], $0x1400, $0x38;
	[tilespmem:$0x15220] =	vst v63  }
0x113: {  	_ =	swait.ge [sflag:s15], $0x1400  }
0x114: {  	[sflag:s15] =	ssyncset.done $0x0  }
0x115: {  	[sflag:s15] =	ssyncadd.s32 $0xFFFFEC00  }
0x116: {  	_ =	swait.ge [sflag:s16], $0x1400  }
0x117: {  	[sflag:s16] =	ssyncset.done $0x0  }
0x118: {  	[sflag:s16] =	ssyncadd.s32 $0xFFFFEC00  }
0x119: {  	_ =	swait.ge [sflag:s28], $0x1400  }
0x11a: {  	[sflag:s28] =	ssyncset.done $0x0  }
0x11b: {  	s17 =	sadd.s32 $0x1, s17;
	[sflag:s28] =	ssyncadd.s32 $0xFFFFEC00  }
0x11c: {  	p0 =	sne.s32 s17, s23;
	_ =	swait.ge [sflag:s13], $0x1400  }
.Ltmp2:
0x11d: {  	[sflag:s13] =	ssyncset.done $0x0;
	(pc) =	sbr.rel @p0 .LBB2_1-.Ltmp2, $4  }
0x11e: {  	[sflag:s13] =	ssyncadd.s32 $0xFFFFEC00  }
0x11f: {  	_ =	swait.ge [sflag:s14], $0x1400  }
0x120: {  	[sflag:s14] =	ssyncset.done $0x0  }
0x121: {  	[sflag:s14] =	ssyncadd.s32 $0xFFFFEC00  }
0x122: {  	_ =	sfence.sel $0x180000  }
0x123: {  	[bflag:$0x0] =	sbarrier.arrive $0xFFFF  }
0x124: {  	_ =	strace $0x9000004D  }
0x125: {  	s0 =	stileid.u32;
	[bflag:$0x2] =	sbarrier.arrive $0xFFFF  }
0x126: {  	p0 =	sne.s32 s0, $0x0;
	s0 =	rddreg [dreg:$0x3]  }
0x127: {  	s0 =	sadd.s32 @!p0 $0x100000, s0  }
0x128: {  	[sflag:s0] =	ssyncadd.tile.s32 @!p0 $0x1;
	_ =	shalt  }
.Lfunc_end2:
_tile_overlayer_lowered:
.L_overlay_start_2:
0x129: {  	(tag) =	ssettag $0x2  }
0x12a: {  	s0 =	rddreg [dreg:$0x0];
	s2 =	stileid.u32  }
0x12b: {  	s1 =	rddreg [dreg:$0x1];
	p0 =	sne.s32 s2, $0x0  }
0x12c: {  	s3 =	rddreg [dreg:$0x2];
	[bflag:$0x3] =	sbarrier.arrive $0xFFFF;
	s2 =	simm.s32 @!p0 $0x1C07  }
0x12d: {  	[timem:s3], [sflag:s2] =	dma.local @!p0 [hbm:s0], s1  }
0x12e: {  	s0 =	simm.s32 @!p0 $0x7  }
0x12f: {  	_ =	swait.ge @!p0 [sflag:s0], s1  }
0x130: {  	s1 =	ssub.s32 @!p0 $0x0, s1;
	[sflag:s0] =	ssyncset.done @!p0 $0x0  }
0x131: {  	[sflag:s0] =	ssyncadd.s32 @!p0 s1  }
0x132: {  	[bflag:$0x3] =	sbarrier.arrive $0xFFFF  }
0x133: {  	_ =	shalt  }

// kernel: kernel.8.cloned.1.call-start
scs
__scs_entry_jumppad:
0x0: {  	(pc) =	sbr.rel $0x88, $3  }
0x1: {  	(tag) =	ssettag $0x0;
	lr =	simm.s32 $0x1  }
0x2: {  	[smem:$0x3F99] =	sst lr;
	_ =	strace $0xD0000000  }
0x3: {  	_ = 	snop  }
0x4: {  	_ = 	snop  }
0x5: {  	_ = 	snop  }
0x6: {  	_ = 	snop  }
0x7: {  	_ = 	snop  }
__scs_overlays_trampoline_lowered:
0x8: {  	[smem:$0x3FA8] =	sst s0  }
0x9: {  	[smem:$0x3FA9] =	sst s1  }
0xa: {  	[smem:$0x3FAA] =	sst s2  }
0xb: {  	[smem:$0x3FAB] =	sst s3  }
0xc: {  	[smem:$0x3FAC] =	sst s4  }
0xd: {  	[smem:$0x3FAD] =	sst s5  }
0xe: {  	[smem:$0x3FAE] =	sst s6  }
0xf: {  	[smem:$0x3FAF] =	sst s7  }
0x10: {  	[smem:$0x3FB0] =	sst s8  }
0x11: {  	[smem:$0x3FB1] =	sst s9;
	s0 =	simm.s32 @!p0 $0x0  }
0x12: {  	s1 =	sld [smem:$0x3F97];
	s0 =	simm.s32 @p0 $0x1  }
0x13: {  	[smem:$0x3FB2] =	sst s0;
	s0 =	simm.s32 @!p1 $0x0  }
0x14: {  	s2 =	sld [smem:$0x3F96];
	s0 =	simm.s32 @p1 $0x1  }
0x15: {  	[smem:$0x3FB3] =	sst s0;
	s0 =	simm.s32 @!p2 $0x0  }
0x16: {  	s3 =	sld [smem:$0x3FDB];
	s0 =	simm.s32 @p2 $0x1  }
0x17: {  	s4 =	simm.s32 $0x1BF5;
	[smem:$0x3FB5] =	sst s0  }
0x18: {  	s0 =	sld [smem:$0x3F98];
	_ =	swait.ge [sflag:s4], $0x0  }
0x19: {  	s7 =	sld [smem:$0x3F99]  }
0x1a: {  	s8 =	sadd.s32 $0xFFFFE003, lr  }
0x1b: {  	s9 =	sadd.s32 $0xFFFFFEF7, lr;
	s5 =	simm.s32 $0xFFFFFFFF;
	p2 =	slt.u32 s8, $0xFFFFF086  }
0x1c: {  	p1 =	slt.u32 s9, $0xF7A;
	s5 =	simm.s32 @!p2 $0x0  }
0x1d: {  	s5 =	simm.s32 @p1 $0x1;
	p0 =	seq.s32 s7, s2  }
0x1e: {  	s7 =	smul.u32 @!p0 $0xF7A, s2;
	p2 =	seq.s32 @!p0 s5, $0x0  }
0x1f: {  	s9 =	smul.u32 $0xF7A, s1;
	s8 =	simm.s32 @!p0 $0x1BF5;
	p2 =	por !p2, p0  }
0x20: {  	[sflag:s8] =	ssyncset.s32 @!p0 $0xFFFFF086;
	s6 =	sadd.s32 @!p0 s3, s7;
	s7 =	simm.s32 @!p0 $0x108  }
0x21: {  	s3 =	sadd.s32 s3, s9;
	s6 =	sadd.s32 @!p0 $0x88, s6;
	s7 =	simm.s32 @p2 $0x1082  }
0x22: {  	[simem:s7], [sflag:s8] =	dma.local @!p0 [hbm:s6], $0xF7A  }
0x23: {  	s9 =	sor.u32 $0xD0000000, s2;
	s6 =	simm.s32 $0x108;
	_ =	swait.ge @!p0 [sflag:s8], $0x0  }
0x24: {  	s3 =	sadd.s32 $0x88, s3;
	s6 =	simm.s32 @!p1 $0x1082;
	[sflag:s4] =	ssyncset.s32 $0xFFFFF086  }
0x25: {  	[simem:s6], [sflag:s4] =	dma.local [hbm:s3], $0xF7A  }
0x26: {  	[smem:$0x3F99] =	sst s1;
	(tag) =	ssettag s2;
	_ =	strace s9  }
0x27: {  	s1 =	sld [smem:$0x3FA9]  }
0x28: {  	s2 =	sld [smem:$0x3FAA]  }
0x29: {  	s4 =	sld [smem:$0x3FAC]  }
0x2a: {  	p0 =	seq.s32 s5, $0x0;
	s5 =	sld [smem:$0x3FAD]  }
0x2b: {  	s6 =	sld [smem:$0x3FAE]  }
0x2c: {  	s7 =	sld [smem:$0x3FAF]  }
0x2d: {  	s3 =	simm.s32 $0x108;
	s8 =	sld [smem:$0x3FB0]  }
0x2e: {  	s3 =	simm.s32 @!p0 $0x1082;
	s9 =	sld [smem:$0x3FB1]  }
0x2f: {  	lr =	sadd.s32 s0, s3;
	s0 =	sld [smem:$0x3FA8]  }
0x30: {  	s3 =	sld [smem:$0x3FAB]  }
0x31: {  	[smem:$0x3FB4] =	sst s10  }
0x32: {  	s10 =	sld [smem:$0x3FB2];
	_ =	sdelay $0x3  }
0x33: {  	p0 =	seq.s32 s10, $0x1;
	s10 =	sld [smem:$0x3FB4];
	_ =	sdelay $0x3  }
0x34: {  	[smem:$0x3FB4] =	sst s10  }
0x35: {  	s10 =	sld [smem:$0x3FB3];
	_ =	sdelay $0x3  }
0x36: {  	p1 =	seq.s32 s10, $0x1;
	s10 =	sld [smem:$0x3FB4];
	_ =	sdelay $0x3  }
0x37: {  	[smem:$0x3FB4] =	sst s10  }
0x38: {  	s10 =	sld [smem:$0x3FB5]  }
0x39: {  	_ = 	snop;
	(pc) =	sbr.ind lr, $3  }
0x3a: {  	_ = 	snop  }
0x3b: {  	_ = 	snop  }
0x3c: {  	p2 =	seq.s32 s10, $0x1;
	s10 =	sld [smem:$0x3FB4]  }
0x3d: {  	_ =	shalt  }
0x3e: {  	_ =	shalt  }
0x3f: {  	_ =	shalt  }
0x40: {  	_ =	shalt  }
0x41: {  	_ =	shalt  }
0x42: {  	_ =	shalt  }
0x43: {  	_ =	shalt  }
0x44: {  	_ =	shalt  }
0x45: {  	_ =	shalt  }
0x46: {  	_ =	shalt  }
0x47: {  	_ =	shalt  }
0x48: {  	_ =	shalt  }
0x49: {  	_ =	shalt  }
0x4a: {  	_ =	shalt  }
0x4b: {  	_ =	shalt  }
0x4c: {  	_ =	shalt  }
0x4d: {  	_ =	shalt  }
0x4e: {  	_ =	shalt  }
0x4f: {  	_ =	shalt  }
0x50: {  	_ =	shalt  }
0x51: {  	_ =	shalt  }
0x52: {  	_ =	shalt  }
0x53: {  	_ =	shalt  }
0x54: {  	_ =	shalt  }
0x55: {  	_ =	shalt  }
0x56: {  	_ =	shalt  }
0x57: {  	_ =	shalt  }
0x58: {  	_ =	shalt  }
0x59: {  	_ =	shalt  }
0x5a: {  	_ =	shalt  }
0x5b: {  	_ =	shalt  }
0x5c: {  	_ =	shalt  }
0x5d: {  	_ =	shalt  }
0x5e: {  	_ =	shalt  }
0x5f: {  	_ =	shalt  }
0x60: {  	_ =	shalt  }
0x61: {  	_ =	shalt  }
0x62: {  	_ =	shalt  }
0x63: {  	_ =	shalt  }
0x64: {  	_ =	shalt  }
0x65: {  	_ =	shalt  }
0x66: {  	_ =	shalt  }
0x67: {  	_ =	shalt  }
0x68: {  	_ =	shalt  }
0x69: {  	_ =	shalt  }
0x6a: {  	_ =	shalt  }
0x6b: {  	_ =	shalt  }
0x6c: {  	_ =	shalt  }
0x6d: {  	_ =	shalt  }
0x6e: {  	_ =	shalt  }
0x6f: {  	_ =	shalt  }
0x70: {  	_ =	shalt  }
0x71: {  	_ =	shalt  }
0x72: {  	_ =	shalt  }
0x73: {  	_ =	shalt  }
0x74: {  	_ =	shalt  }
0x75: {  	_ =	shalt  }
0x76: {  	_ =	shalt  }
0x77: {  	_ =	shalt  }
0x78: {  	_ =	shalt  }
0x79: {  	_ =	shalt  }
0x7a: {  	_ =	shalt  }
0x7b: {  	_ =	shalt  }
0x7c: {  	_ =	shalt  }
0x7d: {  	_ =	shalt  }
0x7e: {  	_ =	shalt  }
0x7f: {  	_ =	shalt  }
0x80: {  	_ =	shalt  }
0x81: {  	_ =	shalt  }
0x82: {  	_ =	shalt  }
0x83: {  	_ =	shalt  }
0x84: {  	_ =	shalt  }
0x85: {  	_ =	shalt  }
0x86: {  	_ =	shalt  }
0x87: {  	_ =	shalt  }
.Lfunc_end0:
.L_simem_size_0:
called_computation_lowered:
.L_overlay_start_0:
0x88: {  	s2 =	sld [smem:$0x3FD9]  }
0x89: {  	s3 =	sld [smem:$0x3FFE];
	_ =	sdelay $0x1  }
0x8a: {  	s1 =	srdreg.scid  }
0x8b: {  	s0 =	sand.u32 $0x1, s1  }
0x8c: {  	s17 =	sshll.u32 s0, $0xA;
	s2 =	sadd.s32 s3, s2  }
0x8d: {  	s2 =	sadd.s32 s2, s17  }
0x8e: {  	[smem:$0x3FC0] =	sst s2  }
0x8f: {  	_ = 	snop  }
0x90: {  	s2 =	sld [smem:$0x3FD0];
	(tm) =	ssettm $0x1  }
0x91: {  	s18 =	sld [smem:$0x3FFB];
	_ =	sdelay $0x3  }
0x92: {  	_ =	strace s18  }
0x93: {  	s3 =	sld [smem:$0x3FFC];
	_ =	sdelay $0x3  }
0x94: {  	_ =	strace s3  }
0x95: {  	s3 =	sld [smem:$0x3FFD];
	_ =	sdelay $0x3  }
0x96: {  	_ =	strace s3  }
0x97: {  	_ =	strace $0x8FFFFFFF  }
0x98: {  	s19 =	sld [smem:$0x3FDB];
	_ =	sdelay $0x1  }
0x99: {  	s4 =	simm.s32 $_scs_section_size  }
0x9a: {  	s5 =	simm.s32 $_size__tile_overlayer_lowered;
	s6 =	simm.s32 $_tile_overlayer_lowered  }
0x9b: {  	s22 =	simm.s32 $0x1BFF;
	s21 =	sshll.u32 s6, $0x1;
	s3 =	sadd.s32 s4, s19  }
0x9c: {  	s7 =	simm.s32 $0x0;
	s20 =	sshll.u32 s5, $0x1;
	s5 =	sadd.s32 s21, s3  }
0x9d: {  	[timem:s7], [sflag:s22] =	dma.local [hbm:s5], s20  }
0x9e: {  	_ =	swait.ge [sflag:s22], s20  }
0x9f: {  	s4 =	ssub.s32 $0x0, s20;
	[sflag:s22] =	ssyncset.done $0x0  }
0xa0: {  	[sflag:s22] =	ssyncadd.s32 s4;
	_ =	sdelay $0x1  }
0xa1: {  	s23 =	simm.s32 $0x1B8B  }
0xa2: {  	_ =	swait.ge [sflag:s23], $0x1  }
0xa3: {  	[sflag:s23] =	ssyncset.done $0x0  }
0xa4: {  	s25 =	simm.s32 $0x1B8E;
	s24 =	sld [smem:$0x3FFE];
	[sflag:s23] =	ssyncadd.s32 $0xFFFFFFFF  }
0xa5: {  	s26 =	simm.s32 $execute0_lowered;
	[smem:$0x3FD2] =	sst s25  }
0xa6: {  	s5 =	sshll.u32 s26, $0x1;
	_ =	strace $0x80000046;
	[dreg:$0x1] =	wrdreg $0xFFFFFFFF  }
0xa7: {  	s28 =	simm.s32 $_size_execute0_lowered;
	s3 =	sadd.s32 s3, s5;
	[dreg:$0x0] =	wrdreg $0x0  }
0xa8: {  	s5 =	sshll.u32 s28, $0x1;
	[dreg:$0x2] =	wrdreg s3  }
0xa9: {  	[dreg:$0x3] =	wrdreg s5  }
0xaa: {  	[dreg:$0x4] =	wrdreg $0xC0  }
0xab: {  	_ =	task [dreg:s7], $0x5FFFF  }
0xac: {  	[dreg:$0x1] =	wrdreg $0xFFFFFFFF  }
0xad: {  	[dreg:$0x0] =	wrdreg $0x60  }
0xae: {  	[dreg:$0x2] =	wrdreg s24  }
0xaf: {  	[dreg:$0x3] =	wrdreg s2  }
0xb0: {  	[dreg:$0x4] =	wrdreg $0x34100  }
0xb1: {  	[dreg:$0x5] =	wrdreg $0x9  }
0xb2: {  	_ =	task.clear_ibuf [dreg:s7], $0x6FFFF;
	_ =	strace $0x90000046  }
0xb3: {  	s29 =	simm.s32 $0x9;
	_ =	strace $0x80000048  }
0xb4: {  	_ =	swait.ge [sflag:s29], $0x1  }
0xb5: {  	[sflag:s29] =	ssyncadd.s32 $0xFFFFFFFF  }
0xb6: {  	_ =	strace $0x90000048  }
0xb7: {  	_ =	sfence  }
0xb8: {  	s30 =	sld [smem:$0x0];
	_ =	sdelay $0x2  }
0xb9: {  	s31 =	sshll.u32 s1, $0xD;
	s1 =	sshrl.u32 s1, $0x2  }
0xba: {  	s3 =	sand.u32 $0x4000, s31;
	s1 =	sadd.s32 s1, s30  }
0xbb: {  	s0 =	sor.u32 s3, s0;
	s1 =	sshll.u32 s1, $0x11  }
0xbc: {  	s0 =	sor.u32 s1, s0  }
0xbd: {  	s0 =	sadd.s32 $0x8F2B, s0  }
0xbe: {  	[sflag:s0] =	ssyncadd.remote.s32 $0x1  }
0xbf: {  	_ =	sfence.sel $0xFFFF  }
0xc0: {  	[dreg:$0x0] =	wrdreg $0xFFFFFFFF;
	(pc) =	sbr.abs _section_cstart, $3  }
0xc1: {  	[dreg:$0x1] =	wrdreg $0xFFFFFFFF  }
0xc2: {  	_ =	task.clear_ibuf [dreg:s7], $0x2FFFF;
	_ =	strace $0x9FFFFFFF  }
0xc3: {  	(tm) =	ssettm $0x7FFFFFFF  }
tec
execute0_lowered:
.L_overlay_start_1:
0x0: {  	(tag) =	ssettag $0x1  }
0x1: {  	s4 =	rddreg [dreg:$0x0]  }
0x2: {  	s20 =	rddreg [dreg:$0x1]  }
0x3: {  	s0 =	srdreg.scid;
	s2 =	rddreg [dreg:$0x2]  }
0x4: {  	s3 =	simm.s32 $0x0;
	s23 =	simm.s32 $0x50;
	s24 =	simm.s32 $0x2710  }
0x5: {  	s25 =	simm.s32 $0x1;
	s5 =	sand.u32 $0x1, s0;
	s0 =	stileid.u32  }
0x6: {  	s26 =	simm.s32 $0x0;
	[smem:$0x7FF] =	sst s3;
	s7 =	smul.u32 $0xA000, s0  }
0x7: {  	s1 =	sshll.u32 s5, $0x4;
	s30 =	ssub.s32 $0x2, s5;
	s16 =	smul.u32 $0x2800, s0  }
0x8: {  	s17 =	smul.u32 $0x28000, s5;
	s6 =	sor.u32 s0, s1;
	s1 =	rddreg [dreg:$0x3]  }
0x9: {  	_ =	strace $0x80000047;
	s8 =	sshrl.u32 s30, $0x1;
	s6 =	smul.u32 $0x4E2, s6  }
0xa: {  	s7 =	sshrl.u32 s7, $0x2;
	s8 =	ssub.s32 s30, s8;
	s11 =	sadd.s32 s17, s16  }
0xb: {  	s13 =	sadd.s32 $0x800, s16;
	s18 =	sadd.s32 $0x1000, s16;
	s19 =	sadd.s32 $0x1800, s16  }
0xc: {  	s21 =	sadd.s32 $0x2000, s16;
	s12 =	sshrl.u32 s11, $0x3;
	s14 =	sadd.s32 s17, s13  }
0xd: {  	s13 =	sadd.s32 s13, s2;
	s15 =	sadd.s32 s18, s2;
	s18 =	sadd.s32 s17, s18  }
0xe: {  	s31 =	sadd.s32 s17, s19;
	s22 =	sadd.s32 s17, s21;
	s17 =	sadd.s32 s19, s2  }
0xf: {  	s19 =	sadd.s32 s21, s2;
	s21 =	simm.s32 $0x2C10;
	s6 =	sadd.s32 s6, s4  }
0x10: {  	s4 =	sadd.s32 s7, s2;
	s7 =	smax.u32 s8, $0x1;
	s12 =	sadd.s32 s20, s12  }
0x11: {  	s14 =	sshrl.u32 s14, $0x3;
	s18 =	sshrl.u32 s18, $0x3;
	s22 =	sshrl.u32 s22, $0x3  }
0x12: {  	s5 =	sadd.s32 $0xBC00, s6;
	s6 =	sadd.s32 s16, s2;
	s8 =	sadd.s32 $0x800, s4  }
0x13: {  	s9 =	sadd.s32 $0x1000, s4;
	s10 =	sadd.s32 $0x1800, s4;
	s11 =	sadd.s32 $0x2000, s4  }
0x14: {  	s14 =	sadd.s32 s20, s14;
	s16 =	sadd.s32 s20, s18;
	s18 =	sshrl.u32 s31, $0x3  }
0x15: {  	v0 =	vimm.f32 $1.000000000e+00;
	v1 =	vimm.f32 $0.0e+00;
	s18 =	sadd.s32 s20, s18;
	s20 =	sadd.s32 s20, s22;
	s22 =	simm.s32 $0x2  }
.LBB2_1:
0x16: {  	s28 =	simm.s32 $0x0  }
.LBB2_2:
0x17: {  	p0 =	sne.s32 s28, $0x13C0  }
.Ltmp0:
0x18: {  	_ = 	snop;
	(pc) =	sbr.rel @p0 .LBB2_2-.Ltmp0, $3  }
0x19: {  	_ =	sdelay $0x1  }
0x1a: {  	s29 =	sshra.s32 s28, $0x2  }
0x1b: {  	s28 =	sadd.s32 $0x40, s28;
	[tilespmem:s29+$0x2710] =	vst v0  }
0x1c: {  	s28 =	simm.s32 $0x40;
	s29 =	simm.s32 $0x0  }
.LBB2_4:
0x1d: {  	p0 =	sne.s32 s28, $0x1FC0;
	[tilespmem:s29+$0x2C10] =	vst v1;
	s29 =	smov.u32 s28;
	s28 =	sadd.s32 $0x40, s28  }
.Ltmp1:
0x1e: {  	(pc) =	sbr.rel @p0 .LBB2_4-.Ltmp1, $2  }
0x1f: {  	_ =	sdelay $0x2  }
0x20: {  	s29 =	sshra.s32 s29, $0x2  }
0x21: {  	[tilespmem:s29+$0x2C10] =	vst v1  }
0x22: {  	[spmem:s4] =	stream.linear.scatter [tilespmem:s21], [sflag:$0x2], $0x800, $0x38;
	[tilespmem:$0x5C10] =	vst v63  }
0x23: {  	_ =	swait.ge [sflag:s22], $0x800  }
0x24: {  	[sflag:s22] =	ssyncset.done $0x0  }
0x25: {  	[sflag:s22] =	ssyncadd.s32 $0xFFFFF800  }
0x26: {  	[spmem:s8] =	stream.linear.scatter [tilespmem:s21], [sflag:$0x2], $0x800, $0x38;
	[tilespmem:$0x5C10] =	vst v63  }
0x27: {  	_ =	swait.ge [sflag:s22], $0x800  }
0x28: {  	[sflag:s22] =	ssyncset.done $0x0  }
0x29: {  	[sflag:s22] =	ssyncadd.s32 $0xFFFFF800  }
0x2a: {  	[spmem:s9] =	stream.linear.scatter [tilespmem:s21], [sflag:$0x2], $0x800, $0x38;
	[tilespmem:$0x5C10] =	vst v63  }
0x2b: {  	_ =	swait.ge [sflag:s22], $0x800  }
0x2c: {  	[sflag:s22] =	ssyncset.done $0x0  }
0x2d: {  	[sflag:s22] =	ssyncadd.s32 $0xFFFFF800  }
0x2e: {  	[spmem:s10] =	stream.linear.scatter [tilespmem:s21], [sflag:$0x2], $0x800, $0x38;
	[tilespmem:$0x5C10] =	vst v63  }
0x2f: {  	_ =	swait.ge [sflag:s22], $0x800  }
0x30: {  	[sflag:s22] =	ssyncset.done $0x0  }
0x31: {  	[sflag:s22] =	ssyncadd.s32 $0xFFFFF800  }
0x32: {  	[spmem:s11] =	stream.linear.scatter [tilespmem:s21], [sflag:$0x2], $0x800, $0x38;
	[tilespmem:$0x5C10] =	vst v63  }
0x33: {  	_ =	swait.ge [sflag:s22], $0x800  }
0x34: {  	[sflag:s22] =	ssyncset.done $0x0  }
0x35: {  	s28 =	simm.s32 $0x0;
	[sflag:s22] =	ssyncadd.s32 $0xFFFFF800  }
0x36: {  	[tilespmem:s28], [sflag:$0x2] =	stream.linear.gather [hbm4b:s5+s28], $0x2710, $0x38;
	[tilespmem:$0x5C10] =	vst v63  }
0x37: {  	_ =	swait.ge [sflag:s22], $0x2710  }
0x38: {  	[sflag:s22] =	ssyncset.done $0x0  }
0x39: {  	[sflag:s22] =	ssyncadd.s32 $0xFFFFD8F0  }
0x3a: {  	s28 =	simm.s32 $0x0;
	[bflag:$0x0] =	sbarrier.arrive $0xFFFF  }
0x3b: {  	[spmem:s2] =	stream.indirect.scatter.add.f32 [tilespmem:s24], [sflag:$0x1], $0x10, s28, s23, $0xb8;
	[tilespmem:$0x5C10] =	vst v63  }
0x3c: {  	s28 =	simm.s32 $0x50  }
0x3d: {  	[spmem:s2] =	stream.indirect.scatter.add.f32 [tilespmem:s24], [sflag:$0x1], $0x10, s28, s23, $0xb8;
	[tilespmem:$0x5C10] =	vst v63  }
0x3e: {  	s28 =	simm.s32 $0xA0  }
0x3f: {  	[spmem:s2] =	stream.indirect.scatter.add.f32 [tilespmem:s24], [sflag:$0x1], $0x10, s28, s23, $0xb8;
	[tilespmem:$0x5C10] =	vst v63  }
0x40: {  	s28 =	simm.s32 $0xF0  }
0x41: {  	[spmem:s2] =	stream.indirect.scatter.add.f32 [tilespmem:s24], [sflag:$0x1], $0x10, s28, s23, $0xb8;
	[tilespmem:$0x5C10] =	vst v63  }
0x42: {  	s28 =	simm.s32 $0x140  }
0x43: {  	[spmem:s2] =	stream.indirect.scatter.add.f32 [tilespmem:s24], [sflag:$0x1], $0x10, s28, s23, $0xb8;
	[tilespmem:$0x5C10] =	vst v63  }
0x44: {  	_ =	swait.ge [sflag:s25], $0x500  }
0x45: {  	[sflag:s25] =	ssyncset.done $0x0  }
0x46: {  	[sflag:s25] =	ssyncadd.s32 $0xFFFFFB00  }
0x47: {  	_ =	swait.ge [sflag:s25], $0x500  }
0x48: {  	[sflag:s25] =	ssyncset.done $0x0  }
0x49: {  	[sflag:s25] =	ssyncadd.s32 $0xFFFFFB00  }
0x4a: {  	_ =	swait.ge [sflag:s25], $0x500  }
0x4b: {  	[sflag:s25] =	ssyncset.done $0x0  }
0x4c: {  	[sflag:s25] =	ssyncadd.s32 $0xFFFFFB00  }
0x4d: {  	_ =	swait.ge [sflag:s25], $0x500  }
0x4e: {  	[sflag:s25] =	ssyncset.done $0x0  }
0x4f: {  	[sflag:s25] =	ssyncadd.s32 $0xFFFFFB00  }
0x50: {  	_ =	swait.ge [sflag:s25], $0x500  }
0x51: {  	s29 =	simm.s32 $0xC80;
	s28 =	simm.s32 $0x640;
	[sflag:s25] =	ssyncset.done $0x0  }
.LBB2_6:
0x52: {  	s30 =	sshra.s32 s28, $0x2  }
0x53: {  	[sflag:s25] =	ssyncadd.s32 $0xFFFFFB00;
	s28 =	smov.u32 s29;
	s31 =	sadd.s32 $0x640, s29  }
0x54: {  	[spmem:s2] =	stream.indirect.scatter.add.f32 [tilespmem:s24], [sflag:$0x1], $0x10, s30, s23, $0xb8;
	[tilespmem:$0x5C10] =	vst v63  }
0x55: {  	p0 =	sne.s32 s29, $0x9600;
	s29 =	sadd.s32 $0x50, s30  }
0x56: {  	[spmem:s2] =	stream.indirect.scatter.add.f32 [tilespmem:s24], [sflag:$0x1], $0x10, s29, s23, $0xb8;
	[tilespmem:$0x5C10] =	vst v63  }
0x57: {  	s29 =	sadd.s32 $0xA0, s30  }
0x58: {  	[spmem:s2] =	stream.indirect.scatter.add.f32 [tilespmem:s24], [sflag:$0x1], $0x10, s29, s23, $0xb8;
	[tilespmem:$0x5C10] =	vst v63  }
0x59: {  	s29 =	sadd.s32 $0xF0, s30  }
0x5a: {  	[spmem:s2] =	stream.indirect.scatter.add.f32 [tilespmem:s24], [sflag:$0x1], $0x10, s29, s23, $0xb8;
	[tilespmem:$0x5C10] =	vst v63  }
0x5b: {  	s29 =	sadd.s32 $0x140, s30  }
0x5c: {  	[spmem:s2] =	stream.indirect.scatter.add.f32 [tilespmem:s24], [sflag:$0x1], $0x10, s29, s23, $0xb8;
	[tilespmem:$0x5C10] =	vst v63  }
0x5d: {  	_ =	swait.ge [sflag:s25], $0x500  }
0x5e: {  	[sflag:s25] =	ssyncset.done $0x0  }
0x5f: {  	[sflag:s25] =	ssyncadd.s32 $0xFFFFFB00  }
0x60: {  	_ =	swait.ge [sflag:s25], $0x500  }
0x61: {  	[sflag:s25] =	ssyncset.done $0x0  }
0x62: {  	[sflag:s25] =	ssyncadd.s32 $0xFFFFFB00  }
0x63: {  	_ =	swait.ge [sflag:s25], $0x500  }
0x64: {  	[sflag:s25] =	ssyncset.done $0x0  }
0x65: {  	[sflag:s25] =	ssyncadd.s32 $0xFFFFFB00  }
.Ltmp2:
0x66: {  	_ =	swait.ge [sflag:s25], $0x500;
	(pc) =	sbr.rel @p0 .LBB2_6-.Ltmp2, $4  }
0x67: {  	[sflag:s25] =	ssyncset.done $0x0  }
0x68: {  	[sflag:s25] =	ssyncadd.s32 $0xFFFFFB00  }
0x69: {  	_ =	swait.ge [sflag:s25], $0x500  }
0x6a: {  	s29 =	smov.u32 s31;
	[sflag:s25] =	ssyncset.done $0x0  }
0x6b: {  	s28 =	sshra.s32 s28, $0x2;
	[sflag:s25] =	ssyncadd.s32 $0xFFFFFB00  }
0x6c: {  	[spmem:s2] =	stream.indirect.scatter.add.f32 [tilespmem:s24], [sflag:$0x1], $0x10, s28, s23, $0xb8;
	[tilespmem:$0x5C10] =	vst v63  }
0x6d: {  	s29 =	sadd.s32 $0x50, s28  }
0x6e: {  	[spmem:s2] =	stream.indirect.scatter.add.f32 [tilespmem:s24], [sflag:$0x1], $0x10, s29, s23, $0xb8;
	[tilespmem:$0x5C10] =	vst v63  }
0x6f: {  	s30 =	sadd.s32 $0xA0, s28  }
0x70: {  	[spmem:s2] =	stream.indirect.scatter.add.f32 [tilespmem:s24], [sflag:$0x1], $0x10, s30, s23, $0xb8;
	[tilespmem:$0x5C10] =	vst v63  }
0x71: {  	s31 =	sadd.s32 $0xF0, s28  }
0x72: {  	[spmem:s2] =	stream.indirect.scatter.add.f32 [tilespmem:s24], [sflag:$0x1], $0x10, s31, s23, $0xb8;
	[tilespmem:$0x5C10] =	vst v63  }
0x73: {  	s28 =	sadd.s32 $0x140, s28  }
0x74: {  	[spmem:s2] =	stream.indirect.scatter.add.f32 [tilespmem:s24], [sflag:$0x1], $0x10, s28, s23, $0xb8;
	[tilespmem:$0x5C10] =	vst v63  }
0x75: {  	_ =	swait.ge [sflag:s25], $0x500  }
0x76: {  	[sflag:s25] =	ssyncset.done $0x0  }
0x77: {  	[sflag:s25] =	ssyncadd.s32 $0xFFFFFB00  }
0x78: {  	_ =	swait.ge [sflag:s25], $0x500  }
0x79: {  	[sflag:s25] =	ssyncset.done $0x0  }
0x7a: {  	[sflag:s25] =	ssyncadd.s32 $0xFFFFFB00  }
0x7b: {  	_ =	swait.ge [sflag:s25], $0x500  }
0x7c: {  	[sflag:s25] =	ssyncset.done $0x0  }
0x7d: {  	[sflag:s25] =	ssyncadd.s32 $0xFFFFFB00  }
0x7e: {  	_ =	swait.ge [sflag:s25], $0x500  }
0x7f: {  	[sflag:s25] =	ssyncset.done $0x0  }
0x80: {  	[sflag:s25] =	ssyncadd.s32 $0xFFFFFB00  }
0x81: {  	_ =	swait.ge [sflag:s25], $0x500  }
0x82: {  	[sflag:s25] =	ssyncset.done $0x0  }
0x83: {  	[sflag:s25] =	ssyncadd.s32 $0xFFFFFB00  }
0x84: {  	[bflag:$0x0] =	sbarrier.arrive $0xFFFF  }
0x85: {  	[tilespmem:s21], [sflag:$0x2] =	stream.linear.gather [spmem:s6], $0x800, $0x38;
	[tilespmem:$0x5C10] =	vst v63  }
0x86: {  	_ =	swait.ge [sflag:s22], $0x800  }
0x87: {  	[sflag:s22] =	ssyncset.done $0x0  }
0x88: {  	[sflag:s22] =	ssyncadd.s32 $0xFFFFF800  }
0x89: {  	[hbm4b:s12+s3] =	stream.linear.scatter [tilespmem:s21], [sflag:$0x2], $0x800, $0x38;
	[tilespmem:$0x5C10] =	vst v63  }
0x8a: {  	_ =	swait.ge [sflag:s22], $0x800  }
0x8b: {  	[sflag:s22] =	ssyncset.done $0x0  }
0x8c: {  	[sflag:s22] =	ssyncadd.s32 $0xFFFFF800  }
0x8d: {  	[tilespmem:s21], [sflag:$0x2] =	stream.linear.gather [spmem:s13], $0x800, $0x38;
	[tilespmem:$0x5C10] =	vst v63  }
0x8e: {  	_ =	swait.ge [sflag:s22], $0x800  }
0x8f: {  	[sflag:s22] =	ssyncset.done $0x0  }
0x90: {  	[sflag:s22] =	ssyncadd.s32 $0xFFFFF800  }
0x91: {  	[hbm4b:s14+s3] =	stream.linear.scatter [tilespmem:s21], [sflag:$0x2], $0x800, $0x38;
	[tilespmem:$0x5C10] =	vst v63  }
0x92: {  	_ =	swait.ge [sflag:s22], $0x800  }
0x93: {  	[sflag:s22] =	ssyncset.done $0x0  }
0x94: {  	[sflag:s22] =	ssyncadd.s32 $0xFFFFF800  }
0x95: {  	[tilespmem:s21], [sflag:$0x2] =	stream.linear.gather [spmem:s15], $0x800, $0x38;
	[tilespmem:$0x5C10] =	vst v63  }
0x96: {  	_ =	swait.ge [sflag:s22], $0x800  }
0x97: {  	[sflag:s22] =	ssyncset.done $0x0  }
0x98: {  	[sflag:s22] =	ssyncadd.s32 $0xFFFFF800  }
0x99: {  	[hbm4b:s16+s3] =	stream.linear.scatter [tilespmem:s21], [sflag:$0x2], $0x800, $0x38;
	[tilespmem:$0x5C10] =	vst v63  }
0x9a: {  	_ =	swait.ge [sflag:s22], $0x800  }
0x9b: {  	[sflag:s22] =	ssyncset.done $0x0  }
0x9c: {  	[sflag:s22] =	ssyncadd.s32 $0xFFFFF800  }
0x9d: {  	[tilespmem:s21], [sflag:$0x2] =	stream.linear.gather [spmem:s17], $0x800, $0x38;
	[tilespmem:$0x5C10] =	vst v63  }
0x9e: {  	_ =	swait.ge [sflag:s22], $0x800  }
0x9f: {  	[sflag:s22] =	ssyncset.done $0x0  }
0xa0: {  	[sflag:s22] =	ssyncadd.s32 $0xFFFFF800  }
0xa1: {  	[hbm4b:s18+s3] =	stream.linear.scatter [tilespmem:s21], [sflag:$0x2], $0x800, $0x38;
	[tilespmem:$0x5C10] =	vst v63  }
0xa2: {  	_ =	swait.ge [sflag:s22], $0x800  }
0xa3: {  	[sflag:s22] =	ssyncset.done $0x0  }
0xa4: {  	[sflag:s22] =	ssyncadd.s32 $0xFFFFF800  }
0xa5: {  	[tilespmem:s21], [sflag:$0x2] =	stream.linear.gather [spmem:s19], $0x800, $0x38;
	[tilespmem:$0x5C10] =	vst v63  }
0xa6: {  	s26 =	sadd.s32 $0x1, s26;
	_ =	swait.ge [sflag:s22], $0x800  }
0xa7: {  	p0 =	sne.s32 s26, s7;
	[sflag:s22] =	ssyncset.done $0x0  }
.Ltmp3:
0xa8: {  	[sflag:s22] =	ssyncadd.s32 $0xFFFFF800;
	(pc) =	sbr.rel @p0 .LBB2_1-.Ltmp3, $4  }
0xa9: {  	[hbm4b:s20+s3] =	stream.linear.scatter [tilespmem:s21], [sflag:$0x2], $0x800, $0x38;
	[tilespmem:$0x5C10] =	vst v63  }
0xaa: {  	_ =	swait.ge [sflag:s22], $0x800  }
0xab: {  	[sflag:s22] =	ssyncset.done $0x0  }
0xac: {  	[sflag:s22] =	ssyncadd.s32 $0xFFFFF800  }
0xad: {  	_ =	sfence.sel $0x180000  }
0xae: {  	[bflag:$0x0] =	sbarrier.arrive $0xFFFF  }
0xaf: {  	p0 =	sne.s32 s0, $0x0;
	_ =	strace $0x90000047  }
0xb0: {  	s0 =	sadd.s32 @!p0 $0x100000, s1;
	[bflag:$0x2] =	sbarrier.arrive $0xFFFF  }
0xb1: {  	[sflag:s0] =	ssyncadd.tile.s32 @!p0 $0x1;
	_ =	shalt  }
.Lfunc_end2:
_tile_overlayer_lowered:
.L_overlay_start_2:
0xb2: {  	(tag) =	ssettag $0x2  }
0xb3: {  	s0 =	rddreg [dreg:$0x0];
	s2 =	stileid.u32  }
0xb4: {  	s1 =	rddreg [dreg:$0x1];
	p0 =	sne.s32 s2, $0x0  }
0xb5: {  	s3 =	rddreg [dreg:$0x2];
	[bflag:$0x3] =	sbarrier.arrive $0xFFFF;
	s2 =	simm.s32 @!p0 $0x1C02  }
0xb6: {  	[timem:s3], [sflag:s2] =	dma.local @!p0 [hbm:s0], s1  }
0xb7: {  	s0 =	simm.s32 @!p0 $0x2  }
0xb8: {  	_ =	swait.ge @!p0 [sflag:s0], s1  }
0xb9: {  	s1 =	ssub.s32 @!p0 $0x0, s1;
	[sflag:s0] =	ssyncset.done @!p0 $0x0  }
0xba: {  	[sflag:s0] =	ssyncadd.s32 @!p0 s1  }
0xbb: {  	[bflag:$0x3] =	sbarrier.arrive $0xFFFF  }
0xbc: {  	_ =	shalt  }

</sc_bundles>
